<compile_context>
chip_gen: v7x
topology: tpu7x:2x2x1
jax: 0.10.2.dev20260603
libtpu: 0.0.44.dev20260713+nightly
codegen_flags: <defaults>
</compile_context>

<pallas_src>
import functools

import jax
import jax.numpy as jnp
from jax import lax
from jax.experimental import pallas as pl
from jax.experimental.pallas import tpu as pltpu
from jax.experimental.pallas import tpu_sc as plsc

F32 = jnp.float32



def _embed_body(x_ref, w_ref, b_ref, o_ref):
    o_ref[...] = (
        jnp.dot(x_ref[...], w_ref[...], preferred_element_type=F32) + b_ref[...]
    )


def _embed(x, W, b):
    return pl.pallas_call(
        _embed_body,
        out_shape=jax.ShapeDtypeStruct((x.shape[0], W.shape[1]), F32),
    )(x, W, b.reshape(1, -1))


def _tables_body(h_ref, wd_ref, ws_ref, oa_ref, ob_ref):
    h = h_ref[...]
    oa_ref[...] = jnp.dot(h, wd_ref[...], preferred_element_type=F32)
    ob_ref[...] = jnp.dot(h, ws_ref[...], preferred_element_type=F32)


def _tables(h, Wd, Wsr):
    n = h.shape[0]
    return pl.pallas_call(
        _tables_body,
        out_shape=(
            jax.ShapeDtypeStruct((n, Wd.shape[1]), F32),
            jax.ShapeDtypeStruct((n, Wsr.shape[1]), F32),
        ),
    )(h, Wd, Wsr)


def _ee_body(ea_ref, w_ref, b_ref, o_ref):
    o_ref[...] = (
        jnp.dot(ea_ref[...], w_ref[...], preferred_element_type=F32) + b_ref[...]
    )


def _edge_tables(ea, We, bcat):
    e, de = ea.shape
    rows = 8000
    return pl.pallas_call(
        _ee_body,
        grid=(e // rows,),
        in_specs=[
            pl.BlockSpec((rows, de), lambda i: (i, 0)),
            pl.BlockSpec((de, We.shape[1]), lambda i: (0, 0)),
            pl.BlockSpec((1, We.shape[1]), lambda i: (0, 0)),
        ],
        out_specs=pl.BlockSpec((rows, We.shape[1]), lambda i: (i, 0)),
        out_shape=jax.ShapeDtypeStruct((e, We.shape[1]), F32),
    )(ea, We, bcat.reshape(1, -1))


def _bn_body(h_ref, agg_ref, g_ref, be_ref, o_ref):
    agg = agg_ref[...]
    m = jnp.mean(agg, axis=0, keepdims=True)
    c = agg - m
    v = jnp.mean(c * c, axis=0, keepdims=True)
    o_ref[...] = h_ref[...] + c * lax.rsqrt(v + 1e-5) * g_ref[...] + be_ref[...]


def _bn(h, agg, gamma, beta):
    return pl.pallas_call(
        _bn_body,
        out_shape=jax.ShapeDtypeStruct(h.shape, F32),
    )(h, agg, gamma.reshape(1, -1), beta.reshape(1, -1))


def _head_body(h_ref, b_ref, wfc_ref, bfc_ref, wout_ref, bout_ref, o_ref):
    h = h_ref[...]
    n = h.shape[0]
    g = o_ref.shape[0]
    bids = b_ref[...]
    gids = lax.broadcasted_iota(jnp.int32, (n, g), 1)
    onehot = (bids == gids).astype(F32)
    sums = lax.dot_general(
        onehot, h, (((0,), (0,)), ((), ())), preferred_element_type=F32
    )
    counts = jnp.sum(onehot, axis=0)[:, None]
    crys = sums / jnp.maximum(counts, 1.0)
    crys = jax.nn.softplus(crys)
    crys = jnp.dot(crys, wfc_ref[...], preferred_element_type=F32) + bfc_ref[...]
    crys = jax.nn.softplus(crys)
    o_ref[...] = (
        jnp.dot(crys, wout_ref[...], preferred_element_type=F32) + bout_ref[...]
    )


def _head(h, batch, G, W_fc, b_fc, W_out, b_out):
    return pl.pallas_call(
        _head_body,
        out_shape=jax.ShapeDtypeStruct((G, W_out.shape[1]), F32),
    )(
        h,
        batch.reshape(-1, 1),
        W_fc,
        b_fc.reshape(1, -1),
        W_out,
        b_out.reshape(1, -1),
    )




def _softplus16(t):
    u = jnp.exp(-jnp.abs(t))
    v = u / (2.0 + u)
    v2 = v * v
    p = jnp.full_like(t, 2.0 / 9.0)
    for c in (2.0 / 7.0, 2.0 / 5.0, 2.0 / 3.0, 2.0):
        p = p * v2 + c
    return jnp.maximum(t, 0.0) + p * v


def _make_sc_edge(n, e, dh, c):
    ns = 16
    nw = 32
    ept = e // nw
    steps = ept // c
    assert ept * nw == e and steps * c == ept and c % 8 == 0
    d2 = 2 * dh

    mesh = plsc.VectorSubcoreMesh(core_axis_name="c", subcore_axis_name="s")

    @functools.partial(
        pl.kernel,
        out_type=jax.ShapeDtypeStruct((e, dh), F32),
        mesh=mesh,
        scratch_types=[
            pltpu.VMEM((ept,), jnp.int32),
            pltpu.VMEM((ept,), jnp.int32),
            pltpu.VMEM((c, d2), F32),
            pltpu.VMEM((c, d2), F32),
            pltpu.VMEM((c, d2), F32),
            pltpu.VMEM((c, dh), F32),
            pltpu.SemaphoreType.DMA,
            pltpu.SemaphoreType.DMA,
            pltpu.SemaphoreType.DMA,
        ],
    )
    def sc_edge(
        a_hbm,
        b_hbm,
        ee_hbm,
        dst_hbm,
        src_hbm,
        out_hbm,
        dsti,
        srci,
        eeb,
        ab,
        bb,
        msgb,
        sem_a,
        sem_b,
        sem_e,
    ):
        cid = lax.axis_index("c")
        sid = lax.axis_index("s")
        wid = cid * ns + sid

        pltpu.sync_copy(dst_hbm.at[pl.ds(wid * ept, ept)], dsti)
        pltpu.sync_copy(src_hbm.at[pl.ds(wid * ept, ept)], srci)

        @pl.loop(0, steps)
        def _(g):
            base = wid * ept + g * c
            cp_e = pltpu.async_copy(ee_hbm.at[pl.ds(base, c)], eeb, sem_e)
            cp_a = pltpu.async_copy(a_hbm.at[dsti.at[pl.ds(g * c, c)]], ab, sem_a)
            cp_b = pltpu.async_copy(b_hbm.at[srci.at[pl.ds(g * c, c)]], bb, sem_b)
            cp_e.wait()
            cp_a.wait()
            cp_b.wait()

            @pl.loop(0, c)
            def _(r):
                for k in range(dh // 16):
                    sf = pl.ds(k * 16, 16)
                    ss = pl.ds(dh + k * 16, 16)
                    tf = eeb[r, sf] + ab[r, sf] + bb[r, sf]
                    ts = eeb[r, ss] + ab[r, ss] + bb[r, ss]
                    sig = 1.0 / (1.0 + jnp.exp(-tf))
                    msgb[r, sf] = sig * _softplus16(ts)

            pltpu.sync_copy(msgb, out_hbm.at[pl.ds(base, c)])

    return sc_edge




def kernel(
    x,
    edge_index,
    edge_attr,
    batch,
    W_emb,
    b_emb,
    conv_params,
    W_fc,
    b_fc,
    W_out,
    b_out,
):
    n = x.shape[0]
    e = edge_attr.shape[0]
    dh = W_emb.shape[1]
    src = edge_index[0]
    dst = edge_index[1]

    h = _embed(x, W_emb, b_emb)
    sc_edge = _make_sc_edge(n, e, dh, 80)

    for Wf, bf, Ws, bs, gamma, beta in conv_params:
        Wd = jnp.concatenate([Wf[:dh], Ws[:dh]], axis=1)
        Wsr = jnp.concatenate([Wf[dh : 2 * dh], Ws[dh : 2 * dh]], axis=1)
        We = jnp.concatenate([Wf[2 * dh :], Ws[2 * dh :]], axis=1)
        bcat = jnp.concatenate([bf, bs])
        A, B = _tables(h, Wd, Wsr)
        EE = _edge_tables(edge_attr, We, bcat)
        msg = sc_edge(A, B, EE, dst, src)
        agg = jnp.zeros((n, dh), F32).at[dst].add(msg)
        h = _bn(h, agg, gamma, beta)

    return _head(h, batch, 128, W_fc, b_fc, W_out, b_out)

# --- scband reference (transcript-rebuilt; emitter-appended) ---
"""Pipeline reference for scband-cgcnn-58643483459784 (READ-ONLY COPY).

The authoritative reference and input builder live on the scoring server;
editing this copy changes nothing except your own understanding.
"""

import jax, jax.numpy as jnp
import numpy as np

N = 10000
E = 320000
D_IN = 128
D_EDGE = 16
D_H = 64
D_FC = 128
G = 128
N_CONV = 3


def _glorot(key, shape):
    fan_in = shape[0]
    return jax.random.normal(key, shape, dtype=jnp.float32) / np.sqrt(fan_in)


def setup_inputs(seed: int = 0) -> dict:
    key = jax.random.key(seed)
    ks = jax.random.split(key, 8 + 6 * N_CONV)
    x = jax.random.normal(ks[0], (N, D_IN), dtype=jnp.float32)
    edge_index = jax.random.randint(ks[1], (2, E), 0, N, dtype=jnp.int32)
    edge_attr = jax.random.normal(ks[2], (E, D_EDGE), dtype=jnp.float32)
    batch = jnp.sort(jax.random.randint(ks[3], (N,), 0, G, dtype=jnp.int32))
    W_emb = _glorot(ks[4], (D_IN, D_H))
    b_emb = jnp.zeros((D_H,), jnp.float32)
    conv_params = []
    for i in range(N_CONV):
        Wf = _glorot(ks[8 + 6 * i], (2 * D_H + D_EDGE, D_H))
        bf = jnp.zeros((D_H,), jnp.float32)
        Ws = _glorot(ks[8 + 6 * i + 1], (2 * D_H + D_EDGE, D_H))
        bs = jnp.zeros((D_H,), jnp.float32)
        gamma = jnp.ones((D_H,), jnp.float32)
        beta = jnp.zeros((D_H,), jnp.float32)
        conv_params.append((Wf, bf, Ws, bs, gamma, beta))
    W_fc = _glorot(ks[5], (D_H, D_FC))
    b_fc = jnp.zeros((D_FC,), jnp.float32)
    W_out = _glorot(ks[6], (D_FC, 1))
    b_out = jnp.zeros((1,), jnp.float32)
    return {"x": x, "edge_index": edge_index, "edge_attr": edge_attr, "batch": batch,
            "W_emb": W_emb, "b_emb": b_emb, "conv_params": tuple(conv_params),
            "W_fc": W_fc, "b_fc": b_fc, "W_out": W_out, "b_out": b_out}


def reference(x, edge_index, edge_attr, batch, W_emb, b_emb, conv_params, W_fc, b_fc, W_out, b_out):
    # nn.Linear embedding
    h = x @ W_emb + b_emb
    src = edge_index[0]
    dst = edge_index[1]
    # CGConv layers: z = [x_i, x_j, e]; msg = sigmoid(lin_f(z)) * softplus(lin_s(z));
    # sum-aggregate at dst, BatchNorm1d (training-mode batch stats), residual add.
    for (Wf, bf, Ws, bs, gamma, beta) in conv_params:
        z = jnp.concatenate([h[dst], h[src], edge_attr], axis=-1)
        msg = jax.nn.sigmoid(z @ Wf + bf) * jax.nn.softplus(z @ Ws + bs)
        agg = jnp.zeros_like(h).at[dst].add(msg)
        mean = agg.mean(axis=0)
        var = agg.var(axis=0)
        agg = (agg - mean) / jnp.sqrt(var + 1e-5) * gamma + beta
        h = h + agg
    # MeanAggregation over graph-id segments
    sums = jnp.zeros((G, h.shape[1]), h.dtype).at[batch].add(h)
    counts = jnp.zeros((G,), h.dtype).at[batch].add(1.0)
    crys = sums / jnp.maximum(counts, 1.0)[:, None]
    crys = jax.nn.softplus(crys)
    crys = crys @ W_fc + b_fc
    crys = jax.nn.softplus(crys)
    return crys @ W_out + b_out

if __name__ == "__main__":
    import jax
    _d = setup_inputs()
    print(jax.jit(kernel)(*tuple(_d.values())))

</pallas_src>

<mosaic_0001>
#map = affine_map<(d0, d1) -> (0, 0)>
#map1 = affine_map<(d0, d1) -> (0)>
module attributes {stable_mosaic.version = 14 : i64} {
  func.func @sc_edge(%arg0: i32, %arg1: i32, %arg2: memref<10000x128xf32, #tpu.memory_space<hbm>>, %arg3: memref<10000x128xf32, #tpu.memory_space<hbm>>, %arg4: memref<320000x128xf32, #tpu.memory_space<hbm>>, %arg5: memref<320000xi32, #tpu.memory_space<hbm>>, %arg6: memref<320000xi32, #tpu.memory_space<hbm>>, %arg7: memref<320000x64xf32, #tpu.memory_space<hbm>>, %arg8: memref<10000xi32, #tpu.memory_space<vmem>>, %arg9: memref<10000xi32, #tpu.memory_space<vmem>>, %arg10: memref<80x128xf32, #tpu.memory_space<vmem>>, %arg11: memref<80x128xf32, #tpu.memory_space<vmem>>, %arg12: memref<80x128xf32, #tpu.memory_space<vmem>>, %arg13: memref<80x64xf32, #tpu.memory_space<vmem>>, %arg14: memref<!tpu.dma_semaphore, #tpu.memory_space<semaphore_mem>>, %arg15: memref<!tpu.dma_semaphore, #tpu.memory_space<semaphore_mem>>, %arg16: memref<!tpu.dma_semaphore, #tpu.memory_space<semaphore_mem>>) attributes {dimension_semantics = [#tpu.dimension_semantics<core_parallel>, #tpu.dimension_semantics<subcore_parallel>], iteration_bounds = array<i64: 2, 16>, scalar_prefetch = 0 : i64, scratch_operands = 9 : i64, tpu.core_type = #tpu.core_type<sc_vector_subcore>, window_params = [{transform_indices = #map}, {transform_indices = #map}, {transform_indices = #map}, {transform_indices = #map1}, {transform_indices = #map1}, {transform_indices = #map}]} {
    %mul3A = arith.constant 16 : i32
    %mul3A_0 = arith.muli %arg0, %mul3A : i32
    %add3A = arith.addi %mul3A_0, %arg1 : i32
    %mul3A_1 = arith.constant 10000 : i32
    %mul3A_2 = arith.muli %add3A, %mul3A_1 : i32
    "tpu.region"() ({
      %run_scoped3A = tpu.sem_alloc : memref<!tpu.dma_semaphore, #tpu.memory_space<semaphore_mem>>
      %dma_start3A = tpu.memref_slice %arg5[%mul3A_2] : memref<320000xi32, #tpu.memory_space<hbm>> -> memref<10000xi32, #tpu.memory_space<hbm>>
      %dma_start3A_9 = tpu.memref_slice %arg5[%mul3A_2] : memref<320000xi32, #tpu.memory_space<hbm>> -> memref<10000xi32, #tpu.memory_space<hbm>>
      tpu.enqueue_dma source(%dma_start3A_9 : memref<10000xi32, #tpu.memory_space<hbm>>) target(%arg8 : memref<10000xi32, #tpu.memory_space<vmem>>) target_semaphore(%run_scoped3A : memref<!tpu.dma_semaphore, #tpu.memory_space<semaphore_mem>>)
      %dma_wait3A = tpu.memref_slice %arg5[%mul3A_2] : memref<320000xi32, #tpu.memory_space<hbm>> -> memref<10000xi32, #tpu.memory_space<hbm>>
      %dma_wait3A_10 = tpu.memref_slice %arg5[%mul3A_2] : memref<320000xi32, #tpu.memory_space<hbm>> -> memref<10000xi32, #tpu.memory_space<hbm>>
      tpu.wait_dma2 semaphore(%run_scoped3A : memref<!tpu.dma_semaphore, #tpu.memory_space<semaphore_mem>>) src(%dma_wait3A_10 : memref<10000xi32, #tpu.memory_space<hbm>>) dst(%arg8 : memref<10000xi32, #tpu.memory_space<vmem>>)
      tpu.yield
    }) : () -> ()
    %mul3A_3 = arith.constant 10000 : i32
    %mul3A_4 = arith.muli %add3A, %mul3A_3 : i32
    "tpu.region"() ({
      %run_scoped3A = tpu.sem_alloc : memref<!tpu.dma_semaphore, #tpu.memory_space<semaphore_mem>>
      %dma_start3A = tpu.memref_slice %arg6[%mul3A_4] : memref<320000xi32, #tpu.memory_space<hbm>> -> memref<10000xi32, #tpu.memory_space<hbm>>
      %dma_start3A_9 = tpu.memref_slice %arg6[%mul3A_4] : memref<320000xi32, #tpu.memory_space<hbm>> -> memref<10000xi32, #tpu.memory_space<hbm>>
      tpu.enqueue_dma source(%dma_start3A_9 : memref<10000xi32, #tpu.memory_space<hbm>>) target(%arg9 : memref<10000xi32, #tpu.memory_space<vmem>>) target_semaphore(%run_scoped3A : memref<!tpu.dma_semaphore, #tpu.memory_space<semaphore_mem>>)
      %dma_wait3A = tpu.memref_slice %arg6[%mul3A_4] : memref<320000xi32, #tpu.memory_space<hbm>> -> memref<10000xi32, #tpu.memory_space<hbm>>
      %dma_wait3A_10 = tpu.memref_slice %arg6[%mul3A_4] : memref<320000xi32, #tpu.memory_space<hbm>> -> memref<10000xi32, #tpu.memory_space<hbm>>
      tpu.wait_dma2 semaphore(%run_scoped3A : memref<!tpu.dma_semaphore, #tpu.memory_space<semaphore_mem>>) src(%dma_wait3A_10 : memref<10000xi32, #tpu.memory_space<hbm>>) dst(%arg9 : memref<10000xi32, #tpu.memory_space<vmem>>)
      tpu.yield
    }) : () -> ()
    %scan3A = arith.constant 0 : i32
    %scan3A_5 = arith.constant 125 : i32
    %scan3A_6 = arith.addi %scan3A, %scan3A_5 : i32
    %scan3A_7 = arith.constant 1 : i32
    scf.for %scan3A_9 = %scan3A to %scan3A_6 step %scan3A_7  : i32 {
      %mul3A_10 = arith.constant 1 : i32
      %mul3A_11 = arith.muli %scan3A_9, %mul3A_10 : i32
      %add3A_12 = arith.constant 0 : i32
      %add3A_13 = arith.addi %add3A_12, %mul3A_11 : i32
      %mul3A_14 = arith.constant 10000 : i32
      %mul3A_15 = arith.muli %add3A, %mul3A_14 : i32
      %mul3A_16 = arith.constant 80 : i32
      %mul3A_17 = arith.muli %add3A_13, %mul3A_16 : i32
      %add3A_18 = arith.addi %mul3A_15, %mul3A_17 : i32
      %dma_start3A = arith.constant 0 : i32
      %dma_start3A_19 = tpu.memref_slice %arg4[%add3A_18, %dma_start3A] : memref<320000x128xf32, #tpu.memory_space<hbm>> -> memref<80x128xf32, #tpu.memory_space<hbm>>
      %dma_start3A_20 = arith.constant 0 : i32
      %dma_start3A_21 = tpu.memref_slice %arg4[%add3A_18, %dma_start3A_20] : memref<320000x128xf32, #tpu.memory_space<hbm>> -> memref<80x128xf32, #tpu.memory_space<hbm>>
      tpu.enqueue_dma source(%dma_start3A_21 : memref<80x128xf32, #tpu.memory_space<hbm>>) target(%arg10 : memref<80x128xf32, #tpu.memory_space<vmem>>) target_semaphore(%arg16 : memref<!tpu.dma_semaphore, #tpu.memory_space<semaphore_mem>>)
      %mul3A_22 = arith.constant 80 : i32
      %mul3A_23 = arith.muli %add3A_13, %mul3A_22 : i32
      %dma_start3A_24 = tpu.memref_slice %arg8[%mul3A_23] : memref<10000xi32, #tpu.memory_space<vmem>> -> memref<80xi32, #tpu.memory_space<vmem>>
      %dma_start3A_25 = arith.constant 0 : i32
      %dma_start3A_26 = arith.constant 0 : i32
      %dma_start3A_27 = tpu.memref_slice %arg2[%dma_start3A_25, %dma_start3A_26] : memref<10000x128xf32, #tpu.memory_space<hbm>> -> memref<10000x128xf32, #tpu.memory_space<hbm>>
      tpu.enqueue_indirect_dma source(%dma_start3A_27 : memref<10000x128xf32, #tpu.memory_space<hbm>>) target(%arg11 : memref<80x128xf32, #tpu.memory_space<vmem>>) offsets(%dma_start3A_24 : memref<80xi32, #tpu.memory_space<vmem>>) semaphore(%arg14 : memref<!tpu.dma_semaphore, #tpu.memory_space<semaphore_mem>>)
      %mul3A_28 = arith.constant 80 : i32
      %mul3A_29 = arith.muli %add3A_13, %mul3A_28 : i32
      %dma_start3A_30 = tpu.memref_slice %arg9[%mul3A_29] : memref<10000xi32, #tpu.memory_space<vmem>> -> memref<80xi32, #tpu.memory_space<vmem>>
      %dma_start3A_31 = arith.constant 0 : i32
      %dma_start3A_32 = arith.constant 0 : i32
      %dma_start3A_33 = tpu.memref_slice %arg3[%dma_start3A_31, %dma_start3A_32] : memref<10000x128xf32, #tpu.memory_space<hbm>> -> memref<10000x128xf32, #tpu.memory_space<hbm>>
      tpu.enqueue_indirect_dma source(%dma_start3A_33 : memref<10000x128xf32, #tpu.memory_space<hbm>>) target(%arg12 : memref<80x128xf32, #tpu.memory_space<vmem>>) offsets(%dma_start3A_30 : memref<80xi32, #tpu.memory_space<vmem>>) semaphore(%arg15 : memref<!tpu.dma_semaphore, #tpu.memory_space<semaphore_mem>>)
      %dma_wait3A = arith.constant 0 : i32
      %dma_wait3A_34 = tpu.memref_slice %arg4[%add3A_18, %dma_wait3A] : memref<320000x128xf32, #tpu.memory_space<hbm>> -> memref<80x128xf32, #tpu.memory_space<hbm>>
      %dma_wait3A_35 = arith.constant 0 : i32
      %dma_wait3A_36 = tpu.memref_slice %arg4[%add3A_18, %dma_wait3A_35] : memref<320000x128xf32, #tpu.memory_space<hbm>> -> memref<80x128xf32, #tpu.memory_space<hbm>>
      tpu.wait_dma2 semaphore(%arg16 : memref<!tpu.dma_semaphore, #tpu.memory_space<semaphore_mem>>) src(%dma_wait3A_36 : memref<80x128xf32, #tpu.memory_space<hbm>>) dst(%arg10 : memref<80x128xf32, #tpu.memory_space<vmem>>)
      %dma_wait3A_37 = tpu.memref_slice %arg8[%mul3A_23] : memref<10000xi32, #tpu.memory_space<vmem>> -> memref<80xi32, #tpu.memory_space<vmem>>
      %dma_wait3A_38 = arith.constant 0 : i32
      %dma_wait3A_39 = arith.constant 0 : i32
      %dma_wait3A_40 = tpu.memref_slice %arg2[%dma_wait3A_38, %dma_wait3A_39] : memref<10000x128xf32, #tpu.memory_space<hbm>> -> memref<10000x128xf32, #tpu.memory_space<hbm>>
      tpu.wait_indirect_dma semaphore(%arg14 : memref<!tpu.dma_semaphore, #tpu.memory_space<semaphore_mem>>) src(%dma_wait3A_40 : memref<10000x128xf32, #tpu.memory_space<hbm>>) dst(%arg11 : memref<80x128xf32, #tpu.memory_space<vmem>>)
      %dma_wait3A_41 = tpu.memref_slice %arg9[%mul3A_29] : memref<10000xi32, #tpu.memory_space<vmem>> -> memref<80xi32, #tpu.memory_space<vmem>>
      %dma_wait3A_42 = arith.constant 0 : i32
      %dma_wait3A_43 = arith.constant 0 : i32
      %dma_wait3A_44 = tpu.memref_slice %arg3[%dma_wait3A_42, %dma_wait3A_43] : memref<10000x128xf32, #tpu.memory_space<hbm>> -> memref<10000x128xf32, #tpu.memory_space<hbm>>
      tpu.wait_indirect_dma semaphore(%arg15 : memref<!tpu.dma_semaphore, #tpu.memory_space<semaphore_mem>>) src(%dma_wait3A_44 : memref<10000x128xf32, #tpu.memory_space<hbm>>) dst(%arg12 : memref<80x128xf32, #tpu.memory_space<vmem>>)
      %scan3A_45 = arith.constant 0 : i32
      %scan3A_46 = arith.constant 80 : i32
      %scan3A_47 = arith.addi %scan3A_45, %scan3A_46 : i32
      %scan3A_48 = arith.constant 1 : i32
      scf.for %scan3A_50 = %scan3A_45 to %scan3A_47 step %scan3A_48  : i32 {
        %mul3A_51 = arith.constant 1 : i32
        %mul3A_52 = arith.muli %scan3A_50, %mul3A_51 : i32
        %add3A_53 = arith.constant 0 : i32
        %add3A_54 = arith.addi %add3A_53, %mul3A_52 : i32
        %get3A = arith.index_cast %add3A_54 : i32 to index
        %get3A_55 = arith.constant 0 : index
        %get3A_56 = tpu.vector_load %arg10[%get3A, %get3A_55] {strides = array<i32>} : memref<80x128xf32, #tpu.memory_space<vmem>>, vector<1x16xf32>,
        %get3A_57 = vector.shape_cast %get3A_56 : vector<1x16xf32> to vector<16xf32>
        %get3A_58 = arith.index_cast %add3A_54 : i32 to index
        %get3A_59 = arith.constant 0 : index
        %get3A_60 = tpu.vector_load %arg11[%get3A_58, %get3A_59] {strides = array<i32>} : memref<80x128xf32, #tpu.memory_space<vmem>>, vector<1x16xf32>,
        %get3A_61 = vector.shape_cast %get3A_60 : vector<1x16xf32> to vector<16xf32>
        %add3A_62 = arith.addf %get3A_57, %get3A_61 : vector<16xf32>
        %get3A_63 = arith.index_cast %add3A_54 : i32 to index
        %get3A_64 = arith.constant 0 : index
        %get3A_65 = tpu.vector_load %arg12[%get3A_63, %get3A_64] {strides = array<i32>} : memref<80x128xf32, #tpu.memory_space<vmem>>, vector<1x16xf32>,
        %get3A_66 = vector.shape_cast %get3A_65 : vector<1x16xf32> to vector<16xf32>
        %add3A_67 = arith.addf %add3A_62, %get3A_66 : vector<16xf32>
        %get3A_68 = arith.index_cast %add3A_54 : i32 to index
        %get3A_69 = arith.constant 64 : index
        %get3A_70 = tpu.vector_load %arg10[%get3A_68, %get3A_69] {strides = array<i32>} : memref<80x128xf32, #tpu.memory_space<vmem>>, vector<1x16xf32>,
        %get3A_71 = vector.shape_cast %get3A_70 : vector<1x16xf32> to vector<16xf32>
        %get3A_72 = arith.index_cast %add3A_54 : i32 to index
        %get3A_73 = arith.constant 64 : index
        %get3A_74 = tpu.vector_load %arg11[%get3A_72, %get3A_73] {strides = array<i32>} : memref<80x128xf32, #tpu.memory_space<vmem>>, vector<1x16xf32>,
        %get3A_75 = vector.shape_cast %get3A_74 : vector<1x16xf32> to vector<16xf32>
        %add3A_76 = arith.addf %get3A_71, %get3A_75 : vector<16xf32>
        %get3A_77 = arith.index_cast %add3A_54 : i32 to index
        %get3A_78 = arith.constant 64 : index
        %get3A_79 = tpu.vector_load %arg12[%get3A_77, %get3A_78] {strides = array<i32>} : memref<80x128xf32, #tpu.memory_space<vmem>>, vector<1x16xf32>,
        %get3A_80 = vector.shape_cast %get3A_79 : vector<1x16xf32> to vector<16xf32>
        %add3A_81 = arith.addf %add3A_76, %get3A_80 : vector<16xf32>
        %neg3A = arith.constant 0.000000e+00 : f32
        %neg3A_82 = vector.broadcast %neg3A : f32 to vector<16xf32>
        %neg3A_83 = arith.subf %neg3A_82, %add3A_67 : vector<16xf32>
        %exp3A = math.exp %neg3A_83 : vector<16xf32>
        %add3A_84 = arith.constant 1.000000e+00 : f32
        %add3A_85 = vector.broadcast %add3A_84 : f32 to vector<16xf32>
        %add3A_86 = arith.addf %add3A_85, %exp3A : vector<16xf32>
        %div3A = arith.constant 1.000000e+00 : f32
        %div3A_87 = vector.broadcast %div3A : f32 to vector<16xf32>
        %div3A_88 = arith.divf %div3A_87, %add3A_86 : vector<16xf32>
        %abs3A = math.absf %add3A_81 : vector<16xf32>
        %neg3A_89 = arith.constant 0.000000e+00 : f32
        %neg3A_90 = vector.broadcast %neg3A_89 : f32 to vector<16xf32>
        %neg3A_91 = arith.subf %neg3A_90, %abs3A : vector<16xf32>
        %exp3A_92 = math.exp %neg3A_91 : vector<16xf32>
        %add3A_93 = arith.constant 2.000000e+00 : f32
        %add3A_94 = vector.broadcast %add3A_93 : f32 to vector<16xf32>
        %add3A_95 = arith.addf %add3A_94, %exp3A_92 : vector<16xf32>
        %div3A_96 = arith.divf %exp3A_92, %add3A_95 : vector<16xf32>
        %mul3A_97 = arith.mulf %div3A_96, %div3A_96 : vector<16xf32>
        %broadcast_in_dim3A = arith.constant 0.222222224 : f32
        %broadcast_in_dim3A_98 = vector.broadcast %broadcast_in_dim3A : f32 to vector<16xf32>
        %mul3A_99 = arith.mulf %broadcast_in_dim3A_98, %mul3A_97 : vector<16xf32>
        %add3A_100 = arith.constant 0.285714298 : f32
        %add3A_101 = vector.broadcast %add3A_100 : f32 to vector<16xf32>
        %add3A_102 = arith.addf %mul3A_99, %add3A_101 : vector<16xf32>
        %mul3A_103 = arith.mulf %add3A_102, %mul3A_97 : vector<16xf32>
        %add3A_104 = arith.constant 4.000000e-01 : f32
        %add3A_105 = vector.broadcast %add3A_104 : f32 to vector<16xf32>
        %add3A_106 = arith.addf %mul3A_103, %add3A_105 : vector<16xf32>
        %mul3A_107 = arith.mulf %add3A_106, %mul3A_97 : vector<16xf32>
        %add3A_108 = arith.constant 0.666666686 : f32
        %add3A_109 = vector.broadcast %add3A_108 : f32 to vector<16xf32>
        %add3A_110 = arith.addf %mul3A_107, %add3A_109 : vector<16xf32>
        %mul3A_111 = arith.mulf %add3A_110, %mul3A_97 : vector<16xf32>
        %add3A_112 = arith.constant 2.000000e+00 : f32
        %add3A_113 = vector.broadcast %add3A_112 : f32 to vector<16xf32>
        %add3A_114 = arith.addf %mul3A_111, %add3A_113 : vector<16xf32>
        %max3A = arith.constant 0.000000e+00 : f32
        %max3A_115 = vector.broadcast %max3A : f32 to vector<16xf32>
        %max3A_116 = arith.maximumf %add3A_81, %max3A_115 : vector<16xf32>
        %mul3A_117 = arith.mulf %add3A_114, %div3A_96 : vector<16xf32>
        %add3A_118 = arith.addf %max3A_116, %mul3A_117 : vector<16xf32>
        %mul3A_119 = arith.mulf %div3A_88, %add3A_118 : vector<16xf32>
        %swap3A = arith.index_cast %add3A_54 : i32 to index
        %swap3A_120 = arith.constant 0 : index
        %swap3A_121 = tpu.vector_load %arg13[%swap3A, %swap3A_120] {strides = array<i32>} : memref<80x64xf32, #tpu.memory_space<vmem>>, vector<1x16xf32>,
        %swap3A_122 = vector.shape_cast %swap3A_121 : vector<1x16xf32> to vector<16xf32>
        %swap3A_123 = vector.shape_cast %mul3A_119 : vector<16xf32> to vector<1x16xf32>
        tpu.vector_store %arg13[%swap3A, %swap3A_120], %swap3A_123 {strides = array<i32>} : memref<80x64xf32, #tpu.memory_space<vmem>>, vector<1x16xf32>,
        %get3A_124 = arith.index_cast %add3A_54 : i32 to index
        %get3A_125 = arith.constant 16 : index
        %get3A_126 = tpu.vector_load %arg10[%get3A_124, %get3A_125] {strides = array<i32>} : memref<80x128xf32, #tpu.memory_space<vmem>>, vector<1x16xf32>,
        %get3A_127 = vector.shape_cast %get3A_126 : vector<1x16xf32> to vector<16xf32>
        %get3A_128 = arith.index_cast %add3A_54 : i32 to index
        %get3A_129 = arith.constant 16 : index
        %get3A_130 = tpu.vector_load %arg11[%get3A_128, %get3A_129] {strides = array<i32>} : memref<80x128xf32, #tpu.memory_space<vmem>>, vector<1x16xf32>,
        %get3A_131 = vector.shape_cast %get3A_130 : vector<1x16xf32> to vector<16xf32>
        %add3A_132 = arith.addf %get3A_127, %get3A_131 : vector<16xf32>
        %get3A_133 = arith.index_cast %add3A_54 : i32 to index
        %get3A_134 = arith.constant 16 : index
        %get3A_135 = tpu.vector_load %arg12[%get3A_133, %get3A_134] {strides = array<i32>} : memref<80x128xf32, #tpu.memory_space<vmem>>, vector<1x16xf32>,
        %get3A_136 = vector.shape_cast %get3A_135 : vector<1x16xf32> to vector<16xf32>
        %add3A_137 = arith.addf %add3A_132, %get3A_136 : vector<16xf32>
        %get3A_138 = arith.index_cast %add3A_54 : i32 to index
        %get3A_139 = arith.constant 80 : index
        %get3A_140 = tpu.vector_load %arg10[%get3A_138, %get3A_139] {strides = array<i32>} : memref<80x128xf32, #tpu.memory_space<vmem>>, vector<1x16xf32>,
        %get3A_141 = vector.shape_cast %get3A_140 : vector<1x16xf32> to vector<16xf32>
        %get3A_142 = arith.index_cast %add3A_54 : i32 to index
        %get3A_143 = arith.constant 80 : index
        %get3A_144 = tpu.vector_load %arg11[%get3A_142, %get3A_143] {strides = array<i32>} : memref<80x128xf32, #tpu.memory_space<vmem>>, vector<1x16xf32>,
        %get3A_145 = vector.shape_cast %get3A_144 : vector<1x16xf32> to vector<16xf32>
        %add3A_146 = arith.addf %get3A_141, %get3A_145 : vector<16xf32>
        %get3A_147 = arith.index_cast %add3A_54 : i32 to index
        %get3A_148 = arith.constant 80 : index
        %get3A_149 = tpu.vector_load %arg12[%get3A_147, %get3A_148] {strides = array<i32>} : memref<80x128xf32, #tpu.memory_space<vmem>>, vector<1x16xf32>,
        %get3A_150 = vector.shape_cast %get3A_149 : vector<1x16xf32> to vector<16xf32>
        %add3A_151 = arith.addf %add3A_146, %get3A_150 : vector<16xf32>
        %neg3A_152 = arith.constant 0.000000e+00 : f32
        %neg3A_153 = vector.broadcast %neg3A_152 : f32 to vector<16xf32>
        %neg3A_154 = arith.subf %neg3A_153, %add3A_137 : vector<16xf32>
        %exp3A_155 = math.exp %neg3A_154 : vector<16xf32>
        %add3A_156 = arith.constant 1.000000e+00 : f32
        %add3A_157 = vector.broadcast %add3A_156 : f32 to vector<16xf32>
        %add3A_158 = arith.addf %add3A_157, %exp3A_155 : vector<16xf32>
        %div3A_159 = arith.constant 1.000000e+00 : f32
        %div3A_160 = vector.broadcast %div3A_159 : f32 to vector<16xf32>
        %div3A_161 = arith.divf %div3A_160, %add3A_158 : vector<16xf32>
        %abs3A_162 = math.absf %add3A_151 : vector<16xf32>
        %neg3A_163 = arith.constant 0.000000e+00 : f32
        %neg3A_164 = vector.broadcast %neg3A_163 : f32 to vector<16xf32>
        %neg3A_165 = arith.subf %neg3A_164, %abs3A_162 : vector<16xf32>
        %exp3A_166 = math.exp %neg3A_165 : vector<16xf32>
        %add3A_167 = arith.constant 2.000000e+00 : f32
        %add3A_168 = vector.broadcast %add3A_167 : f32 to vector<16xf32>
        %add3A_169 = arith.addf %add3A_168, %exp3A_166 : vector<16xf32>
        %div3A_170 = arith.divf %exp3A_166, %add3A_169 : vector<16xf32>
        %mul3A_171 = arith.mulf %div3A_170, %div3A_170 : vector<16xf32>
        %broadcast_in_dim3A_172 = arith.constant 0.222222224 : f32
        %broadcast_in_dim3A_173 = vector.broadcast %broadcast_in_dim3A_172 : f32 to vector<16xf32>
        %mul3A_174 = arith.mulf %broadcast_in_dim3A_173, %mul3A_171 : vector<16xf32>
        %add3A_175 = arith.constant 0.285714298 : f32
        %add3A_176 = vector.broadcast %add3A_175 : f32 to vector<16xf32>
        %add3A_177 = arith.addf %mul3A_174, %add3A_176 : vector<16xf32>
        %mul3A_178 = arith.mulf %add3A_177, %mul3A_171 : vector<16xf32>
        %add3A_179 = arith.constant 4.000000e-01 : f32
        %add3A_180 = vector.broadcast %add3A_179 : f32 to vector<16xf32>
        %add3A_181 = arith.addf %mul3A_178, %add3A_180 : vector<16xf32>
        %mul3A_182 = arith.mulf %add3A_181, %mul3A_171 : vector<16xf32>
        %add3A_183 = arith.constant 0.666666686 : f32
        %add3A_184 = vector.broadcast %add3A_183 : f32 to vector<16xf32>
        %add3A_185 = arith.addf %mul3A_182, %add3A_184 : vector<16xf32>
        %mul3A_186 = arith.mulf %add3A_185, %mul3A_171 : vector<16xf32>
        %add3A_187 = arith.constant 2.000000e+00 : f32
        %add3A_188 = vector.broadcast %add3A_187 : f32 to vector<16xf32>
        %add3A_189 = arith.addf %mul3A_186, %add3A_188 : vector<16xf32>
        %max3A_190 = arith.constant 0.000000e+00 : f32
        %max3A_191 = vector.broadcast %max3A_190 : f32 to vector<16xf32>
        %max3A_192 = arith.maximumf %add3A_151, %max3A_191 : vector<16xf32>
        %mul3A_193 = arith.mulf %add3A_189, %div3A_170 : vector<16xf32>
        %add3A_194 = arith.addf %max3A_192, %mul3A_193 : vector<16xf32>
        %mul3A_195 = arith.mulf %div3A_161, %add3A_194 : vector<16xf32>
        %swap3A_196 = arith.index_cast %add3A_54 : i32 to index
        %swap3A_197 = arith.constant 16 : index
        %swap3A_198 = tpu.vector_load %arg13[%swap3A_196, %swap3A_197] {strides = array<i32>} : memref<80x64xf32, #tpu.memory_space<vmem>>, vector<1x16xf32>,
        %swap3A_199 = vector.shape_cast %swap3A_198 : vector<1x16xf32> to vector<16xf32>
        %swap3A_200 = vector.shape_cast %mul3A_195 : vector<16xf32> to vector<1x16xf32>
        tpu.vector_store %arg13[%swap3A_196, %swap3A_197], %swap3A_200 {strides = array<i32>} : memref<80x64xf32, #tpu.memory_space<vmem>>, vector<1x16xf32>,
        %get3A_201 = arith.index_cast %add3A_54 : i32 to index
        %get3A_202 = arith.constant 32 : index
        %get3A_203 = tpu.vector_load %arg10[%get3A_201, %get3A_202] {strides = array<i32>} : memref<80x128xf32, #tpu.memory_space<vmem>>, vector<1x16xf32>,
        %get3A_204 = vector.shape_cast %get3A_203 : vector<1x16xf32> to vector<16xf32>
        %get3A_205 = arith.index_cast %add3A_54 : i32 to index
        %get3A_206 = arith.constant 32 : index
        %get3A_207 = tpu.vector_load %arg11[%get3A_205, %get3A_206] {strides = array<i32>} : memref<80x128xf32, #tpu.memory_space<vmem>>, vector<1x16xf32>,
        %get3A_208 = vector.shape_cast %get3A_207 : vector<1x16xf32> to vector<16xf32>
        %add3A_209 = arith.addf %get3A_204, %get3A_208 : vector<16xf32>
        %get3A_210 = arith.index_cast %add3A_54 : i32 to index
        %get3A_211 = arith.constant 32 : index
        %get3A_212 = tpu.vector_load %arg12[%get3A_210, %get3A_211] {strides = array<i32>} : memref<80x128xf32, #tpu.memory_space<vmem>>, vector<1x16xf32>,
        %get3A_213 = vector.shape_cast %get3A_212 : vector<1x16xf32> to vector<16xf32>
        %add3A_214 = arith.addf %add3A_209, %get3A_213 : vector<16xf32>
        %get3A_215 = arith.index_cast %add3A_54 : i32 to index
        %get3A_216 = arith.constant 96 : index
        %get3A_217 = tpu.vector_load %arg10[%get3A_215, %get3A_216] {strides = array<i32>} : memref<80x128xf32, #tpu.memory_space<vmem>>, vector<1x16xf32>,
        %get3A_218 = vector.shape_cast %get3A_217 : vector<1x16xf32> to vector<16xf32>
        %get3A_219 = arith.index_cast %add3A_54 : i32 to index
        %get3A_220 = arith.constant 96 : index
        %get3A_221 = tpu.vector_load %arg11[%get3A_219, %get3A_220] {strides = array<i32>} : memref<80x128xf32, #tpu.memory_space<vmem>>, vector<1x16xf32>,
        %get3A_222 = vector.shape_cast %get3A_221 : vector<1x16xf32> to vector<16xf32>
        %add3A_223 = arith.addf %get3A_218, %get3A_222 : vector<16xf32>
        %get3A_224 = arith.index_cast %add3A_54 : i32 to index
        %get3A_225 = arith.constant 96 : index
        %get3A_226 = tpu.vector_load %arg12[%get3A_224, %get3A_225] {strides = array<i32>} : memref<80x128xf32, #tpu.memory_space<vmem>>, vector<1x16xf32>,
        %get3A_227 = vector.shape_cast %get3A_226 : vector<1x16xf32> to vector<16xf32>
        %add3A_228 = arith.addf %add3A_223, %get3A_227 : vector<16xf32>
        %neg3A_229 = arith.constant 0.000000e+00 : f32
        %neg3A_230 = vector.broadcast %neg3A_229 : f32 to vector<16xf32>
        %neg3A_231 = arith.subf %neg3A_230, %add3A_214 : vector<16xf32>
        %exp3A_232 = math.exp %neg3A_231 : vector<16xf32>
        %add3A_233 = arith.constant 1.000000e+00 : f32
        %add3A_234 = vector.broadcast %add3A_233 : f32 to vector<16xf32>
        %add3A_235 = arith.addf %add3A_234, %exp3A_232 : vector<16xf32>
        %div3A_236 = arith.constant 1.000000e+00 : f32
        %div3A_237 = vector.broadcast %div3A_236 : f32 to vector<16xf32>
        %div3A_238 = arith.divf %div3A_237, %add3A_235 : vector<16xf32>
        %abs3A_239 = math.absf %add3A_228 : vector<16xf32>
        %neg3A_240 = arith.constant 0.000000e+00 : f32
        %neg3A_241 = vector.broadcast %neg3A_240 : f32 to vector<16xf32>
        %neg3A_242 = arith.subf %neg3A_241, %abs3A_239 : vector<16xf32>
        %exp3A_243 = math.exp %neg3A_242 : vector<16xf32>
        %add3A_244 = arith.constant 2.000000e+00 : f32
        %add3A_245 = vector.broadcast %add3A_244 : f32 to vector<16xf32>
        %add3A_246 = arith.addf %add3A_245, %exp3A_243 : vector<16xf32>
        %div3A_247 = arith.divf %exp3A_243, %add3A_246 : vector<16xf32>
        %mul3A_248 = arith.mulf %div3A_247, %div3A_247 : vector<16xf32>
        %broadcast_in_dim3A_249 = arith.constant 0.222222224 : f32
        %broadcast_in_dim3A_250 = vector.broadcast %broadcast_in_dim3A_249 : f32 to vector<16xf32>
        %mul3A_251 = arith.mulf %broadcast_in_dim3A_250, %mul3A_248 : vector<16xf32>
        %add3A_252 = arith.constant 0.285714298 : f32
        %add3A_253 = vector.broadcast %add3A_252 : f32 to vector<16xf32>
        %add3A_254 = arith.addf %mul3A_251, %add3A_253 : vector<16xf32>
        %mul3A_255 = arith.mulf %add3A_254, %mul3A_248 : vector<16xf32>
        %add3A_256 = arith.constant 4.000000e-01 : f32
        %add3A_257 = vector.broadcast %add3A_256 : f32 to vector<16xf32>
        %add3A_258 = arith.addf %mul3A_255, %add3A_257 : vector<16xf32>
        %mul3A_259 = arith.mulf %add3A_258, %mul3A_248 : vector<16xf32>
        %add3A_260 = arith.constant 0.666666686 : f32
        %add3A_261 = vector.broadcast %add3A_260 : f32 to vector<16xf32>
        %add3A_262 = arith.addf %mul3A_259, %add3A_261 : vector<16xf32>
        %mul3A_263 = arith.mulf %add3A_262, %mul3A_248 : vector<16xf32>
        %add3A_264 = arith.constant 2.000000e+00 : f32
        %add3A_265 = vector.broadcast %add3A_264 : f32 to vector<16xf32>
        %add3A_266 = arith.addf %mul3A_263, %add3A_265 : vector<16xf32>
        %max3A_267 = arith.constant 0.000000e+00 : f32
        %max3A_268 = vector.broadcast %max3A_267 : f32 to vector<16xf32>
        %max3A_269 = arith.maximumf %add3A_228, %max3A_268 : vector<16xf32>
        %mul3A_270 = arith.mulf %add3A_266, %div3A_247 : vector<16xf32>
        %add3A_271 = arith.addf %max3A_269, %mul3A_270 : vector<16xf32>
        %mul3A_272 = arith.mulf %div3A_238, %add3A_271 : vector<16xf32>
        %swap3A_273 = arith.index_cast %add3A_54 : i32 to index
        %swap3A_274 = arith.constant 32 : index
        %swap3A_275 = tpu.vector_load %arg13[%swap3A_273, %swap3A_274] {strides = array<i32>} : memref<80x64xf32, #tpu.memory_space<vmem>>, vector<1x16xf32>,
        %swap3A_276 = vector.shape_cast %swap3A_275 : vector<1x16xf32> to vector<16xf32>
        %swap3A_277 = vector.shape_cast %mul3A_272 : vector<16xf32> to vector<1x16xf32>
        tpu.vector_store %arg13[%swap3A_273, %swap3A_274], %swap3A_277 {strides = array<i32>} : memref<80x64xf32, #tpu.memory_space<vmem>>, vector<1x16xf32>,
        %get3A_278 = arith.index_cast %add3A_54 : i32 to index
        %get3A_279 = arith.constant 48 : index
        %get3A_280 = tpu.vector_load %arg10[%get3A_278, %get3A_279] {strides = array<i32>} : memref<80x128xf32, #tpu.memory_space<vmem>>, vector<1x16xf32>,
        %get3A_281 = vector.shape_cast %get3A_280 : vector<1x16xf32> to vector<16xf32>
        %get3A_282 = arith.index_cast %add3A_54 : i32 to index
        %get3A_283 = arith.constant 48 : index
        %get3A_284 = tpu.vector_load %arg11[%get3A_282, %get3A_283] {strides = array<i32>} : memref<80x128xf32, #tpu.memory_space<vmem>>, vector<1x16xf32>,
        %get3A_285 = vector.shape_cast %get3A_284 : vector<1x16xf32> to vector<16xf32>
        %add3A_286 = arith.addf %get3A_281, %get3A_285 : vector<16xf32>
        %get3A_287 = arith.index_cast %add3A_54 : i32 to index
        %get3A_288 = arith.constant 48 : index
        %get3A_289 = tpu.vector_load %arg12[%get3A_287, %get3A_288] {strides = array<i32>} : memref<80x128xf32, #tpu.memory_space<vmem>>, vector<1x16xf32>,
        %get3A_290 = vector.shape_cast %get3A_289 : vector<1x16xf32> to vector<16xf32>
        %add3A_291 = arith.addf %add3A_286, %get3A_290 : vector<16xf32>
        %get3A_292 = arith.index_cast %add3A_54 : i32 to index
        %get3A_293 = arith.constant 112 : index
        %get3A_294 = tpu.vector_load %arg10[%get3A_292, %get3A_293] {strides = array<i32>} : memref<80x128xf32, #tpu.memory_space<vmem>>, vector<1x16xf32>,
        %get3A_295 = vector.shape_cast %get3A_294 : vector<1x16xf32> to vector<16xf32>
        %get3A_296 = arith.index_cast %add3A_54 : i32 to index
        %get3A_297 = arith.constant 112 : index
        %get3A_298 = tpu.vector_load %arg11[%get3A_296, %get3A_297] {strides = array<i32>} : memref<80x128xf32, #tpu.memory_space<vmem>>, vector<1x16xf32>,
        %get3A_299 = vector.shape_cast %get3A_298 : vector<1x16xf32> to vector<16xf32>
        %add3A_300 = arith.addf %get3A_295, %get3A_299 : vector<16xf32>
        %get3A_301 = arith.index_cast %add3A_54 : i32 to index
        %get3A_302 = arith.constant 112 : index
        %get3A_303 = tpu.vector_load %arg12[%get3A_301, %get3A_302] {strides = array<i32>} : memref<80x128xf32, #tpu.memory_space<vmem>>, vector<1x16xf32>,
        %get3A_304 = vector.shape_cast %get3A_303 : vector<1x16xf32> to vector<16xf32>
        %add3A_305 = arith.addf %add3A_300, %get3A_304 : vector<16xf32>
        %neg3A_306 = arith.constant 0.000000e+00 : f32
        %neg3A_307 = vector.broadcast %neg3A_306 : f32 to vector<16xf32>
        %neg3A_308 = arith.subf %neg3A_307, %add3A_291 : vector<16xf32>
        %exp3A_309 = math.exp %neg3A_308 : vector<16xf32>
        %add3A_310 = arith.constant 1.000000e+00 : f32
        %add3A_311 = vector.broadcast %add3A_310 : f32 to vector<16xf32>
        %add3A_312 = arith.addf %add3A_311, %exp3A_309 : vector<16xf32>
        %div3A_313 = arith.constant 1.000000e+00 : f32
        %div3A_314 = vector.broadcast %div3A_313 : f32 to vector<16xf32>
        %div3A_315 = arith.divf %div3A_314, %add3A_312 : vector<16xf32>
        %abs3A_316 = math.absf %add3A_305 : vector<16xf32>
        %neg3A_317 = arith.constant 0.000000e+00 : f32
        %neg3A_318 = vector.broadcast %neg3A_317 : f32 to vector<16xf32>
        %neg3A_319 = arith.subf %neg3A_318, %abs3A_316 : vector<16xf32>
        %exp3A_320 = math.exp %neg3A_319 : vector<16xf32>
        %add3A_321 = arith.constant 2.000000e+00 : f32
        %add3A_322 = vector.broadcast %add3A_321 : f32 to vector<16xf32>
        %add3A_323 = arith.addf %add3A_322, %exp3A_320 : vector<16xf32>
        %div3A_324 = arith.divf %exp3A_320, %add3A_323 : vector<16xf32>
        %mul3A_325 = arith.mulf %div3A_324, %div3A_324 : vector<16xf32>
        %broadcast_in_dim3A_326 = arith.constant 0.222222224 : f32
        %broadcast_in_dim3A_327 = vector.broadcast %broadcast_in_dim3A_326 : f32 to vector<16xf32>
        %mul3A_328 = arith.mulf %broadcast_in_dim3A_327, %mul3A_325 : vector<16xf32>
        %add3A_329 = arith.constant 0.285714298 : f32
        %add3A_330 = vector.broadcast %add3A_329 : f32 to vector<16xf32>
        %add3A_331 = arith.addf %mul3A_328, %add3A_330 : vector<16xf32>
        %mul3A_332 = arith.mulf %add3A_331, %mul3A_325 : vector<16xf32>
        %add3A_333 = arith.constant 4.000000e-01 : f32
        %add3A_334 = vector.broadcast %add3A_333 : f32 to vector<16xf32>
        %add3A_335 = arith.addf %mul3A_332, %add3A_334 : vector<16xf32>
        %mul3A_336 = arith.mulf %add3A_335, %mul3A_325 : vector<16xf32>
        %add3A_337 = arith.constant 0.666666686 : f32
        %add3A_338 = vector.broadcast %add3A_337 : f32 to vector<16xf32>
        %add3A_339 = arith.addf %mul3A_336, %add3A_338 : vector<16xf32>
        %mul3A_340 = arith.mulf %add3A_339, %mul3A_325 : vector<16xf32>
        %add3A_341 = arith.constant 2.000000e+00 : f32
        %add3A_342 = vector.broadcast %add3A_341 : f32 to vector<16xf32>
        %add3A_343 = arith.addf %mul3A_340, %add3A_342 : vector<16xf32>
        %max3A_344 = arith.constant 0.000000e+00 : f32
        %max3A_345 = vector.broadcast %max3A_344 : f32 to vector<16xf32>
        %max3A_346 = arith.maximumf %add3A_305, %max3A_345 : vector<16xf32>
        %mul3A_347 = arith.mulf %add3A_343, %div3A_324 : vector<16xf32>
        %add3A_348 = arith.addf %max3A_346, %mul3A_347 : vector<16xf32>
        %mul3A_349 = arith.mulf %div3A_315, %add3A_348 : vector<16xf32>
        %swap3A_350 = arith.index_cast %add3A_54 : i32 to index
        %swap3A_351 = arith.constant 48 : index
        %swap3A_352 = tpu.vector_load %arg13[%swap3A_350, %swap3A_351] {strides = array<i32>} : memref<80x64xf32, #tpu.memory_space<vmem>>, vector<1x16xf32>,
        %swap3A_353 = vector.shape_cast %swap3A_352 : vector<1x16xf32> to vector<16xf32>
        %swap3A_354 = vector.shape_cast %mul3A_349 : vector<16xf32> to vector<1x16xf32>
        tpu.vector_store %arg13[%swap3A_350, %swap3A_351], %swap3A_354 {strides = array<i32>} : memref<80x64xf32, #tpu.memory_space<vmem>>, vector<1x16xf32>,
      }
      %scan3A_49 = arith.constant 80 : i32
      "tpu.region"() ({
        %run_scoped3A = tpu.sem_alloc : memref<!tpu.dma_semaphore, #tpu.memory_space<semaphore_mem>>
        %dma_start3A_50 = arith.constant 0 : i32
        %dma_start3A_51 = tpu.memref_slice %arg7[%add3A_18, %dma_start3A_50] : memref<320000x64xf32, #tpu.memory_space<hbm>> -> memref<80x64xf32, #tpu.memory_space<hbm>>
        %dma_start3A_52 = arith.constant 0 : i32
        %dma_start3A_53 = tpu.memref_slice %arg7[%add3A_18, %dma_start3A_52] : memref<320000x64xf32, #tpu.memory_space<hbm>> -> memref<80x64xf32, #tpu.memory_space<hbm>>
        tpu.enqueue_dma source(%arg13 : memref<80x64xf32, #tpu.memory_space<vmem>>) target(%dma_start3A_53 : memref<80x64xf32, #tpu.memory_space<hbm>>) target_semaphore(%run_scoped3A : memref<!tpu.dma_semaphore, #tpu.memory_space<semaphore_mem>>)
        %dma_wait3A_54 = arith.constant 0 : i32
        %dma_wait3A_55 = tpu.memref_slice %arg7[%add3A_18, %dma_wait3A_54] : memref<320000x64xf32, #tpu.memory_space<hbm>> -> memref<80x64xf32, #tpu.memory_space<hbm>>
        %dma_wait3A_56 = arith.constant 0 : i32
        %dma_wait3A_57 = tpu.memref_slice %arg7[%add3A_18, %dma_wait3A_56] : memref<320000x64xf32, #tpu.memory_space<hbm>> -> memref<80x64xf32, #tpu.memory_space<hbm>>
        tpu.wait_dma2 semaphore(%run_scoped3A : memref<!tpu.dma_semaphore, #tpu.memory_space<semaphore_mem>>) src(%arg13 : memref<80x64xf32, #tpu.memory_space<vmem>>) dst(%dma_wait3A_57 : memref<80x64xf32, #tpu.memory_space<hbm>>)
        tpu.yield
      }) : () -> ()
    }
    %scan3A_8 = arith.constant 125 : i32
    return
  }
}

#map = affine_map<(d0, d1) -> (0, 0)>
#map1 = affine_map<(d0, d1) -> (0)>
module attributes {stable_mosaic.version = 14 : i64} {
  func.func @sc_edge(%arg0: i32, %arg1: i32, %arg2: memref<10000x128xf32, #tpu.memory_space<hbm>>, %arg3: memref<10000x128xf32, #tpu.memory_space<hbm>>, %arg4: memref<320000x128xf32, #tpu.memory_space<hbm>>, %arg5: memref<320000xi32, #tpu.memory_space<hbm>>, %arg6: memref<320000xi32, #tpu.memory_space<hbm>>, %arg7: memref<320000x64xf32, #tpu.memory_space<hbm>>, %arg8: memref<10000xi32, #tpu.memory_space<vmem>>, %arg9: memref<10000xi32, #tpu.memory_space<vmem>>, %arg10: memref<80x128xf32, #tpu.memory_space<vmem>>, %arg11: memref<80x128xf32, #tpu.memory_space<vmem>>, %arg12: memref<80x128xf32, #tpu.memory_space<vmem>>, %arg13: memref<80x64xf32, #tpu.memory_space<vmem>>, %arg14: memref<!tpu.dma_semaphore, #tpu.memory_space<semaphore_mem>>, %arg15: memref<!tpu.dma_semaphore, #tpu.memory_space<semaphore_mem>>, %arg16: memref<!tpu.dma_semaphore, #tpu.memory_space<semaphore_mem>>) attributes {dimension_semantics = [#tpu.dimension_semantics<core_parallel>, #tpu.dimension_semantics<subcore_parallel>], iteration_bounds = array<i64: 2, 16>, scalar_prefetch = 0 : i64, scratch_operands = 9 : i64, tpu.core_type = #tpu.core_type<sc_vector_subcore>, window_params = [{transform_indices = #map}, {transform_indices = #map}, {transform_indices = #map}, {transform_indices = #map1}, {transform_indices = #map1}, {transform_indices = #map}]} {
    %mul3A = arith.constant 16 : i32
    %mul3A_0 = arith.muli %arg0, %mul3A : i32
    %add3A = arith.addi %mul3A_0, %arg1 : i32
    %mul3A_1 = arith.constant 10000 : i32
    %mul3A_2 = arith.muli %add3A, %mul3A_1 : i32
    "tpu.region"() ({
      %run_scoped3A = tpu.sem_alloc : memref<!tpu.dma_semaphore, #tpu.memory_space<semaphore_mem>>
      %dma_start3A = tpu.memref_slice %arg5[%mul3A_2] : memref<320000xi32, #tpu.memory_space<hbm>> -> memref<10000xi32, #tpu.memory_space<hbm>>
      %dma_start3A_9 = tpu.memref_slice %arg5[%mul3A_2] : memref<320000xi32, #tpu.memory_space<hbm>> -> memref<10000xi32, #tpu.memory_space<hbm>>
      tpu.enqueue_dma source(%dma_start3A_9 : memref<10000xi32, #tpu.memory_space<hbm>>) target(%arg8 : memref<10000xi32, #tpu.memory_space<vmem>>) target_semaphore(%run_scoped3A : memref<!tpu.dma_semaphore, #tpu.memory_space<semaphore_mem>>)
      %dma_wait3A = tpu.memref_slice %arg5[%mul3A_2] : memref<320000xi32, #tpu.memory_space<hbm>> -> memref<10000xi32, #tpu.memory_space<hbm>>
      %dma_wait3A_10 = tpu.memref_slice %arg5[%mul3A_2] : memref<320000xi32, #tpu.memory_space<hbm>> -> memref<10000xi32, #tpu.memory_space<hbm>>
      tpu.wait_dma2 semaphore(%run_scoped3A : memref<!tpu.dma_semaphore, #tpu.memory_space<semaphore_mem>>) src(%dma_wait3A_10 : memref<10000xi32, #tpu.memory_space<hbm>>) dst(%arg8 : memref<10000xi32, #tpu.memory_space<vmem>>)
      tpu.yield
    }) : () -> ()
    %mul3A_3 = arith.constant 10000 : i32
    %mul3A_4 = arith.muli %add3A, %mul3A_3 : i32
    "tpu.region"() ({
      %run_scoped3A = tpu.sem_alloc : memref<!tpu.dma_semaphore, #tpu.memory_space<semaphore_mem>>
      %dma_start3A = tpu.memref_slice %arg6[%mul3A_4] : memref<320000xi32, #tpu.memory_space<hbm>> -> memref<10000xi32, #tpu.memory_space<hbm>>
      %dma_start3A_9 = tpu.memref_slice %arg6[%mul3A_4] : memref<320000xi32, #tpu.memory_space<hbm>> -> memref<10000xi32, #tpu.memory_space<hbm>>
      tpu.enqueue_dma source(%dma_start3A_9 : memref<10000xi32, #tpu.memory_space<hbm>>) target(%arg9 : memref<10000xi32, #tpu.memory_space<vmem>>) target_semaphore(%run_scoped3A : memref<!tpu.dma_semaphore, #tpu.memory_space<semaphore_mem>>)
      %dma_wait3A = tpu.memref_slice %arg6[%mul3A_4] : memref<320000xi32, #tpu.memory_space<hbm>> -> memref<10000xi32, #tpu.memory_space<hbm>>
      %dma_wait3A_10 = tpu.memref_slice %arg6[%mul3A_4] : memref<320000xi32, #tpu.memory_space<hbm>> -> memref<10000xi32, #tpu.memory_space<hbm>>
      tpu.wait_dma2 semaphore(%run_scoped3A : memref<!tpu.dma_semaphore, #tpu.memory_space<semaphore_mem>>) src(%dma_wait3A_10 : memref<10000xi32, #tpu.memory_space<hbm>>) dst(%arg9 : memref<10000xi32, #tpu.memory_space<vmem>>)
      tpu.yield
    }) : () -> ()
    %scan3A = arith.constant 0 : i32
    %scan3A_5 = arith.constant 125 : i32
    %scan3A_6 = arith.addi %scan3A, %scan3A_5 : i32
    %scan3A_7 = arith.constant 1 : i32
    scf.for %scan3A_9 = %scan3A to %scan3A_6 step %scan3A_7  : i32 {
      %mul3A_10 = arith.constant 1 : i32
      %mul3A_11 = arith.muli %scan3A_9, %mul3A_10 : i32
      %add3A_12 = arith.constant 0 : i32
      %add3A_13 = arith.addi %add3A_12, %mul3A_11 : i32
      %mul3A_14 = arith.constant 10000 : i32
      %mul3A_15 = arith.muli %add3A, %mul3A_14 : i32
      %mul3A_16 = arith.constant 80 : i32
      %mul3A_17 = arith.muli %add3A_13, %mul3A_16 : i32
      %add3A_18 = arith.addi %mul3A_15, %mul3A_17 : i32
      %dma_start3A = arith.constant 0 : i32
      %dma_start3A_19 = tpu.memref_slice %arg4[%add3A_18, %dma_start3A] : memref<320000x128xf32, #tpu.memory_space<hbm>> -> memref<80x128xf32, #tpu.memory_space<hbm>>
      %dma_start3A_20 = arith.constant 0 : i32
      %dma_start3A_21 = tpu.memref_slice %arg4[%add3A_18, %dma_start3A_20] : memref<320000x128xf32, #tpu.memory_space<hbm>> -> memref<80x128xf32, #tpu.memory_space<hbm>>
      tpu.enqueue_dma source(%dma_start3A_21 : memref<80x128xf32, #tpu.memory_space<hbm>>) target(%arg10 : memref<80x128xf32, #tpu.memory_space<vmem>>) target_semaphore(%arg16 : memref<!tpu.dma_semaphore, #tpu.memory_space<semaphore_mem>>)
      %mul3A_22 = arith.constant 80 : i32
      %mul3A_23 = arith.muli %add3A_13, %mul3A_22 : i32
      %dma_start3A_24 = tpu.memref_slice %arg8[%mul3A_23] : memref<10000xi32, #tpu.memory_space<vmem>> -> memref<80xi32, #tpu.memory_space<vmem>>
      %dma_start3A_25 = arith.constant 0 : i32
      %dma_start3A_26 = arith.constant 0 : i32
      %dma_start3A_27 = tpu.memref_slice %arg2[%dma_start3A_25, %dma_start3A_26] : memref<10000x128xf32, #tpu.memory_space<hbm>> -> memref<10000x128xf32, #tpu.memory_space<hbm>>
      tpu.enqueue_indirect_dma source(%dma_start3A_27 : memref<10000x128xf32, #tpu.memory_space<hbm>>) target(%arg11 : memref<80x128xf32, #tpu.memory_space<vmem>>) offsets(%dma_start3A_24 : memref<80xi32, #tpu.memory_space<vmem>>) semaphore(%arg14 : memref<!tpu.dma_semaphore, #tpu.memory_space<semaphore_mem>>)
      %mul3A_28 = arith.constant 80 : i32
      %mul3A_29 = arith.muli %add3A_13, %mul3A_28 : i32
      %dma_start3A_30 = tpu.memref_slice %arg9[%mul3A_29] : memref<10000xi32, #tpu.memory_space<vmem>> -> memref<80xi32, #tpu.memory_space<vmem>>
      %dma_start3A_31 = arith.constant 0 : i32
      %dma_start3A_32 = arith.constant 0 : i32
      %dma_start3A_33 = tpu.memref_slice %arg3[%dma_start3A_31, %dma_start3A_32] : memref<10000x128xf32, #tpu.memory_space<hbm>> -> memref<10000x128xf32, #tpu.memory_space<hbm>>
      tpu.enqueue_indirect_dma source(%dma_start3A_33 : memref<10000x128xf32, #tpu.memory_space<hbm>>) target(%arg12 : memref<80x128xf32, #tpu.memory_space<vmem>>) offsets(%dma_start3A_30 : memref<80xi32, #tpu.memory_space<vmem>>) semaphore(%arg15 : memref<!tpu.dma_semaphore, #tpu.memory_space<semaphore_mem>>)
      %dma_wait3A = arith.constant 0 : i32
      %dma_wait3A_34 = tpu.memref_slice %arg4[%add3A_18, %dma_wait3A] : memref<320000x128xf32, #tpu.memory_space<hbm>> -> memref<80x128xf32, #tpu.memory_space<hbm>>
      %dma_wait3A_35 = arith.constant 0 : i32
      %dma_wait3A_36 = tpu.memref_slice %arg4[%add3A_18, %dma_wait3A_35] : memref<320000x128xf32, #tpu.memory_space<hbm>> -> memref<80x128xf32, #tpu.memory_space<hbm>>
      tpu.wait_dma2 semaphore(%arg16 : memref<!tpu.dma_semaphore, #tpu.memory_space<semaphore_mem>>) src(%dma_wait3A_36 : memref<80x128xf32, #tpu.memory_space<hbm>>) dst(%arg10 : memref<80x128xf32, #tpu.memory_space<vmem>>)
      %dma_wait3A_37 = tpu.memref_slice %arg8[%mul3A_23] : memref<10000xi32, #tpu.memory_space<vmem>> -> memref<80xi32, #tpu.memory_space<vmem>>
      %dma_wait3A_38 = arith.constant 0 : i32
      %dma_wait3A_39 = arith.constant 0 : i32
      %dma_wait3A_40 = tpu.memref_slice %arg2[%dma_wait3A_38, %dma_wait3A_39] : memref<10000x128xf32, #tpu.memory_space<hbm>> -> memref<10000x128xf32, #tpu.memory_space<hbm>>
      tpu.wait_indirect_dma semaphore(%arg14 : memref<!tpu.dma_semaphore, #tpu.memory_space<semaphore_mem>>) src(%dma_wait3A_40 : memref<10000x128xf32, #tpu.memory_space<hbm>>) dst(%arg11 : memref<80x128xf32, #tpu.memory_space<vmem>>)
      %dma_wait3A_41 = tpu.memref_slice %arg9[%mul3A_29] : memref<10000xi32, #tpu.memory_space<vmem>> -> memref<80xi32, #tpu.memory_space<vmem>>
      %dma_wait3A_42 = arith.constant 0 : i32
      %dma_wait3A_43 = arith.constant 0 : i32
      %dma_wait3A_44 = tpu.memref_slice %arg3[%dma_wait3A_42, %dma_wait3A_43] : memref<10000x128xf32, #tpu.memory_space<hbm>> -> memref<10000x128xf32, #tpu.memory_space<hbm>>
      tpu.wait_indirect_dma semaphore(%arg15 : memref<!tpu.dma_semaphore, #tpu.memory_space<semaphore_mem>>) src(%dma_wait3A_44 : memref<10000x128xf32, #tpu.memory_space<hbm>>) dst(%arg12 : memref<80x128xf32, #tpu.memory_space<vmem>>)
      %scan3A_45 = arith.constant 0 : i32
      %scan3A_46 = arith.constant 80 : i32
      %scan3A_47 = arith.addi %scan3A_45, %scan3A_46 : i32
      %scan3A_48 = arith.constant 1 : i32
      scf.for %scan3A_50 = %scan3A_45 to %scan3A_47 step %scan3A_48  : i32 {
        %mul3A_51 = arith.constant 1 : i32
        %mul3A_52 = arith.muli %scan3A_50, %mul3A_51 : i32
        %add3A_53 = arith.constant 0 : i32
        %add3A_54 = arith.addi %add3A_53, %mul3A_52 : i32
        %get3A = arith.index_cast %add3A_54 : i32 to index
        %get3A_55 = arith.constant 0 : index
        %get3A_56 = tpu.vector_load %arg10[%get3A, %get3A_55] {strides = array<i32>} : memref<80x128xf32, #tpu.memory_space<vmem>>, vector<1x16xf32>,
        %get3A_57 = vector.shape_cast %get3A_56 : vector<1x16xf32> to vector<16xf32>
        %get3A_58 = arith.index_cast %add3A_54 : i32 to index
        %get3A_59 = arith.constant 0 : index
        %get3A_60 = tpu.vector_load %arg11[%get3A_58, %get3A_59] {strides = array<i32>} : memref<80x128xf32, #tpu.memory_space<vmem>>, vector<1x16xf32>,
        %get3A_61 = vector.shape_cast %get3A_60 : vector<1x16xf32> to vector<16xf32>
        %add3A_62 = arith.addf %get3A_57, %get3A_61 : vector<16xf32>
        %get3A_63 = arith.index_cast %add3A_54 : i32 to index
        %get3A_64 = arith.constant 0 : index
        %get3A_65 = tpu.vector_load %arg12[%get3A_63, %get3A_64] {strides = array<i32>} : memref<80x128xf32, #tpu.memory_space<vmem>>, vector<1x16xf32>,
        %get3A_66 = vector.shape_cast %get3A_65 : vector<1x16xf32> to vector<16xf32>
        %add3A_67 = arith.addf %add3A_62, %get3A_66 : vector<16xf32>
        %get3A_68 = arith.index_cast %add3A_54 : i32 to index
        %get3A_69 = arith.constant 64 : index
        %get3A_70 = tpu.vector_load %arg10[%get3A_68, %get3A_69] {strides = array<i32>} : memref<80x128xf32, #tpu.memory_space<vmem>>, vector<1x16xf32>,
        %get3A_71 = vector.shape_cast %get3A_70 : vector<1x16xf32> to vector<16xf32>
        %get3A_72 = arith.index_cast %add3A_54 : i32 to index
        %get3A_73 = arith.constant 64 : index
        %get3A_74 = tpu.vector_load %arg11[%get3A_72, %get3A_73] {strides = array<i32>} : memref<80x128xf32, #tpu.memory_space<vmem>>, vector<1x16xf32>,
        %get3A_75 = vector.shape_cast %get3A_74 : vector<1x16xf32> to vector<16xf32>
        %add3A_76 = arith.addf %get3A_71, %get3A_75 : vector<16xf32>
        %get3A_77 = arith.index_cast %add3A_54 : i32 to index
        %get3A_78 = arith.constant 64 : index
        %get3A_79 = tpu.vector_load %arg12[%get3A_77, %get3A_78] {strides = array<i32>} : memref<80x128xf32, #tpu.memory_space<vmem>>, vector<1x16xf32>,
        %get3A_80 = vector.shape_cast %get3A_79 : vector<1x16xf32> to vector<16xf32>
        %add3A_81 = arith.addf %add3A_76, %get3A_80 : vector<16xf32>
        %neg3A = arith.constant 0.000000e+00 : f32
        %neg3A_82 = vector.broadcast %neg3A : f32 to vector<16xf32>
        %neg3A_83 = arith.subf %neg3A_82, %add3A_67 : vector<16xf32>
        %exp3A = math.exp %neg3A_83 : vector<16xf32>
        %add3A_84 = arith.constant 1.000000e+00 : f32
        %add3A_85 = vector.broadcast %add3A_84 : f32 to vector<16xf32>
        %add3A_86 = arith.addf %add3A_85, %exp3A : vector<16xf32>
        %div3A = arith.constant 1.000000e+00 : f32
        %div3A_87 = vector.broadcast %div3A : f32 to vector<16xf32>
        %div3A_88 = arith.divf %div3A_87, %add3A_86 : vector<16xf32>
        %abs3A = math.absf %add3A_81 : vector<16xf32>
        %neg3A_89 = arith.constant 0.000000e+00 : f32
        %neg3A_90 = vector.broadcast %neg3A_89 : f32 to vector<16xf32>
        %neg3A_91 = arith.subf %neg3A_90, %abs3A : vector<16xf32>
        %exp3A_92 = math.exp %neg3A_91 : vector<16xf32>
        %add3A_93 = arith.constant 2.000000e+00 : f32
        %add3A_94 = vector.broadcast %add3A_93 : f32 to vector<16xf32>
        %add3A_95 = arith.addf %add3A_94, %exp3A_92 : vector<16xf32>
        %div3A_96 = arith.divf %exp3A_92, %add3A_95 : vector<16xf32>
        %mul3A_97 = arith.mulf %div3A_96, %div3A_96 : vector<16xf32>
        %broadcast_in_dim3A = arith.constant 0.222222224 : f32
        %broadcast_in_dim3A_98 = vector.broadcast %broadcast_in_dim3A : f32 to vector<16xf32>
        %mul3A_99 = arith.mulf %broadcast_in_dim3A_98, %mul3A_97 : vector<16xf32>
        %add3A_100 = arith.constant 0.285714298 : f32
        %add3A_101 = vector.broadcast %add3A_100 : f32 to vector<16xf32>
        %add3A_102 = arith.addf %mul3A_99, %add3A_101 : vector<16xf32>
        %mul3A_103 = arith.mulf %add3A_102, %mul3A_97 : vector<16xf32>
        %add3A_104 = arith.constant 4.000000e-01 : f32
        %add3A_105 = vector.broadcast %add3A_104 : f32 to vector<16xf32>
        %add3A_106 = arith.addf %mul3A_103, %add3A_105 : vector<16xf32>
        %mul3A_107 = arith.mulf %add3A_106, %mul3A_97 : vector<16xf32>
        %add3A_108 = arith.constant 0.666666686 : f32
        %add3A_109 = vector.broadcast %add3A_108 : f32 to vector<16xf32>
        %add3A_110 = arith.addf %mul3A_107, %add3A_109 : vector<16xf32>
        %mul3A_111 = arith.mulf %add3A_110, %mul3A_97 : vector<16xf32>
        %add3A_112 = arith.constant 2.000000e+00 : f32
        %add3A_113 = vector.broadcast %add3A_112 : f32 to vector<16xf32>
        %add3A_114 = arith.addf %mul3A_111, %add3A_113 : vector<16xf32>
        %max3A = arith.constant 0.000000e+00 : f32
        %max3A_115 = vector.broadcast %max3A : f32 to vector<16xf32>
        %max3A_116 = arith.maximumf %add3A_81, %max3A_115 : vector<16xf32>
        %mul3A_117 = arith.mulf %add3A_114, %div3A_96 : vector<16xf32>
        %add3A_118 = arith.addf %max3A_116, %mul3A_117 : vector<16xf32>
        %mul3A_119 = arith.mulf %div3A_88, %add3A_118 : vector<16xf32>
        %swap3A = arith.index_cast %add3A_54 : i32 to index
        %swap3A_120 = arith.constant 0 : index
        %swap3A_121 = tpu.vector_load %arg13[%swap3A, %swap3A_120] {strides = array<i32>} : memref<80x64xf32, #tpu.memory_space<vmem>>, vector<1x16xf32>,
        %swap3A_122 = vector.shape_cast %swap3A_121 : vector<1x16xf32> to vector<16xf32>
        %swap3A_123 = vector.shape_cast %mul3A_119 : vector<16xf32> to vector<1x16xf32>
        tpu.vector_store %arg13[%swap3A, %swap3A_120], %swap3A_123 {strides = array<i32>} : memref<80x64xf32, #tpu.memory_space<vmem>>, vector<1x16xf32>,
        %get3A_124 = arith.index_cast %add3A_54 : i32 to index
        %get3A_125 = arith.constant 16 : index
        %get3A_126 = tpu.vector_load %arg10[%get3A_124, %get3A_125] {strides = array<i32>} : memref<80x128xf32, #tpu.memory_space<vmem>>, vector<1x16xf32>,
        %get3A_127 = vector.shape_cast %get3A_126 : vector<1x16xf32> to vector<16xf32>
        %get3A_128 = arith.index_cast %add3A_54 : i32 to index
        %get3A_129 = arith.constant 16 : index
        %get3A_130 = tpu.vector_load %arg11[%get3A_128, %get3A_129] {strides = array<i32>} : memref<80x128xf32, #tpu.memory_space<vmem>>, vector<1x16xf32>,
        %get3A_131 = vector.shape_cast %get3A_130 : vector<1x16xf32> to vector<16xf32>
        %add3A_132 = arith.addf %get3A_127, %get3A_131 : vector<16xf32>
        %get3A_133 = arith.index_cast %add3A_54 : i32 to index
        %get3A_134 = arith.constant 16 : index
        %get3A_135 = tpu.vector_load %arg12[%get3A_133, %get3A_134] {strides = array<i32>} : memref<80x128xf32, #tpu.memory_space<vmem>>, vector<1x16xf32>,
        %get3A_136 = vector.shape_cast %get3A_135 : vector<1x16xf32> to vector<16xf32>
        %add3A_137 = arith.addf %add3A_132, %get3A_136 : vector<16xf32>
        %get3A_138 = arith.index_cast %add3A_54 : i32 to index
        %get3A_139 = arith.constant 80 : index
        %get3A_140 = tpu.vector_load %arg10[%get3A_138, %get3A_139] {strides = array<i32>} : memref<80x128xf32, #tpu.memory_space<vmem>>, vector<1x16xf32>,
        %get3A_141 = vector.shape_cast %get3A_140 : vector<1x16xf32> to vector<16xf32>
        %get3A_142 = arith.index_cast %add3A_54 : i32 to index
        %get3A_143 = arith.constant 80 : index
        %get3A_144 = tpu.vector_load %arg11[%get3A_142, %get3A_143] {strides = array<i32>} : memref<80x128xf32, #tpu.memory_space<vmem>>, vector<1x16xf32>,
        %get3A_145 = vector.shape_cast %get3A_144 : vector<1x16xf32> to vector<16xf32>
        %add3A_146 = arith.addf %get3A_141, %get3A_145 : vector<16xf32>
        %get3A_147 = arith.index_cast %add3A_54 : i32 to index
        %get3A_148 = arith.constant 80 : index
        %get3A_149 = tpu.vector_load %arg12[%get3A_147, %get3A_148] {strides = array<i32>} : memref<80x128xf32, #tpu.memory_space<vmem>>, vector<1x16xf32>,
        %get3A_150 = vector.shape_cast %get3A_149 : vector<1x16xf32> to vector<16xf32>
        %add3A_151 = arith.addf %add3A_146, %get3A_150 : vector<16xf32>
        %neg3A_152 = arith.constant 0.000000e+00 : f32
        %neg3A_153 = vector.broadcast %neg3A_152 : f32 to vector<16xf32>
        %neg3A_154 = arith.subf %neg3A_153, %add3A_137 : vector<16xf32>
        %exp3A_155 = math.exp %neg3A_154 : vector<16xf32>
        %add3A_156 = arith.constant 1.000000e+00 : f32
        %add3A_157 = vector.broadcast %add3A_156 : f32 to vector<16xf32>
        %add3A_158 = arith.addf %add3A_157, %exp3A_155 : vector<16xf32>
        %div3A_159 = arith.constant 1.000000e+00 : f32
        %div3A_160 = vector.broadcast %div3A_159 : f32 to vector<16xf32>
        %div3A_161 = arith.divf %div3A_160, %add3A_158 : vector<16xf32>
        %abs3A_162 = math.absf %add3A_151 : vector<16xf32>
        %neg3A_163 = arith.constant 0.000000e+00 : f32
        %neg3A_164 = vector.broadcast %neg3A_163 : f32 to vector<16xf32>
        %neg3A_165 = arith.subf %neg3A_164, %abs3A_162 : vector<16xf32>
        %exp3A_166 = math.exp %neg3A_165 : vector<16xf32>
        %add3A_167 = arith.constant 2.000000e+00 : f32
        %add3A_168 = vector.broadcast %add3A_167 : f32 to vector<16xf32>
        %add3A_169 = arith.addf %add3A_168, %exp3A_166 : vector<16xf32>
        %div3A_170 = arith.divf %exp3A_166, %add3A_169 : vector<16xf32>
        %mul3A_171 = arith.mulf %div3A_170, %div3A_170 : vector<16xf32>
        %broadcast_in_dim3A_172 = arith.constant 0.222222224 : f32
        %broadcast_in_dim3A_173 = vector.broadcast %broadcast_in_dim3A_172 : f32 to vector<16xf32>
        %mul3A_174 = arith.mulf %broadcast_in_dim3A_173, %mul3A_171 : vector<16xf32>
        %add3A_175 = arith.constant 0.285714298 : f32
        %add3A_176 = vector.broadcast %add3A_175 : f32 to vector<16xf32>
        %add3A_177 = arith.addf %mul3A_174, %add3A_176 : vector<16xf32>
        %mul3A_178 = arith.mulf %add3A_177, %mul3A_171 : vector<16xf32>
        %add3A_179 = arith.constant 4.000000e-01 : f32
        %add3A_180 = vector.broadcast %add3A_179 : f32 to vector<16xf32>
        %add3A_181 = arith.addf %mul3A_178, %add3A_180 : vector<16xf32>
        %mul3A_182 = arith.mulf %add3A_181, %mul3A_171 : vector<16xf32>
        %add3A_183 = arith.constant 0.666666686 : f32
        %add3A_184 = vector.broadcast %add3A_183 : f32 to vector<16xf32>
        %add3A_185 = arith.addf %mul3A_182, %add3A_184 : vector<16xf32>
        %mul3A_186 = arith.mulf %add3A_185, %mul3A_171 : vector<16xf32>
        %add3A_187 = arith.constant 2.000000e+00 : f32
        %add3A_188 = vector.broadcast %add3A_187 : f32 to vector<16xf32>
        %add3A_189 = arith.addf %mul3A_186, %add3A_188 : vector<16xf32>
        %max3A_190 = arith.constant 0.000000e+00 : f32
        %max3A_191 = vector.broadcast %max3A_190 : f32 to vector<16xf32>
        %max3A_192 = arith.maximumf %add3A_151, %max3A_191 : vector<16xf32>
        %mul3A_193 = arith.mulf %add3A_189, %div3A_170 : vector<16xf32>
        %add3A_194 = arith.addf %max3A_192, %mul3A_193 : vector<16xf32>
        %mul3A_195 = arith.mulf %div3A_161, %add3A_194 : vector<16xf32>
        %swap3A_196 = arith.index_cast %add3A_54 : i32 to index
        %swap3A_197 = arith.constant 16 : index
        %swap3A_198 = tpu.vector_load %arg13[%swap3A_196, %swap3A_197] {strides = array<i32>} : memref<80x64xf32, #tpu.memory_space<vmem>>, vector<1x16xf32>,
        %swap3A_199 = vector.shape_cast %swap3A_198 : vector<1x16xf32> to vector<16xf32>
        %swap3A_200 = vector.shape_cast %mul3A_195 : vector<16xf32> to vector<1x16xf32>
        tpu.vector_store %arg13[%swap3A_196, %swap3A_197], %swap3A_200 {strides = array<i32>} : memref<80x64xf32, #tpu.memory_space<vmem>>, vector<1x16xf32>,
        %get3A_201 = arith.index_cast %add3A_54 : i32 to index
        %get3A_202 = arith.constant 32 : index
        %get3A_203 = tpu.vector_load %arg10[%get3A_201, %get3A_202] {strides = array<i32>} : memref<80x128xf32, #tpu.memory_space<vmem>>, vector<1x16xf32>,
        %get3A_204 = vector.shape_cast %get3A_203 : vector<1x16xf32> to vector<16xf32>
        %get3A_205 = arith.index_cast %add3A_54 : i32 to index
        %get3A_206 = arith.constant 32 : index
        %get3A_207 = tpu.vector_load %arg11[%get3A_205, %get3A_206] {strides = array<i32>} : memref<80x128xf32, #tpu.memory_space<vmem>>, vector<1x16xf32>,
        %get3A_208 = vector.shape_cast %get3A_207 : vector<1x16xf32> to vector<16xf32>
        %add3A_209 = arith.addf %get3A_204, %get3A_208 : vector<16xf32>
        %get3A_210 = arith.index_cast %add3A_54 : i32 to index
        %get3A_211 = arith.constant 32 : index
        %get3A_212 = tpu.vector_load %arg12[%get3A_210, %get3A_211] {strides = array<i32>} : memref<80x128xf32, #tpu.memory_space<vmem>>, vector<1x16xf32>,
        %get3A_213 = vector.shape_cast %get3A_212 : vector<1x16xf32> to vector<16xf32>
        %add3A_214 = arith.addf %add3A_209, %get3A_213 : vector<16xf32>
        %get3A_215 = arith.index_cast %add3A_54 : i32 to index
        %get3A_216 = arith.constant 96 : index
        %get3A_217 = tpu.vector_load %arg10[%get3A_215, %get3A_216] {strides = array<i32>} : memref<80x128xf32, #tpu.memory_space<vmem>>, vector<1x16xf32>,
        %get3A_218 = vector.shape_cast %get3A_217 : vector<1x16xf32> to vector<16xf32>
        %get3A_219 = arith.index_cast %add3A_54 : i32 to index
        %get3A_220 = arith.constant 96 : index
        %get3A_221 = tpu.vector_load %arg11[%get3A_219, %get3A_220] {strides = array<i32>} : memref<80x128xf32, #tpu.memory_space<vmem>>, vector<1x16xf32>,
        %get3A_222 = vector.shape_cast %get3A_221 : vector<1x16xf32> to vector<16xf32>
        %add3A_223 = arith.addf %get3A_218, %get3A_222 : vector<16xf32>
        %get3A_224 = arith.index_cast %add3A_54 : i32 to index
        %get3A_225 = arith.constant 96 : index
        %get3A_226 = tpu.vector_load %arg12[%get3A_224, %get3A_225] {strides = array<i32>} : memref<80x128xf32, #tpu.memory_space<vmem>>, vector<1x16xf32>,
        %get3A_227 = vector.shape_cast %get3A_226 : vector<1x16xf32> to vector<16xf32>
        %add3A_228 = arith.addf %add3A_223, %get3A_227 : vector<16xf32>
        %neg3A_229 = arith.constant 0.000000e+00 : f32
        %neg3A_230 = vector.broadcast %neg3A_229 : f32 to vector<16xf32>
        %neg3A_231 = arith.subf %neg3A_230, %add3A_214 : vector<16xf32>
        %exp3A_232 = math.exp %neg3A_231 : vector<16xf32>
        %add3A_233 = arith.constant 1.000000e+00 : f32
        %add3A_234 = vector.broadcast %add3A_233 : f32 to vector<16xf32>
        %add3A_235 = arith.addf %add3A_234, %exp3A_232 : vector<16xf32>
        %div3A_236 = arith.constant 1.000000e+00 : f32
        %div3A_237 = vector.broadcast %div3A_236 : f32 to vector<16xf32>
        %div3A_238 = arith.divf %div3A_237, %add3A_235 : vector<16xf32>
        %abs3A_239 = math.absf %add3A_228 : vector<16xf32>
        %neg3A_240 = arith.constant 0.000000e+00 : f32
        %neg3A_241 = vector.broadcast %neg3A_240 : f32 to vector<16xf32>
        %neg3A_242 = arith.subf %neg3A_241, %abs3A_239 : vector<16xf32>
        %exp3A_243 = math.exp %neg3A_242 : vector<16xf32>
        %add3A_244 = arith.constant 2.000000e+00 : f32
        %add3A_245 = vector.broadcast %add3A_244 : f32 to vector<16xf32>
        %add3A_246 = arith.addf %add3A_245, %exp3A_243 : vector<16xf32>
        %div3A_247 = arith.divf %exp3A_243, %add3A_246 : vector<16xf32>
        %mul3A_248 = arith.mulf %div3A_247, %div3A_247 : vector<16xf32>
        %broadcast_in_dim3A_249 = arith.constant 0.222222224 : f32
        %broadcast_in_dim3A_250 = vector.broadcast %broadcast_in_dim3A_249 : f32 to vector<16xf32>
        %mul3A_251 = arith.mulf %broadcast_in_dim3A_250, %mul3A_248 : vector<16xf32>
        %add3A_252 = arith.constant 0.285714298 : f32
        %add3A_253 = vector.broadcast %add3A_252 : f32 to vector<16xf32>
        %add3A_254 = arith.addf %mul3A_251, %add3A_253 : vector<16xf32>
        %mul3A_255 = arith.mulf %add3A_254, %mul3A_248 : vector<16xf32>
        %add3A_256 = arith.constant 4.000000e-01 : f32
        %add3A_257 = vector.broadcast %add3A_256 : f32 to vector<16xf32>
        %add3A_258 = arith.addf %mul3A_255, %add3A_257 : vector<16xf32>
        %mul3A_259 = arith.mulf %add3A_258, %mul3A_248 : vector<16xf32>
        %add3A_260 = arith.constant 0.666666686 : f32
        %add3A_261 = vector.broadcast %add3A_260 : f32 to vector<16xf32>
        %add3A_262 = arith.addf %mul3A_259, %add3A_261 : vector<16xf32>
        %mul3A_263 = arith.mulf %add3A_262, %mul3A_248 : vector<16xf32>
        %add3A_264 = arith.constant 2.000000e+00 : f32
        %add3A_265 = vector.broadcast %add3A_264 : f32 to vector<16xf32>
        %add3A_266 = arith.addf %mul3A_263, %add3A_265 : vector<16xf32>
        %max3A_267 = arith.constant 0.000000e+00 : f32
        %max3A_268 = vector.broadcast %max3A_267 : f32 to vector<16xf32>
        %max3A_269 = arith.maximumf %add3A_228, %max3A_268 : vector<16xf32>
        %mul3A_270 = arith.mulf %add3A_266, %div3A_247 : vector<16xf32>
        %add3A_271 = arith.addf %max3A_269, %mul3A_270 : vector<16xf32>
        %mul3A_272 = arith.mulf %div3A_238, %add3A_271 : vector<16xf32>
        %swap3A_273 = arith.index_cast %add3A_54 : i32 to index
        %swap3A_274 = arith.constant 32 : index
        %swap3A_275 = tpu.vector_load %arg13[%swap3A_273, %swap3A_274] {strides = array<i32>} : memref<80x64xf32, #tpu.memory_space<vmem>>, vector<1x16xf32>,
        %swap3A_276 = vector.shape_cast %swap3A_275 : vector<1x16xf32> to vector<16xf32>
        %swap3A_277 = vector.shape_cast %mul3A_272 : vector<16xf32> to vector<1x16xf32>
        tpu.vector_store %arg13[%swap3A_273, %swap3A_274], %swap3A_277 {strides = array<i32>} : memref<80x64xf32, #tpu.memory_space<vmem>>, vector<1x16xf32>,
        %get3A_278 = arith.index_cast %add3A_54 : i32 to index
        %get3A_279 = arith.constant 48 : index
        %get3A_280 = tpu.vector_load %arg10[%get3A_278, %get3A_279] {strides = array<i32>} : memref<80x128xf32, #tpu.memory_space<vmem>>, vector<1x16xf32>,
        %get3A_281 = vector.shape_cast %get3A_280 : vector<1x16xf32> to vector<16xf32>
        %get3A_282 = arith.index_cast %add3A_54 : i32 to index
        %get3A_283 = arith.constant 48 : index
        %get3A_284 = tpu.vector_load %arg11[%get3A_282, %get3A_283] {strides = array<i32>} : memref<80x128xf32, #tpu.memory_space<vmem>>, vector<1x16xf32>,
        %get3A_285 = vector.shape_cast %get3A_284 : vector<1x16xf32> to vector<16xf32>
        %add3A_286 = arith.addf %get3A_281, %get3A_285 : vector<16xf32>
        %get3A_287 = arith.index_cast %add3A_54 : i32 to index
        %get3A_288 = arith.constant 48 : index
        %get3A_289 = tpu.vector_load %arg12[%get3A_287, %get3A_288] {strides = array<i32>} : memref<80x128xf32, #tpu.memory_space<vmem>>, vector<1x16xf32>,
        %get3A_290 = vector.shape_cast %get3A_289 : vector<1x16xf32> to vector<16xf32>
        %add3A_291 = arith.addf %add3A_286, %get3A_290 : vector<16xf32>
        %get3A_292 = arith.index_cast %add3A_54 : i32 to index
        %get3A_293 = arith.constant 112 : index
        %get3A_294 = tpu.vector_load %arg10[%get3A_292, %get3A_293] {strides = array<i32>} : memref<80x128xf32, #tpu.memory_space<vmem>>, vector<1x16xf32>,
        %get3A_295 = vector.shape_cast %get3A_294 : vector<1x16xf32> to vector<16xf32>
        %get3A_296 = arith.index_cast %add3A_54 : i32 to index
        %get3A_297 = arith.constant 112 : index
        %get3A_298 = tpu.vector_load %arg11[%get3A_296, %get3A_297] {strides = array<i32>} : memref<80x128xf32, #tpu.memory_space<vmem>>, vector<1x16xf32>,
        %get3A_299 = vector.shape_cast %get3A_298 : vector<1x16xf32> to vector<16xf32>
        %add3A_300 = arith.addf %get3A_295, %get3A_299 : vector<16xf32>
        %get3A_301 = arith.index_cast %add3A_54 : i32 to index
        %get3A_302 = arith.constant 112 : index
        %get3A_303 = tpu.vector_load %arg12[%get3A_301, %get3A_302] {strides = array<i32>} : memref<80x128xf32, #tpu.memory_space<vmem>>, vector<1x16xf32>,
        %get3A_304 = vector.shape_cast %get3A_303 : vector<1x16xf32> to vector<16xf32>
        %add3A_305 = arith.addf %add3A_300, %get3A_304 : vector<16xf32>
        %neg3A_306 = arith.constant 0.000000e+00 : f32
        %neg3A_307 = vector.broadcast %neg3A_306 : f32 to vector<16xf32>
        %neg3A_308 = arith.subf %neg3A_307, %add3A_291 : vector<16xf32>
        %exp3A_309 = math.exp %neg3A_308 : vector<16xf32>
        %add3A_310 = arith.constant 1.000000e+00 : f32
        %add3A_311 = vector.broadcast %add3A_310 : f32 to vector<16xf32>
        %add3A_312 = arith.addf %add3A_311, %exp3A_309 : vector<16xf32>
        %div3A_313 = arith.constant 1.000000e+00 : f32
        %div3A_314 = vector.broadcast %div3A_313 : f32 to vector<16xf32>
        %div3A_315 = arith.divf %div3A_314, %add3A_312 : vector<16xf32>
        %abs3A_316 = math.absf %add3A_305 : vector<16xf32>
        %neg3A_317 = arith.constant 0.000000e+00 : f32
        %neg3A_318 = vector.broadcast %neg3A_317 : f32 to vector<16xf32>
        %neg3A_319 = arith.subf %neg3A_318, %abs3A_316 : vector<16xf32>
        %exp3A_320 = math.exp %neg3A_319 : vector<16xf32>
        %add3A_321 = arith.constant 2.000000e+00 : f32
        %add3A_322 = vector.broadcast %add3A_321 : f32 to vector<16xf32>
        %add3A_323 = arith.addf %add3A_322, %exp3A_320 : vector<16xf32>
        %div3A_324 = arith.divf %exp3A_320, %add3A_323 : vector<16xf32>
        %mul3A_325 = arith.mulf %div3A_324, %div3A_324 : vector<16xf32>
        %broadcast_in_dim3A_326 = arith.constant 0.222222224 : f32
        %broadcast_in_dim3A_327 = vector.broadcast %broadcast_in_dim3A_326 : f32 to vector<16xf32>
        %mul3A_328 = arith.mulf %broadcast_in_dim3A_327, %mul3A_325 : vector<16xf32>
        %add3A_329 = arith.constant 0.285714298 : f32
        %add3A_330 = vector.broadcast %add3A_329 : f32 to vector<16xf32>
        %add3A_331 = arith.addf %mul3A_328, %add3A_330 : vector<16xf32>
        %mul3A_332 = arith.mulf %add3A_331, %mul3A_325 : vector<16xf32>
        %add3A_333 = arith.constant 4.000000e-01 : f32
        %add3A_334 = vector.broadcast %add3A_333 : f32 to vector<16xf32>
        %add3A_335 = arith.addf %mul3A_332, %add3A_334 : vector<16xf32>
        %mul3A_336 = arith.mulf %add3A_335, %mul3A_325 : vector<16xf32>
        %add3A_337 = arith.constant 0.666666686 : f32
        %add3A_338 = vector.broadcast %add3A_337 : f32 to vector<16xf32>
        %add3A_339 = arith.addf %mul3A_336, %add3A_338 : vector<16xf32>
        %mul3A_340 = arith.mulf %add3A_339, %mul3A_325 : vector<16xf32>
        %add3A_341 = arith.constant 2.000000e+00 : f32
        %add3A_342 = vector.broadcast %add3A_341 : f32 to vector<16xf32>
        %add3A_343 = arith.addf %mul3A_340, %add3A_342 : vector<16xf32>
        %max3A_344 = arith.constant 0.000000e+00 : f32
        %max3A_345 = vector.broadcast %max3A_344 : f32 to vector<16xf32>
        %max3A_346 = arith.maximumf %add3A_305, %max3A_345 : vector<16xf32>
        %mul3A_347 = arith.mulf %add3A_343, %div3A_324 : vector<16xf32>
        %add3A_348 = arith.addf %max3A_346, %mul3A_347 : vector<16xf32>
        %mul3A_349 = arith.mulf %div3A_315, %add3A_348 : vector<16xf32>
        %swap3A_350 = arith.index_cast %add3A_54 : i32 to index
        %swap3A_351 = arith.constant 48 : index
        %swap3A_352 = tpu.vector_load %arg13[%swap3A_350, %swap3A_351] {strides = array<i32>} : memref<80x64xf32, #tpu.memory_space<vmem>>, vector<1x16xf32>,
        %swap3A_353 = vector.shape_cast %swap3A_352 : vector<1x16xf32> to vector<16xf32>
        %swap3A_354 = vector.shape_cast %mul3A_349 : vector<16xf32> to vector<1x16xf32>
        tpu.vector_store %arg13[%swap3A_350, %swap3A_351], %swap3A_354 {strides = array<i32>} : memref<80x64xf32, #tpu.memory_space<vmem>>, vector<1x16xf32>,
      }
      %scan3A_49 = arith.constant 80 : i32
      "tpu.region"() ({
        %run_scoped3A = tpu.sem_alloc : memref<!tpu.dma_semaphore, #tpu.memory_space<semaphore_mem>>
        %dma_start3A_50 = arith.constant 0 : i32
        %dma_start3A_51 = tpu.memref_slice %arg7[%add3A_18, %dma_start3A_50] : memref<320000x64xf32, #tpu.memory_space<hbm>> -> memref<80x64xf32, #tpu.memory_space<hbm>>
        %dma_start3A_52 = arith.constant 0 : i32
        %dma_start3A_53 = tpu.memref_slice %arg7[%add3A_18, %dma_start3A_52] : memref<320000x64xf32, #tpu.memory_space<hbm>> -> memref<80x64xf32, #tpu.memory_space<hbm>>
        tpu.enqueue_dma source(%arg13 : memref<80x64xf32, #tpu.memory_space<vmem>>) target(%dma_start3A_53 : memref<80x64xf32, #tpu.memory_space<hbm>>) target_semaphore(%run_scoped3A : memref<!tpu.dma_semaphore, #tpu.memory_space<semaphore_mem>>)
        %dma_wait3A_54 = arith.constant 0 : i32
        %dma_wait3A_55 = tpu.memref_slice %arg7[%add3A_18, %dma_wait3A_54] : memref<320000x64xf32, #tpu.memory_space<hbm>> -> memref<80x64xf32, #tpu.memory_space<hbm>>
        %dma_wait3A_56 = arith.constant 0 : i32
        %dma_wait3A_57 = tpu.memref_slice %arg7[%add3A_18, %dma_wait3A_56] : memref<320000x64xf32, #tpu.memory_space<hbm>> -> memref<80x64xf32, #tpu.memory_space<hbm>>
        tpu.wait_dma2 semaphore(%run_scoped3A : memref<!tpu.dma_semaphore, #tpu.memory_space<semaphore_mem>>) src(%arg13 : memref<80x64xf32, #tpu.memory_space<vmem>>) dst(%dma_wait3A_57 : memref<80x64xf32, #tpu.memory_space<hbm>>)
        tpu.yield
      }) : () -> ()
    }
    %scan3A_8 = arith.constant 125 : i32
    return
  }
}

#map = affine_map<(d0, d1) -> (0, 0)>
#map1 = affine_map<(d0, d1) -> (0)>
module attributes {stable_mosaic.version = 14 : i64} {
  func.func @sc_edge(%arg0: i32, %arg1: i32, %arg2: memref<10000x128xf32, #tpu.memory_space<hbm>>, %arg3: memref<10000x128xf32, #tpu.memory_space<hbm>>, %arg4: memref<320000x128xf32, #tpu.memory_space<hbm>>, %arg5: memref<320000xi32, #tpu.memory_space<hbm>>, %arg6: memref<320000xi32, #tpu.memory_space<hbm>>, %arg7: memref<320000x64xf32, #tpu.memory_space<hbm>>, %arg8: memref<10000xi32, #tpu.memory_space<vmem>>, %arg9: memref<10000xi32, #tpu.memory_space<vmem>>, %arg10: memref<80x128xf32, #tpu.memory_space<vmem>>, %arg11: memref<80x128xf32, #tpu.memory_space<vmem>>, %arg12: memref<80x128xf32, #tpu.memory_space<vmem>>, %arg13: memref<80x64xf32, #tpu.memory_space<vmem>>, %arg14: memref<!tpu.dma_semaphore, #tpu.memory_space<semaphore_mem>>, %arg15: memref<!tpu.dma_semaphore, #tpu.memory_space<semaphore_mem>>, %arg16: memref<!tpu.dma_semaphore, #tpu.memory_space<semaphore_mem>>) attributes {dimension_semantics = [#tpu.dimension_semantics<core_parallel>, #tpu.dimension_semantics<subcore_parallel>], iteration_bounds = array<i64: 2, 16>, scalar_prefetch = 0 : i64, scratch_operands = 9 : i64, tpu.core_type = #tpu.core_type<sc_vector_subcore>, window_params = [{transform_indices = #map}, {transform_indices = #map}, {transform_indices = #map}, {transform_indices = #map1}, {transform_indices = #map1}, {transform_indices = #map}]} {
    %mul3A = arith.constant 16 : i32
    %mul3A_0 = arith.muli %arg0, %mul3A : i32
    %add3A = arith.addi %mul3A_0, %arg1 : i32
    %mul3A_1 = arith.constant 10000 : i32
    %mul3A_2 = arith.muli %add3A, %mul3A_1 : i32
    "tpu.region"() ({
      %run_scoped3A = tpu.sem_alloc : memref<!tpu.dma_semaphore, #tpu.memory_space<semaphore_mem>>
      %dma_start3A = tpu.memref_slice %arg5[%mul3A_2] : memref<320000xi32, #tpu.memory_space<hbm>> -> memref<10000xi32, #tpu.memory_space<hbm>>
      %dma_start3A_9 = tpu.memref_slice %arg5[%mul3A_2] : memref<320000xi32, #tpu.memory_space<hbm>> -> memref<10000xi32, #tpu.memory_space<hbm>>
      tpu.enqueue_dma source(%dma_start3A_9 : memref<10000xi32, #tpu.memory_space<hbm>>) target(%arg8 : memref<10000xi32, #tpu.memory_space<vmem>>) target_semaphore(%run_scoped3A : memref<!tpu.dma_semaphore, #tpu.memory_space<semaphore_mem>>)
      %dma_wait3A = tpu.memref_slice %arg5[%mul3A_2] : memref<320000xi32, #tpu.memory_space<hbm>> -> memref<10000xi32, #tpu.memory_space<hbm>>
      %dma_wait3A_10 = tpu.memref_slice %arg5[%mul3A_2] : memref<320000xi32, #tpu.memory_space<hbm>> -> memref<10000xi32, #tpu.memory_space<hbm>>
      tpu.wait_dma2 semaphore(%run_scoped3A : memref<!tpu.dma_semaphore, #tpu.memory_space<semaphore_mem>>) src(%dma_wait3A_10 : memref<10000xi32, #tpu.memory_space<hbm>>) dst(%arg8 : memref<10000xi32, #tpu.memory_space<vmem>>)
      tpu.yield
    }) : () -> ()
    %mul3A_3 = arith.constant 10000 : i32
    %mul3A_4 = arith.muli %add3A, %mul3A_3 : i32
    "tpu.region"() ({
      %run_scoped3A = tpu.sem_alloc : memref<!tpu.dma_semaphore, #tpu.memory_space<semaphore_mem>>
      %dma_start3A = tpu.memref_slice %arg6[%mul3A_4] : memref<320000xi32, #tpu.memory_space<hbm>> -> memref<10000xi32, #tpu.memory_space<hbm>>
      %dma_start3A_9 = tpu.memref_slice %arg6[%mul3A_4] : memref<320000xi32, #tpu.memory_space<hbm>> -> memref<10000xi32, #tpu.memory_space<hbm>>
      tpu.enqueue_dma source(%dma_start3A_9 : memref<10000xi32, #tpu.memory_space<hbm>>) target(%arg9 : memref<10000xi32, #tpu.memory_space<vmem>>) target_semaphore(%run_scoped3A : memref<!tpu.dma_semaphore, #tpu.memory_space<semaphore_mem>>)
      %dma_wait3A = tpu.memref_slice %arg6[%mul3A_4] : memref<320000xi32, #tpu.memory_space<hbm>> -> memref<10000xi32, #tpu.memory_space<hbm>>
      %dma_wait3A_10 = tpu.memref_slice %arg6[%mul3A_4] : memref<320000xi32, #tpu.memory_space<hbm>> -> memref<10000xi32, #tpu.memory_space<hbm>>
      tpu.wait_dma2 semaphore(%run_scoped3A : memref<!tpu.dma_semaphore, #tpu.memory_space<semaphore_mem>>) src(%dma_wait3A_10 : memref<10000xi32, #tpu.memory_space<hbm>>) dst(%arg9 : memref<10000xi32, #tpu.memory_space<vmem>>)
      tpu.yield
    }) : () -> ()
    %scan3A = arith.constant 0 : i32
    %scan3A_5 = arith.constant 125 : i32
    %scan3A_6 = arith.addi %scan3A, %scan3A_5 : i32
    %scan3A_7 = arith.constant 1 : i32
    scf.for %scan3A_9 = %scan3A to %scan3A_6 step %scan3A_7  : i32 {
      %mul3A_10 = arith.constant 1 : i32
      %mul3A_11 = arith.muli %scan3A_9, %mul3A_10 : i32
      %add3A_12 = arith.constant 0 : i32
      %add3A_13 = arith.addi %add3A_12, %mul3A_11 : i32
      %mul3A_14 = arith.constant 10000 : i32
      %mul3A_15 = arith.muli %add3A, %mul3A_14 : i32
      %mul3A_16 = arith.constant 80 : i32
      %mul3A_17 = arith.muli %add3A_13, %mul3A_16 : i32
      %add3A_18 = arith.addi %mul3A_15, %mul3A_17 : i32
      %dma_start3A = arith.constant 0 : i32
      %dma_start3A_19 = tpu.memref_slice %arg4[%add3A_18, %dma_start3A] : memref<320000x128xf32, #tpu.memory_space<hbm>> -> memref<80x128xf32, #tpu.memory_space<hbm>>
      %dma_start3A_20 = arith.constant 0 : i32
      %dma_start3A_21 = tpu.memref_slice %arg4[%add3A_18, %dma_start3A_20] : memref<320000x128xf32, #tpu.memory_space<hbm>> -> memref<80x128xf32, #tpu.memory_space<hbm>>
      tpu.enqueue_dma source(%dma_start3A_21 : memref<80x128xf32, #tpu.memory_space<hbm>>) target(%arg10 : memref<80x128xf32, #tpu.memory_space<vmem>>) target_semaphore(%arg16 : memref<!tpu.dma_semaphore, #tpu.memory_space<semaphore_mem>>)
      %mul3A_22 = arith.constant 80 : i32
      %mul3A_23 = arith.muli %add3A_13, %mul3A_22 : i32
      %dma_start3A_24 = tpu.memref_slice %arg8[%mul3A_23] : memref<10000xi32, #tpu.memory_space<vmem>> -> memref<80xi32, #tpu.memory_space<vmem>>
      %dma_start3A_25 = arith.constant 0 : i32
      %dma_start3A_26 = arith.constant 0 : i32
      %dma_start3A_27 = tpu.memref_slice %arg2[%dma_start3A_25, %dma_start3A_26] : memref<10000x128xf32, #tpu.memory_space<hbm>> -> memref<10000x128xf32, #tpu.memory_space<hbm>>
      tpu.enqueue_indirect_dma source(%dma_start3A_27 : memref<10000x128xf32, #tpu.memory_space<hbm>>) target(%arg11 : memref<80x128xf32, #tpu.memory_space<vmem>>) offsets(%dma_start3A_24 : memref<80xi32, #tpu.memory_space<vmem>>) semaphore(%arg14 : memref<!tpu.dma_semaphore, #tpu.memory_space<semaphore_mem>>)
      %mul3A_28 = arith.constant 80 : i32
      %mul3A_29 = arith.muli %add3A_13, %mul3A_28 : i32
      %dma_start3A_30 = tpu.memref_slice %arg9[%mul3A_29] : memref<10000xi32, #tpu.memory_space<vmem>> -> memref<80xi32, #tpu.memory_space<vmem>>
      %dma_start3A_31 = arith.constant 0 : i32
      %dma_start3A_32 = arith.constant 0 : i32
      %dma_start3A_33 = tpu.memref_slice %arg3[%dma_start3A_31, %dma_start3A_32] : memref<10000x128xf32, #tpu.memory_space<hbm>> -> memref<10000x128xf32, #tpu.memory_space<hbm>>
      tpu.enqueue_indirect_dma source(%dma_start3A_33 : memref<10000x128xf32, #tpu.memory_space<hbm>>) target(%arg12 : memref<80x128xf32, #tpu.memory_space<vmem>>) offsets(%dma_start3A_30 : memref<80xi32, #tpu.memory_space<vmem>>) semaphore(%arg15 : memref<!tpu.dma_semaphore, #tpu.memory_space<semaphore_mem>>)
      %dma_wait3A = arith.constant 0 : i32
      %dma_wait3A_34 = tpu.memref_slice %arg4[%add3A_18, %dma_wait3A] : memref<320000x128xf32, #tpu.memory_space<hbm>> -> memref<80x128xf32, #tpu.memory_space<hbm>>
      %dma_wait3A_35 = arith.constant 0 : i32
      %dma_wait3A_36 = tpu.memref_slice %arg4[%add3A_18, %dma_wait3A_35] : memref<320000x128xf32, #tpu.memory_space<hbm>> -> memref<80x128xf32, #tpu.memory_space<hbm>>
      tpu.wait_dma2 semaphore(%arg16 : memref<!tpu.dma_semaphore, #tpu.memory_space<semaphore_mem>>) src(%dma_wait3A_36 : memref<80x128xf32, #tpu.memory_space<hbm>>) dst(%arg10 : memref<80x128xf32, #tpu.memory_space<vmem>>)
      %dma_wait3A_37 = tpu.memref_slice %arg8[%mul3A_23] : memref<10000xi32, #tpu.memory_space<vmem>> -> memref<80xi32, #tpu.memory_space<vmem>>
      %dma_wait3A_38 = arith.constant 0 : i32
      %dma_wait3A_39 = arith.constant 0 : i32
      %dma_wait3A_40 = tpu.memref_slice %arg2[%dma_wait3A_38, %dma_wait3A_39] : memref<10000x128xf32, #tpu.memory_space<hbm>> -> memref<10000x128xf32, #tpu.memory_space<hbm>>
      tpu.wait_indirect_dma semaphore(%arg14 : memref<!tpu.dma_semaphore, #tpu.memory_space<semaphore_mem>>) src(%dma_wait3A_40 : memref<10000x128xf32, #tpu.memory_space<hbm>>) dst(%arg11 : memref<80x128xf32, #tpu.memory_space<vmem>>)
      %dma_wait3A_41 = tpu.memref_slice %arg9[%mul3A_29] : memref<10000xi32, #tpu.memory_space<vmem>> -> memref<80xi32, #tpu.memory_space<vmem>>
      %dma_wait3A_42 = arith.constant 0 : i32
      %dma_wait3A_43 = arith.constant 0 : i32
      %dma_wait3A_44 = tpu.memref_slice %arg3[%dma_wait3A_42, %dma_wait3A_43] : memref<10000x128xf32, #tpu.memory_space<hbm>> -> memref<10000x128xf32, #tpu.memory_space<hbm>>
      tpu.wait_indirect_dma semaphore(%arg15 : memref<!tpu.dma_semaphore, #tpu.memory_space<semaphore_mem>>) src(%dma_wait3A_44 : memref<10000x128xf32, #tpu.memory_space<hbm>>) dst(%arg12 : memref<80x128xf32, #tpu.memory_space<vmem>>)
      %scan3A_45 = arith.constant 0 : i32
      %scan3A_46 = arith.constant 80 : i32
      %scan3A_47 = arith.addi %scan3A_45, %scan3A_46 : i32
      %scan3A_48 = arith.constant 1 : i32
      scf.for %scan3A_50 = %scan3A_45 to %scan3A_47 step %scan3A_48  : i32 {
        %mul3A_51 = arith.constant 1 : i32
        %mul3A_52 = arith.muli %scan3A_50, %mul3A_51 : i32
        %add3A_53 = arith.constant 0 : i32
        %add3A_54 = arith.addi %add3A_53, %mul3A_52 : i32
        %get3A = arith.index_cast %add3A_54 : i32 to index
        %get3A_55 = arith.constant 0 : index
        %get3A_56 = tpu.vector_load %arg10[%get3A, %get3A_55] {strides = array<i32>} : memref<80x128xf32, #tpu.memory_space<vmem>>, vector<1x16xf32>,
        %get3A_57 = vector.shape_cast %get3A_56 : vector<1x16xf32> to vector<16xf32>
        %get3A_58 = arith.index_cast %add3A_54 : i32 to index
        %get3A_59 = arith.constant 0 : index
        %get3A_60 = tpu.vector_load %arg11[%get3A_58, %get3A_59] {strides = array<i32>} : memref<80x128xf32, #tpu.memory_space<vmem>>, vector<1x16xf32>,
        %get3A_61 = vector.shape_cast %get3A_60 : vector<1x16xf32> to vector<16xf32>
        %add3A_62 = arith.addf %get3A_57, %get3A_61 : vector<16xf32>
        %get3A_63 = arith.index_cast %add3A_54 : i32 to index
        %get3A_64 = arith.constant 0 : index
        %get3A_65 = tpu.vector_load %arg12[%get3A_63, %get3A_64] {strides = array<i32>} : memref<80x128xf32, #tpu.memory_space<vmem>>, vector<1x16xf32>,
        %get3A_66 = vector.shape_cast %get3A_65 : vector<1x16xf32> to vector<16xf32>
        %add3A_67 = arith.addf %add3A_62, %get3A_66 : vector<16xf32>
        %get3A_68 = arith.index_cast %add3A_54 : i32 to index
        %get3A_69 = arith.constant 64 : index
        %get3A_70 = tpu.vector_load %arg10[%get3A_68, %get3A_69] {strides = array<i32>} : memref<80x128xf32, #tpu.memory_space<vmem>>, vector<1x16xf32>,
        %get3A_71 = vector.shape_cast %get3A_70 : vector<1x16xf32> to vector<16xf32>
        %get3A_72 = arith.index_cast %add3A_54 : i32 to index
        %get3A_73 = arith.constant 64 : index
        %get3A_74 = tpu.vector_load %arg11[%get3A_72, %get3A_73] {strides = array<i32>} : memref<80x128xf32, #tpu.memory_space<vmem>>, vector<1x16xf32>,
        %get3A_75 = vector.shape_cast %get3A_74 : vector<1x16xf32> to vector<16xf32>
        %add3A_76 = arith.addf %get3A_71, %get3A_75 : vector<16xf32>
        %get3A_77 = arith.index_cast %add3A_54 : i32 to index
        %get3A_78 = arith.constant 64 : index
        %get3A_79 = tpu.vector_load %arg12[%get3A_77, %get3A_78] {strides = array<i32>} : memref<80x128xf32, #tpu.memory_space<vmem>>, vector<1x16xf32>,
        %get3A_80 = vector.shape_cast %get3A_79 : vector<1x16xf32> to vector<16xf32>
        %add3A_81 = arith.addf %add3A_76, %get3A_80 : vector<16xf32>
        %neg3A = arith.constant 0.000000e+00 : f32
        %neg3A_82 = vector.broadcast %neg3A : f32 to vector<16xf32>
        %neg3A_83 = arith.subf %neg3A_82, %add3A_67 : vector<16xf32>
        %exp3A = math.exp %neg3A_83 : vector<16xf32>
        %add3A_84 = arith.constant 1.000000e+00 : f32
        %add3A_85 = vector.broadcast %add3A_84 : f32 to vector<16xf32>
        %add3A_86 = arith.addf %add3A_85, %exp3A : vector<16xf32>
        %div3A = arith.constant 1.000000e+00 : f32
        %div3A_87 = vector.broadcast %div3A : f32 to vector<16xf32>
        %div3A_88 = arith.divf %div3A_87, %add3A_86 : vector<16xf32>
        %abs3A = math.absf %add3A_81 : vector<16xf32>
        %neg3A_89 = arith.constant 0.000000e+00 : f32
        %neg3A_90 = vector.broadcast %neg3A_89 : f32 to vector<16xf32>
        %neg3A_91 = arith.subf %neg3A_90, %abs3A : vector<16xf32>
        %exp3A_92 = math.exp %neg3A_91 : vector<16xf32>
        %add3A_93 = arith.constant 2.000000e+00 : f32
        %add3A_94 = vector.broadcast %add3A_93 : f32 to vector<16xf32>
        %add3A_95 = arith.addf %add3A_94, %exp3A_92 : vector<16xf32>
        %div3A_96 = arith.divf %exp3A_92, %add3A_95 : vector<16xf32>
        %mul3A_97 = arith.mulf %div3A_96, %div3A_96 : vector<16xf32>
        %broadcast_in_dim3A = arith.constant 0.222222224 : f32
        %broadcast_in_dim3A_98 = vector.broadcast %broadcast_in_dim3A : f32 to vector<16xf32>
        %mul3A_99 = arith.mulf %broadcast_in_dim3A_98, %mul3A_97 : vector<16xf32>
        %add3A_100 = arith.constant 0.285714298 : f32
        %add3A_101 = vector.broadcast %add3A_100 : f32 to vector<16xf32>
        %add3A_102 = arith.addf %mul3A_99, %add3A_101 : vector<16xf32>
        %mul3A_103 = arith.mulf %add3A_102, %mul3A_97 : vector<16xf32>
        %add3A_104 = arith.constant 4.000000e-01 : f32
        %add3A_105 = vector.broadcast %add3A_104 : f32 to vector<16xf32>
        %add3A_106 = arith.addf %mul3A_103, %add3A_105 : vector<16xf32>
        %mul3A_107 = arith.mulf %add3A_106, %mul3A_97 : vector<16xf32>
        %add3A_108 = arith.constant 0.666666686 : f32
        %add3A_109 = vector.broadcast %add3A_108 : f32 to vector<16xf32>
        %add3A_110 = arith.addf %mul3A_107, %add3A_109 : vector<16xf32>
        %mul3A_111 = arith.mulf %add3A_110, %mul3A_97 : vector<16xf32>
        %add3A_112 = arith.constant 2.000000e+00 : f32
        %add3A_113 = vector.broadcast %add3A_112 : f32 to vector<16xf32>
        %add3A_114 = arith.addf %mul3A_111, %add3A_113 : vector<16xf32>
        %max3A = arith.constant 0.000000e+00 : f32
        %max3A_115 = vector.broadcast %max3A : f32 to vector<16xf32>
        %max3A_116 = arith.maximumf %add3A_81, %max3A_115 : vector<16xf32>
        %mul3A_117 = arith.mulf %add3A_114, %div3A_96 : vector<16xf32>
        %add3A_118 = arith.addf %max3A_116, %mul3A_117 : vector<16xf32>
        %mul3A_119 = arith.mulf %div3A_88, %add3A_118 : vector<16xf32>
        %swap3A = arith.index_cast %add3A_54 : i32 to index
        %swap3A_120 = arith.constant 0 : index
        %swap3A_121 = tpu.vector_load %arg13[%swap3A, %swap3A_120] {strides = array<i32>} : memref<80x64xf32, #tpu.memory_space<vmem>>, vector<1x16xf32>,
        %swap3A_122 = vector.shape_cast %swap3A_121 : vector<1x16xf32> to vector<16xf32>
        %swap3A_123 = vector.shape_cast %mul3A_119 : vector<16xf32> to vector<1x16xf32>
        tpu.vector_store %arg13[%swap3A, %swap3A_120], %swap3A_123 {strides = array<i32>} : memref<80x64xf32, #tpu.memory_space<vmem>>, vector<1x16xf32>,
        %get3A_124 = arith.index_cast %add3A_54 : i32 to index
        %get3A_125 = arith.constant 16 : index
        %get3A_126 = tpu.vector_load %arg10[%get3A_124, %get3A_125] {strides = array<i32>} : memref<80x128xf32, #tpu.memory_space<vmem>>, vector<1x16xf32>,
        %get3A_127 = vector.shape_cast %get3A_126 : vector<1x16xf32> to vector<16xf32>
        %get3A_128 = arith.index_cast %add3A_54 : i32 to index
        %get3A_129 = arith.constant 16 : index
        %get3A_130 = tpu.vector_load %arg11[%get3A_128, %get3A_129] {strides = array<i32>} : memref<80x128xf32, #tpu.memory_space<vmem>>, vector<1x16xf32>,
        %get3A_131 = vector.shape_cast %get3A_130 : vector<1x16xf32> to vector<16xf32>
        %add3A_132 = arith.addf %get3A_127, %get3A_131 : vector<16xf32>
        %get3A_133 = arith.index_cast %add3A_54 : i32 to index
        %get3A_134 = arith.constant 16 : index
        %get3A_135 = tpu.vector_load %arg12[%get3A_133, %get3A_134] {strides = array<i32>} : memref<80x128xf32, #tpu.memory_space<vmem>>, vector<1x16xf32>,
        %get3A_136 = vector.shape_cast %get3A_135 : vector<1x16xf32> to vector<16xf32>
        %add3A_137 = arith.addf %add3A_132, %get3A_136 : vector<16xf32>
        %get3A_138 = arith.index_cast %add3A_54 : i32 to index
        %get3A_139 = arith.constant 80 : index
        %get3A_140 = tpu.vector_load %arg10[%get3A_138, %get3A_139] {strides = array<i32>} : memref<80x128xf32, #tpu.memory_space<vmem>>, vector<1x16xf32>,
        %get3A_141 = vector.shape_cast %get3A_140 : vector<1x16xf32> to vector<16xf32>
        %get3A_142 = arith.index_cast %add3A_54 : i32 to index
        %get3A_143 = arith.constant 80 : index
        %get3A_144 = tpu.vector_load %arg11[%get3A_142, %get3A_143] {strides = array<i32>} : memref<80x128xf32, #tpu.memory_space<vmem>>, vector<1x16xf32>,
        %get3A_145 = vector.shape_cast %get3A_144 : vector<1x16xf32> to vector<16xf32>
        %add3A_146 = arith.addf %get3A_141, %get3A_145 : vector<16xf32>
        %get3A_147 = arith.index_cast %add3A_54 : i32 to index
        %get3A_148 = arith.constant 80 : index
        %get3A_149 = tpu.vector_load %arg12[%get3A_147, %get3A_148] {strides = array<i32>} : memref<80x128xf32, #tpu.memory_space<vmem>>, vector<1x16xf32>,
        %get3A_150 = vector.shape_cast %get3A_149 : vector<1x16xf32> to vector<16xf32>
        %add3A_151 = arith.addf %add3A_146, %get3A_150 : vector<16xf32>
        %neg3A_152 = arith.constant 0.000000e+00 : f32
        %neg3A_153 = vector.broadcast %neg3A_152 : f32 to vector<16xf32>
        %neg3A_154 = arith.subf %neg3A_153, %add3A_137 : vector<16xf32>
        %exp3A_155 = math.exp %neg3A_154 : vector<16xf32>
        %add3A_156 = arith.constant 1.000000e+00 : f32
        %add3A_157 = vector.broadcast %add3A_156 : f32 to vector<16xf32>
        %add3A_158 = arith.addf %add3A_157, %exp3A_155 : vector<16xf32>
        %div3A_159 = arith.constant 1.000000e+00 : f32
        %div3A_160 = vector.broadcast %div3A_159 : f32 to vector<16xf32>
        %div3A_161 = arith.divf %div3A_160, %add3A_158 : vector<16xf32>
        %abs3A_162 = math.absf %add3A_151 : vector<16xf32>
        %neg3A_163 = arith.constant 0.000000e+00 : f32
        %neg3A_164 = vector.broadcast %neg3A_163 : f32 to vector<16xf32>
        %neg3A_165 = arith.subf %neg3A_164, %abs3A_162 : vector<16xf32>
        %exp3A_166 = math.exp %neg3A_165 : vector<16xf32>
        %add3A_167 = arith.constant 2.000000e+00 : f32
        %add3A_168 = vector.broadcast %add3A_167 : f32 to vector<16xf32>
        %add3A_169 = arith.addf %add3A_168, %exp3A_166 : vector<16xf32>
        %div3A_170 = arith.divf %exp3A_166, %add3A_169 : vector<16xf32>
        %mul3A_171 = arith.mulf %div3A_170, %div3A_170 : vector<16xf32>
        %broadcast_in_dim3A_172 = arith.constant 0.222222224 : f32
        %broadcast_in_dim3A_173 = vector.broadcast %broadcast_in_dim3A_172 : f32 to vector<16xf32>
        %mul3A_174 = arith.mulf %broadcast_in_dim3A_173, %mul3A_171 : vector<16xf32>
        %add3A_175 = arith.constant 0.285714298 : f32
        %add3A_176 = vector.broadcast %add3A_175 : f32 to vector<16xf32>
        %add3A_177 = arith.addf %mul3A_174, %add3A_176 : vector<16xf32>
        %mul3A_178 = arith.mulf %add3A_177, %mul3A_171 : vector<16xf32>
        %add3A_179 = arith.constant 4.000000e-01 : f32
        %add3A_180 = vector.broadcast %add3A_179 : f32 to vector<16xf32>
        %add3A_181 = arith.addf %mul3A_178, %add3A_180 : vector<16xf32>
        %mul3A_182 = arith.mulf %add3A_181, %mul3A_171 : vector<16xf32>
        %add3A_183 = arith.constant 0.666666686 : f32
        %add3A_184 = vector.broadcast %add3A_183 : f32 to vector<16xf32>
        %add3A_185 = arith.addf %mul3A_182, %add3A_184 : vector<16xf32>
        %mul3A_186 = arith.mulf %add3A_185, %mul3A_171 : vector<16xf32>
        %add3A_187 = arith.constant 2.000000e+00 : f32
        %add3A_188 = vector.broadcast %add3A_187 : f32 to vector<16xf32>
        %add3A_189 = arith.addf %mul3A_186, %add3A_188 : vector<16xf32>
        %max3A_190 = arith.constant 0.000000e+00 : f32
        %max3A_191 = vector.broadcast %max3A_190 : f32 to vector<16xf32>
        %max3A_192 = arith.maximumf %add3A_151, %max3A_191 : vector<16xf32>
        %mul3A_193 = arith.mulf %add3A_189, %div3A_170 : vector<16xf32>
        %add3A_194 = arith.addf %max3A_192, %mul3A_193 : vector<16xf32>
        %mul3A_195 = arith.mulf %div3A_161, %add3A_194 : vector<16xf32>
        %swap3A_196 = arith.index_cast %add3A_54 : i32 to index
        %swap3A_197 = arith.constant 16 : index
        %swap3A_198 = tpu.vector_load %arg13[%swap3A_196, %swap3A_197] {strides = array<i32>} : memref<80x64xf32, #tpu.memory_space<vmem>>, vector<1x16xf32>,
        %swap3A_199 = vector.shape_cast %swap3A_198 : vector<1x16xf32> to vector<16xf32>
        %swap3A_200 = vector.shape_cast %mul3A_195 : vector<16xf32> to vector<1x16xf32>
        tpu.vector_store %arg13[%swap3A_196, %swap3A_197], %swap3A_200 {strides = array<i32>} : memref<80x64xf32, #tpu.memory_space<vmem>>, vector<1x16xf32>,
        %get3A_201 = arith.index_cast %add3A_54 : i32 to index
        %get3A_202 = arith.constant 32 : index
        %get3A_203 = tpu.vector_load %arg10[%get3A_201, %get3A_202] {strides = array<i32>} : memref<80x128xf32, #tpu.memory_space<vmem>>, vector<1x16xf32>,
        %get3A_204 = vector.shape_cast %get3A_203 : vector<1x16xf32> to vector<16xf32>
        %get3A_205 = arith.index_cast %add3A_54 : i32 to index
        %get3A_206 = arith.constant 32 : index
        %get3A_207 = tpu.vector_load %arg11[%get3A_205, %get3A_206] {strides = array<i32>} : memref<80x128xf32, #tpu.memory_space<vmem>>, vector<1x16xf32>,
        %get3A_208 = vector.shape_cast %get3A_207 : vector<1x16xf32> to vector<16xf32>
        %add3A_209 = arith.addf %get3A_204, %get3A_208 : vector<16xf32>
        %get3A_210 = arith.index_cast %add3A_54 : i32 to index
        %get3A_211 = arith.constant 32 : index
        %get3A_212 = tpu.vector_load %arg12[%get3A_210, %get3A_211] {strides = array<i32>} : memref<80x128xf32, #tpu.memory_space<vmem>>, vector<1x16xf32>,
        %get3A_213 = vector.shape_cast %get3A_212 : vector<1x16xf32> to vector<16xf32>
        %add3A_214 = arith.addf %add3A_209, %get3A_213 : vector<16xf32>
        %get3A_215 = arith.index_cast %add3A_54 : i32 to index
        %get3A_216 = arith.constant 96 : index
        %get3A_217 = tpu.vector_load %arg10[%get3A_215, %get3A_216] {strides = array<i32>} : memref<80x128xf32, #tpu.memory_space<vmem>>, vector<1x16xf32>,
        %get3A_218 = vector.shape_cast %get3A_217 : vector<1x16xf32> to vector<16xf32>
        %get3A_219 = arith.index_cast %add3A_54 : i32 to index
        %get3A_220 = arith.constant 96 : index
        %get3A_221 = tpu.vector_load %arg11[%get3A_219, %get3A_220] {strides = array<i32>} : memref<80x128xf32, #tpu.memory_space<vmem>>, vector<1x16xf32>,
        %get3A_222 = vector.shape_cast %get3A_221 : vector<1x16xf32> to vector<16xf32>
        %add3A_223 = arith.addf %get3A_218, %get3A_222 : vector<16xf32>
        %get3A_224 = arith.index_cast %add3A_54 : i32 to index
        %get3A_225 = arith.constant 96 : index
        %get3A_226 = tpu.vector_load %arg12[%get3A_224, %get3A_225] {strides = array<i32>} : memref<80x128xf32, #tpu.memory_space<vmem>>, vector<1x16xf32>,
        %get3A_227 = vector.shape_cast %get3A_226 : vector<1x16xf32> to vector<16xf32>
        %add3A_228 = arith.addf %add3A_223, %get3A_227 : vector<16xf32>
        %neg3A_229 = arith.constant 0.000000e+00 : f32
        %neg3A_230 = vector.broadcast %neg3A_229 : f32 to vector<16xf32>
        %neg3A_231 = arith.subf %neg3A_230, %add3A_214 : vector<16xf32>
        %exp3A_232 = math.exp %neg3A_231 : vector<16xf32>
        %add3A_233 = arith.constant 1.000000e+00 : f32
        %add3A_234 = vector.broadcast %add3A_233 : f32 to vector<16xf32>
        %add3A_235 = arith.addf %add3A_234, %exp3A_232 : vector<16xf32>
        %div3A_236 = arith.constant 1.000000e+00 : f32
        %div3A_237 = vector.broadcast %div3A_236 : f32 to vector<16xf32>
        %div3A_238 = arith.divf %div3A_237, %add3A_235 : vector<16xf32>
        %abs3A_239 = math.absf %add3A_228 : vector<16xf32>
        %neg3A_240 = arith.constant 0.000000e+00 : f32
        %neg3A_241 = vector.broadcast %neg3A_240 : f32 to vector<16xf32>
        %neg3A_242 = arith.subf %neg3A_241, %abs3A_239 : vector<16xf32>
        %exp3A_243 = math.exp %neg3A_242 : vector<16xf32>
        %add3A_244 = arith.constant 2.000000e+00 : f32
        %add3A_245 = vector.broadcast %add3A_244 : f32 to vector<16xf32>
        %add3A_246 = arith.addf %add3A_245, %exp3A_243 : vector<16xf32>
        %div3A_247 = arith.divf %exp3A_243, %add3A_246 : vector<16xf32>
        %mul3A_248 = arith.mulf %div3A_247, %div3A_247 : vector<16xf32>
        %broadcast_in_dim3A_249 = arith.constant 0.222222224 : f32
        %broadcast_in_dim3A_250 = vector.broadcast %broadcast_in_dim3A_249 : f32 to vector<16xf32>
        %mul3A_251 = arith.mulf %broadcast_in_dim3A_250, %mul3A_248 : vector<16xf32>
        %add3A_252 = arith.constant 0.285714298 : f32
        %add3A_253 = vector.broadcast %add3A_252 : f32 to vector<16xf32>
        %add3A_254 = arith.addf %mul3A_251, %add3A_253 : vector<16xf32>
        %mul3A_255 = arith.mulf %add3A_254, %mul3A_248 : vector<16xf32>
        %add3A_256 = arith.constant 4.000000e-01 : f32
        %add3A_257 = vector.broadcast %add3A_256 : f32 to vector<16xf32>
        %add3A_258 = arith.addf %mul3A_255, %add3A_257 : vector<16xf32>
        %mul3A_259 = arith.mulf %add3A_258, %mul3A_248 : vector<16xf32>
        %add3A_260 = arith.constant 0.666666686 : f32
        %add3A_261 = vector.broadcast %add3A_260 : f32 to vector<16xf32>
        %add3A_262 = arith.addf %mul3A_259, %add3A_261 : vector<16xf32>
        %mul3A_263 = arith.mulf %add3A_262, %mul3A_248 : vector<16xf32>
        %add3A_264 = arith.constant 2.000000e+00 : f32
        %add3A_265 = vector.broadcast %add3A_264 : f32 to vector<16xf32>
        %add3A_266 = arith.addf %mul3A_263, %add3A_265 : vector<16xf32>
        %max3A_267 = arith.constant 0.000000e+00 : f32
        %max3A_268 = vector.broadcast %max3A_267 : f32 to vector<16xf32>
        %max3A_269 = arith.maximumf %add3A_228, %max3A_268 : vector<16xf32>
        %mul3A_270 = arith.mulf %add3A_266, %div3A_247 : vector<16xf32>
        %add3A_271 = arith.addf %max3A_269, %mul3A_270 : vector<16xf32>
        %mul3A_272 = arith.mulf %div3A_238, %add3A_271 : vector<16xf32>
        %swap3A_273 = arith.index_cast %add3A_54 : i32 to index
        %swap3A_274 = arith.constant 32 : index
        %swap3A_275 = tpu.vector_load %arg13[%swap3A_273, %swap3A_274] {strides = array<i32>} : memref<80x64xf32, #tpu.memory_space<vmem>>, vector<1x16xf32>,
        %swap3A_276 = vector.shape_cast %swap3A_275 : vector<1x16xf32> to vector<16xf32>
        %swap3A_277 = vector.shape_cast %mul3A_272 : vector<16xf32> to vector<1x16xf32>
        tpu.vector_store %arg13[%swap3A_273, %swap3A_274], %swap3A_277 {strides = array<i32>} : memref<80x64xf32, #tpu.memory_space<vmem>>, vector<1x16xf32>,
        %get3A_278 = arith.index_cast %add3A_54 : i32 to index
        %get3A_279 = arith.constant 48 : index
        %get3A_280 = tpu.vector_load %arg10[%get3A_278, %get3A_279] {strides = array<i32>} : memref<80x128xf32, #tpu.memory_space<vmem>>, vector<1x16xf32>,
        %get3A_281 = vector.shape_cast %get3A_280 : vector<1x16xf32> to vector<16xf32>
        %get3A_282 = arith.index_cast %add3A_54 : i32 to index
        %get3A_283 = arith.constant 48 : index
        %get3A_284 = tpu.vector_load %arg11[%get3A_282, %get3A_283] {strides = array<i32>} : memref<80x128xf32, #tpu.memory_space<vmem>>, vector<1x16xf32>,
        %get3A_285 = vector.shape_cast %get3A_284 : vector<1x16xf32> to vector<16xf32>
        %add3A_286 = arith.addf %get3A_281, %get3A_285 : vector<16xf32>
        %get3A_287 = arith.index_cast %add3A_54 : i32 to index
        %get3A_288 = arith.constant 48 : index
        %get3A_289 = tpu.vector_load %arg12[%get3A_287, %get3A_288] {strides = array<i32>} : memref<80x128xf32, #tpu.memory_space<vmem>>, vector<1x16xf32>,
        %get3A_290 = vector.shape_cast %get3A_289 : vector<1x16xf32> to vector<16xf32>
        %add3A_291 = arith.addf %add3A_286, %get3A_290 : vector<16xf32>
        %get3A_292 = arith.index_cast %add3A_54 : i32 to index
        %get3A_293 = arith.constant 112 : index
        %get3A_294 = tpu.vector_load %arg10[%get3A_292, %get3A_293] {strides = array<i32>} : memref<80x128xf32, #tpu.memory_space<vmem>>, vector<1x16xf32>,
        %get3A_295 = vector.shape_cast %get3A_294 : vector<1x16xf32> to vector<16xf32>
        %get3A_296 = arith.index_cast %add3A_54 : i32 to index
        %get3A_297 = arith.constant 112 : index
        %get3A_298 = tpu.vector_load %arg11[%get3A_296, %get3A_297] {strides = array<i32>} : memref<80x128xf32, #tpu.memory_space<vmem>>, vector<1x16xf32>,
        %get3A_299 = vector.shape_cast %get3A_298 : vector<1x16xf32> to vector<16xf32>
        %add3A_300 = arith.addf %get3A_295, %get3A_299 : vector<16xf32>
        %get3A_301 = arith.index_cast %add3A_54 : i32 to index
        %get3A_302 = arith.constant 112 : index
        %get3A_303 = tpu.vector_load %arg12[%get3A_301, %get3A_302] {strides = array<i32>} : memref<80x128xf32, #tpu.memory_space<vmem>>, vector<1x16xf32>,
        %get3A_304 = vector.shape_cast %get3A_303 : vector<1x16xf32> to vector<16xf32>
        %add3A_305 = arith.addf %add3A_300, %get3A_304 : vector<16xf32>
        %neg3A_306 = arith.constant 0.000000e+00 : f32
        %neg3A_307 = vector.broadcast %neg3A_306 : f32 to vector<16xf32>
        %neg3A_308 = arith.subf %neg3A_307, %add3A_291 : vector<16xf32>
        %exp3A_309 = math.exp %neg3A_308 : vector<16xf32>
        %add3A_310 = arith.constant 1.000000e+00 : f32
        %add3A_311 = vector.broadcast %add3A_310 : f32 to vector<16xf32>
        %add3A_312 = arith.addf %add3A_311, %exp3A_309 : vector<16xf32>
        %div3A_313 = arith.constant 1.000000e+00 : f32
        %div3A_314 = vector.broadcast %div3A_313 : f32 to vector<16xf32>
        %div3A_315 = arith.divf %div3A_314, %add3A_312 : vector<16xf32>
        %abs3A_316 = math.absf %add3A_305 : vector<16xf32>
        %neg3A_317 = arith.constant 0.000000e+00 : f32
        %neg3A_318 = vector.broadcast %neg3A_317 : f32 to vector<16xf32>
        %neg3A_319 = arith.subf %neg3A_318, %abs3A_316 : vector<16xf32>
        %exp3A_320 = math.exp %neg3A_319 : vector<16xf32>
        %add3A_321 = arith.constant 2.000000e+00 : f32
        %add3A_322 = vector.broadcast %add3A_321 : f32 to vector<16xf32>
        %add3A_323 = arith.addf %add3A_322, %exp3A_320 : vector<16xf32>
        %div3A_324 = arith.divf %exp3A_320, %add3A_323 : vector<16xf32>
        %mul3A_325 = arith.mulf %div3A_324, %div3A_324 : vector<16xf32>
        %broadcast_in_dim3A_326 = arith.constant 0.222222224 : f32
        %broadcast_in_dim3A_327 = vector.broadcast %broadcast_in_dim3A_326 : f32 to vector<16xf32>
        %mul3A_328 = arith.mulf %broadcast_in_dim3A_327, %mul3A_325 : vector<16xf32>
        %add3A_329 = arith.constant 0.285714298 : f32
        %add3A_330 = vector.broadcast %add3A_329 : f32 to vector<16xf32>
        %add3A_331 = arith.addf %mul3A_328, %add3A_330 : vector<16xf32>
        %mul3A_332 = arith.mulf %add3A_331, %mul3A_325 : vector<16xf32>
        %add3A_333 = arith.constant 4.000000e-01 : f32
        %add3A_334 = vector.broadcast %add3A_333 : f32 to vector<16xf32>
        %add3A_335 = arith.addf %mul3A_332, %add3A_334 : vector<16xf32>
        %mul3A_336 = arith.mulf %add3A_335, %mul3A_325 : vector<16xf32>
        %add3A_337 = arith.constant 0.666666686 : f32
        %add3A_338 = vector.broadcast %add3A_337 : f32 to vector<16xf32>
        %add3A_339 = arith.addf %mul3A_336, %add3A_338 : vector<16xf32>
        %mul3A_340 = arith.mulf %add3A_339, %mul3A_325 : vector<16xf32>
        %add3A_341 = arith.constant 2.000000e+00 : f32
        %add3A_342 = vector.broadcast %add3A_341 : f32 to vector<16xf32>
        %add3A_343 = arith.addf %mul3A_340, %add3A_342 : vector<16xf32>
        %max3A_344 = arith.constant 0.000000e+00 : f32
        %max3A_345 = vector.broadcast %max3A_344 : f32 to vector<16xf32>
        %max3A_346 = arith.maximumf %add3A_305, %max3A_345 : vector<16xf32>
        %mul3A_347 = arith.mulf %add3A_343, %div3A_324 : vector<16xf32>
        %add3A_348 = arith.addf %max3A_346, %mul3A_347 : vector<16xf32>
        %mul3A_349 = arith.mulf %div3A_315, %add3A_348 : vector<16xf32>
        %swap3A_350 = arith.index_cast %add3A_54 : i32 to index
        %swap3A_351 = arith.constant 48 : index
        %swap3A_352 = tpu.vector_load %arg13[%swap3A_350, %swap3A_351] {strides = array<i32>} : memref<80x64xf32, #tpu.memory_space<vmem>>, vector<1x16xf32>,
        %swap3A_353 = vector.shape_cast %swap3A_352 : vector<1x16xf32> to vector<16xf32>
        %swap3A_354 = vector.shape_cast %mul3A_349 : vector<16xf32> to vector<1x16xf32>
        tpu.vector_store %arg13[%swap3A_350, %swap3A_351], %swap3A_354 {strides = array<i32>} : memref<80x64xf32, #tpu.memory_space<vmem>>, vector<1x16xf32>,
      }
      %scan3A_49 = arith.constant 80 : i32
      "tpu.region"() ({
        %run_scoped3A = tpu.sem_alloc : memref<!tpu.dma_semaphore, #tpu.memory_space<semaphore_mem>>
        %dma_start3A_50 = arith.constant 0 : i32
        %dma_start3A_51 = tpu.memref_slice %arg7[%add3A_18, %dma_start3A_50] : memref<320000x64xf32, #tpu.memory_space<hbm>> -> memref<80x64xf32, #tpu.memory_space<hbm>>
        %dma_start3A_52 = arith.constant 0 : i32
        %dma_start3A_53 = tpu.memref_slice %arg7[%add3A_18, %dma_start3A_52] : memref<320000x64xf32, #tpu.memory_space<hbm>> -> memref<80x64xf32, #tpu.memory_space<hbm>>
        tpu.enqueue_dma source(%arg13 : memref<80x64xf32, #tpu.memory_space<vmem>>) target(%dma_start3A_53 : memref<80x64xf32, #tpu.memory_space<hbm>>) target_semaphore(%run_scoped3A : memref<!tpu.dma_semaphore, #tpu.memory_space<semaphore_mem>>)
        %dma_wait3A_54 = arith.constant 0 : i32
        %dma_wait3A_55 = tpu.memref_slice %arg7[%add3A_18, %dma_wait3A_54] : memref<320000x64xf32, #tpu.memory_space<hbm>> -> memref<80x64xf32, #tpu.memory_space<hbm>>
        %dma_wait3A_56 = arith.constant 0 : i32
        %dma_wait3A_57 = tpu.memref_slice %arg7[%add3A_18, %dma_wait3A_56] : memref<320000x64xf32, #tpu.memory_space<hbm>> -> memref<80x64xf32, #tpu.memory_space<hbm>>
        tpu.wait_dma2 semaphore(%run_scoped3A : memref<!tpu.dma_semaphore, #tpu.memory_space<semaphore_mem>>) src(%arg13 : memref<80x64xf32, #tpu.memory_space<vmem>>) dst(%dma_wait3A_57 : memref<80x64xf32, #tpu.memory_space<hbm>>)
        tpu.yield
      }) : () -> ()
    }
    %scan3A_8 = arith.constant 125 : i32
    return
  }
}

module attributes {stable_mosaic.version = 14 : i64} {
  func.func @_embed_body(%arg0: memref<10000x128xf32, #tpu.memory_space<vmem>>, %arg1: memref<128x64xf32, #tpu.memory_space<vmem>>, %arg2: memref<1x64xf32, #tpu.memory_space<vmem>>, %arg3: memref<10000x64xf32, #tpu.memory_space<vmem>>) attributes {dimension_semantics = [], scalar_prefetch = 0 : i64, scratch_operands = 0 : i64, tpu.core_type = #tpu.core_type<tc>} {
    %get3A = arith.constant 0 : index
    %get3A_0 = arith.constant 0 : index
    %get3A_1 = vector.load %arg0[%get3A, %get3A_0] : memref<10000x128xf32, #tpu.memory_space<vmem>>, vector<10000x128xf32>
    %get3A_2 = arith.constant 0 : index
    %get3A_3 = arith.constant 0 : index
    %get3A_4 = vector.load %arg1[%get3A_2, %get3A_3] : memref<128x64xf32, #tpu.memory_space<vmem>>, vector<128x64xf32>
    %dot_general3A = arith.constant dense<0.000000e+00> : vector<10000x64xf32>
    %dot_general3A_5 = tpu.matmul %get3A_1, %get3A_4, %dot_general3A {dimension_numbers = #tpu.dot_dimension_numbers<[1], [0], [0], [1], [0, 0, 1, 1], [], []>, transpose_lhs_hint = false} : vector<10000x128xf32>, vector<128x64xf32>, vector<10000x64xf32> -> vector<10000x64xf32>
    %get3A_6 = arith.constant 0 : index
    %get3A_7 = arith.constant 0 : index
    %get3A_8 = vector.load %arg2[%get3A_6, %get3A_7] : memref<1x64xf32, #tpu.memory_space<vmem>>, vector<1x64xf32>
    %add3A = vector.broadcast %get3A_8 : vector<1x64xf32> to vector<10000x64xf32>
    %add3A_9 = arith.addf %dot_general3A_5, %add3A : vector<10000x64xf32>
    %swap3A = arith.constant 0 : index
    %swap3A_10 = arith.constant 0 : index
    %swap3A_11 = vector.load %arg3[%swap3A, %swap3A_10] : memref<10000x64xf32, #tpu.memory_space<vmem>>, vector<10000x64xf32>
    tpu.vector_store %arg3[%swap3A, %swap3A_10], %add3A_9 {strides = array<i32>} : memref<10000x64xf32, #tpu.memory_space<vmem>>, vector<10000x64xf32>,
    return
  }
}

module attributes {stable_mosaic.version = 14 : i64} {
  func.func @_tables_body(%arg0: memref<10000x64xf32, #tpu.memory_space<vmem>>, %arg1: memref<64x128xf32, #tpu.memory_space<vmem>>, %arg2: memref<64x128xf32, #tpu.memory_space<vmem>>, %arg3: memref<10000x128xf32, #tpu.memory_space<vmem>>, %arg4: memref<10000x128xf32, #tpu.memory_space<vmem>>) attributes {dimension_semantics = [], scalar_prefetch = 0 : i64, scratch_operands = 0 : i64, tpu.core_type = #tpu.core_type<tc>} {
    %get3A = arith.constant 0 : index
    %get3A_0 = arith.constant 0 : index
    %get3A_1 = vector.load %arg0[%get3A, %get3A_0] : memref<10000x64xf32, #tpu.memory_space<vmem>>, vector<10000x64xf32>
    %get3A_2 = arith.constant 0 : index
    %get3A_3 = arith.constant 0 : index
    %get3A_4 = vector.load %arg1[%get3A_2, %get3A_3] : memref<64x128xf32, #tpu.memory_space<vmem>>, vector<64x128xf32>
    %dot_general3A = arith.constant dense<0.000000e+00> : vector<10000x128xf32>
    %dot_general3A_5 = tpu.matmul %get3A_1, %get3A_4, %dot_general3A {dimension_numbers = #tpu.dot_dimension_numbers<[1], [0], [0], [1], [0, 0, 1, 1], [], []>, transpose_lhs_hint = false} : vector<10000x64xf32>, vector<64x128xf32>, vector<10000x128xf32> -> vector<10000x128xf32>
    %swap3A = arith.constant 0 : index
    %swap3A_6 = arith.constant 0 : index
    %swap3A_7 = vector.load %arg3[%swap3A, %swap3A_6] : memref<10000x128xf32, #tpu.memory_space<vmem>>, vector<10000x128xf32>
    tpu.vector_store %arg3[%swap3A, %swap3A_6], %dot_general3A_5 {strides = array<i32>} : memref<10000x128xf32, #tpu.memory_space<vmem>>, vector<10000x128xf32>,
    %get3A_8 = arith.constant 0 : index
    %get3A_9 = arith.constant 0 : index
    %get3A_10 = vector.load %arg2[%get3A_8, %get3A_9] : memref<64x128xf32, #tpu.memory_space<vmem>>, vector<64x128xf32>
    %dot_general3A_11 = arith.constant dense<0.000000e+00> : vector<10000x128xf32>
    %dot_general3A_12 = tpu.matmul %get3A_1, %get3A_10, %dot_general3A_11 {dimension_numbers = #tpu.dot_dimension_numbers<[1], [0], [0], [1], [0, 0, 1, 1], [], []>, transpose_lhs_hint = false} : vector<10000x64xf32>, vector<64x128xf32>, vector<10000x128xf32> -> vector<10000x128xf32>
    %swap3A_13 = arith.constant 0 : index
    %swap3A_14 = arith.constant 0 : index
    %swap3A_15 = vector.load %arg4[%swap3A_13, %swap3A_14] : memref<10000x128xf32, #tpu.memory_space<vmem>>, vector<10000x128xf32>
    tpu.vector_store %arg4[%swap3A_13, %swap3A_14], %dot_general3A_12 {strides = array<i32>} : memref<10000x128xf32, #tpu.memory_space<vmem>>, vector<10000x128xf32>,
    return
  }
}

module attributes {stable_mosaic.version = 14 : i64} {
  func.func @_ee_body(%arg0: i32, %arg1: memref<8000x16xf32, #tpu.memory_space<vmem>>, %arg2: memref<16x128xf32, #tpu.memory_space<vmem>>, %arg3: memref<1x128xf32, #tpu.memory_space<vmem>>, %arg4: memref<8000x128xf32, #tpu.memory_space<vmem>>) attributes {dimension_semantics = [#tpu.dimension_semantics<arbitrary>], iteration_bounds = array<i64: 40>, scalar_prefetch = 0 : i64, scratch_operands = 0 : i64, tpu.core_type = #tpu.core_type<tc>, window_params = [{transform_indices = @transform_0, window_bounds = array<i64: 8000, 16>}, {pipeline_mode = #tpu.pipeline_mode<synchronous>, transform_indices = @transform_1, window_bounds = array<i64: 16, 128>}, {pipeline_mode = #tpu.pipeline_mode<synchronous>, transform_indices = @transform_2, window_bounds = array<i64: 1, 128>}, {transform_indices = @transform_3, window_bounds = array<i64: 8000, 128>}]} {
    %get3A = arith.constant 0 : index
    %get3A_0 = arith.constant 0 : index
    %get3A_1 = vector.load %arg1[%get3A, %get3A_0] : memref<8000x16xf32, #tpu.memory_space<vmem>>, vector<8000x16xf32>
    %get3A_2 = arith.constant 0 : index
    %get3A_3 = arith.constant 0 : index
    %get3A_4 = vector.load %arg2[%get3A_2, %get3A_3] : memref<16x128xf32, #tpu.memory_space<vmem>>, vector<16x128xf32>
    %dot_general3A = arith.constant dense<0.000000e+00> : vector<8000x128xf32>
    %dot_general3A_5 = tpu.matmul %get3A_1, %get3A_4, %dot_general3A {dimension_numbers = #tpu.dot_dimension_numbers<[1], [0], [0], [1], [0, 0, 1, 1], [], []>, transpose_lhs_hint = false} : vector<8000x16xf32>, vector<16x128xf32>, vector<8000x128xf32> -> vector<8000x128xf32>
    %get3A_6 = arith.constant 0 : index
    %get3A_7 = arith.constant 0 : index
    %get3A_8 = vector.load %arg3[%get3A_6, %get3A_7] : memref<1x128xf32, #tpu.memory_space<vmem>>, vector<1x128xf32>
    %add3A = vector.broadcast %get3A_8 : vector<1x128xf32> to vector<8000x128xf32>
    %add3A_9 = arith.addf %dot_general3A_5, %add3A : vector<8000x128xf32>
    %swap3A = arith.constant 0 : index
    %swap3A_10 = arith.constant 0 : index
    %swap3A_11 = vector.load %arg4[%swap3A, %swap3A_10] : memref<8000x128xf32, #tpu.memory_space<vmem>>, vector<8000x128xf32>
    tpu.vector_store %arg4[%swap3A, %swap3A_10], %add3A_9 {strides = array<i32>} : memref<8000x128xf32, #tpu.memory_space<vmem>>, vector<8000x128xf32>,
    return
  }
  func.func @transform_0(%arg0: i32) -> (i32, i32) {
    %c0_i32 = arith.constant 0 : i32
    %c0_i32_0 = arith.constant 0 : i32
    return %arg0, %c0_i32 : i32, i32
  }
  func.func @transform_1(%arg0: i32) -> (i32, i32) {
    %c0_i32 = arith.constant 0 : i32
    %c0_i32_0 = arith.constant 0 : i32
    %c0_i32_1 = arith.constant 0 : i32
    return %c0_i32, %c0_i32_0 : i32, i32
  }
  func.func @transform_2(%arg0: i32) -> (i32, i32) {
    %c0_i32 = arith.constant 0 : i32
    %c0_i32_0 = arith.constant 0 : i32
    %c0_i32_1 = arith.constant 0 : i32
    return %c0_i32, %c0_i32_0 : i32, i32
  }
  func.func @transform_3(%arg0: i32) -> (i32, i32) {
    %c0_i32 = arith.constant 0 : i32
    %c0_i32_0 = arith.constant 0 : i32
    return %arg0, %c0_i32 : i32, i32
  }
}

module attributes {stable_mosaic.version = 14 : i64} {
  func.func @_bn_body(%arg0: memref<10000x64xf32, #tpu.memory_space<vmem>>, %arg1: memref<10000x64xf32, #tpu.memory_space<vmem>>, %arg2: memref<1x64xf32, #tpu.memory_space<vmem>>, %arg3: memref<1x64xf32, #tpu.memory_space<vmem>>, %arg4: memref<10000x64xf32, #tpu.memory_space<vmem>>) attributes {dimension_semantics = [], scalar_prefetch = 0 : i64, scratch_operands = 0 : i64, tpu.core_type = #tpu.core_type<tc>} {
    %get3A = arith.constant 0 : index
    %get3A_0 = arith.constant 0 : index
    %get3A_1 = vector.load %arg1[%get3A, %get3A_0] : memref<10000x64xf32, #tpu.memory_space<vmem>>, vector<10000x64xf32>
    %reduce_sum3A = arith.constant dense<0.000000e+00> : vector<64xf32>
    %reduce_sum3A_2 = vector.multi_reduction <add>, %get3A_1, %reduce_sum3A [0] : vector<10000x64xf32> to vector<64xf32>
    %broadcast_in_dim3A = vector.shape_cast %reduce_sum3A_2 : vector<64xf32> to vector<1x64xf32>
    %div3A = arith.constant 1.000000e+04 : f32
    %div3A_3 = vector.broadcast %div3A : f32 to vector<1x64xf32>
    %div3A_4 = arith.divf %broadcast_in_dim3A, %div3A_3 : vector<1x64xf32>
    %sub3A = vector.broadcast %div3A_4 : vector<1x64xf32> to vector<10000x64xf32>
    %sub3A_5 = arith.subf %get3A_1, %sub3A : vector<10000x64xf32>
    %mul3A = arith.mulf %sub3A_5, %sub3A_5 : vector<10000x64xf32>
    %reduce_sum3A_6 = arith.constant dense<0.000000e+00> : vector<64xf32>
    %reduce_sum3A_7 = vector.multi_reduction <add>, %mul3A, %reduce_sum3A_6 [0] : vector<10000x64xf32> to vector<64xf32>
    %broadcast_in_dim3A_8 = vector.shape_cast %reduce_sum3A_7 : vector<64xf32> to vector<1x64xf32>
    %div3A_9 = arith.constant 1.000000e+04 : f32
    %div3A_10 = vector.broadcast %div3A_9 : f32 to vector<1x64xf32>
    %div3A_11 = arith.divf %broadcast_in_dim3A_8, %div3A_10 : vector<1x64xf32>
    %get3A_12 = arith.constant 0 : index
    %get3A_13 = arith.constant 0 : index
    %get3A_14 = vector.load %arg0[%get3A_12, %get3A_13] : memref<10000x64xf32, #tpu.memory_space<vmem>>, vector<10000x64xf32>
    %add3A = arith.constant 9.99999974E-6 : f32
    %add3A_15 = vector.broadcast %add3A : f32 to vector<1x64xf32>
    %add3A_16 = arith.addf %div3A_11, %add3A_15 : vector<1x64xf32>
    %rsqrt3A = math.rsqrt %add3A_16 : vector<1x64xf32>
    %mul3A_17 = vector.broadcast %rsqrt3A : vector<1x64xf32> to vector<10000x64xf32>
    %mul3A_18 = arith.mulf %sub3A_5, %mul3A_17 : vector<10000x64xf32>
    %get3A_19 = arith.constant 0 : index
    %get3A_20 = arith.constant 0 : index
    %get3A_21 = vector.load %arg2[%get3A_19, %get3A_20] : memref<1x64xf32, #tpu.memory_space<vmem>>, vector<1x64xf32>
    %mul3A_22 = vector.broadcast %get3A_21 : vector<1x64xf32> to vector<10000x64xf32>
    %mul3A_23 = arith.mulf %mul3A_18, %mul3A_22 : vector<10000x64xf32>
    %add3A_24 = arith.addf %get3A_14, %mul3A_23 : vector<10000x64xf32>
    %get3A_25 = arith.constant 0 : index
    %get3A_26 = arith.constant 0 : index
    %get3A_27 = vector.load %arg3[%get3A_25, %get3A_26] : memref<1x64xf32, #tpu.memory_space<vmem>>, vector<1x64xf32>
    %add3A_28 = vector.broadcast %get3A_27 : vector<1x64xf32> to vector<10000x64xf32>
    %add3A_29 = arith.addf %add3A_24, %add3A_28 : vector<10000x64xf32>
    %swap3A = arith.constant 0 : index
    %swap3A_30 = arith.constant 0 : index
    %swap3A_31 = vector.load %arg4[%swap3A, %swap3A_30] : memref<10000x64xf32, #tpu.memory_space<vmem>>, vector<10000x64xf32>
    tpu.vector_store %arg4[%swap3A, %swap3A_30], %add3A_29 {strides = array<i32>} : memref<10000x64xf32, #tpu.memory_space<vmem>>, vector<10000x64xf32>,
    return
  }
}

module attributes {stable_mosaic.version = 14 : i64} {
  func.func @_head_body(%arg0: memref<10000x64xf32, #tpu.memory_space<vmem>>, %arg1: memref<10000x1xi32, #tpu.memory_space<vmem>>, %arg2: memref<64x128xf32, #tpu.memory_space<vmem>>, %arg3: memref<1x128xf32, #tpu.memory_space<vmem>>, %arg4: memref<128x1xf32, #tpu.memory_space<vmem>>, %arg5: memref<1x1xf32, #tpu.memory_space<vmem>>, %arg6: memref<128x1xf32, #tpu.memory_space<vmem>>) attributes {dimension_semantics = [], scalar_prefetch = 0 : i64, scratch_operands = 0 : i64, tpu.core_type = #tpu.core_type<tc>} {
    %get3A = arith.constant 0 : index
    %get3A_0 = arith.constant 0 : index
    %get3A_1 = vector.load %arg0[%get3A, %get3A_0] : memref<10000x64xf32, #tpu.memory_space<vmem>>, vector<10000x64xf32>
    %get3A_2 = arith.constant 0 : index
    %get3A_3 = arith.constant 0 : index
    %get3A_4 = vector.load %arg1[%get3A_2, %get3A_3] : memref<10000x1xi32, #tpu.memory_space<vmem>>, vector<10000x1xi32>
    %iota3A = tpu.iota {dimensions = array<i32: 1>} : vector<10000x128xi32>
    %eq3A = vector.broadcast %get3A_4 : vector<10000x1xi32> to vector<10000x128xi32>
    %eq3A_5 = arith.cmpi eq, %eq3A, %iota3A : vector<10000x128xi32>
    %convert_element_type3A = arith.extui %eq3A_5 : vector<10000x128xi1> to vector<10000x128xi32>
    %convert_element_type3A_6 = arith.sitofp %convert_element_type3A : vector<10000x128xi32> to vector<10000x128xf32>
    %dot_general3A = arith.constant dense<0.000000e+00> : vector<128x64xf32>
    %dot_general3A_7 = tpu.matmul %convert_element_type3A_6, %get3A_1, %dot_general3A {dimension_numbers = #tpu.dot_dimension_numbers<[0], [0], [1], [1], [0, 1, 1, 1], [], []>, transpose_lhs_hint = false} : vector<10000x128xf32>, vector<10000x64xf32>, vector<128x64xf32> -> vector<128x64xf32>
    %reduce_sum3A = arith.constant dense<0.000000e+00> : vector<128xf32>
    %reduce_sum3A_8 = vector.multi_reduction <add>, %convert_element_type3A_6, %reduce_sum3A [0] : vector<10000x128xf32> to vector<128xf32>
    %broadcast_in_dim3A = vector.shape_cast %reduce_sum3A_8 : vector<128xf32> to vector<128x1xf32>
    %max3A = arith.constant 1.000000e+00 : f32
    %max3A_9 = vector.broadcast %max3A : f32 to vector<128x1xf32>
    %max3A_10 = arith.maximumf %broadcast_in_dim3A, %max3A_9 : vector<128x1xf32>
    %div3A = vector.broadcast %max3A_10 : vector<128x1xf32> to vector<128x64xf32>
    %div3A_11 = arith.divf %dot_general3A_7, %div3A : vector<128x64xf32>
    %custom_jvp_call3A = arith.constant 0.000000e+00 : f32
    %max3A_12 = vector.broadcast %custom_jvp_call3A : f32 to vector<128x64xf32>
    %max3A_13 = arith.maximumf %div3A_11, %max3A_12 : vector<128x64xf32>
    %sub3A = vector.broadcast %custom_jvp_call3A : f32 to vector<128x64xf32>
    %sub3A_14 = arith.subf %div3A_11, %sub3A : vector<128x64xf32>
    %ne3A = arith.cmpf one, %sub3A_14, %sub3A_14 : vector<128x64xf32>
    %add3A = vector.broadcast %custom_jvp_call3A : f32 to vector<128x64xf32>
    %add3A_15 = arith.addf %div3A_11, %add3A : vector<128x64xf32>
    %abs3A = math.absf %sub3A_14 : vector<128x64xf32>
    %neg3A = arith.constant 0.000000e+00 : f32
    %neg3A_16 = vector.broadcast %neg3A : f32 to vector<128x64xf32>
    %neg3A_17 = arith.subf %neg3A_16, %abs3A : vector<128x64xf32>
    %exp3A = math.exp %neg3A_17 : vector<128x64xf32>
    %log1p3A = math.log1p %exp3A : vector<128x64xf32>
    %add3A_18 = arith.addf %max3A_13, %log1p3A : vector<128x64xf32>
    %select_n3A = arith.select %ne3A, %add3A_15, %add3A_18 : vector<128x64xi1>, vector<128x64xf32>
    %get3A_19 = arith.constant 0 : index
    %get3A_20 = arith.constant 0 : index
    %get3A_21 = vector.load %arg2[%get3A_19, %get3A_20] : memref<64x128xf32, #tpu.memory_space<vmem>>, vector<64x128xf32>
    %dot_general3A_22 = arith.constant dense<0.000000e+00> : vector<128x128xf32>
    %dot_general3A_23 = tpu.matmul %select_n3A, %get3A_21, %dot_general3A_22 {dimension_numbers = #tpu.dot_dimension_numbers<[1], [0], [0], [1], [0, 0, 1, 1], [], []>, transpose_lhs_hint = false} : vector<128x64xf32>, vector<64x128xf32>, vector<128x128xf32> -> vector<128x128xf32>
    %get3A_24 = arith.constant 0 : index
    %get3A_25 = arith.constant 0 : index
    %get3A_26 = vector.load %arg3[%get3A_24, %get3A_25] : memref<1x128xf32, #tpu.memory_space<vmem>>, vector<1x128xf32>
    %add3A_27 = vector.broadcast %get3A_26 : vector<1x128xf32> to vector<128x128xf32>
    %add3A_28 = arith.addf %dot_general3A_23, %add3A_27 : vector<128x128xf32>
    %custom_jvp_call3A_29 = arith.constant 0.000000e+00 : f32
    %max3A_30 = vector.broadcast %custom_jvp_call3A_29 : f32 to vector<128x128xf32>
    %max3A_31 = arith.maximumf %add3A_28, %max3A_30 : vector<128x128xf32>
    %sub3A_32 = vector.broadcast %custom_jvp_call3A_29 : f32 to vector<128x128xf32>
    %sub3A_33 = arith.subf %add3A_28, %sub3A_32 : vector<128x128xf32>
    %ne3A_34 = arith.cmpf one, %sub3A_33, %sub3A_33 : vector<128x128xf32>
    %add3A_35 = vector.broadcast %custom_jvp_call3A_29 : f32 to vector<128x128xf32>
    %add3A_36 = arith.addf %add3A_28, %add3A_35 : vector<128x128xf32>
    %abs3A_37 = math.absf %sub3A_33 : vector<128x128xf32>
    %neg3A_38 = arith.constant 0.000000e+00 : f32
    %neg3A_39 = vector.broadcast %neg3A_38 : f32 to vector<128x128xf32>
    %neg3A_40 = arith.subf %neg3A_39, %abs3A_37 : vector<128x128xf32>
    %exp3A_41 = math.exp %neg3A_40 : vector<128x128xf32>
    %log1p3A_42 = math.log1p %exp3A_41 : vector<128x128xf32>
    %add3A_43 = arith.addf %max3A_31, %log1p3A_42 : vector<128x128xf32>
    %select_n3A_44 = arith.select %ne3A_34, %add3A_36, %add3A_43 : vector<128x128xi1>, vector<128x128xf32>
    %get3A_45 = arith.constant 0 : index
    %get3A_46 = arith.constant 0 : index
    %get3A_47 = vector.load %arg4[%get3A_45, %get3A_46] : memref<128x1xf32, #tpu.memory_space<vmem>>, vector<128x1xf32>
    %dot_general3A_48 = arith.constant dense<0.000000e+00> : vector<128x1xf32>
    %dot_general3A_49 = tpu.matmul %select_n3A_44, %get3A_47, %dot_general3A_48 {dimension_numbers = #tpu.dot_dimension_numbers<[1], [0], [0], [1], [0, 0, 1, 1], [], []>, transpose_lhs_hint = false} : vector<128x128xf32>, vector<128x1xf32>, vector<128x1xf32> -> vector<128x1xf32>
    %get3A_50 = arith.constant 0 : index
    %get3A_51 = arith.constant 0 : index
    %get3A_52 = vector.load %arg5[%get3A_50, %get3A_51] : memref<1x1xf32, #tpu.memory_space<vmem>>, vector<1x1xf32>
    %add3A_53 = vector.broadcast %get3A_52 : vector<1x1xf32> to vector<128x1xf32>
    %add3A_54 = arith.addf %dot_general3A_49, %add3A_53 : vector<128x1xf32>
    %swap3A = arith.constant 0 : index
    %swap3A_55 = arith.constant 0 : index
    %swap3A_56 = vector.load %arg6[%swap3A, %swap3A_55] : memref<128x1xf32, #tpu.memory_space<vmem>>, vector<128x1xf32>
    tpu.vector_store %arg6[%swap3A, %swap3A_55], %add3A_54 {strides = array<i32>} : memref<128x1xf32, #tpu.memory_space<vmem>>, vector<128x1xf32>,
    return
  }
}

</mosaic_0001>

<sc_bundles>
// kernel: kernel.16.cloned.1.call-start
scs
__scs_entry_jumppad:
0x0: {  	(pc) =	sbr.rel $0x88, $3  }
0x1: {  	(tag) =	ssettag $0x0;
	lr =	simm.s32 $0x1  }
0x2: {  	[smem:$0x3F85] =	sst lr;
	_ =	strace $0xD0000000  }
0x3: {  	_ = 	snop  }
0x4: {  	_ = 	snop  }
0x5: {  	_ = 	snop  }
0x6: {  	_ = 	snop  }
0x7: {  	_ = 	snop  }
__scs_overlays_trampoline_lowered:
0x8: {  	[smem:$0x3F94] =	sst s0  }
0x9: {  	[smem:$0x3F95] =	sst s1  }
0xa: {  	[smem:$0x3F96] =	sst s2  }
0xb: {  	[smem:$0x3F97] =	sst s3  }
0xc: {  	[smem:$0x3F98] =	sst s4  }
0xd: {  	[smem:$0x3F99] =	sst s5  }
0xe: {  	[smem:$0x3F9A] =	sst s6  }
0xf: {  	[smem:$0x3F9B] =	sst s7  }
0x10: {  	[smem:$0x3F9C] =	sst s8  }
0x11: {  	[smem:$0x3F9D] =	sst s9;
	s0 =	simm.s32 @!p0 $0x0  }
0x12: {  	s1 =	sld [smem:$0x3F83];
	s0 =	simm.s32 @p0 $0x1  }
0x13: {  	[smem:$0x3F9E] =	sst s0;
	s0 =	simm.s32 @!p1 $0x0  }
0x14: {  	s2 =	sld [smem:$0x3F82];
	s0 =	simm.s32 @p1 $0x1  }
0x15: {  	[smem:$0x3F9F] =	sst s0;
	s0 =	simm.s32 @!p2 $0x0  }
0x16: {  	s3 =	sld [smem:$0x3FDB];
	s0 =	simm.s32 @p2 $0x1  }
0x17: {  	s4 =	simm.s32 $0x1BF5;
	[smem:$0x3FA1] =	sst s0  }
0x18: {  	s0 =	sld [smem:$0x3F84];
	_ =	swait.ge [sflag:s4], $0x0  }
0x19: {  	s7 =	sld [smem:$0x3F85]  }
0x1a: {  	s8 =	sadd.s32 $0xFFFFE003, lr  }
0x1b: {  	s9 =	sadd.s32 $0xFFFFFEF7, lr;
	s5 =	simm.s32 $0xFFFFFFFF;
	p2 =	slt.u32 s8, $0xFFFFF086  }
0x1c: {  	p1 =	slt.u32 s9, $0xF7A;
	s5 =	simm.s32 @!p2 $0x0  }
0x1d: {  	s5 =	simm.s32 @p1 $0x1;
	p0 =	seq.s32 s7, s2  }
0x1e: {  	s7 =	smul.u32 @!p0 $0xF7A, s2;
	p2 =	seq.s32 @!p0 s5, $0x0  }
0x1f: {  	s9 =	smul.u32 $0xF7A, s1;
	s8 =	simm.s32 @!p0 $0x1BF5;
	p2 =	por !p2, p0  }
0x20: {  	[sflag:s8] =	ssyncset.s32 @!p0 $0xFFFFF086;
	s6 =	sadd.s32 @!p0 s3, s7;
	s7 =	simm.s32 @!p0 $0x108  }
0x21: {  	s3 =	sadd.s32 s3, s9;
	s6 =	sadd.s32 @!p0 $0x88, s6;
	s7 =	simm.s32 @p2 $0x1082  }
0x22: {  	[simem:s7], [sflag:s8] =	dma.local @!p0 [hbm:s6], $0xF7A  }
0x23: {  	s9 =	sor.u32 $0xD0000000, s2;
	s6 =	simm.s32 $0x108;
	_ =	swait.ge @!p0 [sflag:s8], $0x0  }
0x24: {  	s3 =	sadd.s32 $0x88, s3;
	s6 =	simm.s32 @!p1 $0x1082;
	[sflag:s4] =	ssyncset.s32 $0xFFFFF086  }
0x25: {  	[simem:s6], [sflag:s4] =	dma.local [hbm:s3], $0xF7A  }
0x26: {  	[smem:$0x3F85] =	sst s1;
	(tag) =	ssettag s2;
	_ =	strace s9  }
0x27: {  	s1 =	sld [smem:$0x3F95]  }
0x28: {  	s2 =	sld [smem:$0x3F96]  }
0x29: {  	s4 =	sld [smem:$0x3F98]  }
0x2a: {  	p0 =	seq.s32 s5, $0x0;
	s5 =	sld [smem:$0x3F99]  }
0x2b: {  	s6 =	sld [smem:$0x3F9A]  }
0x2c: {  	s7 =	sld [smem:$0x3F9B]  }
0x2d: {  	s3 =	simm.s32 $0x108;
	s8 =	sld [smem:$0x3F9C]  }
0x2e: {  	s3 =	simm.s32 @!p0 $0x1082;
	s9 =	sld [smem:$0x3F9D]  }
0x2f: {  	lr =	sadd.s32 s0, s3;
	s0 =	sld [smem:$0x3F94]  }
0x30: {  	s3 =	sld [smem:$0x3F97]  }
0x31: {  	[smem:$0x3FA0] =	sst s10  }
0x32: {  	s10 =	sld [smem:$0x3F9E];
	_ =	sdelay $0x3  }
0x33: {  	p0 =	seq.s32 s10, $0x1;
	s10 =	sld [smem:$0x3FA0];
	_ =	sdelay $0x3  }
0x34: {  	[smem:$0x3FA0] =	sst s10  }
0x35: {  	s10 =	sld [smem:$0x3F9F];
	_ =	sdelay $0x3  }
0x36: {  	p1 =	seq.s32 s10, $0x1;
	s10 =	sld [smem:$0x3FA0];
	_ =	sdelay $0x3  }
0x37: {  	[smem:$0x3FA0] =	sst s10  }
0x38: {  	s10 =	sld [smem:$0x3FA1]  }
0x39: {  	_ = 	snop;
	(pc) =	sbr.ind lr, $3  }
0x3a: {  	_ = 	snop  }
0x3b: {  	_ = 	snop  }
0x3c: {  	p2 =	seq.s32 s10, $0x1;
	s10 =	sld [smem:$0x3FA0]  }
0x3d: {  	_ =	shalt  }
0x3e: {  	_ =	shalt  }
0x3f: {  	_ =	shalt  }
0x40: {  	_ =	shalt  }
0x41: {  	_ =	shalt  }
0x42: {  	_ =	shalt  }
0x43: {  	_ =	shalt  }
0x44: {  	_ =	shalt  }
0x45: {  	_ =	shalt  }
0x46: {  	_ =	shalt  }
0x47: {  	_ =	shalt  }
0x48: {  	_ =	shalt  }
0x49: {  	_ =	shalt  }
0x4a: {  	_ =	shalt  }
0x4b: {  	_ =	shalt  }
0x4c: {  	_ =	shalt  }
0x4d: {  	_ =	shalt  }
0x4e: {  	_ =	shalt  }
0x4f: {  	_ =	shalt  }
0x50: {  	_ =	shalt  }
0x51: {  	_ =	shalt  }
0x52: {  	_ =	shalt  }
0x53: {  	_ =	shalt  }
0x54: {  	_ =	shalt  }
0x55: {  	_ =	shalt  }
0x56: {  	_ =	shalt  }
0x57: {  	_ =	shalt  }
0x58: {  	_ =	shalt  }
0x59: {  	_ =	shalt  }
0x5a: {  	_ =	shalt  }
0x5b: {  	_ =	shalt  }
0x5c: {  	_ =	shalt  }
0x5d: {  	_ =	shalt  }
0x5e: {  	_ =	shalt  }
0x5f: {  	_ =	shalt  }
0x60: {  	_ =	shalt  }
0x61: {  	_ =	shalt  }
0x62: {  	_ =	shalt  }
0x63: {  	_ =	shalt  }
0x64: {  	_ =	shalt  }
0x65: {  	_ =	shalt  }
0x66: {  	_ =	shalt  }
0x67: {  	_ =	shalt  }
0x68: {  	_ =	shalt  }
0x69: {  	_ =	shalt  }
0x6a: {  	_ =	shalt  }
0x6b: {  	_ =	shalt  }
0x6c: {  	_ =	shalt  }
0x6d: {  	_ =	shalt  }
0x6e: {  	_ =	shalt  }
0x6f: {  	_ =	shalt  }
0x70: {  	_ =	shalt  }
0x71: {  	_ =	shalt  }
0x72: {  	_ =	shalt  }
0x73: {  	_ =	shalt  }
0x74: {  	_ =	shalt  }
0x75: {  	_ =	shalt  }
0x76: {  	_ =	shalt  }
0x77: {  	_ =	shalt  }
0x78: {  	_ =	shalt  }
0x79: {  	_ =	shalt  }
0x7a: {  	_ =	shalt  }
0x7b: {  	_ =	shalt  }
0x7c: {  	_ =	shalt  }
0x7d: {  	_ =	shalt  }
0x7e: {  	_ =	shalt  }
0x7f: {  	_ =	shalt  }
0x80: {  	_ =	shalt  }
0x81: {  	_ =	shalt  }
0x82: {  	_ =	shalt  }
0x83: {  	_ =	shalt  }
0x84: {  	_ =	shalt  }
0x85: {  	_ =	shalt  }
0x86: {  	_ =	shalt  }
0x87: {  	_ =	shalt  }
.Lfunc_end0:
.L_simem_size_0:
called_computation.3_lowered:
.L_overlay_start_0:
0x88: {  	s2 =	sld [smem:$0x3FD9]  }
0x89: {  	s3 =	sld [smem:$0x3FFE];
	_ =	sdelay $0x1  }
0x8a: {  	s1 =	srdreg.scid  }
0x8b: {  	s0 =	sand.u32 $0x1, s1  }
0x8c: {  	s16 =	sshll.u32 s0, $0xA;
	s2 =	sadd.s32 s3, s2  }
0x8d: {  	s2 =	sadd.s32 s2, s16  }
0x8e: {  	[smem:$0x3FAC] =	sst s2  }
0x8f: {  	_ = 	snop  }
0x90: {  	(tm) =	ssettm $0x1  }
0x91: {  	s17 =	sld [smem:$0x3FFB];
	_ =	sdelay $0x3  }
0x92: {  	_ =	strace s17  }
0x93: {  	s2 =	sld [smem:$0x3FFC];
	_ =	sdelay $0x3  }
0x94: {  	_ =	strace s2  }
0x95: {  	s2 =	sld [smem:$0x3FFD];
	_ =	sdelay $0x3  }
0x96: {  	_ =	strace s2  }
0x97: {  	_ =	strace $0x8FFFFFFF  }
0x98: {  	s18 =	sld [smem:$0x3FDB];
	_ =	sdelay $0x1  }
0x99: {  	s19 =	simm.s32 $_scs_section_size  }
0x9a: {  	s4 =	simm.s32 $_size__tile_overlayer_lowered;
	s5 =	simm.s32 $_tile_overlayer_lowered  }
0x9b: {  	s22 =	simm.s32 $0x1BFF;
	s21 =	sshll.u32 s5, $0x1;
	s2 =	sadd.s32 s19, s18  }
0x9c: {  	s6 =	simm.s32 $0x0;
	s20 =	sshll.u32 s4, $0x1;
	s4 =	sadd.s32 s21, s2  }
0x9d: {  	[timem:s6], [sflag:s22] =	dma.local [hbm:s4], s20  }
0x9e: {  	_ =	swait.ge [sflag:s22], s20  }
0x9f: {  	s3 =	ssub.s32 $0x0, s20;
	[sflag:s22] =	ssyncset.done $0x0  }
0xa0: {  	[sflag:s22] =	ssyncadd.s32 s3;
	_ =	sdelay $0x1  }
0xa1: {  	s23 =	simm.s32 $0x1B8B  }
0xa2: {  	_ =	swait.ge [sflag:s23], $0x1  }
0xa3: {  	[sflag:s23] =	ssyncset.done $0x0  }
0xa4: {  	s25 =	simm.s32 $0x1B8E;
	s24 =	sld [smem:$0x3FFE];
	[sflag:s23] =	ssyncadd.s32 $0xFFFFFFFF  }
0xa5: {  	s26 =	simm.s32 $execute0_lowered;
	[smem:$0x3FD2] =	sst s25  }
0xa6: {  	s4 =	sshll.u32 s26, $0x1;
	_ =	strace $0x80000046;
	[dreg:$0x1] =	wrdreg $0xFFFFFFFF  }
0xa7: {  	s28 =	simm.s32 $_size_execute0_lowered;
	s2 =	sadd.s32 s2, s4;
	[dreg:$0x0] =	wrdreg $0x0  }
0xa8: {  	s4 =	sshll.u32 s28, $0x1;
	[dreg:$0x2] =	wrdreg s2  }
0xa9: {  	[dreg:$0x3] =	wrdreg s4  }
0xaa: {  	[dreg:$0x4] =	wrdreg $0xC0  }
0xab: {  	_ =	task [dreg:s6], $0x5FFFF  }
0xac: {  	[dreg:$0x1] =	wrdreg $0xFFFFFFFF  }
0xad: {  	[dreg:$0x0] =	wrdreg $0x60  }
0xae: {  	[dreg:$0x2] =	wrdreg s24  }
0xaf: {  	[dreg:$0x3] =	wrdreg $0x9  }
0xb0: {  	_ =	task.clear_ibuf [dreg:s6], $0x4FFFF;
	_ =	strace $0x90000046  }
0xb1: {  	s29 =	simm.s32 $0x9;
	_ =	strace $0x80000048  }
0xb2: {  	_ =	swait.ge [sflag:s29], $0x1  }
0xb3: {  	[sflag:s29] =	ssyncadd.s32 $0xFFFFFFFF  }
0xb4: {  	_ =	strace $0x90000048  }
0xb5: {  	_ =	sfence  }
0xb6: {  	s30 =	sld [smem:$0x0];
	_ =	sdelay $0x2  }
0xb7: {  	s31 =	sshll.u32 s1, $0xD;
	s1 =	sshrl.u32 s1, $0x2  }
0xb8: {  	s3 =	sand.u32 $0x4000, s31;
	s1 =	sadd.s32 s1, s30  }
0xb9: {  	s0 =	sor.u32 s3, s0;
	s1 =	sshll.u32 s1, $0x11  }
0xba: {  	s0 =	sor.u32 s1, s0  }
0xbb: {  	s0 =	sadd.s32 $0x8F2B, s0  }
0xbc: {  	[sflag:s0] =	ssyncadd.remote.s32 $0x1  }
0xbd: {  	_ =	sfence.sel $0xFFFF  }
0xbe: {  	[dreg:$0x0] =	wrdreg $0xFFFFFFFF;
	(pc) =	sbr.abs _section_cstart, $3  }
0xbf: {  	[dreg:$0x1] =	wrdreg $0xFFFFFFFF  }
0xc0: {  	_ =	task.clear_ibuf [dreg:s6], $0x2FFFF;
	_ =	strace $0x9FFFFFFF  }
0xc1: {  	(tm) =	ssettm $0x7FFFFFFF  }
tec
execute0_lowered:
.L_overlay_start_1:
0x0: {  	(tag) =	ssettag $0x1  }
0x1: {  	s7 =	rddreg [dreg:$0x0]  }
0x2: {  	s1 =	srdreg.scid;
	s0 =	rddreg [dreg:$0x1];
	s2 =	simm.s32 $0x0  }
0x3: {  	s11 =	simm.s32 $0x4;
	s12 =	simm.s32 $0x2780;
	s13 =	simm.s32 $0x4F00  }
0x4: {  	s14 =	simm.s32 $0x50;
	s15 =	simm.s32 $0x7700;
	s16 =	simm.s32 $0x9F00  }
0x5: {  	s17 =	simm.s32 $0x3;
	s18 =	simm.s32 $0x1;
	s8 =	sand.u32 $0x1, s1  }
0x6: {  	s19 =	simm.s32 $0x2;
	s1 =	stileid.u32;
	s3 =	sshll.u32 s8, $0x4  }
0x7: {  	s20 =	simm.s32 $0xC700;
	s21 =	simm.s32 $0x0;
	s3 =	sor.u32 s1, s3  }
0x8: {  	[smem:$0x7FF] =	sst s2;
	s8 =	ssub.s32 $0x2, s8;
	s3 =	smul.u32 $0x2710, s3  }
0x9: {  	s4 =	sadd.s32 $0x523A00, s7;
	s5 =	sadd.s32 $0x54AC00, s7;
	s10 =	sshrl.u32 s8, $0x1  }
0xa: {  	s6 =	sadd.s32 $0x571E00, s7;
	s10 =	ssub.s32 s8, s10;
	s9 =	sshrl.u32 s3, $0x3  }
0xb: {  	_ =	strace $0x80000047;
	s10 =	smax.u32 s10, $0x1;
	s9 =	sadd.s32 s9, s7  }
0xc: {  	s7 =	sadd.s32 $0xA53E00, s7;
	s8 =	sadd.s32 $0x10A00, s9;
	s9 =	sadd.s32 $0x6C00, s9  }
.LBB2_1:
0xd: {  	[tilespmem:s2], [sflag:$0x4] =	stream.linear.gather [hbm4b:s8+s2], $0x2710, $0x38;
	[tilespmem:$0xEF00] =	vst v63  }
0xe: {  	_ =	swait.ge [sflag:s11], $0x2710  }
0xf: {  	[sflag:s11] =	ssyncset.done $0x0  }
0x10: {  	[sflag:s11] =	ssyncadd.s32 $0xFFFFD8F0  }
0x11: {  	[tilespmem:s12], [sflag:$0x4] =	stream.linear.gather [hbm4b:s9+s2], $0x2710, $0x38;
	[tilespmem:$0xEF00] =	vst v63  }
0x12: {  	_ =	swait.ge [sflag:s11], $0x2710  }
0x13: {  	[sflag:s11] =	ssyncset.done $0x0  }
0x14: {  	s22 =	simm.s32 $0x0;
	[sflag:s11] =	ssyncadd.s32 $0xFFFFD8F0  }
.LBB2_2:
0x15: {  	s24 =	smul.u32 $0x50, s22;
	_ =	sdelay $0x1  }
0x16: {  	s23 =	sadd.s32 s3, s24  }
0x17: {  	s23 =	sshll.u32 s23, $0x4  }
0x18: {  	s26 =	simm.s32 $0x0;
	s25 =	sadd.s32 s6, s23  }
0x19: {  	[tilespmem:s13], [sflag:$0x3] =	stream.linear.gather [hbm4b:s25+s26], $0x2800, $0x38;
	[tilespmem:$0xEF00] =	vst v63  }
0x1a: {  	_ = 	snop  }
0x1b: {  	[tilespmem:s15], [sflag:$0x1] =	stream.indirect.gather [hbm4b:s4+s14], $0x80, s24, s14, $0xb8;
	[tilespmem:$0xEF00] =	vst v63  }
0x1c: {  	s24 =	sadd.s32 $0x2780, s24  }
0x1d: {  	[tilespmem:s16], [sflag:$0x2] =	stream.indirect.gather [hbm4b:s5+s14], $0x80, s24, s14, $0xb8;
	[tilespmem:$0xEF00] =	vst v63  }
0x1e: {  	_ =	swait.ge [sflag:s17], $0x2800  }
0x1f: {  	[sflag:s17] =	ssyncset.done $0x0  }
0x20: {  	[sflag:s17] =	ssyncadd.s32 $0xFFFFD800  }
0x21: {  	_ =	swait.ge [sflag:s18], $0x2800  }
0x22: {  	[sflag:s18] =	ssyncset.done $0x0  }
0x23: {  	[sflag:s18] =	ssyncadd.s32 $0xFFFFD800  }
0x24: {  	_ =	swait.ge [sflag:s19], $0x2800  }
0x25: {  	[sflag:s19] =	ssyncset.done $0x0  }
0x26: {  	s24 =	simm.s32 $0x0;
	[sflag:s19] =	ssyncadd.s32 $0xFFFFD800  }
0x27: {  	v0 =	vld [tilespmem:s24+$0x7720]  }
0x28: {  	v1 =	vld [tilespmem:s24+$0x9F20]  }
0x29: {  	v2 =	vld [tilespmem:s24+$0x9F70]  }
0x2a: {  	v3 =	vld [tilespmem:s24+$0x7710]  }
0x2b: {  	v4 =	vld [tilespmem:s24+$0x9F50]  }
0x2c: {  	v5 =	vld [tilespmem:s24+$0x4F10]  }
0x2d: {  	v6 =	vld [tilespmem:s24+$0x7750]  }
0x2e: {  	v7 =	vld [tilespmem:s24+$0x4F40]  }
0x2f: {  	v8 =	vld [tilespmem:s24+$0x7740]  }
0x30: {  	v9 =	vld [tilespmem:s24+$0x4F50]  }
0x31: {  	v10 =	vld [tilespmem:s24+$0x9F40]  }
0x32: {  	v11 =	vld [tilespmem:s24+$0x4F20]  }
0x33: {  	v12 =	vld [tilespmem:s24+$0x7760]  }
0x34: {  	v13 =	vld [tilespmem:s24+$0x7770];
	v7 =	vadd.f32 v8, v7  }
0x35: {  	v14 =	vld [tilespmem:s24+$0x4F70];
	v6 =	vadd.f32 v6, v9  }
0x36: {  	v9 =	vld [tilespmem:s24+$0x4F60];
	v8 =	vadd.f32 v10, v7  }
0x37: {  	v4 =	vadd.f32 v4, v6;
	v7 =	vld [tilespmem:s24+$0x9F10]  }
0x38: {  	v10 =	vld [tilespmem:s24+$0x9F60];
	v6 =	vand.u32 $0x7FFFFFFF, v8  }
0x39: {  	v3 =	vadd.f32 v3, v5;
	v5 =	vand.u32 $0x7FFFFFFF, v4;
	v6 =	vsub.f32 $0.0e+00, v6  }
0x3a: {  	s25 =	simm.s32 $0x80;
	v15 =	vld [tilespmem:s24+$0x9F00];
	v13 =	vadd.f32 v13, v14;
	v5 =	vsub.f32 $0.0e+00, v5  }
0x3b: {  	v17 =	vld [tilespmem:s25+$0x9F50];
	v0 =	vadd.f32 v0, v11;
	v9 =	vadd.f32 v12, v9;
	v11 =	vmul.f32 $1.442695020e+00, v6  }
0x3c: {  	v20 =	vld [tilespmem:s25+$0x4F10];
	v6 =	vadd.f32 v2, v13;
	v2 =	vadd.f32 v7, v3;
	v3 =	vmul.f32 $1.442695020e+00, v5  }
0x3d: {  	v22 =	vld [tilespmem:s25+$0x4F20];
	v0 =	vadd.f32 v1, v0;
	v7 =	vadd.f32 v10, v9;
	(erf) = vpow2.f32 v11  }
0x3e: {  	v23 =	vld [tilespmem:s25+$0x7760];
	v9 =	vand.u32 $0x7FFFFFFF, v6;
	v2 =	vsub.f32 $0.0e+00, v2;
	(erf) = vpow2.f32 v3  }
0x3f: {  	v25 =	vld [tilespmem:s25+$0x7770];
	v9 =	vsub.f32 $0.0e+00, v9  }
0x40: {  	v27 =	vld [tilespmem:s25+$0x4F40];
	v0 =	vsub.f32 $0.0e+00, v0;
	v10 =	vand.u32 $0x7FFFFFFF, v7;
	v2 =	vmul.f32 $1.442695020e+00, v2  }
0x41: {  	v28 =	vld [tilespmem:s25+$0x4F50];
	v10 =	vsub.f32 $0.0e+00, v10;
	v9 =	vmul.f32 $1.442695020e+00, v9  }
0x42: {  	v14 =	vld [tilespmem:s24+$0x4F00];
	v0 =	vmul.f32 $1.442695020e+00, v0;
	(erf) = vpow2.f32 v2  }
0x43: {  	v1 =	vld [tilespmem:s24+$0x7730];
	v10 =	vmul.f32 $1.442695020e+00, v10;
	(erf) = vpow2.f32 v9  }
0x44: {  	v12 =	vld [tilespmem:s24+$0x7700];
	(erf) = vpow2.f32 v0  }
0x45: {  	v3 =	vld [tilespmem:s24+$0x4F30];
	(erf) = vpow2.f32 v10  }
0x46: {  	v0 =	vld [tilespmem:s25+$0x4F00];
	v16 =	vpop (erf)  }
0x47: {  	v10 =	vld [tilespmem:s25+$0x7700];
	v18 =	vadd.f32 $2.000000000e+00, v16;
	v19 =	vpop (erf)  }
0x48: {  	v5 =	vld [tilespmem:s24+$0x9F30];
	v21 =	vadd.f32 $2.000000000e+00, v19  }
0x49: {  	v13 =	vld [tilespmem:s25+$0x9F00];
	(erf) = vrcp.f32 v18  }
0x4a: {  	v11 =	vld [tilespmem:s25+$0x7720];
	(erf) = vrcp.f32 v21  }
0x4b: {  	v12 =	vadd.f32 v12, v14;
	v2 =	vld [tilespmem:s25+$0x9F20];
	v14 =	vpop (erf)  }
0x4c: {  	v9 =	vld [tilespmem:s25+$0x7710];
	v1 =	vadd.f32 v1, v3;
	v0 =	vadd.f32 v10, v0;
	v24 =	vpop (erf)  }
0x4d: {  	v12 =	vadd.f32 v15, v12;
	v18 =	vld [tilespmem:s25+$0x7730];
	v15 =	vpop (erf);
	v10 =	vadd.f32 $2.000000000e+00, v24  }
0x4e: {  	v1 =	vadd.f32 v5, v1;
	v21 =	vld [tilespmem:s25+$0x4F30];
	v0 =	vadd.f32 v13, v0;
	v26 =	vpop (erf)  }
0x4f: {  	v35 =	vmax.f32 v8, $0.0e+00;
	v3 =	vld [tilespmem:s25+$0x7750];
	v5 =	vadd.f32 $2.000000000e+00, v26;
	(erf) = vrcp.f32 v10  }
0x50: {  	v4 =	vmax.f32 v4, $0.0e+00;
	v12 =	vsub.f32 $0.0e+00, v12;
	v13 =	vsub.f32 $0.0e+00, v1;
	v10 =	vld [tilespmem:s25+$0x7740]  }
0x51: {  	v1 =	vadd.f32 v11, v22;
	v11 =	vadd.f32 v9, v20;
	v9 =	vld [tilespmem:s25+$0x9F40];
	(erf) = vrcp.f32 v5  }
0x52: {  	v12 =	vmul.f32 $1.442695020e+00, v12;
	v14 =	vadd.f32 $1.000000000e+00, v14;
	v20 =	vsub.f32 $0.0e+00, v0;
	v5 =	vld [tilespmem:s25+$0x4F60];
	v0 =	vpop (erf)  }
0x53: {  	v1 =	vadd.f32 v2, v1;
	v13 =	vmul.f32 $1.442695020e+00, v13;
	v18 =	vadd.f32 v18, v21;
	v21 =	vld [tilespmem:s25+$0x4F70];
	v2 =	vpop (erf)  }
0x54: {  	v22 =	vmul.f32 v0, v16;
	v0 =	vld [tilespmem:s25+$0x9F60];
	v19 =	vmul.f32 v2, v19;
	v2 =	vadd.f32 v3, v28  }
0x55: {  	(erf) = vpow2.f32 v12;
	v10 =	vadd.f32 v10, v27;
	v16 =	vld [tilespmem:s25+$0x9F70];
	v3 =	vsub.f32 $0.0e+00, v1  }
0x56: {  	v28 =	vmul.f32 v22, v22;
	v27 =	vmul.f32 v19, v19;
	v1 =	vadd.f32 v17, v2  }
0x57: {  	v17 =	vmul.f32 $1.442695020e+00, v3;
	v2 =	vadd.f32 v23, v5;
	v3 =	vadd.f32 v9, v10  }
0x58: {  	v5 =	vadd.f32 v25, v21;
	v23 =	vld [tilespmem:s25+$0x9F10];
	v9 =	vpop (erf);
	v25 =	vmul.f32 $2.222222240e-01, v28;
	v10 =	vmul.f32 $2.222222240e-01, v27  }
0x59: {  	v2 =	vadd.f32 v0, v2;
	v0 =	vand.u32 $0x7FFFFFFF, v3;
	v9 =	vmul.f32 v9, v24  }
0x5a: {  	v21 =	vand.u32 $0x7FFFFFFF, v1;
	v29 =	vpop (erf);
	v12 =	vsub.f32 $0.0e+00, v0;
	v0 =	vadd.f32 v16, v5  }
0x5b: {  	v24 =	vld [tilespmem:s25+$0x9F30];
	v5 =	vsub.f32 $0.0e+00, v21;
	v26 =	vmul.f32 v29, v26;
	v21 =	vmul.f32 v9, v9  }
0x5c: {  	v16 =	vand.u32 $0x7FFFFFFF, v2;
	v10 =	vadd.f32 $2.857142980e-01, v10;
	v12 =	vmul.f32 $1.442695020e+00, v12  }
0x5d: {  	v29 =	vand.u32 $0x7FFFFFFF, v0;
	v11 =	vadd.f32 v23, v11;
	v16 =	vsub.f32 $0.0e+00, v16  }
0x5e: {  	(erf) = vpow2.f32 v12;
	v12 =	vmul.f32 $1.442695020e+00, v5;
	v5 =	vadd.f32 $2.857142980e-01, v25  }
0x5f: {  	v30 =	vmul.f32 v26, v26;
	v10 =	vmul.f32 v10, v27;
	v11 =	vsub.f32 $0.0e+00, v11  }
0x60: {  	v23 =	vsub.f32 $0.0e+00, v29;
	v18 =	vadd.f32 v24, v18;
	v25 =	vmul.f32 v5, v28  }
0x61: {  	v10 =	vadd.f32 $4.000000060e-01, v10;
	v11 =	vmul.f32 $1.442695020e+00, v11;
	(erf) = vpow2.f32 v12  }
0x62: {  	s26 =	simm.s32 $0x100;
	v15 =	vadd.f32 $1.000000000e+00, v15;
	v24 =	vmul.f32 $1.442695020e+00, v16;
	v23 =	vmul.f32 $1.442695020e+00, v23  }
0x63: {  	v33 =	vld [tilespmem:s26+$0x7700];
	v10 =	vmul.f32 v10, v27;
	v12 =	vadd.f32 $4.000000060e-01, v25;
	(erf) = vpow2.f32 v11  }
0x64: {  	v36 =	vld [tilespmem:s26+$0x4F20];
	v5 =	vsub.f32 $0.0e+00, v18;
	(erf) = vpow2.f32 v23;
	v23 =	vmul.f32 $2.222222240e-01, v21  }
0x65: {  	v37 =	vld [tilespmem:s26+$0x7730];
	v18 =	vpop (erf);
	v10 =	vadd.f32 $6.666666860e-01, v10;
	(erf) = vpow2.f32 v17;
	v12 =	vmul.f32 v12, v28  }
0x66: {  	v38 =	vld [tilespmem:s26+$0x7760];
	v11 =	vadd.f32 $1.000000000e+00, v18;
	(erf) = vpow2.f32 v24;
	v24 =	vmul.f32 $2.222222240e-01, v30  }
0x67: {  	v59 =	vld [tilespmem:s26+$0x4F40];
	v10 =	vmul.f32 v10, v27;
	v12 =	vadd.f32 $6.666666860e-01, v12;
	(erf) = vrcp.f32 v15  }
0x68: {  	v29 =	vld [tilespmem:s26+$0x7710];
	v23 =	vadd.f32 $2.857142980e-01, v23;
	v24 =	vadd.f32 $2.857142980e-01, v24;
	(erf) = vrcp.f32 v11  }
0x69: {  	v15 =	vld [tilespmem:s26+$0x4F00];
	v31 =	vpop (erf);
	v10 =	vadd.f32 $2.000000000e+00, v10;
	v12 =	vmul.f32 v12, v28;
	(erf) = vpow2.f32 v13  }
0x6a: {  	v18 =	vld [tilespmem:s26+$0x9F00];
	v32 =	vadd.f32 $2.000000000e+00, v31;
	v13 =	vmul.f32 v23, v21;
	v24 =	vmul.f32 v24, v30;
	v34 =	vpop (erf)  }
0x6b: {  	v23 =	vld [tilespmem:s26+$0x4F10];
	v10 =	vmul.f32 v10, v19;
	v12 =	vadd.f32 $2.000000000e+00, v12;
	v27 =	vadd.f32 $2.000000000e+00, v34  }
0x6c: {  	v40 =	vld [tilespmem:s26+$0x4F50];
	v16 =	vmul.f32 $1.442695020e+00, v20;
	v13 =	vadd.f32 $4.000000060e-01, v13;
	v24 =	vadd.f32 $4.000000060e-01, v24  }
0x6d: {  	v20 =	vld [tilespmem:s26+$0x7720];
	v8 =	vpop (erf);
	(erf) = vrcp.f32 v32;
	v4 =	vadd.f32 v10, v4;
	v12 =	vmul.f32 v12, v22  }
0x6e: {  	v56 =	vpop (erf);
	(erf) = vrcp.f32 v27;
	v22 =	vadd.f32 v33, v15;
	v27 =	vld [tilespmem:s26+$0x4F30];
	v19 =	vmul.f32 v13, v21  }
0x6f: {  	v25 =	vld [tilespmem:s26+$0x9F20];
	v57 =	vadd.f32 $2.000000000e+00, v56;
	v24 =	vmul.f32 v24, v30;
	v15 =	vpop (erf);
	v12 =	vadd.f32 v12, v35  }
0x70: {  	(erf) = vrcp.f32 v14;
	v29 =	vadd.f32 v29, v23;
	v23 =	vld [tilespmem:s26+$0x7750];
	v58 =	vpop (erf);
	v14 =	vadd.f32 v18, v22  }
0x71: {  	v6 =	vmax.f32 v6, $0.0e+00;
	v11 =	vld [tilespmem:s26+$0x9F30];
	v19 =	vadd.f32 $6.666666860e-01, v19;
	v22 =	vadd.f32 $6.666666860e-01, v24;
	v13 =	vpop (erf)  }
0x72: {  	v60 =	vld [tilespmem:s26+$0x7740];
	v24 =	vmax.f32 v7, $0.0e+00;
	v7 =	vpop (erf);
	v39 =	vsub.f32 $0.0e+00, v14;
	v14 =	vadd.f32 $2.000000000e+00, v58  }
0x73: {  	v17 =	vld [tilespmem:s26+$0x9F70];
	v7 =	vmul.f32 v12, v7;
	v27 =	vadd.f32 v37, v27;
	v22 =	vmul.f32 v22, v30;
	v12 =	vpop (erf)  }
0x74: {  	v28 =	vld [tilespmem:s26+$0x9F50];
	(erf) = vrcp.f32 v57;
	v30 =	vadd.f32 $1.000000000e+00, v12;
	v12 =	vadd.f32 v20, v36  }
0x75: {  	v18 =	vld [tilespmem:s26+$0x7770];
	v23 =	vadd.f32 v23, v40;
	[tilespmem:s24+$0xC700] =	vst v7;
	v7 =	vmul.f32 v19, v21;
	v19 =	vadd.f32 $2.000000000e+00, v22  }
0x76: {  	(erf) = vrcp.f32 v14;
	v21 =	vadd.f32 v11, v27;
	v11 =	vpop (erf);
	v27 =	vld [tilespmem:s26+$0x4F70];
	v20 =	vadd.f32 v25, v12  }
0x77: {  	v22 =	vld [tilespmem:s26+$0x4F60];
	v14 =	vmul.f32 v11, v31;
	v11 =	vpop (erf);
	v7 =	vadd.f32 $2.000000000e+00, v7;
	v25 =	vmul.f32 v19, v26  }
0x78: {  	v10 =	vld [tilespmem:s26+$0x9F40];
	v31 =	vadd.f32 v60, v59;
	(erf) = vrcp.f32 v30;
	v12 =	vmul.f32 v11, v34  }
0x79: {  	v26 =	vld [tilespmem:s26+$0x9F60];
	v11 =	vsub.f32 $0.0e+00, v20;
	v7 =	vmul.f32 v7, v9;
	v9 =	vpop (erf);
	v20 =	vmul.f32 v14, v14  }
0x7a: {  	v24 =	vadd.f32 v25, v24;
	v19 =	vmul.f32 v12, v12;
	v9 =	vmul.f32 v4, v9  }
0x7b: {  	v4 =	vadd.f32 v28, v23;
	v61 =	vadd.f32 v7, v6;
	v23 =	vmul.f32 $1.442695020e+00, v11  }
0x7c: {  	v6 =	vadd.f32 v38, v22;
	v11 =	vadd.f32 v18, v27;
	v28 =	vmul.f32 $2.222222240e-01, v20;
	[tilespmem:s24+$0xC710] =	vst v9  }
0x7d: {  	v18 =	vpop (erf);
	(erf) = vpow2.f32 v16;
	v22 =	vmul.f32 $2.222222240e-01, v19;
	v9 =	vadd.f32 v10, v31;
	v31 =	vld [tilespmem:s26+$0x9F10]  }
0x7e: {  	v27 =	vand.u32 $0x7FFFFFFF, v4;
	v7 =	vadd.f32 v26, v6;
	v6 =	vadd.f32 v17, v11  }
0x7f: {  	v10 =	vmul.f32 v18, v56;
	v30 =	vpop (erf);
	v26 =	vsub.f32 $0.0e+00, v27;
	v17 =	vand.u32 $0x7FFFFFFF, v9  }
0x80: {  	v11 =	vmul.f32 v30, v58;
	v17 =	vsub.f32 $0.0e+00, v17;
	v18 =	vand.u32 $0x7FFFFFFF, v6  }
0x81: {  	v16 =	vmul.f32 v10, v10;
	v27 =	vand.u32 $0x7FFFFFFF, v7;
	v30 =	vsub.f32 $0.0e+00, v18  }
0x82: {  	v18 =	vmul.f32 v11, v11;
	v17 =	vmul.f32 $1.442695020e+00, v17;
	v25 =	vadd.f32 v31, v29  }
0x83: {  	v29 =	vsub.f32 $0.0e+00, v27;
	v27 =	vmul.f32 $1.442695020e+00, v26;
	v31 =	vadd.f32 $2.857142980e-01, v28  }
0x84: {  	v63 =	vpop (erf);
	v28 =	vmul.f32 $1.442695020e+00, v30;
	v26 =	vadd.f32 $2.857142980e-01, v22;
	(erf) = vpow2.f32 v17  }
0x85: {  	v22 =	vsub.f32 $0.0e+00, v21;
	v21 =	vmul.f32 v61, v63;
	v62 =	vsub.f32 $0.0e+00, v25  }
0x86: {  	v25 =	vmul.f32 $1.442695020e+00, v29;
	v29 =	vmul.f32 v31, v20  }
0x87: {  	s28 =	simm.s32 $0x600;
	v17 =	vmul.f32 $1.442695020e+00, v39;
	v30 =	vmul.f32 $1.442695020e+00, v62  }
.LBB2_3:
0x88: {  	s29 =	sshra.s32 s28, $0x2;
	p0 =	sne.s32 s28, $0x9E00;
	s28 =	sadd.s32 $0x200, s28;
	(erf) = vpow2.f32 v27;
	v27 =	vadd.f32 $4.000000060e-01, v29;
	v29 =	vpop (erf);
	v13 =	vmul.f32 v24, v13  }
0x89: {  	v26 =	vmul.f32 v26, v19;
	v24 =	vld [tilespmem:s29+$0x7720];
	(erf) = vpow2.f32 v30;
	v29 =	vadd.f32 $1.000000000e+00, v29;
	[tilespmem:s24+$0xC730] =	vst v21  }
0x8a: {  	v15 =	vadd.f32 $1.000000000e+00, v15;
	v32 =	vmul.f32 $2.222222240e-01, v16;
	v30 =	vld [tilespmem:s29+$0x9F00];
	(erf) = vpow2.f32 v28;
	[tilespmem:s24+$0xC720] =	vst v13;
	s24 =	smov.u32 s25;
	s25 =	smov.u32 s26;
	s26 =	smov.u32 s29  }
0x8b: {  	v13 =	vmul.f32 v27, v20;
	v31 =	vld [tilespmem:s26+$0x9F20];
	(erf) = vpow2.f32 v23;
	v23 =	vadd.f32 $4.000000060e-01, v26  }
0x8c: {  	v26 =	vadd.f32 $2.857142980e-01, v32;
	v21 =	vld [tilespmem:s26+$0x9F70];
	(erf) = vpow2.f32 v25;
	v25 =	vmul.f32 $2.222222240e-01, v18  }
0x8d: {  	v13 =	vadd.f32 $6.666666860e-01, v13;
	v27 =	vld [tilespmem:s26+$0x7710];
	v28 =	vpop (erf);
	v23 =	vmul.f32 v23, v19;
	(erf) = vrcp.f32 v15  }
0x8e: {  	v33 =	vmul.f32 $1.442695020e+00, v5;
	v5 =	vmovc v22;
	v15 =	vld [tilespmem:s26+$0x4F00];
	v32 =	vadd.f32 $2.000000000e+00, v28;
	v25 =	vadd.f32 $2.857142980e-01, v25  }
0x8f: {  	v13 =	vmul.f32 v13, v20;
	v22 =	vld [tilespmem:s26+$0x7700];
	v20 =	vadd.f32 $6.666666860e-01, v23;
	(erf) = vrcp.f32 v29  }
0x90: {  	v29 =	vadd.f32 $1.000000000e+00, v8;
	v23 =	vld [tilespmem:s26+$0x9F30];
	v25 =	vmul.f32 v25, v18;
	(erf) = vpow2.f32 v33  }
0x91: {  	v13 =	vadd.f32 $2.000000000e+00, v13;
	v33 =	vld [tilespmem:s26+$0x9F50];
	v34 =	vpop (erf);
	v19 =	vmul.f32 v20, v19;
	v20 =	vmul.f32 v26, v16  }
0x92: {  	v3 =	vmax.f32 v3, $0.0e+00;
	v26 =	vld [tilespmem:s26+$0x4F10];
	v35 =	vadd.f32 $2.000000000e+00, v34;
	v8 =	vpop (erf);
	v25 =	vadd.f32 $4.000000060e-01, v25  }
0x93: {  	v36 =	vld [tilespmem:s26+$0x4F20];
	(erf) = vrcp.f32 v32;
	v32 =	vpop (erf);
	v19 =	vadd.f32 $2.000000000e+00, v19;
	v20 =	vadd.f32 $4.000000060e-01, v20  }
0x94: {  	v40 =	vmul.f32 v13, v14;
	v22 =	vadd.f32 v22, v15;
	v37 =	vld [tilespmem:s26+$0x7730];
	(erf) = vrcp.f32 v35;
	v15 =	vpop (erf)  }
0x95: {  	v35 =	vadd.f32 $2.000000000e+00, v32;
	v14 =	vld [tilespmem:s26+$0x4F30];
	v38 =	vpop (erf);
	v19 =	vmul.f32 v19, v12;
	v12 =	vmul.f32 v25, v18  }
0x96: {  	v39 =	vadd.f32 v40, v3;
	v20 =	vmul.f32 v20, v16;
	v25 =	vld [tilespmem:s26+$0x7760];
	(erf) = vrcp.f32 v29;
	v13 =	vpop (erf)  }
0x97: {  	v3 =	vmovc v9;
	v22 =	vadd.f32 v30, v22;
	v29 =	vld [tilespmem:s26+$0x7770];
	(erf) = vrcp.f32 v35;
	v12 =	vadd.f32 $6.666666860e-01, v12  }
0x98: {  	v26 =	vadd.f32 v27, v26;
	v27 =	vmax.f32 v2, $0.0e+00;
	v20 =	vadd.f32 $6.666666860e-01, v20;
	v9 =	vld [tilespmem:s26+$0x7750];
	v2 =	vpop (erf)  }
0x99: {  	v35 =	vadd.f32 $2.000000000e+00, v38;
	v22 =	vsub.f32 $0.0e+00, v22;
	v30 =	vld [tilespmem:s26+$0x4F40];
	v39 =	vmul.f32 v39, v2;
	v2 =	vpop (erf)  }
0x9a: {  	v41 =	vmul.f32 v12, v18;
	v40 =	vld [tilespmem:s26+$0x4F50];
	v37 =	vadd.f32 v37, v14;
	v18 =	vadd.f32 $1.000000000e+00, v2;
	v2 =	vmovc v7  }
0x9b: {  	v24 =	vadd.f32 v24, v36;
	v16 =	vmul.f32 v20, v16;
	v7 =	vld [tilespmem:s26+$0x7740];
	(erf) = vrcp.f32 v35;
	[tilespmem:s24+$0xC700] =	vst v39  }
0x9c: {  	v20 =	vadd.f32 $2.000000000e+00, v41;
	v35 =	vadd.f32 v23, v37;
	v36 =	vld [tilespmem:s26+$0x4F70];
	v14 =	vpop (erf);
	v37 =	vmax.f32 v1, $0.0e+00  }
0x9d: {  	v16 =	vadd.f32 $2.000000000e+00, v16;
	v23 =	vadd.f32 v31, v24;
	v24 =	vld [tilespmem:s26+$0x4F60];
	v14 =	vmul.f32 v14, v28;
	v12 =	vpop (erf)  }
0x9e: {  	v1 =	vmovc v4;
	v31 =	vadd.f32 v19, v37;
	v28 =	vld [tilespmem:s26+$0x9F60];
	v12 =	vmul.f32 v12, v34;
	v34 =	vmax.f32 v0, $0.0e+00;
	v0 =	vmovc v6  }
0x9f: {  	v37 =	vmul.f32 v20, v11;
	v4 =	vmul.f32 v16, v10;
	v23 =	vsub.f32 $0.0e+00, v23;
	v6 =	vld [tilespmem:s26+$0x9F40];
	v10 =	vpop (erf)  }
0xa0: {  	v9 =	vadd.f32 v9, v40;
	v19 =	vmul.f32 v12, v12;
	v11 =	vpop (erf);
	v10 =	vmul.f32 v31, v10  }
0xa1: {  	v20 =	vmul.f32 v14, v14;
	v7 =	vadd.f32 v7, v30;
	v31 =	vadd.f32 v4, v34  }
0xa2: {  	v23 =	vmul.f32 $1.442695020e+00, v23;
	v4 =	vadd.f32 v33, v9;
	[tilespmem:s24+$0xC710] =	vst v10;
	(erf) = vrcp.f32 v18  }
0xa3: {  	v16 =	vadd.f32 v29, v36;
	v10 =	vadd.f32 v25, v24;
	v25 =	vmul.f32 $2.222222240e-01, v19  }
0xa4: {  	v29 =	vmul.f32 $2.222222240e-01, v20;
	v18 =	vand.u32 $0x7FFFFFFF, v4;
	v9 =	vadd.f32 v6, v7;
	v24 =	vpop (erf)  }
0xa5: {  	v7 =	vadd.f32 v28, v10;
	v6 =	vadd.f32 v21, v16;
	v10 =	vmul.f32 v11, v32;
	v30 =	vld [tilespmem:s26+$0x9F10]  }
0xa6: {  	v11 =	vmul.f32 v24, v38;
	v16 =	vand.u32 $0x7FFFFFFF, v9;
	(erf) = vpow2.f32 v17  }
0xa7: {  	v21 =	vsub.f32 $0.0e+00, v18;
	v17 =	vsub.f32 $0.0e+00, v16;
	v16 =	vmul.f32 v10, v10  }
0xa8: {  	v28 =	vand.u32 $0x7FFFFFFF, v7;
	v24 =	vand.u32 $0x7FFFFFFF, v6;
	v18 =	vmul.f32 v11, v11  }
0xa9: {  	v32 =	vsub.f32 $0.0e+00, v24;
	v24 =	vadd.f32 v37, v27;
	v17 =	vmul.f32 $1.442695020e+00, v17  }
.Ltmp0:
0xaa: {  	v27 =	vmul.f32 $1.442695020e+00, v21;
	v21 =	vsub.f32 $0.0e+00, v28;
	v30 =	vadd.f32 v30, v26;
	(pc) =	sbr.rel @p0 .LBB2_3-.Ltmp0, $4  }
0xab: {  	v29 =	vadd.f32 $2.857142980e-01, v29;
	v26 =	vadd.f32 $2.857142980e-01, v25;
	(erf) = vpow2.f32 v17;
	v33 =	vpop (erf)  }
0xac: {  	v28 =	vmul.f32 $1.442695020e+00, v32;
	v25 =	vmul.f32 $1.442695020e+00, v21;
	v30 =	vsub.f32 $0.0e+00, v30  }
0xad: {  	v29 =	vmul.f32 v29, v20;
	v17 =	vmul.f32 $1.442695020e+00, v22;
	v22 =	vsub.f32 $0.0e+00, v35  }
0xae: {  	v21 =	vmul.f32 v31, v33;
	v30 =	vmul.f32 $1.442695020e+00, v30  }
0xaf: {  	(erf) = vpow2.f32 v27  }
0xb0: {  	(erf) = vpow2.f32 v30  }
0xb1: {  	(erf) = vpow2.f32 v28  }
0xb2: {  	v61 =	vpop (erf);
	v15 =	vadd.f32 $1.000000000e+00, v15;
	(erf) = vpow2.f32 v23  }
0xb3: {  	v62 =	vadd.f32 $1.000000000e+00, v61;
	(erf) = vpow2.f32 v25  }
0xb4: {  	v5 =	vmul.f32 $1.442695020e+00, v5;
	(erf) = vrcp.f32 v15  }
0xb5: {  	(erf) = vrcp.f32 v62  }
0xb6: {  	(erf) = vpow2.f32 v5  }
0xb7: {  	v63 =	vpop (erf)  }
0xb8: {  	v36 =	vpop (erf)  }
0xb9: {  	v39 =	vadd.f32 $4.000000060e-01, v29;
	v23 =	vpop (erf)  }
0xba: {  	v38 =	vpop (erf)  }
0xbb: {  	v28 =	vmul.f32 v39, v20;
	v37 =	vadd.f32 $2.000000000e+00, v63;
	v41 =	vpop (erf)  }
0xbc: {  	v26 =	vmul.f32 v26, v19;
	v34 =	vmul.f32 $2.222222240e-01, v16;
	v40 =	vadd.f32 $2.000000000e+00, v36;
	v42 =	vpop (erf)  }
0xbd: {  	v8 =	vadd.f32 $1.000000000e+00, v8;
	v28 =	vadd.f32 $6.666666860e-01, v28;
	(erf) = vrcp.f32 v37;
	v31 =	vpop (erf)  }
0xbe: {  	v48 =	vadd.f32 $2.857142980e-01, v34;
	(erf) = vrcp.f32 v40;
	v43 =	vadd.f32 $2.000000000e+00, v38;
	v44 =	vpop (erf)  }
0xbf: {  	v47 =	vmul.f32 v28, v20;
	(erf) = vrcp.f32 v8;
	v45 =	vadd.f32 $2.000000000e+00, v42;
	v33 =	vpop (erf)  }
0xc0: {  	v28 =	vmul.f32 v48, v16;
	(erf) = vrcp.f32 v43;
	v33 =	vadd.f32 $1.000000000e+00, v33  }
0xc1: {  	v32 =	vmul.f32 $2.222222240e-01, v18;
	(erf) = vrcp.f32 v45  }
0xc2: {  	v20 =	vadd.f32 $2.000000000e+00, v47;
	v52 =	vadd.f32 $4.000000060e-01, v28;
	(erf) = vrcp.f32 v33  }
0xc3: {  	v26 =	vadd.f32 $4.000000060e-01, v26;
	(erf) = vpow2.f32 v17  }
0xc4: {  	v46 =	vadd.f32 $2.857142980e-01, v32;
	v14 =	vmul.f32 v20, v14;
	v55 =	vmul.f32 v52, v16  }
0xc5: {  	v3 =	vmax.f32 v3, $0.0e+00;
	v26 =	vmul.f32 v26, v19  }
0xc6: {  	v50 =	vmul.f32 v46, v18;
	v3 =	vadd.f32 v14, v3;
	v14 =	vadd.f32 $6.666666860e-01, v55;
	v53 =	vpop (erf)  }
0xc7: {  	v13 =	vmul.f32 v24, v13;
	v22 =	vmul.f32 $1.442695020e+00, v22;
	v54 =	vpop (erf)  }
0xc8: {  	v49 =	vadd.f32 $6.666666860e-01, v26;
	v51 =	vadd.f32 $4.000000060e-01, v50;
	v14 =	vmul.f32 v14, v16;
	v56 =	vpop (erf)  }
0xc9: {  	v3 =	vmul.f32 v3, v44;
	v5 =	vmul.f32 v53, v63;
	v33 =	vadd.f32 $1.000000000e+00, v41;
	v58 =	vpop (erf)  }
0xca: {  	v2 =	vmax.f32 v2, $0.0e+00;
	v17 =	vmul.f32 v49, v19;
	v19 =	vmul.f32 v51, v18;
	v60 =	vpop (erf)  }
0xcb: {  	v1 =	vmax.f32 v1, $0.0e+00;
	v61 =	vmul.f32 v5, v5;
	(erf) = vrcp.f32 v33;
	v62 =	vpop (erf)  }
0xcc: {  	v57 =	vadd.f32 $6.666666860e-01, v19;
	v59 =	vmul.f32 v54, v36;
	v19 =	vmul.f32 v58, v38;
	v32 =	vpop (erf)  }
0xcd: {  	v34 =	vmul.f32 $2.222222240e-01, v61;
	v15 =	vmul.f32 v60, v42;
	v26 =	vadd.f32 $1.000000000e+00, v32  }
0xce: {  	v0 =	vmax.f32 v0, $0.0e+00;
	v63 =	vmul.f32 v59, v59;
	v35 =	vmul.f32 v19, v19  }
0xcf: {  	v9 =	vmax.f32 v9, $0.0e+00;
	v37 =	vmul.f32 v15, v15;
	(erf) = vrcp.f32 v26  }
0xd0: {  	v23 =	vadd.f32 $1.000000000e+00, v23;
	v36 =	vmul.f32 $2.222222240e-01, v63;
	(erf) = vpow2.f32 v22  }
0xd1: {  	v17 =	vadd.f32 $2.000000000e+00, v17;
	v38 =	vadd.f32 $2.857142980e-01, v34;
	v40 =	vmul.f32 $2.222222240e-01, v37  }
0xd2: {  	v14 =	vadd.f32 $2.000000000e+00, v14;
	v39 =	vmul.f32 $2.222222240e-01, v35;
	v22 =	vadd.f32 $2.857142980e-01, v36  }
0xd3: {  	v12 =	vmul.f32 v17, v12;
	v41 =	vmul.f32 v38, v61;
	v43 =	vadd.f32 $2.857142980e-01, v40  }
0xd4: {  	v17 =	vmul.f32 v57, v18;
	v42 =	vadd.f32 $2.857142980e-01, v39;
	v22 =	vmul.f32 v22, v63  }
0xd5: {  	v1 =	vadd.f32 v12, v1;
	v12 =	vadd.f32 $4.000000060e-01, v41;
	v46 =	vmul.f32 v43, v37  }
0xd6: {  	v17 =	vadd.f32 $2.000000000e+00, v17;
	v44 =	vmul.f32 v42, v35;
	v45 =	vadd.f32 $4.000000060e-01, v22  }
0xd7: {  	v10 =	vmul.f32 v14, v10;
	v47 =	vpop (erf);
	v12 =	vmul.f32 v12, v61;
	v22 =	vadd.f32 $4.000000060e-01, v46  }
0xd8: {  	v11 =	vmul.f32 v17, v11;
	v17 =	vadd.f32 $4.000000060e-01, v44;
	v14 =	vmul.f32 v45, v63;
	v48 =	vpop (erf)  }
0xd9: {  	v12 =	vadd.f32 $6.666666860e-01, v12;
	(erf) = vrcp.f32 v23;
	v22 =	vmul.f32 v22, v37;
	v49 =	vpop (erf)  }
0xda: {  	v17 =	vmul.f32 v17, v35;
	v14 =	vadd.f32 $6.666666860e-01, v14;
	v28 =	vadd.f32 $1.000000000e+00, v49  }
0xdb: {  	v4 =	vmax.f32 v4, $0.0e+00;
	v12 =	vmul.f32 v12, v61;
	v51 =	vadd.f32 $6.666666860e-01, v22  }
0xdc: {  	v17 =	vadd.f32 $6.666666860e-01, v17;
	v50 =	vmul.f32 v14, v63;
	(erf) = vrcp.f32 v28  }
0xdd: {  	v0 =	vadd.f32 v10, v0;
	v52 =	vadd.f32 $2.000000000e+00, v12;
	v14 =	vmul.f32 v51, v37  }
0xde: {  	v1 =	vmul.f32 v1, v56;
	v53 =	vmul.f32 v17, v35;
	v10 =	vadd.f32 $2.000000000e+00, v50  }
0xdf: {  	[tilespmem:s24+$0xC730] =	vst v21;
	v2 =	vadd.f32 v11, v2;
	v5 =	vmul.f32 v52, v5;
	v55 =	vadd.f32 $2.000000000e+00, v14  }
0xe0: {  	[tilespmem:s24+$0xC720] =	vst v13;
	v0 =	vmul.f32 v0, v62;
	v54 =	vadd.f32 $2.000000000e+00, v53;
	v8 =	vmul.f32 v10, v59  }
0xe1: {  	[tilespmem:s25+$0xC700] =	vst v3;
	v2 =	vmul.f32 v2, v31;
	v56 =	vadd.f32 v5, v9;
	v60 =	vmul.f32 v55, v15  }
0xe2: {  	[tilespmem:s25+$0xC710] =	vst v1;
	v61 =	vmax.f32 v7, $0.0e+00;
	v57 =	vmul.f32 v54, v19;
	v58 =	vadd.f32 v8, v4  }
0xe3: {  	[tilespmem:s25+$0xC730] =	vst v0;
	v3 =	vmul.f32 v56, v48;
	v62 =	vpop (erf);
	v59 =	vmax.f32 v6, $0.0e+00;
	v0 =	vadd.f32 v60, v61  }
0xe4: {  	[tilespmem:s25+$0xC720] =	vst v2;
	v4 =	vadd.f32 v57, v59;
	v1 =	vmul.f32 v58, v62  }
0xe5: {  	[tilespmem:s26+$0xC700] =	vst v3;
	v0 =	vmul.f32 v0, v47;
	v63 =	vpop (erf)  }
0xe6: {  	s22 =	sadd.s32 $0x1, s22;
	[tilespmem:s26+$0xC710] =	vst v1;
	v2 =	vmul.f32 v4, v63  }
0xe7: {  	p0 =	sne.s32 s22, $0x7D;
	[tilespmem:s26+$0xC720] =	vst v0  }
.Ltmp1:
0xe8: {  	s23 =	sadd.s32 s7, s23;
	[tilespmem:s26+$0xC730] =	vst v2;
	(pc) =	sbr.rel @p0 .LBB2_2-.Ltmp1, $4  }
0xe9: {  	[hbm4b:s23+s2] =	stream.linear.scatter [tilespmem:s20], [sflag:$0x4], $0x2800, $0x38;
	[tilespmem:$0xEF00] =	vst v63  }
0xea: {  	_ =	swait.ge [sflag:s11], $0x2800  }
0xeb: {  	[sflag:s11] =	ssyncset.done $0x0  }
0xec: {  	[sflag:s11] =	ssyncadd.s32 $0xFFFFD800  }
0xed: {  	s21 =	sadd.s32 $0x1, s21  }
0xee: {  	p0 =	sne.s32 s21, s10  }
.Ltmp2:
0xef: {  	_ = 	snop;
	(pc) =	sbr.rel @p0 .LBB2_1-.Ltmp2, $1  }
0xf0: {  	_ =	sdelay $0x3  }
0xf1: {  	_ =	sfence.sel $0x180000  }
0xf2: {  	[bflag:$0x0] =	sbarrier.arrive $0xFFFF  }
0xf3: {  	p0 =	sne.s32 s1, $0x0;
	_ =	strace $0x90000047  }
0xf4: {  	s0 =	sadd.s32 @!p0 $0x100000, s0;
	[bflag:$0x2] =	sbarrier.arrive $0xFFFF  }
0xf5: {  	[sflag:s0] =	ssyncadd.tile.s32 @!p0 $0x1;
	_ =	shalt  }
.Lfunc_end2:
_tile_overlayer_lowered:
.L_overlay_start_2:
0xf6: {  	(tag) =	ssettag $0x2  }
0xf7: {  	s0 =	rddreg [dreg:$0x0];
	s2 =	stileid.u32  }
0xf8: {  	s1 =	rddreg [dreg:$0x1];
	p0 =	sne.s32 s2, $0x0  }
0xf9: {  	s3 =	rddreg [dreg:$0x2];
	[bflag:$0x3] =	sbarrier.arrive $0xFFFF;
	s2 =	simm.s32 @!p0 $0x1C04  }
0xfa: {  	[timem:s3], [sflag:s2] =	dma.local @!p0 [hbm:s0], s1  }
0xfb: {  	s0 =	simm.s32 @!p0 $0x4  }
0xfc: {  	_ =	swait.ge @!p0 [sflag:s0], s1  }
0xfd: {  	s1 =	ssub.s32 @!p0 $0x0, s1;
	[sflag:s0] =	ssyncset.done @!p0 $0x0  }
0xfe: {  	[sflag:s0] =	ssyncadd.s32 @!p0 s1  }
0xff: {  	[bflag:$0x3] =	sbarrier.arrive $0xFFFF  }
0x100: {  	_ =	shalt  }

// kernel: kernel.19.cloned.1.call-start
scs
__scs_entry_jumppad:
0x0: {  	(pc) =	sbr.rel $0x88, $3  }
0x1: {  	(tag) =	ssettag $0x0;
	lr =	simm.s32 $0x1  }
0x2: {  	[smem:$0x3F85] =	sst lr;
	_ =	strace $0xD0000000  }
0x3: {  	_ = 	snop  }
0x4: {  	_ = 	snop  }
0x5: {  	_ = 	snop  }
0x6: {  	_ = 	snop  }
0x7: {  	_ = 	snop  }
__scs_overlays_trampoline_lowered:
0x8: {  	[smem:$0x3F94] =	sst s0  }
0x9: {  	[smem:$0x3F95] =	sst s1  }
0xa: {  	[smem:$0x3F96] =	sst s2  }
0xb: {  	[smem:$0x3F97] =	sst s3  }
0xc: {  	[smem:$0x3F98] =	sst s4  }
0xd: {  	[smem:$0x3F99] =	sst s5  }
0xe: {  	[smem:$0x3F9A] =	sst s6  }
0xf: {  	[smem:$0x3F9B] =	sst s7  }
0x10: {  	[smem:$0x3F9C] =	sst s8  }
0x11: {  	[smem:$0x3F9D] =	sst s9;
	s0 =	simm.s32 @!p0 $0x0  }
0x12: {  	s1 =	sld [smem:$0x3F83];
	s0 =	simm.s32 @p0 $0x1  }
0x13: {  	[smem:$0x3F9E] =	sst s0;
	s0 =	simm.s32 @!p1 $0x0  }
0x14: {  	s2 =	sld [smem:$0x3F82];
	s0 =	simm.s32 @p1 $0x1  }
0x15: {  	[smem:$0x3F9F] =	sst s0;
	s0 =	simm.s32 @!p2 $0x0  }
0x16: {  	s3 =	sld [smem:$0x3FDB];
	s0 =	simm.s32 @p2 $0x1  }
0x17: {  	s4 =	simm.s32 $0x1BF5;
	[smem:$0x3FA1] =	sst s0  }
0x18: {  	s0 =	sld [smem:$0x3F84];
	_ =	swait.ge [sflag:s4], $0x0  }
0x19: {  	s7 =	sld [smem:$0x3F85]  }
0x1a: {  	s8 =	sadd.s32 $0xFFFFE003, lr  }
0x1b: {  	s9 =	sadd.s32 $0xFFFFFEF7, lr;
	s5 =	simm.s32 $0xFFFFFFFF;
	p2 =	slt.u32 s8, $0xFFFFF086  }
0x1c: {  	p1 =	slt.u32 s9, $0xF7A;
	s5 =	simm.s32 @!p2 $0x0  }
0x1d: {  	s5 =	simm.s32 @p1 $0x1;
	p0 =	seq.s32 s7, s2  }
0x1e: {  	s7 =	smul.u32 @!p0 $0xF7A, s2;
	p2 =	seq.s32 @!p0 s5, $0x0  }
0x1f: {  	s9 =	smul.u32 $0xF7A, s1;
	s8 =	simm.s32 @!p0 $0x1BF5;
	p2 =	por !p2, p0  }
0x20: {  	[sflag:s8] =	ssyncset.s32 @!p0 $0xFFFFF086;
	s6 =	sadd.s32 @!p0 s3, s7;
	s7 =	simm.s32 @!p0 $0x108  }
0x21: {  	s3 =	sadd.s32 s3, s9;
	s6 =	sadd.s32 @!p0 $0x88, s6;
	s7 =	simm.s32 @p2 $0x1082  }
0x22: {  	[simem:s7], [sflag:s8] =	dma.local @!p0 [hbm:s6], $0xF7A  }
0x23: {  	s9 =	sor.u32 $0xD0000000, s2;
	s6 =	simm.s32 $0x108;
	_ =	swait.ge @!p0 [sflag:s8], $0x0  }
0x24: {  	s3 =	sadd.s32 $0x88, s3;
	s6 =	simm.s32 @!p1 $0x1082;
	[sflag:s4] =	ssyncset.s32 $0xFFFFF086  }
0x25: {  	[simem:s6], [sflag:s4] =	dma.local [hbm:s3], $0xF7A  }
0x26: {  	[smem:$0x3F85] =	sst s1;
	(tag) =	ssettag s2;
	_ =	strace s9  }
0x27: {  	s1 =	sld [smem:$0x3F95]  }
0x28: {  	s2 =	sld [smem:$0x3F96]  }
0x29: {  	s4 =	sld [smem:$0x3F98]  }
0x2a: {  	p0 =	seq.s32 s5, $0x0;
	s5 =	sld [smem:$0x3F99]  }
0x2b: {  	s6 =	sld [smem:$0x3F9A]  }
0x2c: {  	s7 =	sld [smem:$0x3F9B]  }
0x2d: {  	s3 =	simm.s32 $0x108;
	s8 =	sld [smem:$0x3F9C]  }
0x2e: {  	s3 =	simm.s32 @!p0 $0x1082;
	s9 =	sld [smem:$0x3F9D]  }
0x2f: {  	lr =	sadd.s32 s0, s3;
	s0 =	sld [smem:$0x3F94]  }
0x30: {  	s3 =	sld [smem:$0x3F97]  }
0x31: {  	[smem:$0x3FA0] =	sst s10  }
0x32: {  	s10 =	sld [smem:$0x3F9E];
	_ =	sdelay $0x3  }
0x33: {  	p0 =	seq.s32 s10, $0x1;
	s10 =	sld [smem:$0x3FA0];
	_ =	sdelay $0x3  }
0x34: {  	[smem:$0x3FA0] =	sst s10  }
0x35: {  	s10 =	sld [smem:$0x3F9F];
	_ =	sdelay $0x3  }
0x36: {  	p1 =	seq.s32 s10, $0x1;
	s10 =	sld [smem:$0x3FA0];
	_ =	sdelay $0x3  }
0x37: {  	[smem:$0x3FA0] =	sst s10  }
0x38: {  	s10 =	sld [smem:$0x3FA1]  }
0x39: {  	_ = 	snop;
	(pc) =	sbr.ind lr, $3  }
0x3a: {  	_ = 	snop  }
0x3b: {  	_ = 	snop  }
0x3c: {  	p2 =	seq.s32 s10, $0x1;
	s10 =	sld [smem:$0x3FA0]  }
0x3d: {  	_ =	shalt  }
0x3e: {  	_ =	shalt  }
0x3f: {  	_ =	shalt  }
0x40: {  	_ =	shalt  }
0x41: {  	_ =	shalt  }
0x42: {  	_ =	shalt  }
0x43: {  	_ =	shalt  }
0x44: {  	_ =	shalt  }
0x45: {  	_ =	shalt  }
0x46: {  	_ =	shalt  }
0x47: {  	_ =	shalt  }
0x48: {  	_ =	shalt  }
0x49: {  	_ =	shalt  }
0x4a: {  	_ =	shalt  }
0x4b: {  	_ =	shalt  }
0x4c: {  	_ =	shalt  }
0x4d: {  	_ =	shalt  }
0x4e: {  	_ =	shalt  }
0x4f: {  	_ =	shalt  }
0x50: {  	_ =	shalt  }
0x51: {  	_ =	shalt  }
0x52: {  	_ =	shalt  }
0x53: {  	_ =	shalt  }
0x54: {  	_ =	shalt  }
0x55: {  	_ =	shalt  }
0x56: {  	_ =	shalt  }
0x57: {  	_ =	shalt  }
0x58: {  	_ =	shalt  }
0x59: {  	_ =	shalt  }
0x5a: {  	_ =	shalt  }
0x5b: {  	_ =	shalt  }
0x5c: {  	_ =	shalt  }
0x5d: {  	_ =	shalt  }
0x5e: {  	_ =	shalt  }
0x5f: {  	_ =	shalt  }
0x60: {  	_ =	shalt  }
0x61: {  	_ =	shalt  }
0x62: {  	_ =	shalt  }
0x63: {  	_ =	shalt  }
0x64: {  	_ =	shalt  }
0x65: {  	_ =	shalt  }
0x66: {  	_ =	shalt  }
0x67: {  	_ =	shalt  }
0x68: {  	_ =	shalt  }
0x69: {  	_ =	shalt  }
0x6a: {  	_ =	shalt  }
0x6b: {  	_ =	shalt  }
0x6c: {  	_ =	shalt  }
0x6d: {  	_ =	shalt  }
0x6e: {  	_ =	shalt  }
0x6f: {  	_ =	shalt  }
0x70: {  	_ =	shalt  }
0x71: {  	_ =	shalt  }
0x72: {  	_ =	shalt  }
0x73: {  	_ =	shalt  }
0x74: {  	_ =	shalt  }
0x75: {  	_ =	shalt  }
0x76: {  	_ =	shalt  }
0x77: {  	_ =	shalt  }
0x78: {  	_ =	shalt  }
0x79: {  	_ =	shalt  }
0x7a: {  	_ =	shalt  }
0x7b: {  	_ =	shalt  }
0x7c: {  	_ =	shalt  }
0x7d: {  	_ =	shalt  }
0x7e: {  	_ =	shalt  }
0x7f: {  	_ =	shalt  }
0x80: {  	_ =	shalt  }
0x81: {  	_ =	shalt  }
0x82: {  	_ =	shalt  }
0x83: {  	_ =	shalt  }
0x84: {  	_ =	shalt  }
0x85: {  	_ =	shalt  }
0x86: {  	_ =	shalt  }
0x87: {  	_ =	shalt  }
.Lfunc_end0:
.L_simem_size_0:
called_computation.4_lowered:
.L_overlay_start_0:
0x88: {  	s2 =	sld [smem:$0x3FD9]  }
0x89: {  	s3 =	sld [smem:$0x3FFE];
	_ =	sdelay $0x1  }
0x8a: {  	s1 =	srdreg.scid  }
0x8b: {  	s0 =	sand.u32 $0x1, s1  }
0x8c: {  	s16 =	sshll.u32 s0, $0xA;
	s2 =	sadd.s32 s3, s2  }
0x8d: {  	s2 =	sadd.s32 s2, s16  }
0x8e: {  	[smem:$0x3FAC] =	sst s2  }
0x8f: {  	_ = 	snop  }
0x90: {  	(tm) =	ssettm $0x1  }
0x91: {  	s17 =	sld [smem:$0x3FFB];
	_ =	sdelay $0x3  }
0x92: {  	_ =	strace s17  }
0x93: {  	s2 =	sld [smem:$0x3FFC];
	_ =	sdelay $0x3  }
0x94: {  	_ =	strace s2  }
0x95: {  	s2 =	sld [smem:$0x3FFD];
	_ =	sdelay $0x3  }
0x96: {  	_ =	strace s2  }
0x97: {  	_ =	strace $0x8FFFFFFF  }
0x98: {  	s18 =	sld [smem:$0x3FDB];
	_ =	sdelay $0x1  }
0x99: {  	s19 =	simm.s32 $_scs_section_size  }
0x9a: {  	s4 =	simm.s32 $_size__tile_overlayer_lowered;
	s5 =	simm.s32 $_tile_overlayer_lowered  }
0x9b: {  	s22 =	simm.s32 $0x1BFF;
	s21 =	sshll.u32 s5, $0x1;
	s2 =	sadd.s32 s19, s18  }
0x9c: {  	s6 =	simm.s32 $0x0;
	s20 =	sshll.u32 s4, $0x1;
	s4 =	sadd.s32 s21, s2  }
0x9d: {  	[timem:s6], [sflag:s22] =	dma.local [hbm:s4], s20  }
0x9e: {  	_ =	swait.ge [sflag:s22], s20  }
0x9f: {  	s3 =	ssub.s32 $0x0, s20;
	[sflag:s22] =	ssyncset.done $0x0  }
0xa0: {  	[sflag:s22] =	ssyncadd.s32 s3;
	_ =	sdelay $0x1  }
0xa1: {  	s23 =	simm.s32 $0x1B8B  }
0xa2: {  	_ =	swait.ge [sflag:s23], $0x1  }
0xa3: {  	[sflag:s23] =	ssyncset.done $0x0  }
0xa4: {  	s25 =	simm.s32 $0x1B8E;
	s24 =	sld [smem:$0x3FFE];
	[sflag:s23] =	ssyncadd.s32 $0xFFFFFFFF  }
0xa5: {  	s26 =	simm.s32 $execute0_lowered;
	[smem:$0x3FD2] =	sst s25  }
0xa6: {  	s4 =	sshll.u32 s26, $0x1;
	_ =	strace $0x8000004F;
	[dreg:$0x1] =	wrdreg $0xFFFFFFFF  }
0xa7: {  	s28 =	simm.s32 $_size_execute0_lowered;
	s2 =	sadd.s32 s2, s4;
	[dreg:$0x0] =	wrdreg $0x0  }
0xa8: {  	s4 =	sshll.u32 s28, $0x1;
	[dreg:$0x2] =	wrdreg s2  }
0xa9: {  	[dreg:$0x3] =	wrdreg s4  }
0xaa: {  	[dreg:$0x4] =	wrdreg $0xC0  }
0xab: {  	_ =	task [dreg:s6], $0x5FFFF  }
0xac: {  	[dreg:$0x1] =	wrdreg $0xFFFFFFFF  }
0xad: {  	[dreg:$0x0] =	wrdreg $0x60  }
0xae: {  	[dreg:$0x2] =	wrdreg s24  }
0xaf: {  	[dreg:$0x3] =	wrdreg $0x9  }
0xb0: {  	_ =	task.clear_ibuf [dreg:s6], $0x4FFFF;
	_ =	strace $0x9000004F  }
0xb1: {  	s29 =	simm.s32 $0x9;
	_ =	strace $0x80000051  }
0xb2: {  	_ =	swait.ge [sflag:s29], $0x1  }
0xb3: {  	[sflag:s29] =	ssyncadd.s32 $0xFFFFFFFF  }
0xb4: {  	_ =	strace $0x90000051  }
0xb5: {  	_ =	sfence  }
0xb6: {  	s30 =	sld [smem:$0x0];
	_ =	sdelay $0x2  }
0xb7: {  	s31 =	sshll.u32 s1, $0xD;
	s1 =	sshrl.u32 s1, $0x2  }
0xb8: {  	s3 =	sand.u32 $0x4000, s31;
	s1 =	sadd.s32 s1, s30  }
0xb9: {  	s0 =	sor.u32 s3, s0;
	s1 =	sshll.u32 s1, $0x11  }
0xba: {  	s0 =	sor.u32 s1, s0  }
0xbb: {  	s0 =	sadd.s32 $0x8F2B, s0  }
0xbc: {  	[sflag:s0] =	ssyncadd.remote.s32 $0x1  }
0xbd: {  	_ =	sfence.sel $0xFFFF  }
0xbe: {  	[dreg:$0x0] =	wrdreg $0xFFFFFFFF;
	(pc) =	sbr.abs _section_cstart, $3  }
0xbf: {  	[dreg:$0x1] =	wrdreg $0xFFFFFFFF  }
0xc0: {  	_ =	task.clear_ibuf [dreg:s6], $0x2FFFF;
	_ =	strace $0x9FFFFFFF  }
0xc1: {  	(tm) =	ssettm $0x7FFFFFFF  }
tec
execute0_lowered:
.L_overlay_start_1:
0x0: {  	(tag) =	ssettag $0x1  }
0x1: {  	s7 =	rddreg [dreg:$0x0]  }
0x2: {  	s1 =	srdreg.scid;
	s0 =	rddreg [dreg:$0x1];
	s2 =	simm.s32 $0x0  }
0x3: {  	s11 =	simm.s32 $0x4;
	s12 =	simm.s32 $0x2780;
	s13 =	simm.s32 $0x4F00  }
0x4: {  	s14 =	simm.s32 $0x50;
	s15 =	simm.s32 $0x7700;
	s16 =	simm.s32 $0x9F00  }
0x5: {  	s17 =	simm.s32 $0x3;
	s18 =	simm.s32 $0x1;
	s8 =	sand.u32 $0x1, s1  }
0x6: {  	s19 =	simm.s32 $0x2;
	s1 =	stileid.u32;
	s3 =	sshll.u32 s8, $0x4  }
0x7: {  	s20 =	simm.s32 $0xC700;
	s21 =	simm.s32 $0x0;
	s3 =	sor.u32 s1, s3  }
0x8: {  	[smem:$0x7FF] =	sst s2;
	s8 =	ssub.s32 $0x2, s8;
	s3 =	smul.u32 $0x2710, s3  }
0x9: {  	s4 =	sadd.s32 $0xA53E00, s7;
	s5 =	sadd.s32 $0x54AC00, s7;
	s10 =	sshrl.u32 s8, $0x1  }
0xa: {  	s6 =	sadd.s32 $0x571E00, s7;
	s10 =	ssub.s32 s8, s10;
	s9 =	sshrl.u32 s3, $0x3  }
0xb: {  	_ =	strace $0x80000050;
	s10 =	smax.u32 s10, $0x1;
	s9 =	sadd.s32 s9, s7  }
0xc: {  	s7 =	sadd.s32 $0xF49A00, s7;
	s8 =	sadd.s32 $0x10A00, s9;
	s9 =	sadd.s32 $0x6C00, s9  }
.LBB2_1:
0xd: {  	[tilespmem:s2], [sflag:$0x4] =	stream.linear.gather [hbm4b:s8+s2], $0x2710, $0x38;
	[tilespmem:$0xEF00] =	vst v63  }
0xe: {  	_ =	swait.ge [sflag:s11], $0x2710  }
0xf: {  	[sflag:s11] =	ssyncset.done $0x0  }
0x10: {  	[sflag:s11] =	ssyncadd.s32 $0xFFFFD8F0  }
0x11: {  	[tilespmem:s12], [sflag:$0x4] =	stream.linear.gather [hbm4b:s9+s2], $0x2710, $0x38;
	[tilespmem:$0xEF00] =	vst v63  }
0x12: {  	_ =	swait.ge [sflag:s11], $0x2710  }
0x13: {  	[sflag:s11] =	ssyncset.done $0x0  }
0x14: {  	s22 =	simm.s32 $0x0;
	[sflag:s11] =	ssyncadd.s32 $0xFFFFD8F0  }
.LBB2_2:
0x15: {  	s24 =	smul.u32 $0x50, s22;
	_ =	sdelay $0x1  }
0x16: {  	s23 =	sadd.s32 s3, s24  }
0x17: {  	s23 =	sshll.u32 s23, $0x4  }
0x18: {  	s26 =	simm.s32 $0x0;
	s25 =	sadd.s32 s6, s23  }
0x19: {  	[tilespmem:s13], [sflag:$0x3] =	stream.linear.gather [hbm4b:s25+s26], $0x2800, $0x38;
	[tilespmem:$0xEF00] =	vst v63  }
0x1a: {  	_ = 	snop  }
0x1b: {  	[tilespmem:s15], [sflag:$0x1] =	stream.indirect.gather [hbm4b:s4+s14], $0x80, s24, s14, $0xb8;
	[tilespmem:$0xEF00] =	vst v63  }
0x1c: {  	s24 =	sadd.s32 $0x2780, s24  }
0x1d: {  	[tilespmem:s16], [sflag:$0x2] =	stream.indirect.gather [hbm4b:s5+s14], $0x80, s24, s14, $0xb8;
	[tilespmem:$0xEF00] =	vst v63  }
0x1e: {  	_ =	swait.ge [sflag:s17], $0x2800  }
0x1f: {  	[sflag:s17] =	ssyncset.done $0x0  }
0x20: {  	[sflag:s17] =	ssyncadd.s32 $0xFFFFD800  }
0x21: {  	_ =	swait.ge [sflag:s18], $0x2800  }
0x22: {  	[sflag:s18] =	ssyncset.done $0x0  }
0x23: {  	[sflag:s18] =	ssyncadd.s32 $0xFFFFD800  }
0x24: {  	_ =	swait.ge [sflag:s19], $0x2800  }
0x25: {  	[sflag:s19] =	ssyncset.done $0x0  }
0x26: {  	s24 =	simm.s32 $0x0;
	[sflag:s19] =	ssyncadd.s32 $0xFFFFD800  }
0x27: {  	v0 =	vld [tilespmem:s24+$0x7720]  }
0x28: {  	v1 =	vld [tilespmem:s24+$0x9F20]  }
0x29: {  	v2 =	vld [tilespmem:s24+$0x9F70]  }
0x2a: {  	v3 =	vld [tilespmem:s24+$0x7710]  }
0x2b: {  	v4 =	vld [tilespmem:s24+$0x9F50]  }
0x2c: {  	v5 =	vld [tilespmem:s24+$0x4F10]  }
0x2d: {  	v6 =	vld [tilespmem:s24+$0x7750]  }
0x2e: {  	v7 =	vld [tilespmem:s24+$0x4F40]  }
0x2f: {  	v8 =	vld [tilespmem:s24+$0x7740]  }
0x30: {  	v9 =	vld [tilespmem:s24+$0x4F50]  }
0x31: {  	v10 =	vld [tilespmem:s24+$0x9F40]  }
0x32: {  	v11 =	vld [tilespmem:s24+$0x4F20]  }
0x33: {  	v12 =	vld [tilespmem:s24+$0x7760]  }
0x34: {  	v13 =	vld [tilespmem:s24+$0x7770];
	v7 =	vadd.f32 v8, v7  }
0x35: {  	v14 =	vld [tilespmem:s24+$0x4F70];
	v6 =	vadd.f32 v6, v9  }
0x36: {  	v9 =	vld [tilespmem:s24+$0x4F60];
	v8 =	vadd.f32 v10, v7  }
0x37: {  	v4 =	vadd.f32 v4, v6;
	v7 =	vld [tilespmem:s24+$0x9F10]  }
0x38: {  	v10 =	vld [tilespmem:s24+$0x9F60];
	v6 =	vand.u32 $0x7FFFFFFF, v8  }
0x39: {  	v3 =	vadd.f32 v3, v5;
	v5 =	vand.u32 $0x7FFFFFFF, v4;
	v6 =	vsub.f32 $0.0e+00, v6  }
0x3a: {  	s25 =	simm.s32 $0x80;
	v15 =	vld [tilespmem:s24+$0x9F00];
	v13 =	vadd.f32 v13, v14;
	v5 =	vsub.f32 $0.0e+00, v5  }
0x3b: {  	v17 =	vld [tilespmem:s25+$0x9F50];
	v0 =	vadd.f32 v0, v11;
	v9 =	vadd.f32 v12, v9;
	v11 =	vmul.f32 $1.442695020e+00, v6  }
0x3c: {  	v20 =	vld [tilespmem:s25+$0x4F10];
	v6 =	vadd.f32 v2, v13;
	v2 =	vadd.f32 v7, v3;
	v3 =	vmul.f32 $1.442695020e+00, v5  }
0x3d: {  	v22 =	vld [tilespmem:s25+$0x4F20];
	v0 =	vadd.f32 v1, v0;
	v7 =	vadd.f32 v10, v9;
	(erf) = vpow2.f32 v11  }
0x3e: {  	v23 =	vld [tilespmem:s25+$0x7760];
	v9 =	vand.u32 $0x7FFFFFFF, v6;
	v2 =	vsub.f32 $0.0e+00, v2;
	(erf) = vpow2.f32 v3  }
0x3f: {  	v25 =	vld [tilespmem:s25+$0x7770];
	v9 =	vsub.f32 $0.0e+00, v9  }
0x40: {  	v27 =	vld [tilespmem:s25+$0x4F40];
	v0 =	vsub.f32 $0.0e+00, v0;
	v10 =	vand.u32 $0x7FFFFFFF, v7;
	v2 =	vmul.f32 $1.442695020e+00, v2  }
0x41: {  	v28 =	vld [tilespmem:s25+$0x4F50];
	v10 =	vsub.f32 $0.0e+00, v10;
	v9 =	vmul.f32 $1.442695020e+00, v9  }
0x42: {  	v14 =	vld [tilespmem:s24+$0x4F00];
	v0 =	vmul.f32 $1.442695020e+00, v0;
	(erf) = vpow2.f32 v2  }
0x43: {  	v1 =	vld [tilespmem:s24+$0x7730];
	v10 =	vmul.f32 $1.442695020e+00, v10;
	(erf) = vpow2.f32 v9  }
0x44: {  	v12 =	vld [tilespmem:s24+$0x7700];
	(erf) = vpow2.f32 v0  }
0x45: {  	v3 =	vld [tilespmem:s24+$0x4F30];
	(erf) = vpow2.f32 v10  }
0x46: {  	v0 =	vld [tilespmem:s25+$0x4F00];
	v16 =	vpop (erf)  }
0x47: {  	v10 =	vld [tilespmem:s25+$0x7700];
	v18 =	vadd.f32 $2.000000000e+00, v16;
	v19 =	vpop (erf)  }
0x48: {  	v5 =	vld [tilespmem:s24+$0x9F30];
	v21 =	vadd.f32 $2.000000000e+00, v19  }
0x49: {  	v13 =	vld [tilespmem:s25+$0x9F00];
	(erf) = vrcp.f32 v18  }
0x4a: {  	v11 =	vld [tilespmem:s25+$0x7720];
	(erf) = vrcp.f32 v21  }
0x4b: {  	v12 =	vadd.f32 v12, v14;
	v2 =	vld [tilespmem:s25+$0x9F20];
	v14 =	vpop (erf)  }
0x4c: {  	v9 =	vld [tilespmem:s25+$0x7710];
	v1 =	vadd.f32 v1, v3;
	v0 =	vadd.f32 v10, v0;
	v24 =	vpop (erf)  }
0x4d: {  	v12 =	vadd.f32 v15, v12;
	v18 =	vld [tilespmem:s25+$0x7730];
	v15 =	vpop (erf);
	v10 =	vadd.f32 $2.000000000e+00, v24  }
0x4e: {  	v1 =	vadd.f32 v5, v1;
	v21 =	vld [tilespmem:s25+$0x4F30];
	v0 =	vadd.f32 v13, v0;
	v26 =	vpop (erf)  }
0x4f: {  	v35 =	vmax.f32 v8, $0.0e+00;
	v3 =	vld [tilespmem:s25+$0x7750];
	v5 =	vadd.f32 $2.000000000e+00, v26;
	(erf) = vrcp.f32 v10  }
0x50: {  	v4 =	vmax.f32 v4, $0.0e+00;
	v12 =	vsub.f32 $0.0e+00, v12;
	v13 =	vsub.f32 $0.0e+00, v1;
	v10 =	vld [tilespmem:s25+$0x7740]  }
0x51: {  	v1 =	vadd.f32 v11, v22;
	v11 =	vadd.f32 v9, v20;
	v9 =	vld [tilespmem:s25+$0x9F40];
	(erf) = vrcp.f32 v5  }
0x52: {  	v12 =	vmul.f32 $1.442695020e+00, v12;
	v14 =	vadd.f32 $1.000000000e+00, v14;
	v20 =	vsub.f32 $0.0e+00, v0;
	v5 =	vld [tilespmem:s25+$0x4F60];
	v0 =	vpop (erf)  }
0x53: {  	v1 =	vadd.f32 v2, v1;
	v13 =	vmul.f32 $1.442695020e+00, v13;
	v18 =	vadd.f32 v18, v21;
	v21 =	vld [tilespmem:s25+$0x4F70];
	v2 =	vpop (erf)  }
0x54: {  	v22 =	vmul.f32 v0, v16;
	v0 =	vld [tilespmem:s25+$0x9F60];
	v19 =	vmul.f32 v2, v19;
	v2 =	vadd.f32 v3, v28  }
0x55: {  	(erf) = vpow2.f32 v12;
	v10 =	vadd.f32 v10, v27;
	v16 =	vld [tilespmem:s25+$0x9F70];
	v3 =	vsub.f32 $0.0e+00, v1  }
0x56: {  	v28 =	vmul.f32 v22, v22;
	v27 =	vmul.f32 v19, v19;
	v1 =	vadd.f32 v17, v2  }
0x57: {  	v17 =	vmul.f32 $1.442695020e+00, v3;
	v2 =	vadd.f32 v23, v5;
	v3 =	vadd.f32 v9, v10  }
0x58: {  	v5 =	vadd.f32 v25, v21;
	v23 =	vld [tilespmem:s25+$0x9F10];
	v9 =	vpop (erf);
	v25 =	vmul.f32 $2.222222240e-01, v28;
	v10 =	vmul.f32 $2.222222240e-01, v27  }
0x59: {  	v2 =	vadd.f32 v0, v2;
	v0 =	vand.u32 $0x7FFFFFFF, v3;
	v9 =	vmul.f32 v9, v24  }
0x5a: {  	v21 =	vand.u32 $0x7FFFFFFF, v1;
	v29 =	vpop (erf);
	v12 =	vsub.f32 $0.0e+00, v0;
	v0 =	vadd.f32 v16, v5  }
0x5b: {  	v24 =	vld [tilespmem:s25+$0x9F30];
	v5 =	vsub.f32 $0.0e+00, v21;
	v26 =	vmul.f32 v29, v26;
	v21 =	vmul.f32 v9, v9  }
0x5c: {  	v16 =	vand.u32 $0x7FFFFFFF, v2;
	v10 =	vadd.f32 $2.857142980e-01, v10;
	v12 =	vmul.f32 $1.442695020e+00, v12  }
0x5d: {  	v29 =	vand.u32 $0x7FFFFFFF, v0;
	v11 =	vadd.f32 v23, v11;
	v16 =	vsub.f32 $0.0e+00, v16  }
0x5e: {  	(erf) = vpow2.f32 v12;
	v12 =	vmul.f32 $1.442695020e+00, v5;
	v5 =	vadd.f32 $2.857142980e-01, v25  }
0x5f: {  	v30 =	vmul.f32 v26, v26;
	v10 =	vmul.f32 v10, v27;
	v11 =	vsub.f32 $0.0e+00, v11  }
0x60: {  	v23 =	vsub.f32 $0.0e+00, v29;
	v18 =	vadd.f32 v24, v18;
	v25 =	vmul.f32 v5, v28  }
0x61: {  	v10 =	vadd.f32 $4.000000060e-01, v10;
	v11 =	vmul.f32 $1.442695020e+00, v11;
	(erf) = vpow2.f32 v12  }
0x62: {  	s26 =	simm.s32 $0x100;
	v15 =	vadd.f32 $1.000000000e+00, v15;
	v24 =	vmul.f32 $1.442695020e+00, v16;
	v23 =	vmul.f32 $1.442695020e+00, v23  }
0x63: {  	v33 =	vld [tilespmem:s26+$0x7700];
	v10 =	vmul.f32 v10, v27;
	v12 =	vadd.f32 $4.000000060e-01, v25;
	(erf) = vpow2.f32 v11  }
0x64: {  	v36 =	vld [tilespmem:s26+$0x4F20];
	v5 =	vsub.f32 $0.0e+00, v18;
	(erf) = vpow2.f32 v23;
	v23 =	vmul.f32 $2.222222240e-01, v21  }
0x65: {  	v37 =	vld [tilespmem:s26+$0x7730];
	v18 =	vpop (erf);
	v10 =	vadd.f32 $6.666666860e-01, v10;
	(erf) = vpow2.f32 v17;
	v12 =	vmul.f32 v12, v28  }
0x66: {  	v38 =	vld [tilespmem:s26+$0x7760];
	v11 =	vadd.f32 $1.000000000e+00, v18;
	(erf) = vpow2.f32 v24;
	v24 =	vmul.f32 $2.222222240e-01, v30  }
0x67: {  	v59 =	vld [tilespmem:s26+$0x4F40];
	v10 =	vmul.f32 v10, v27;
	v12 =	vadd.f32 $6.666666860e-01, v12;
	(erf) = vrcp.f32 v15  }
0x68: {  	v29 =	vld [tilespmem:s26+$0x7710];
	v23 =	vadd.f32 $2.857142980e-01, v23;
	v24 =	vadd.f32 $2.857142980e-01, v24;
	(erf) = vrcp.f32 v11  }
0x69: {  	v15 =	vld [tilespmem:s26+$0x4F00];
	v31 =	vpop (erf);
	v10 =	vadd.f32 $2.000000000e+00, v10;
	v12 =	vmul.f32 v12, v28;
	(erf) = vpow2.f32 v13  }
0x6a: {  	v18 =	vld [tilespmem:s26+$0x9F00];
	v32 =	vadd.f32 $2.000000000e+00, v31;
	v13 =	vmul.f32 v23, v21;
	v24 =	vmul.f32 v24, v30;
	v34 =	vpop (erf)  }
0x6b: {  	v23 =	vld [tilespmem:s26+$0x4F10];
	v10 =	vmul.f32 v10, v19;
	v12 =	vadd.f32 $2.000000000e+00, v12;
	v27 =	vadd.f32 $2.000000000e+00, v34  }
0x6c: {  	v40 =	vld [tilespmem:s26+$0x4F50];
	v16 =	vmul.f32 $1.442695020e+00, v20;
	v13 =	vadd.f32 $4.000000060e-01, v13;
	v24 =	vadd.f32 $4.000000060e-01, v24  }
0x6d: {  	v20 =	vld [tilespmem:s26+$0x7720];
	v8 =	vpop (erf);
	(erf) = vrcp.f32 v32;
	v4 =	vadd.f32 v10, v4;
	v12 =	vmul.f32 v12, v22  }
0x6e: {  	v56 =	vpop (erf);
	(erf) = vrcp.f32 v27;
	v22 =	vadd.f32 v33, v15;
	v27 =	vld [tilespmem:s26+$0x4F30];
	v19 =	vmul.f32 v13, v21  }
0x6f: {  	v25 =	vld [tilespmem:s26+$0x9F20];
	v57 =	vadd.f32 $2.000000000e+00, v56;
	v24 =	vmul.f32 v24, v30;
	v15 =	vpop (erf);
	v12 =	vadd.f32 v12, v35  }
0x70: {  	(erf) = vrcp.f32 v14;
	v29 =	vadd.f32 v29, v23;
	v23 =	vld [tilespmem:s26+$0x7750];
	v58 =	vpop (erf);
	v14 =	vadd.f32 v18, v22  }
0x71: {  	v6 =	vmax.f32 v6, $0.0e+00;
	v11 =	vld [tilespmem:s26+$0x9F30];
	v19 =	vadd.f32 $6.666666860e-01, v19;
	v22 =	vadd.f32 $6.666666860e-01, v24;
	v13 =	vpop (erf)  }
0x72: {  	v60 =	vld [tilespmem:s26+$0x7740];
	v24 =	vmax.f32 v7, $0.0e+00;
	v7 =	vpop (erf);
	v39 =	vsub.f32 $0.0e+00, v14;
	v14 =	vadd.f32 $2.000000000e+00, v58  }
0x73: {  	v17 =	vld [tilespmem:s26+$0x9F70];
	v7 =	vmul.f32 v12, v7;
	v27 =	vadd.f32 v37, v27;
	v22 =	vmul.f32 v22, v30;
	v12 =	vpop (erf)  }
0x74: {  	v28 =	vld [tilespmem:s26+$0x9F50];
	(erf) = vrcp.f32 v57;
	v30 =	vadd.f32 $1.000000000e+00, v12;
	v12 =	vadd.f32 v20, v36  }
0x75: {  	v18 =	vld [tilespmem:s26+$0x7770];
	v23 =	vadd.f32 v23, v40;
	[tilespmem:s24+$0xC700] =	vst v7;
	v7 =	vmul.f32 v19, v21;
	v19 =	vadd.f32 $2.000000000e+00, v22  }
0x76: {  	(erf) = vrcp.f32 v14;
	v21 =	vadd.f32 v11, v27;
	v11 =	vpop (erf);
	v27 =	vld [tilespmem:s26+$0x4F70];
	v20 =	vadd.f32 v25, v12  }
0x77: {  	v22 =	vld [tilespmem:s26+$0x4F60];
	v14 =	vmul.f32 v11, v31;
	v11 =	vpop (erf);
	v7 =	vadd.f32 $2.000000000e+00, v7;
	v25 =	vmul.f32 v19, v26  }
0x78: {  	v10 =	vld [tilespmem:s26+$0x9F40];
	v31 =	vadd.f32 v60, v59;
	(erf) = vrcp.f32 v30;
	v12 =	vmul.f32 v11, v34  }
0x79: {  	v26 =	vld [tilespmem:s26+$0x9F60];
	v11 =	vsub.f32 $0.0e+00, v20;
	v7 =	vmul.f32 v7, v9;
	v9 =	vpop (erf);
	v20 =	vmul.f32 v14, v14  }
0x7a: {  	v24 =	vadd.f32 v25, v24;
	v19 =	vmul.f32 v12, v12;
	v9 =	vmul.f32 v4, v9  }
0x7b: {  	v4 =	vadd.f32 v28, v23;
	v61 =	vadd.f32 v7, v6;
	v23 =	vmul.f32 $1.442695020e+00, v11  }
0x7c: {  	v6 =	vadd.f32 v38, v22;
	v11 =	vadd.f32 v18, v27;
	v28 =	vmul.f32 $2.222222240e-01, v20;
	[tilespmem:s24+$0xC710] =	vst v9  }
0x7d: {  	v18 =	vpop (erf);
	(erf) = vpow2.f32 v16;
	v22 =	vmul.f32 $2.222222240e-01, v19;
	v9 =	vadd.f32 v10, v31;
	v31 =	vld [tilespmem:s26+$0x9F10]  }
0x7e: {  	v27 =	vand.u32 $0x7FFFFFFF, v4;
	v7 =	vadd.f32 v26, v6;
	v6 =	vadd.f32 v17, v11  }
0x7f: {  	v10 =	vmul.f32 v18, v56;
	v30 =	vpop (erf);
	v26 =	vsub.f32 $0.0e+00, v27;
	v17 =	vand.u32 $0x7FFFFFFF, v9  }
0x80: {  	v11 =	vmul.f32 v30, v58;
	v17 =	vsub.f32 $0.0e+00, v17;
	v18 =	vand.u32 $0x7FFFFFFF, v6  }
0x81: {  	v16 =	vmul.f32 v10, v10;
	v27 =	vand.u32 $0x7FFFFFFF, v7;
	v30 =	vsub.f32 $0.0e+00, v18  }
0x82: {  	v18 =	vmul.f32 v11, v11;
	v17 =	vmul.f32 $1.442695020e+00, v17;
	v25 =	vadd.f32 v31, v29  }
0x83: {  	v29 =	vsub.f32 $0.0e+00, v27;
	v27 =	vmul.f32 $1.442695020e+00, v26;
	v31 =	vadd.f32 $2.857142980e-01, v28  }
0x84: {  	v63 =	vpop (erf);
	v28 =	vmul.f32 $1.442695020e+00, v30;
	v26 =	vadd.f32 $2.857142980e-01, v22;
	(erf) = vpow2.f32 v17  }
0x85: {  	v22 =	vsub.f32 $0.0e+00, v21;
	v21 =	vmul.f32 v61, v63;
	v62 =	vsub.f32 $0.0e+00, v25  }
0x86: {  	v25 =	vmul.f32 $1.442695020e+00, v29;
	v29 =	vmul.f32 v31, v20  }
0x87: {  	s28 =	simm.s32 $0x600;
	v17 =	vmul.f32 $1.442695020e+00, v39;
	v30 =	vmul.f32 $1.442695020e+00, v62  }
.LBB2_3:
0x88: {  	s29 =	sshra.s32 s28, $0x2;
	p0 =	sne.s32 s28, $0x9E00;
	s28 =	sadd.s32 $0x200, s28;
	(erf) = vpow2.f32 v27;
	v27 =	vadd.f32 $4.000000060e-01, v29;
	v29 =	vpop (erf);
	v13 =	vmul.f32 v24, v13  }
0x89: {  	v26 =	vmul.f32 v26, v19;
	v24 =	vld [tilespmem:s29+$0x7720];
	(erf) = vpow2.f32 v30;
	v29 =	vadd.f32 $1.000000000e+00, v29;
	[tilespmem:s24+$0xC730] =	vst v21  }
0x8a: {  	v15 =	vadd.f32 $1.000000000e+00, v15;
	v32 =	vmul.f32 $2.222222240e-01, v16;
	v30 =	vld [tilespmem:s29+$0x9F00];
	(erf) = vpow2.f32 v28;
	[tilespmem:s24+$0xC720] =	vst v13;
	s24 =	smov.u32 s25;
	s25 =	smov.u32 s26;
	s26 =	smov.u32 s29  }
0x8b: {  	v13 =	vmul.f32 v27, v20;
	v31 =	vld [tilespmem:s26+$0x9F20];
	(erf) = vpow2.f32 v23;
	v23 =	vadd.f32 $4.000000060e-01, v26  }
0x8c: {  	v26 =	vadd.f32 $2.857142980e-01, v32;
	v21 =	vld [tilespmem:s26+$0x9F70];
	(erf) = vpow2.f32 v25;
	v25 =	vmul.f32 $2.222222240e-01, v18  }
0x8d: {  	v13 =	vadd.f32 $6.666666860e-01, v13;
	v27 =	vld [tilespmem:s26+$0x7710];
	v28 =	vpop (erf);
	v23 =	vmul.f32 v23, v19;
	(erf) = vrcp.f32 v15  }
0x8e: {  	v33 =	vmul.f32 $1.442695020e+00, v5;
	v5 =	vmovc v22;
	v15 =	vld [tilespmem:s26+$0x4F00];
	v32 =	vadd.f32 $2.000000000e+00, v28;
	v25 =	vadd.f32 $2.857142980e-01, v25  }
0x8f: {  	v13 =	vmul.f32 v13, v20;
	v22 =	vld [tilespmem:s26+$0x7700];
	v20 =	vadd.f32 $6.666666860e-01, v23;
	(erf) = vrcp.f32 v29  }
0x90: {  	v29 =	vadd.f32 $1.000000000e+00, v8;
	v23 =	vld [tilespmem:s26+$0x9F30];
	v25 =	vmul.f32 v25, v18;
	(erf) = vpow2.f32 v33  }
0x91: {  	v13 =	vadd.f32 $2.000000000e+00, v13;
	v33 =	vld [tilespmem:s26+$0x9F50];
	v34 =	vpop (erf);
	v19 =	vmul.f32 v20, v19;
	v20 =	vmul.f32 v26, v16  }
0x92: {  	v3 =	vmax.f32 v3, $0.0e+00;
	v26 =	vld [tilespmem:s26+$0x4F10];
	v35 =	vadd.f32 $2.000000000e+00, v34;
	v8 =	vpop (erf);
	v25 =	vadd.f32 $4.000000060e-01, v25  }
0x93: {  	v36 =	vld [tilespmem:s26+$0x4F20];
	(erf) = vrcp.f32 v32;
	v32 =	vpop (erf);
	v19 =	vadd.f32 $2.000000000e+00, v19;
	v20 =	vadd.f32 $4.000000060e-01, v20  }
0x94: {  	v40 =	vmul.f32 v13, v14;
	v22 =	vadd.f32 v22, v15;
	v37 =	vld [tilespmem:s26+$0x7730];
	(erf) = vrcp.f32 v35;
	v15 =	vpop (erf)  }
0x95: {  	v35 =	vadd.f32 $2.000000000e+00, v32;
	v14 =	vld [tilespmem:s26+$0x4F30];
	v38 =	vpop (erf);
	v19 =	vmul.f32 v19, v12;
	v12 =	vmul.f32 v25, v18  }
0x96: {  	v39 =	vadd.f32 v40, v3;
	v20 =	vmul.f32 v20, v16;
	v25 =	vld [tilespmem:s26+$0x7760];
	(erf) = vrcp.f32 v29;
	v13 =	vpop (erf)  }
0x97: {  	v3 =	vmovc v9;
	v22 =	vadd.f32 v30, v22;
	v29 =	vld [tilespmem:s26+$0x7770];
	(erf) = vrcp.f32 v35;
	v12 =	vadd.f32 $6.666666860e-01, v12  }
0x98: {  	v26 =	vadd.f32 v27, v26;
	v27 =	vmax.f32 v2, $0.0e+00;
	v20 =	vadd.f32 $6.666666860e-01, v20;
	v9 =	vld [tilespmem:s26+$0x7750];
	v2 =	vpop (erf)  }
0x99: {  	v35 =	vadd.f32 $2.000000000e+00, v38;
	v22 =	vsub.f32 $0.0e+00, v22;
	v30 =	vld [tilespmem:s26+$0x4F40];
	v39 =	vmul.f32 v39, v2;
	v2 =	vpop (erf)  }
0x9a: {  	v41 =	vmul.f32 v12, v18;
	v40 =	vld [tilespmem:s26+$0x4F50];
	v37 =	vadd.f32 v37, v14;
	v18 =	vadd.f32 $1.000000000e+00, v2;
	v2 =	vmovc v7  }
0x9b: {  	v24 =	vadd.f32 v24, v36;
	v16 =	vmul.f32 v20, v16;
	v7 =	vld [tilespmem:s26+$0x7740];
	(erf) = vrcp.f32 v35;
	[tilespmem:s24+$0xC700] =	vst v39  }
0x9c: {  	v20 =	vadd.f32 $2.000000000e+00, v41;
	v35 =	vadd.f32 v23, v37;
	v36 =	vld [tilespmem:s26+$0x4F70];
	v14 =	vpop (erf);
	v37 =	vmax.f32 v1, $0.0e+00  }
0x9d: {  	v16 =	vadd.f32 $2.000000000e+00, v16;
	v23 =	vadd.f32 v31, v24;
	v24 =	vld [tilespmem:s26+$0x4F60];
	v14 =	vmul.f32 v14, v28;
	v12 =	vpop (erf)  }
0x9e: {  	v1 =	vmovc v4;
	v31 =	vadd.f32 v19, v37;
	v28 =	vld [tilespmem:s26+$0x9F60];
	v12 =	vmul.f32 v12, v34;
	v34 =	vmax.f32 v0, $0.0e+00;
	v0 =	vmovc v6  }
0x9f: {  	v37 =	vmul.f32 v20, v11;
	v4 =	vmul.f32 v16, v10;
	v23 =	vsub.f32 $0.0e+00, v23;
	v6 =	vld [tilespmem:s26+$0x9F40];
	v10 =	vpop (erf)  }
0xa0: {  	v9 =	vadd.f32 v9, v40;
	v19 =	vmul.f32 v12, v12;
	v11 =	vpop (erf);
	v10 =	vmul.f32 v31, v10  }
0xa1: {  	v20 =	vmul.f32 v14, v14;
	v7 =	vadd.f32 v7, v30;
	v31 =	vadd.f32 v4, v34  }
0xa2: {  	v23 =	vmul.f32 $1.442695020e+00, v23;
	v4 =	vadd.f32 v33, v9;
	[tilespmem:s24+$0xC710] =	vst v10;
	(erf) = vrcp.f32 v18  }
0xa3: {  	v16 =	vadd.f32 v29, v36;
	v10 =	vadd.f32 v25, v24;
	v25 =	vmul.f32 $2.222222240e-01, v19  }
0xa4: {  	v29 =	vmul.f32 $2.222222240e-01, v20;
	v18 =	vand.u32 $0x7FFFFFFF, v4;
	v9 =	vadd.f32 v6, v7;
	v24 =	vpop (erf)  }
0xa5: {  	v7 =	vadd.f32 v28, v10;
	v6 =	vadd.f32 v21, v16;
	v10 =	vmul.f32 v11, v32;
	v30 =	vld [tilespmem:s26+$0x9F10]  }
0xa6: {  	v11 =	vmul.f32 v24, v38;
	v16 =	vand.u32 $0x7FFFFFFF, v9;
	(erf) = vpow2.f32 v17  }
0xa7: {  	v21 =	vsub.f32 $0.0e+00, v18;
	v17 =	vsub.f32 $0.0e+00, v16;
	v16 =	vmul.f32 v10, v10  }
0xa8: {  	v28 =	vand.u32 $0x7FFFFFFF, v7;
	v24 =	vand.u32 $0x7FFFFFFF, v6;
	v18 =	vmul.f32 v11, v11  }
0xa9: {  	v32 =	vsub.f32 $0.0e+00, v24;
	v24 =	vadd.f32 v37, v27;
	v17 =	vmul.f32 $1.442695020e+00, v17  }
.Ltmp0:
0xaa: {  	v27 =	vmul.f32 $1.442695020e+00, v21;
	v21 =	vsub.f32 $0.0e+00, v28;
	v30 =	vadd.f32 v30, v26;
	(pc) =	sbr.rel @p0 .LBB2_3-.Ltmp0, $4  }
0xab: {  	v29 =	vadd.f32 $2.857142980e-01, v29;
	v26 =	vadd.f32 $2.857142980e-01, v25;
	(erf) = vpow2.f32 v17;
	v33 =	vpop (erf)  }
0xac: {  	v28 =	vmul.f32 $1.442695020e+00, v32;
	v25 =	vmul.f32 $1.442695020e+00, v21;
	v30 =	vsub.f32 $0.0e+00, v30  }
0xad: {  	v29 =	vmul.f32 v29, v20;
	v17 =	vmul.f32 $1.442695020e+00, v22;
	v22 =	vsub.f32 $0.0e+00, v35  }
0xae: {  	v21 =	vmul.f32 v31, v33;
	v30 =	vmul.f32 $1.442695020e+00, v30  }
0xaf: {  	(erf) = vpow2.f32 v27  }
0xb0: {  	(erf) = vpow2.f32 v30  }
0xb1: {  	(erf) = vpow2.f32 v28  }
0xb2: {  	v61 =	vpop (erf);
	v15 =	vadd.f32 $1.000000000e+00, v15;
	(erf) = vpow2.f32 v23  }
0xb3: {  	v62 =	vadd.f32 $1.000000000e+00, v61;
	(erf) = vpow2.f32 v25  }
0xb4: {  	v5 =	vmul.f32 $1.442695020e+00, v5;
	(erf) = vrcp.f32 v15  }
0xb5: {  	(erf) = vrcp.f32 v62  }
0xb6: {  	(erf) = vpow2.f32 v5  }
0xb7: {  	v63 =	vpop (erf)  }
0xb8: {  	v36 =	vpop (erf)  }
0xb9: {  	v39 =	vadd.f32 $4.000000060e-01, v29;
	v23 =	vpop (erf)  }
0xba: {  	v38 =	vpop (erf)  }
0xbb: {  	v28 =	vmul.f32 v39, v20;
	v37 =	vadd.f32 $2.000000000e+00, v63;
	v41 =	vpop (erf)  }
0xbc: {  	v26 =	vmul.f32 v26, v19;
	v34 =	vmul.f32 $2.222222240e-01, v16;
	v40 =	vadd.f32 $2.000000000e+00, v36;
	v42 =	vpop (erf)  }
0xbd: {  	v8 =	vadd.f32 $1.000000000e+00, v8;
	v28 =	vadd.f32 $6.666666860e-01, v28;
	(erf) = vrcp.f32 v37;
	v31 =	vpop (erf)  }
0xbe: {  	v48 =	vadd.f32 $2.857142980e-01, v34;
	(erf) = vrcp.f32 v40;
	v43 =	vadd.f32 $2.000000000e+00, v38;
	v44 =	vpop (erf)  }
0xbf: {  	v47 =	vmul.f32 v28, v20;
	(erf) = vrcp.f32 v8;
	v45 =	vadd.f32 $2.000000000e+00, v42;
	v33 =	vpop (erf)  }
0xc0: {  	v28 =	vmul.f32 v48, v16;
	(erf) = vrcp.f32 v43;
	v33 =	vadd.f32 $1.000000000e+00, v33  }
0xc1: {  	v32 =	vmul.f32 $2.222222240e-01, v18;
	(erf) = vrcp.f32 v45  }
0xc2: {  	v20 =	vadd.f32 $2.000000000e+00, v47;
	v52 =	vadd.f32 $4.000000060e-01, v28;
	(erf) = vrcp.f32 v33  }
0xc3: {  	v26 =	vadd.f32 $4.000000060e-01, v26;
	(erf) = vpow2.f32 v17  }
0xc4: {  	v46 =	vadd.f32 $2.857142980e-01, v32;
	v14 =	vmul.f32 v20, v14;
	v55 =	vmul.f32 v52, v16  }
0xc5: {  	v3 =	vmax.f32 v3, $0.0e+00;
	v26 =	vmul.f32 v26, v19  }
0xc6: {  	v50 =	vmul.f32 v46, v18;
	v3 =	vadd.f32 v14, v3;
	v14 =	vadd.f32 $6.666666860e-01, v55;
	v53 =	vpop (erf)  }
0xc7: {  	v13 =	vmul.f32 v24, v13;
	v22 =	vmul.f32 $1.442695020e+00, v22;
	v54 =	vpop (erf)  }
0xc8: {  	v49 =	vadd.f32 $6.666666860e-01, v26;
	v51 =	vadd.f32 $4.000000060e-01, v50;
	v14 =	vmul.f32 v14, v16;
	v56 =	vpop (erf)  }
0xc9: {  	v3 =	vmul.f32 v3, v44;
	v5 =	vmul.f32 v53, v63;
	v33 =	vadd.f32 $1.000000000e+00, v41;
	v58 =	vpop (erf)  }
0xca: {  	v2 =	vmax.f32 v2, $0.0e+00;
	v17 =	vmul.f32 v49, v19;
	v19 =	vmul.f32 v51, v18;
	v60 =	vpop (erf)  }
0xcb: {  	v1 =	vmax.f32 v1, $0.0e+00;
	v61 =	vmul.f32 v5, v5;
	(erf) = vrcp.f32 v33;
	v62 =	vpop (erf)  }
0xcc: {  	v57 =	vadd.f32 $6.666666860e-01, v19;
	v59 =	vmul.f32 v54, v36;
	v19 =	vmul.f32 v58, v38;
	v32 =	vpop (erf)  }
0xcd: {  	v34 =	vmul.f32 $2.222222240e-01, v61;
	v15 =	vmul.f32 v60, v42;
	v26 =	vadd.f32 $1.000000000e+00, v32  }
0xce: {  	v0 =	vmax.f32 v0, $0.0e+00;
	v63 =	vmul.f32 v59, v59;
	v35 =	vmul.f32 v19, v19  }
0xcf: {  	v9 =	vmax.f32 v9, $0.0e+00;
	v37 =	vmul.f32 v15, v15;
	(erf) = vrcp.f32 v26  }
0xd0: {  	v23 =	vadd.f32 $1.000000000e+00, v23;
	v36 =	vmul.f32 $2.222222240e-01, v63;
	(erf) = vpow2.f32 v22  }
0xd1: {  	v17 =	vadd.f32 $2.000000000e+00, v17;
	v38 =	vadd.f32 $2.857142980e-01, v34;
	v40 =	vmul.f32 $2.222222240e-01, v37  }
0xd2: {  	v14 =	vadd.f32 $2.000000000e+00, v14;
	v39 =	vmul.f32 $2.222222240e-01, v35;
	v22 =	vadd.f32 $2.857142980e-01, v36  }
0xd3: {  	v12 =	vmul.f32 v17, v12;
	v41 =	vmul.f32 v38, v61;
	v43 =	vadd.f32 $2.857142980e-01, v40  }
0xd4: {  	v17 =	vmul.f32 v57, v18;
	v42 =	vadd.f32 $2.857142980e-01, v39;
	v22 =	vmul.f32 v22, v63  }
0xd5: {  	v1 =	vadd.f32 v12, v1;
	v12 =	vadd.f32 $4.000000060e-01, v41;
	v46 =	vmul.f32 v43, v37  }
0xd6: {  	v17 =	vadd.f32 $2.000000000e+00, v17;
	v44 =	vmul.f32 v42, v35;
	v45 =	vadd.f32 $4.000000060e-01, v22  }
0xd7: {  	v10 =	vmul.f32 v14, v10;
	v47 =	vpop (erf);
	v12 =	vmul.f32 v12, v61;
	v22 =	vadd.f32 $4.000000060e-01, v46  }
0xd8: {  	v11 =	vmul.f32 v17, v11;
	v17 =	vadd.f32 $4.000000060e-01, v44;
	v14 =	vmul.f32 v45, v63;
	v48 =	vpop (erf)  }
0xd9: {  	v12 =	vadd.f32 $6.666666860e-01, v12;
	(erf) = vrcp.f32 v23;
	v22 =	vmul.f32 v22, v37;
	v49 =	vpop (erf)  }
0xda: {  	v17 =	vmul.f32 v17, v35;
	v14 =	vadd.f32 $6.666666860e-01, v14;
	v28 =	vadd.f32 $1.000000000e+00, v49  }
0xdb: {  	v4 =	vmax.f32 v4, $0.0e+00;
	v12 =	vmul.f32 v12, v61;
	v51 =	vadd.f32 $6.666666860e-01, v22  }
0xdc: {  	v17 =	vadd.f32 $6.666666860e-01, v17;
	v50 =	vmul.f32 v14, v63;
	(erf) = vrcp.f32 v28  }
0xdd: {  	v0 =	vadd.f32 v10, v0;
	v52 =	vadd.f32 $2.000000000e+00, v12;
	v14 =	vmul.f32 v51, v37  }
0xde: {  	v1 =	vmul.f32 v1, v56;
	v53 =	vmul.f32 v17, v35;
	v10 =	vadd.f32 $2.000000000e+00, v50  }
0xdf: {  	[tilespmem:s24+$0xC730] =	vst v21;
	v2 =	vadd.f32 v11, v2;
	v5 =	vmul.f32 v52, v5;
	v55 =	vadd.f32 $2.000000000e+00, v14  }
0xe0: {  	[tilespmem:s24+$0xC720] =	vst v13;
	v0 =	vmul.f32 v0, v62;
	v54 =	vadd.f32 $2.000000000e+00, v53;
	v8 =	vmul.f32 v10, v59  }
0xe1: {  	[tilespmem:s25+$0xC700] =	vst v3;
	v2 =	vmul.f32 v2, v31;
	v56 =	vadd.f32 v5, v9;
	v60 =	vmul.f32 v55, v15  }
0xe2: {  	[tilespmem:s25+$0xC710] =	vst v1;
	v61 =	vmax.f32 v7, $0.0e+00;
	v57 =	vmul.f32 v54, v19;
	v58 =	vadd.f32 v8, v4  }
0xe3: {  	[tilespmem:s25+$0xC730] =	vst v0;
	v3 =	vmul.f32 v56, v48;
	v62 =	vpop (erf);
	v59 =	vmax.f32 v6, $0.0e+00;
	v0 =	vadd.f32 v60, v61  }
0xe4: {  	[tilespmem:s25+$0xC720] =	vst v2;
	v4 =	vadd.f32 v57, v59;
	v1 =	vmul.f32 v58, v62  }
0xe5: {  	[tilespmem:s26+$0xC700] =	vst v3;
	v0 =	vmul.f32 v0, v47;
	v63 =	vpop (erf)  }
0xe6: {  	s22 =	sadd.s32 $0x1, s22;
	[tilespmem:s26+$0xC710] =	vst v1;
	v2 =	vmul.f32 v4, v63  }
0xe7: {  	p0 =	sne.s32 s22, $0x7D;
	[tilespmem:s26+$0xC720] =	vst v0  }
.Ltmp1:
0xe8: {  	s23 =	sadd.s32 s7, s23;
	[tilespmem:s26+$0xC730] =	vst v2;
	(pc) =	sbr.rel @p0 .LBB2_2-.Ltmp1, $4  }
0xe9: {  	[hbm4b:s23+s2] =	stream.linear.scatter [tilespmem:s20], [sflag:$0x4], $0x2800, $0x38;
	[tilespmem:$0xEF00] =	vst v63  }
0xea: {  	_ =	swait.ge [sflag:s11], $0x2800  }
0xeb: {  	[sflag:s11] =	ssyncset.done $0x0  }
0xec: {  	[sflag:s11] =	ssyncadd.s32 $0xFFFFD800  }
0xed: {  	s21 =	sadd.s32 $0x1, s21  }
0xee: {  	p0 =	sne.s32 s21, s10  }
.Ltmp2:
0xef: {  	_ = 	snop;
	(pc) =	sbr.rel @p0 .LBB2_1-.Ltmp2, $1  }
0xf0: {  	_ =	sdelay $0x3  }
0xf1: {  	_ =	sfence.sel $0x180000  }
0xf2: {  	[bflag:$0x0] =	sbarrier.arrive $0xFFFF  }
0xf3: {  	p0 =	sne.s32 s1, $0x0;
	_ =	strace $0x90000050  }
0xf4: {  	s0 =	sadd.s32 @!p0 $0x100000, s0;
	[bflag:$0x2] =	sbarrier.arrive $0xFFFF  }
0xf5: {  	[sflag:s0] =	ssyncadd.tile.s32 @!p0 $0x1;
	_ =	shalt  }
.Lfunc_end2:
_tile_overlayer_lowered:
.L_overlay_start_2:
0xf6: {  	(tag) =	ssettag $0x2  }
0xf7: {  	s0 =	rddreg [dreg:$0x0];
	s2 =	stileid.u32  }
0xf8: {  	s1 =	rddreg [dreg:$0x1];
	p0 =	sne.s32 s2, $0x0  }
0xf9: {  	s3 =	rddreg [dreg:$0x2];
	[bflag:$0x3] =	sbarrier.arrive $0xFFFF;
	s2 =	simm.s32 @!p0 $0x1C04  }
0xfa: {  	[timem:s3], [sflag:s2] =	dma.local @!p0 [hbm:s0], s1  }
0xfb: {  	s0 =	simm.s32 @!p0 $0x4  }
0xfc: {  	_ =	swait.ge @!p0 [sflag:s0], s1  }
0xfd: {  	s1 =	ssub.s32 @!p0 $0x0, s1;
	[sflag:s0] =	ssyncset.done @!p0 $0x0  }
0xfe: {  	[sflag:s0] =	ssyncadd.s32 @!p0 s1  }
0xff: {  	[bflag:$0x3] =	sbarrier.arrive $0xFFFF  }
0x100: {  	_ =	shalt  }

// kernel: kernel.22.cloned.1.call-start
scs
__scs_entry_jumppad:
0x0: {  	(pc) =	sbr.rel $0x88, $3  }
0x1: {  	(tag) =	ssettag $0x0;
	lr =	simm.s32 $0x1  }
0x2: {  	[smem:$0x3F85] =	sst lr;
	_ =	strace $0xD0000000  }
0x3: {  	_ = 	snop  }
0x4: {  	_ = 	snop  }
0x5: {  	_ = 	snop  }
0x6: {  	_ = 	snop  }
0x7: {  	_ = 	snop  }
__scs_overlays_trampoline_lowered:
0x8: {  	[smem:$0x3F94] =	sst s0  }
0x9: {  	[smem:$0x3F95] =	sst s1  }
0xa: {  	[smem:$0x3F96] =	sst s2  }
0xb: {  	[smem:$0x3F97] =	sst s3  }
0xc: {  	[smem:$0x3F98] =	sst s4  }
0xd: {  	[smem:$0x3F99] =	sst s5  }
0xe: {  	[smem:$0x3F9A] =	sst s6  }
0xf: {  	[smem:$0x3F9B] =	sst s7  }
0x10: {  	[smem:$0x3F9C] =	sst s8  }
0x11: {  	[smem:$0x3F9D] =	sst s9;
	s0 =	simm.s32 @!p0 $0x0  }
0x12: {  	s1 =	sld [smem:$0x3F83];
	s0 =	simm.s32 @p0 $0x1  }
0x13: {  	[smem:$0x3F9E] =	sst s0;
	s0 =	simm.s32 @!p1 $0x0  }
0x14: {  	s2 =	sld [smem:$0x3F82];
	s0 =	simm.s32 @p1 $0x1  }
0x15: {  	[smem:$0x3F9F] =	sst s0;
	s0 =	simm.s32 @!p2 $0x0  }
0x16: {  	s3 =	sld [smem:$0x3FDB];
	s0 =	simm.s32 @p2 $0x1  }
0x17: {  	s4 =	simm.s32 $0x1BF5;
	[smem:$0x3FA1] =	sst s0  }
0x18: {  	s0 =	sld [smem:$0x3F84];
	_ =	swait.ge [sflag:s4], $0x0  }
0x19: {  	s7 =	sld [smem:$0x3F85]  }
0x1a: {  	s8 =	sadd.s32 $0xFFFFE003, lr  }
0x1b: {  	s9 =	sadd.s32 $0xFFFFFEF7, lr;
	s5 =	simm.s32 $0xFFFFFFFF;
	p2 =	slt.u32 s8, $0xFFFFF086  }
0x1c: {  	p1 =	slt.u32 s9, $0xF7A;
	s5 =	simm.s32 @!p2 $0x0  }
0x1d: {  	s5 =	simm.s32 @p1 $0x1;
	p0 =	seq.s32 s7, s2  }
0x1e: {  	s7 =	smul.u32 @!p0 $0xF7A, s2;
	p2 =	seq.s32 @!p0 s5, $0x0  }
0x1f: {  	s9 =	smul.u32 $0xF7A, s1;
	s8 =	simm.s32 @!p0 $0x1BF5;
	p2 =	por !p2, p0  }
0x20: {  	[sflag:s8] =	ssyncset.s32 @!p0 $0xFFFFF086;
	s6 =	sadd.s32 @!p0 s3, s7;
	s7 =	simm.s32 @!p0 $0x108  }
0x21: {  	s3 =	sadd.s32 s3, s9;
	s6 =	sadd.s32 @!p0 $0x88, s6;
	s7 =	simm.s32 @p2 $0x1082  }
0x22: {  	[simem:s7], [sflag:s8] =	dma.local @!p0 [hbm:s6], $0xF7A  }
0x23: {  	s9 =	sor.u32 $0xD0000000, s2;
	s6 =	simm.s32 $0x108;
	_ =	swait.ge @!p0 [sflag:s8], $0x0  }
0x24: {  	s3 =	sadd.s32 $0x88, s3;
	s6 =	simm.s32 @!p1 $0x1082;
	[sflag:s4] =	ssyncset.s32 $0xFFFFF086  }
0x25: {  	[simem:s6], [sflag:s4] =	dma.local [hbm:s3], $0xF7A  }
0x26: {  	[smem:$0x3F85] =	sst s1;
	(tag) =	ssettag s2;
	_ =	strace s9  }
0x27: {  	s1 =	sld [smem:$0x3F95]  }
0x28: {  	s2 =	sld [smem:$0x3F96]  }
0x29: {  	s4 =	sld [smem:$0x3F98]  }
0x2a: {  	p0 =	seq.s32 s5, $0x0;
	s5 =	sld [smem:$0x3F99]  }
0x2b: {  	s6 =	sld [smem:$0x3F9A]  }
0x2c: {  	s7 =	sld [smem:$0x3F9B]  }
0x2d: {  	s3 =	simm.s32 $0x108;
	s8 =	sld [smem:$0x3F9C]  }
0x2e: {  	s3 =	simm.s32 @!p0 $0x1082;
	s9 =	sld [smem:$0x3F9D]  }
0x2f: {  	lr =	sadd.s32 s0, s3;
	s0 =	sld [smem:$0x3F94]  }
0x30: {  	s3 =	sld [smem:$0x3F97]  }
0x31: {  	[smem:$0x3FA0] =	sst s10  }
0x32: {  	s10 =	sld [smem:$0x3F9E];
	_ =	sdelay $0x3  }
0x33: {  	p0 =	seq.s32 s10, $0x1;
	s10 =	sld [smem:$0x3FA0];
	_ =	sdelay $0x3  }
0x34: {  	[smem:$0x3FA0] =	sst s10  }
0x35: {  	s10 =	sld [smem:$0x3F9F];
	_ =	sdelay $0x3  }
0x36: {  	p1 =	seq.s32 s10, $0x1;
	s10 =	sld [smem:$0x3FA0];
	_ =	sdelay $0x3  }
0x37: {  	[smem:$0x3FA0] =	sst s10  }
0x38: {  	s10 =	sld [smem:$0x3FA1]  }
0x39: {  	_ = 	snop;
	(pc) =	sbr.ind lr, $3  }
0x3a: {  	_ = 	snop  }
0x3b: {  	_ = 	snop  }
0x3c: {  	p2 =	seq.s32 s10, $0x1;
	s10 =	sld [smem:$0x3FA0]  }
0x3d: {  	_ =	shalt  }
0x3e: {  	_ =	shalt  }
0x3f: {  	_ =	shalt  }
0x40: {  	_ =	shalt  }
0x41: {  	_ =	shalt  }
0x42: {  	_ =	shalt  }
0x43: {  	_ =	shalt  }
0x44: {  	_ =	shalt  }
0x45: {  	_ =	shalt  }
0x46: {  	_ =	shalt  }
0x47: {  	_ =	shalt  }
0x48: {  	_ =	shalt  }
0x49: {  	_ =	shalt  }
0x4a: {  	_ =	shalt  }
0x4b: {  	_ =	shalt  }
0x4c: {  	_ =	shalt  }
0x4d: {  	_ =	shalt  }
0x4e: {  	_ =	shalt  }
0x4f: {  	_ =	shalt  }
0x50: {  	_ =	shalt  }
0x51: {  	_ =	shalt  }
0x52: {  	_ =	shalt  }
0x53: {  	_ =	shalt  }
0x54: {  	_ =	shalt  }
0x55: {  	_ =	shalt  }
0x56: {  	_ =	shalt  }
0x57: {  	_ =	shalt  }
0x58: {  	_ =	shalt  }
0x59: {  	_ =	shalt  }
0x5a: {  	_ =	shalt  }
0x5b: {  	_ =	shalt  }
0x5c: {  	_ =	shalt  }
0x5d: {  	_ =	shalt  }
0x5e: {  	_ =	shalt  }
0x5f: {  	_ =	shalt  }
0x60: {  	_ =	shalt  }
0x61: {  	_ =	shalt  }
0x62: {  	_ =	shalt  }
0x63: {  	_ =	shalt  }
0x64: {  	_ =	shalt  }
0x65: {  	_ =	shalt  }
0x66: {  	_ =	shalt  }
0x67: {  	_ =	shalt  }
0x68: {  	_ =	shalt  }
0x69: {  	_ =	shalt  }
0x6a: {  	_ =	shalt  }
0x6b: {  	_ =	shalt  }
0x6c: {  	_ =	shalt  }
0x6d: {  	_ =	shalt  }
0x6e: {  	_ =	shalt  }
0x6f: {  	_ =	shalt  }
0x70: {  	_ =	shalt  }
0x71: {  	_ =	shalt  }
0x72: {  	_ =	shalt  }
0x73: {  	_ =	shalt  }
0x74: {  	_ =	shalt  }
0x75: {  	_ =	shalt  }
0x76: {  	_ =	shalt  }
0x77: {  	_ =	shalt  }
0x78: {  	_ =	shalt  }
0x79: {  	_ =	shalt  }
0x7a: {  	_ =	shalt  }
0x7b: {  	_ =	shalt  }
0x7c: {  	_ =	shalt  }
0x7d: {  	_ =	shalt  }
0x7e: {  	_ =	shalt  }
0x7f: {  	_ =	shalt  }
0x80: {  	_ =	shalt  }
0x81: {  	_ =	shalt  }
0x82: {  	_ =	shalt  }
0x83: {  	_ =	shalt  }
0x84: {  	_ =	shalt  }
0x85: {  	_ =	shalt  }
0x86: {  	_ =	shalt  }
0x87: {  	_ =	shalt  }
.Lfunc_end0:
.L_simem_size_0:
called_computation.5_lowered:
.L_overlay_start_0:
0x88: {  	s2 =	sld [smem:$0x3FD9]  }
0x89: {  	s3 =	sld [smem:$0x3FFE];
	_ =	sdelay $0x1  }
0x8a: {  	s1 =	srdreg.scid  }
0x8b: {  	s0 =	sand.u32 $0x1, s1  }
0x8c: {  	s16 =	sshll.u32 s0, $0xA;
	s2 =	sadd.s32 s3, s2  }
0x8d: {  	s2 =	sadd.s32 s2, s16  }
0x8e: {  	[smem:$0x3FAC] =	sst s2  }
0x8f: {  	_ = 	snop  }
0x90: {  	(tm) =	ssettm $0x1  }
0x91: {  	s17 =	sld [smem:$0x3FFB];
	_ =	sdelay $0x3  }
0x92: {  	_ =	strace s17  }
0x93: {  	s2 =	sld [smem:$0x3FFC];
	_ =	sdelay $0x3  }
0x94: {  	_ =	strace s2  }
0x95: {  	s2 =	sld [smem:$0x3FFD];
	_ =	sdelay $0x3  }
0x96: {  	_ =	strace s2  }
0x97: {  	_ =	strace $0x8FFFFFFF  }
0x98: {  	s18 =	sld [smem:$0x3FDB];
	_ =	sdelay $0x1  }
0x99: {  	s19 =	simm.s32 $_scs_section_size  }
0x9a: {  	s4 =	simm.s32 $_size__tile_overlayer_lowered;
	s5 =	simm.s32 $_tile_overlayer_lowered  }
0x9b: {  	s22 =	simm.s32 $0x1BFF;
	s21 =	sshll.u32 s5, $0x1;
	s2 =	sadd.s32 s19, s18  }
0x9c: {  	s6 =	simm.s32 $0x0;
	s20 =	sshll.u32 s4, $0x1;
	s4 =	sadd.s32 s21, s2  }
0x9d: {  	[timem:s6], [sflag:s22] =	dma.local [hbm:s4], s20  }
0x9e: {  	_ =	swait.ge [sflag:s22], s20  }
0x9f: {  	s3 =	ssub.s32 $0x0, s20;
	[sflag:s22] =	ssyncset.done $0x0  }
0xa0: {  	[sflag:s22] =	ssyncadd.s32 s3;
	_ =	sdelay $0x1  }
0xa1: {  	s23 =	simm.s32 $0x1B8B  }
0xa2: {  	_ =	swait.ge [sflag:s23], $0x1  }
0xa3: {  	[sflag:s23] =	ssyncset.done $0x0  }
0xa4: {  	s25 =	simm.s32 $0x1B8E;
	s24 =	sld [smem:$0x3FFE];
	[sflag:s23] =	ssyncadd.s32 $0xFFFFFFFF  }
0xa5: {  	s26 =	simm.s32 $execute0_lowered;
	[smem:$0x3FD2] =	sst s25  }
0xa6: {  	s4 =	sshll.u32 s26, $0x1;
	_ =	strace $0x80000058;
	[dreg:$0x1] =	wrdreg $0xFFFFFFFF  }
0xa7: {  	s28 =	simm.s32 $_size_execute0_lowered;
	s2 =	sadd.s32 s2, s4;
	[dreg:$0x0] =	wrdreg $0x0  }
0xa8: {  	s4 =	sshll.u32 s28, $0x1;
	[dreg:$0x2] =	wrdreg s2  }
0xa9: {  	[dreg:$0x3] =	wrdreg s4  }
0xaa: {  	[dreg:$0x4] =	wrdreg $0xC0  }
0xab: {  	_ =	task [dreg:s6], $0x5FFFF  }
0xac: {  	[dreg:$0x1] =	wrdreg $0xFFFFFFFF  }
0xad: {  	[dreg:$0x0] =	wrdreg $0x60  }
0xae: {  	[dreg:$0x2] =	wrdreg s24  }
0xaf: {  	[dreg:$0x3] =	wrdreg $0x9  }
0xb0: {  	_ =	task.clear_ibuf [dreg:s6], $0x4FFFF;
	_ =	strace $0x90000058  }
0xb1: {  	s29 =	simm.s32 $0x9;
	_ =	strace $0x8000005A  }
0xb2: {  	_ =	swait.ge [sflag:s29], $0x1  }
0xb3: {  	[sflag:s29] =	ssyncadd.s32 $0xFFFFFFFF  }
0xb4: {  	_ =	strace $0x9000005A  }
0xb5: {  	_ =	sfence  }
0xb6: {  	s30 =	sld [smem:$0x0];
	_ =	sdelay $0x2  }
0xb7: {  	s31 =	sshll.u32 s1, $0xD;
	s1 =	sshrl.u32 s1, $0x2  }
0xb8: {  	s3 =	sand.u32 $0x4000, s31;
	s1 =	sadd.s32 s1, s30  }
0xb9: {  	s0 =	sor.u32 s3, s0;
	s1 =	sshll.u32 s1, $0x11  }
0xba: {  	s0 =	sor.u32 s1, s0  }
0xbb: {  	s0 =	sadd.s32 $0x8F2B, s0  }
0xbc: {  	[sflag:s0] =	ssyncadd.remote.s32 $0x1  }
0xbd: {  	_ =	sfence.sel $0xFFFF  }
0xbe: {  	[dreg:$0x0] =	wrdreg $0xFFFFFFFF;
	(pc) =	sbr.abs _section_cstart, $3  }
0xbf: {  	[dreg:$0x1] =	wrdreg $0xFFFFFFFF  }
0xc0: {  	_ =	task.clear_ibuf [dreg:s6], $0x2FFFF;
	_ =	strace $0x9FFFFFFF  }
0xc1: {  	(tm) =	ssettm $0x7FFFFFFF  }
tec
execute0_lowered:
.L_overlay_start_1:
0x0: {  	(tag) =	ssettag $0x1  }
0x1: {  	s7 =	rddreg [dreg:$0x0]  }
0x2: {  	s1 =	srdreg.scid;
	s0 =	rddreg [dreg:$0x1];
	s2 =	simm.s32 $0x0  }
0x3: {  	s11 =	simm.s32 $0x4;
	s12 =	simm.s32 $0x2780;
	s13 =	simm.s32 $0x4F00  }
0x4: {  	s14 =	simm.s32 $0x50;
	s15 =	simm.s32 $0x7700;
	s16 =	simm.s32 $0x9F00  }
0x5: {  	s17 =	simm.s32 $0x3;
	s18 =	simm.s32 $0x1;
	s8 =	sand.u32 $0x1, s1  }
0x6: {  	s19 =	simm.s32 $0x2;
	s1 =	stileid.u32;
	s3 =	sshll.u32 s8, $0x4  }
0x7: {  	s20 =	simm.s32 $0xC700;
	s21 =	simm.s32 $0x0;
	s3 =	sor.u32 s1, s3  }
0x8: {  	[smem:$0x7FF] =	sst s2;
	s8 =	ssub.s32 $0x2, s8;
	s3 =	smul.u32 $0x2710, s3  }
0x9: {  	s4 =	sadd.s32 $0xA7B000, s7;
	s5 =	sadd.s32 $0xA53E00, s7;
	s10 =	sshrl.u32 s8, $0x1  }
0xa: {  	s6 =	sadd.s32 $0x571E00, s7;
	s10 =	ssub.s32 s8, s10;
	s9 =	sshrl.u32 s3, $0x3  }
0xb: {  	_ =	strace $0x80000059;
	s10 =	smax.u32 s10, $0x1;
	s9 =	sadd.s32 s9, s7  }
0xc: {  	s7 =	sadd.s32 $0x1A800, s7;
	s8 =	sadd.s32 $0x10A00, s9;
	s9 =	sadd.s32 $0x6C00, s9  }
.LBB2_1:
0xd: {  	[tilespmem:s2], [sflag:$0x4] =	stream.linear.gather [hbm4b:s8+s2], $0x2710, $0x38;
	[tilespmem:$0xEF00] =	vst v63  }
0xe: {  	_ =	swait.ge [sflag:s11], $0x2710  }
0xf: {  	[sflag:s11] =	ssyncset.done $0x0  }
0x10: {  	[sflag:s11] =	ssyncadd.s32 $0xFFFFD8F0  }
0x11: {  	[tilespmem:s12], [sflag:$0x4] =	stream.linear.gather [hbm4b:s9+s2], $0x2710, $0x38;
	[tilespmem:$0xEF00] =	vst v63  }
0x12: {  	_ =	swait.ge [sflag:s11], $0x2710  }
0x13: {  	[sflag:s11] =	ssyncset.done $0x0  }
0x14: {  	s22 =	simm.s32 $0x0;
	[sflag:s11] =	ssyncadd.s32 $0xFFFFD8F0  }
.LBB2_2:
0x15: {  	s24 =	smul.u32 $0x50, s22;
	_ =	sdelay $0x1  }
0x16: {  	s23 =	sadd.s32 s3, s24  }
0x17: {  	s23 =	sshll.u32 s23, $0x4  }
0x18: {  	s26 =	simm.s32 $0x0;
	s25 =	sadd.s32 s6, s23  }
0x19: {  	[tilespmem:s13], [sflag:$0x3] =	stream.linear.gather [hbm4b:s25+s26], $0x2800, $0x38;
	[tilespmem:$0xEF00] =	vst v63  }
0x1a: {  	_ = 	snop  }
0x1b: {  	[tilespmem:s15], [sflag:$0x1] =	stream.indirect.gather [hbm4b:s4+s14], $0x80, s24, s14, $0xb8;
	[tilespmem:$0xEF00] =	vst v63  }
0x1c: {  	s24 =	sadd.s32 $0x2780, s24  }
0x1d: {  	[tilespmem:s16], [sflag:$0x2] =	stream.indirect.gather [hbm4b:s5+s14], $0x80, s24, s14, $0xb8;
	[tilespmem:$0xEF00] =	vst v63  }
0x1e: {  	_ =	swait.ge [sflag:s17], $0x2800  }
0x1f: {  	[sflag:s17] =	ssyncset.done $0x0  }
0x20: {  	[sflag:s17] =	ssyncadd.s32 $0xFFFFD800  }
0x21: {  	_ =	swait.ge [sflag:s18], $0x2800  }
0x22: {  	[sflag:s18] =	ssyncset.done $0x0  }
0x23: {  	[sflag:s18] =	ssyncadd.s32 $0xFFFFD800  }
0x24: {  	_ =	swait.ge [sflag:s19], $0x2800  }
0x25: {  	[sflag:s19] =	ssyncset.done $0x0  }
0x26: {  	s24 =	simm.s32 $0x0;
	[sflag:s19] =	ssyncadd.s32 $0xFFFFD800  }
0x27: {  	v0 =	vld [tilespmem:s24+$0x7720]  }
0x28: {  	v1 =	vld [tilespmem:s24+$0x9F20]  }
0x29: {  	v2 =	vld [tilespmem:s24+$0x9F70]  }
0x2a: {  	v3 =	vld [tilespmem:s24+$0x7710]  }
0x2b: {  	v4 =	vld [tilespmem:s24+$0x9F50]  }
0x2c: {  	v5 =	vld [tilespmem:s24+$0x4F10]  }
0x2d: {  	v6 =	vld [tilespmem:s24+$0x7750]  }
0x2e: {  	v7 =	vld [tilespmem:s24+$0x4F40]  }
0x2f: {  	v8 =	vld [tilespmem:s24+$0x7740]  }
0x30: {  	v9 =	vld [tilespmem:s24+$0x4F50]  }
0x31: {  	v10 =	vld [tilespmem:s24+$0x9F40]  }
0x32: {  	v11 =	vld [tilespmem:s24+$0x4F20]  }
0x33: {  	v12 =	vld [tilespmem:s24+$0x7760]  }
0x34: {  	v13 =	vld [tilespmem:s24+$0x7770];
	v7 =	vadd.f32 v8, v7  }
0x35: {  	v14 =	vld [tilespmem:s24+$0x4F70];
	v6 =	vadd.f32 v6, v9  }
0x36: {  	v9 =	vld [tilespmem:s24+$0x4F60];
	v8 =	vadd.f32 v10, v7  }
0x37: {  	v4 =	vadd.f32 v4, v6;
	v7 =	vld [tilespmem:s24+$0x9F10]  }
0x38: {  	v10 =	vld [tilespmem:s24+$0x9F60];
	v6 =	vand.u32 $0x7FFFFFFF, v8  }
0x39: {  	v3 =	vadd.f32 v3, v5;
	v5 =	vand.u32 $0x7FFFFFFF, v4;
	v6 =	vsub.f32 $0.0e+00, v6  }
0x3a: {  	s25 =	simm.s32 $0x80;
	v15 =	vld [tilespmem:s24+$0x9F00];
	v13 =	vadd.f32 v13, v14;
	v5 =	vsub.f32 $0.0e+00, v5  }
0x3b: {  	v17 =	vld [tilespmem:s25+$0x9F50];
	v0 =	vadd.f32 v0, v11;
	v9 =	vadd.f32 v12, v9;
	v11 =	vmul.f32 $1.442695020e+00, v6  }
0x3c: {  	v20 =	vld [tilespmem:s25+$0x4F10];
	v6 =	vadd.f32 v2, v13;
	v2 =	vadd.f32 v7, v3;
	v3 =	vmul.f32 $1.442695020e+00, v5  }
0x3d: {  	v22 =	vld [tilespmem:s25+$0x4F20];
	v0 =	vadd.f32 v1, v0;
	v7 =	vadd.f32 v10, v9;
	(erf) = vpow2.f32 v11  }
0x3e: {  	v23 =	vld [tilespmem:s25+$0x7760];
	v9 =	vand.u32 $0x7FFFFFFF, v6;
	v2 =	vsub.f32 $0.0e+00, v2;
	(erf) = vpow2.f32 v3  }
0x3f: {  	v25 =	vld [tilespmem:s25+$0x7770];
	v9 =	vsub.f32 $0.0e+00, v9  }
0x40: {  	v27 =	vld [tilespmem:s25+$0x4F40];
	v0 =	vsub.f32 $0.0e+00, v0;
	v10 =	vand.u32 $0x7FFFFFFF, v7;
	v2 =	vmul.f32 $1.442695020e+00, v2  }
0x41: {  	v28 =	vld [tilespmem:s25+$0x4F50];
	v10 =	vsub.f32 $0.0e+00, v10;
	v9 =	vmul.f32 $1.442695020e+00, v9  }
0x42: {  	v14 =	vld [tilespmem:s24+$0x4F00];
	v0 =	vmul.f32 $1.442695020e+00, v0;
	(erf) = vpow2.f32 v2  }
0x43: {  	v1 =	vld [tilespmem:s24+$0x7730];
	v10 =	vmul.f32 $1.442695020e+00, v10;
	(erf) = vpow2.f32 v9  }
0x44: {  	v12 =	vld [tilespmem:s24+$0x7700];
	(erf) = vpow2.f32 v0  }
0x45: {  	v3 =	vld [tilespmem:s24+$0x4F30];
	(erf) = vpow2.f32 v10  }
0x46: {  	v0 =	vld [tilespmem:s25+$0x4F00];
	v16 =	vpop (erf)  }
0x47: {  	v10 =	vld [tilespmem:s25+$0x7700];
	v18 =	vadd.f32 $2.000000000e+00, v16;
	v19 =	vpop (erf)  }
0x48: {  	v5 =	vld [tilespmem:s24+$0x9F30];
	v21 =	vadd.f32 $2.000000000e+00, v19  }
0x49: {  	v13 =	vld [tilespmem:s25+$0x9F00];
	(erf) = vrcp.f32 v18  }
0x4a: {  	v11 =	vld [tilespmem:s25+$0x7720];
	(erf) = vrcp.f32 v21  }
0x4b: {  	v12 =	vadd.f32 v12, v14;
	v2 =	vld [tilespmem:s25+$0x9F20];
	v14 =	vpop (erf)  }
0x4c: {  	v9 =	vld [tilespmem:s25+$0x7710];
	v1 =	vadd.f32 v1, v3;
	v0 =	vadd.f32 v10, v0;
	v24 =	vpop (erf)  }
0x4d: {  	v12 =	vadd.f32 v15, v12;
	v18 =	vld [tilespmem:s25+$0x7730];
	v15 =	vpop (erf);
	v10 =	vadd.f32 $2.000000000e+00, v24  }
0x4e: {  	v1 =	vadd.f32 v5, v1;
	v21 =	vld [tilespmem:s25+$0x4F30];
	v0 =	vadd.f32 v13, v0;
	v26 =	vpop (erf)  }
0x4f: {  	v35 =	vmax.f32 v8, $0.0e+00;
	v3 =	vld [tilespmem:s25+$0x7750];
	v5 =	vadd.f32 $2.000000000e+00, v26;
	(erf) = vrcp.f32 v10  }
0x50: {  	v4 =	vmax.f32 v4, $0.0e+00;
	v12 =	vsub.f32 $0.0e+00, v12;
	v13 =	vsub.f32 $0.0e+00, v1;
	v10 =	vld [tilespmem:s25+$0x7740]  }
0x51: {  	v1 =	vadd.f32 v11, v22;
	v11 =	vadd.f32 v9, v20;
	v9 =	vld [tilespmem:s25+$0x9F40];
	(erf) = vrcp.f32 v5  }
0x52: {  	v12 =	vmul.f32 $1.442695020e+00, v12;
	v14 =	vadd.f32 $1.000000000e+00, v14;
	v20 =	vsub.f32 $0.0e+00, v0;
	v5 =	vld [tilespmem:s25+$0x4F60];
	v0 =	vpop (erf)  }
0x53: {  	v1 =	vadd.f32 v2, v1;
	v13 =	vmul.f32 $1.442695020e+00, v13;
	v18 =	vadd.f32 v18, v21;
	v21 =	vld [tilespmem:s25+$0x4F70];
	v2 =	vpop (erf)  }
0x54: {  	v22 =	vmul.f32 v0, v16;
	v0 =	vld [tilespmem:s25+$0x9F60];
	v19 =	vmul.f32 v2, v19;
	v2 =	vadd.f32 v3, v28  }
0x55: {  	(erf) = vpow2.f32 v12;
	v10 =	vadd.f32 v10, v27;
	v16 =	vld [tilespmem:s25+$0x9F70];
	v3 =	vsub.f32 $0.0e+00, v1  }
0x56: {  	v28 =	vmul.f32 v22, v22;
	v27 =	vmul.f32 v19, v19;
	v1 =	vadd.f32 v17, v2  }
0x57: {  	v17 =	vmul.f32 $1.442695020e+00, v3;
	v2 =	vadd.f32 v23, v5;
	v3 =	vadd.f32 v9, v10  }
0x58: {  	v5 =	vadd.f32 v25, v21;
	v23 =	vld [tilespmem:s25+$0x9F10];
	v9 =	vpop (erf);
	v25 =	vmul.f32 $2.222222240e-01, v28;
	v10 =	vmul.f32 $2.222222240e-01, v27  }
0x59: {  	v2 =	vadd.f32 v0, v2;
	v0 =	vand.u32 $0x7FFFFFFF, v3;
	v9 =	vmul.f32 v9, v24  }
0x5a: {  	v21 =	vand.u32 $0x7FFFFFFF, v1;
	v29 =	vpop (erf);
	v12 =	vsub.f32 $0.0e+00, v0;
	v0 =	vadd.f32 v16, v5  }
0x5b: {  	v24 =	vld [tilespmem:s25+$0x9F30];
	v5 =	vsub.f32 $0.0e+00, v21;
	v26 =	vmul.f32 v29, v26;
	v21 =	vmul.f32 v9, v9  }
0x5c: {  	v16 =	vand.u32 $0x7FFFFFFF, v2;
	v10 =	vadd.f32 $2.857142980e-01, v10;
	v12 =	vmul.f32 $1.442695020e+00, v12  }
0x5d: {  	v29 =	vand.u32 $0x7FFFFFFF, v0;
	v11 =	vadd.f32 v23, v11;
	v16 =	vsub.f32 $0.0e+00, v16  }
0x5e: {  	(erf) = vpow2.f32 v12;
	v12 =	vmul.f32 $1.442695020e+00, v5;
	v5 =	vadd.f32 $2.857142980e-01, v25  }
0x5f: {  	v30 =	vmul.f32 v26, v26;
	v10 =	vmul.f32 v10, v27;
	v11 =	vsub.f32 $0.0e+00, v11  }
0x60: {  	v23 =	vsub.f32 $0.0e+00, v29;
	v18 =	vadd.f32 v24, v18;
	v25 =	vmul.f32 v5, v28  }
0x61: {  	v10 =	vadd.f32 $4.000000060e-01, v10;
	v11 =	vmul.f32 $1.442695020e+00, v11;
	(erf) = vpow2.f32 v12  }
0x62: {  	s26 =	simm.s32 $0x100;
	v15 =	vadd.f32 $1.000000000e+00, v15;
	v24 =	vmul.f32 $1.442695020e+00, v16;
	v23 =	vmul.f32 $1.442695020e+00, v23  }
0x63: {  	v33 =	vld [tilespmem:s26+$0x7700];
	v10 =	vmul.f32 v10, v27;
	v12 =	vadd.f32 $4.000000060e-01, v25;
	(erf) = vpow2.f32 v11  }
0x64: {  	v36 =	vld [tilespmem:s26+$0x4F20];
	v5 =	vsub.f32 $0.0e+00, v18;
	(erf) = vpow2.f32 v23;
	v23 =	vmul.f32 $2.222222240e-01, v21  }
0x65: {  	v37 =	vld [tilespmem:s26+$0x7730];
	v18 =	vpop (erf);
	v10 =	vadd.f32 $6.666666860e-01, v10;
	(erf) = vpow2.f32 v17;
	v12 =	vmul.f32 v12, v28  }
0x66: {  	v38 =	vld [tilespmem:s26+$0x7760];
	v11 =	vadd.f32 $1.000000000e+00, v18;
	(erf) = vpow2.f32 v24;
	v24 =	vmul.f32 $2.222222240e-01, v30  }
0x67: {  	v59 =	vld [tilespmem:s26+$0x4F40];
	v10 =	vmul.f32 v10, v27;
	v12 =	vadd.f32 $6.666666860e-01, v12;
	(erf) = vrcp.f32 v15  }
0x68: {  	v29 =	vld [tilespmem:s26+$0x7710];
	v23 =	vadd.f32 $2.857142980e-01, v23;
	v24 =	vadd.f32 $2.857142980e-01, v24;
	(erf) = vrcp.f32 v11  }
0x69: {  	v15 =	vld [tilespmem:s26+$0x4F00];
	v31 =	vpop (erf);
	v10 =	vadd.f32 $2.000000000e+00, v10;
	v12 =	vmul.f32 v12, v28;
	(erf) = vpow2.f32 v13  }
0x6a: {  	v18 =	vld [tilespmem:s26+$0x9F00];
	v32 =	vadd.f32 $2.000000000e+00, v31;
	v13 =	vmul.f32 v23, v21;
	v24 =	vmul.f32 v24, v30;
	v34 =	vpop (erf)  }
0x6b: {  	v23 =	vld [tilespmem:s26+$0x4F10];
	v10 =	vmul.f32 v10, v19;
	v12 =	vadd.f32 $2.000000000e+00, v12;
	v27 =	vadd.f32 $2.000000000e+00, v34  }
0x6c: {  	v40 =	vld [tilespmem:s26+$0x4F50];
	v16 =	vmul.f32 $1.442695020e+00, v20;
	v13 =	vadd.f32 $4.000000060e-01, v13;
	v24 =	vadd.f32 $4.000000060e-01, v24  }
0x6d: {  	v20 =	vld [tilespmem:s26+$0x7720];
	v8 =	vpop (erf);
	(erf) = vrcp.f32 v32;
	v4 =	vadd.f32 v10, v4;
	v12 =	vmul.f32 v12, v22  }
0x6e: {  	v56 =	vpop (erf);
	(erf) = vrcp.f32 v27;
	v22 =	vadd.f32 v33, v15;
	v27 =	vld [tilespmem:s26+$0x4F30];
	v19 =	vmul.f32 v13, v21  }
0x6f: {  	v25 =	vld [tilespmem:s26+$0x9F20];
	v57 =	vadd.f32 $2.000000000e+00, v56;
	v24 =	vmul.f32 v24, v30;
	v15 =	vpop (erf);
	v12 =	vadd.f32 v12, v35  }
0x70: {  	(erf) = vrcp.f32 v14;
	v29 =	vadd.f32 v29, v23;
	v23 =	vld [tilespmem:s26+$0x7750];
	v58 =	vpop (erf);
	v14 =	vadd.f32 v18, v22  }
0x71: {  	v6 =	vmax.f32 v6, $0.0e+00;
	v11 =	vld [tilespmem:s26+$0x9F30];
	v19 =	vadd.f32 $6.666666860e-01, v19;
	v22 =	vadd.f32 $6.666666860e-01, v24;
	v13 =	vpop (erf)  }
0x72: {  	v60 =	vld [tilespmem:s26+$0x7740];
	v24 =	vmax.f32 v7, $0.0e+00;
	v7 =	vpop (erf);
	v39 =	vsub.f32 $0.0e+00, v14;
	v14 =	vadd.f32 $2.000000000e+00, v58  }
0x73: {  	v17 =	vld [tilespmem:s26+$0x9F70];
	v7 =	vmul.f32 v12, v7;
	v27 =	vadd.f32 v37, v27;
	v22 =	vmul.f32 v22, v30;
	v12 =	vpop (erf)  }
0x74: {  	v28 =	vld [tilespmem:s26+$0x9F50];
	(erf) = vrcp.f32 v57;
	v30 =	vadd.f32 $1.000000000e+00, v12;
	v12 =	vadd.f32 v20, v36  }
0x75: {  	v18 =	vld [tilespmem:s26+$0x7770];
	v23 =	vadd.f32 v23, v40;
	[tilespmem:s24+$0xC700] =	vst v7;
	v7 =	vmul.f32 v19, v21;
	v19 =	vadd.f32 $2.000000000e+00, v22  }
0x76: {  	(erf) = vrcp.f32 v14;
	v21 =	vadd.f32 v11, v27;
	v11 =	vpop (erf);
	v27 =	vld [tilespmem:s26+$0x4F70];
	v20 =	vadd.f32 v25, v12  }
0x77: {  	v22 =	vld [tilespmem:s26+$0x4F60];
	v14 =	vmul.f32 v11, v31;
	v11 =	vpop (erf);
	v7 =	vadd.f32 $2.000000000e+00, v7;
	v25 =	vmul.f32 v19, v26  }
0x78: {  	v10 =	vld [tilespmem:s26+$0x9F40];
	v31 =	vadd.f32 v60, v59;
	(erf) = vrcp.f32 v30;
	v12 =	vmul.f32 v11, v34  }
0x79: {  	v26 =	vld [tilespmem:s26+$0x9F60];
	v11 =	vsub.f32 $0.0e+00, v20;
	v7 =	vmul.f32 v7, v9;
	v9 =	vpop (erf);
	v20 =	vmul.f32 v14, v14  }
0x7a: {  	v24 =	vadd.f32 v25, v24;
	v19 =	vmul.f32 v12, v12;
	v9 =	vmul.f32 v4, v9  }
0x7b: {  	v4 =	vadd.f32 v28, v23;
	v61 =	vadd.f32 v7, v6;
	v23 =	vmul.f32 $1.442695020e+00, v11  }
0x7c: {  	v6 =	vadd.f32 v38, v22;
	v11 =	vadd.f32 v18, v27;
	v28 =	vmul.f32 $2.222222240e-01, v20;
	[tilespmem:s24+$0xC710] =	vst v9  }
0x7d: {  	v18 =	vpop (erf);
	(erf) = vpow2.f32 v16;
	v22 =	vmul.f32 $2.222222240e-01, v19;
	v9 =	vadd.f32 v10, v31;
	v31 =	vld [tilespmem:s26+$0x9F10]  }
0x7e: {  	v27 =	vand.u32 $0x7FFFFFFF, v4;
	v7 =	vadd.f32 v26, v6;
	v6 =	vadd.f32 v17, v11  }
0x7f: {  	v10 =	vmul.f32 v18, v56;
	v30 =	vpop (erf);
	v26 =	vsub.f32 $0.0e+00, v27;
	v17 =	vand.u32 $0x7FFFFFFF, v9  }
0x80: {  	v11 =	vmul.f32 v30, v58;
	v17 =	vsub.f32 $0.0e+00, v17;
	v18 =	vand.u32 $0x7FFFFFFF, v6  }
0x81: {  	v16 =	vmul.f32 v10, v10;
	v27 =	vand.u32 $0x7FFFFFFF, v7;
	v30 =	vsub.f32 $0.0e+00, v18  }
0x82: {  	v18 =	vmul.f32 v11, v11;
	v17 =	vmul.f32 $1.442695020e+00, v17;
	v25 =	vadd.f32 v31, v29  }
0x83: {  	v29 =	vsub.f32 $0.0e+00, v27;
	v27 =	vmul.f32 $1.442695020e+00, v26;
	v31 =	vadd.f32 $2.857142980e-01, v28  }
0x84: {  	v63 =	vpop (erf);
	v28 =	vmul.f32 $1.442695020e+00, v30;
	v26 =	vadd.f32 $2.857142980e-01, v22;
	(erf) = vpow2.f32 v17  }
0x85: {  	v22 =	vsub.f32 $0.0e+00, v21;
	v21 =	vmul.f32 v61, v63;
	v62 =	vsub.f32 $0.0e+00, v25  }
0x86: {  	v25 =	vmul.f32 $1.442695020e+00, v29;
	v29 =	vmul.f32 v31, v20  }
0x87: {  	s28 =	simm.s32 $0x600;
	v17 =	vmul.f32 $1.442695020e+00, v39;
	v30 =	vmul.f32 $1.442695020e+00, v62  }
.LBB2_3:
0x88: {  	s29 =	sshra.s32 s28, $0x2;
	p0 =	sne.s32 s28, $0x9E00;
	s28 =	sadd.s32 $0x200, s28;
	(erf) = vpow2.f32 v27;
	v27 =	vadd.f32 $4.000000060e-01, v29;
	v29 =	vpop (erf);
	v13 =	vmul.f32 v24, v13  }
0x89: {  	v26 =	vmul.f32 v26, v19;
	v24 =	vld [tilespmem:s29+$0x7720];
	(erf) = vpow2.f32 v30;
	v29 =	vadd.f32 $1.000000000e+00, v29;
	[tilespmem:s24+$0xC730] =	vst v21  }
0x8a: {  	v15 =	vadd.f32 $1.000000000e+00, v15;
	v32 =	vmul.f32 $2.222222240e-01, v16;
	v30 =	vld [tilespmem:s29+$0x9F00];
	(erf) = vpow2.f32 v28;
	[tilespmem:s24+$0xC720] =	vst v13;
	s24 =	smov.u32 s25;
	s25 =	smov.u32 s26;
	s26 =	smov.u32 s29  }
0x8b: {  	v13 =	vmul.f32 v27, v20;
	v31 =	vld [tilespmem:s26+$0x9F20];
	(erf) = vpow2.f32 v23;
	v23 =	vadd.f32 $4.000000060e-01, v26  }
0x8c: {  	v26 =	vadd.f32 $2.857142980e-01, v32;
	v21 =	vld [tilespmem:s26+$0x9F70];
	(erf) = vpow2.f32 v25;
	v25 =	vmul.f32 $2.222222240e-01, v18  }
0x8d: {  	v13 =	vadd.f32 $6.666666860e-01, v13;
	v27 =	vld [tilespmem:s26+$0x7710];
	v28 =	vpop (erf);
	v23 =	vmul.f32 v23, v19;
	(erf) = vrcp.f32 v15  }
0x8e: {  	v33 =	vmul.f32 $1.442695020e+00, v5;
	v5 =	vmovc v22;
	v15 =	vld [tilespmem:s26+$0x4F00];
	v32 =	vadd.f32 $2.000000000e+00, v28;
	v25 =	vadd.f32 $2.857142980e-01, v25  }
0x8f: {  	v13 =	vmul.f32 v13, v20;
	v22 =	vld [tilespmem:s26+$0x7700];
	v20 =	vadd.f32 $6.666666860e-01, v23;
	(erf) = vrcp.f32 v29  }
0x90: {  	v29 =	vadd.f32 $1.000000000e+00, v8;
	v23 =	vld [tilespmem:s26+$0x9F30];
	v25 =	vmul.f32 v25, v18;
	(erf) = vpow2.f32 v33  }
0x91: {  	v13 =	vadd.f32 $2.000000000e+00, v13;
	v33 =	vld [tilespmem:s26+$0x9F50];
	v34 =	vpop (erf);
	v19 =	vmul.f32 v20, v19;
	v20 =	vmul.f32 v26, v16  }
0x92: {  	v3 =	vmax.f32 v3, $0.0e+00;
	v26 =	vld [tilespmem:s26+$0x4F10];
	v35 =	vadd.f32 $2.000000000e+00, v34;
	v8 =	vpop (erf);
	v25 =	vadd.f32 $4.000000060e-01, v25  }
0x93: {  	v36 =	vld [tilespmem:s26+$0x4F20];
	(erf) = vrcp.f32 v32;
	v32 =	vpop (erf);
	v19 =	vadd.f32 $2.000000000e+00, v19;
	v20 =	vadd.f32 $4.000000060e-01, v20  }
0x94: {  	v40 =	vmul.f32 v13, v14;
	v22 =	vadd.f32 v22, v15;
	v37 =	vld [tilespmem:s26+$0x7730];
	(erf) = vrcp.f32 v35;
	v15 =	vpop (erf)  }
0x95: {  	v35 =	vadd.f32 $2.000000000e+00, v32;
	v14 =	vld [tilespmem:s26+$0x4F30];
	v38 =	vpop (erf);
	v19 =	vmul.f32 v19, v12;
	v12 =	vmul.f32 v25, v18  }
0x96: {  	v39 =	vadd.f32 v40, v3;
	v20 =	vmul.f32 v20, v16;
	v25 =	vld [tilespmem:s26+$0x7760];
	(erf) = vrcp.f32 v29;
	v13 =	vpop (erf)  }
0x97: {  	v3 =	vmovc v9;
	v22 =	vadd.f32 v30, v22;
	v29 =	vld [tilespmem:s26+$0x7770];
	(erf) = vrcp.f32 v35;
	v12 =	vadd.f32 $6.666666860e-01, v12  }
0x98: {  	v26 =	vadd.f32 v27, v26;
	v27 =	vmax.f32 v2, $0.0e+00;
	v20 =	vadd.f32 $6.666666860e-01, v20;
	v9 =	vld [tilespmem:s26+$0x7750];
	v2 =	vpop (erf)  }
0x99: {  	v35 =	vadd.f32 $2.000000000e+00, v38;
	v22 =	vsub.f32 $0.0e+00, v22;
	v30 =	vld [tilespmem:s26+$0x4F40];
	v39 =	vmul.f32 v39, v2;
	v2 =	vpop (erf)  }
0x9a: {  	v41 =	vmul.f32 v12, v18;
	v40 =	vld [tilespmem:s26+$0x4F50];
	v37 =	vadd.f32 v37, v14;
	v18 =	vadd.f32 $1.000000000e+00, v2;
	v2 =	vmovc v7  }
0x9b: {  	v24 =	vadd.f32 v24, v36;
	v16 =	vmul.f32 v20, v16;
	v7 =	vld [tilespmem:s26+$0x7740];
	(erf) = vrcp.f32 v35;
	[tilespmem:s24+$0xC700] =	vst v39  }
0x9c: {  	v20 =	vadd.f32 $2.000000000e+00, v41;
	v35 =	vadd.f32 v23, v37;
	v36 =	vld [tilespmem:s26+$0x4F70];
	v14 =	vpop (erf);
	v37 =	vmax.f32 v1, $0.0e+00  }
0x9d: {  	v16 =	vadd.f32 $2.000000000e+00, v16;
	v23 =	vadd.f32 v31, v24;
	v24 =	vld [tilespmem:s26+$0x4F60];
	v14 =	vmul.f32 v14, v28;
	v12 =	vpop (erf)  }
0x9e: {  	v1 =	vmovc v4;
	v31 =	vadd.f32 v19, v37;
	v28 =	vld [tilespmem:s26+$0x9F60];
	v12 =	vmul.f32 v12, v34;
	v34 =	vmax.f32 v0, $0.0e+00;
	v0 =	vmovc v6  }
0x9f: {  	v37 =	vmul.f32 v20, v11;
	v4 =	vmul.f32 v16, v10;
	v23 =	vsub.f32 $0.0e+00, v23;
	v6 =	vld [tilespmem:s26+$0x9F40];
	v10 =	vpop (erf)  }
0xa0: {  	v9 =	vadd.f32 v9, v40;
	v19 =	vmul.f32 v12, v12;
	v11 =	vpop (erf);
	v10 =	vmul.f32 v31, v10  }
0xa1: {  	v20 =	vmul.f32 v14, v14;
	v7 =	vadd.f32 v7, v30;
	v31 =	vadd.f32 v4, v34  }
0xa2: {  	v23 =	vmul.f32 $1.442695020e+00, v23;
	v4 =	vadd.f32 v33, v9;
	[tilespmem:s24+$0xC710] =	vst v10;
	(erf) = vrcp.f32 v18  }
0xa3: {  	v16 =	vadd.f32 v29, v36;
	v10 =	vadd.f32 v25, v24;
	v25 =	vmul.f32 $2.222222240e-01, v19  }
0xa4: {  	v29 =	vmul.f32 $2.222222240e-01, v20;
	v18 =	vand.u32 $0x7FFFFFFF, v4;
	v9 =	vadd.f32 v6, v7;
	v24 =	vpop (erf)  }
0xa5: {  	v7 =	vadd.f32 v28, v10;
	v6 =	vadd.f32 v21, v16;
	v10 =	vmul.f32 v11, v32;
	v30 =	vld [tilespmem:s26+$0x9F10]  }
0xa6: {  	v11 =	vmul.f32 v24, v38;
	v16 =	vand.u32 $0x7FFFFFFF, v9;
	(erf) = vpow2.f32 v17  }
0xa7: {  	v21 =	vsub.f32 $0.0e+00, v18;
	v17 =	vsub.f32 $0.0e+00, v16;
	v16 =	vmul.f32 v10, v10  }
0xa8: {  	v28 =	vand.u32 $0x7FFFFFFF, v7;
	v24 =	vand.u32 $0x7FFFFFFF, v6;
	v18 =	vmul.f32 v11, v11  }
0xa9: {  	v32 =	vsub.f32 $0.0e+00, v24;
	v24 =	vadd.f32 v37, v27;
	v17 =	vmul.f32 $1.442695020e+00, v17  }
.Ltmp0:
0xaa: {  	v27 =	vmul.f32 $1.442695020e+00, v21;
	v21 =	vsub.f32 $0.0e+00, v28;
	v30 =	vadd.f32 v30, v26;
	(pc) =	sbr.rel @p0 .LBB2_3-.Ltmp0, $4  }
0xab: {  	v29 =	vadd.f32 $2.857142980e-01, v29;
	v26 =	vadd.f32 $2.857142980e-01, v25;
	(erf) = vpow2.f32 v17;
	v33 =	vpop (erf)  }
0xac: {  	v28 =	vmul.f32 $1.442695020e+00, v32;
	v25 =	vmul.f32 $1.442695020e+00, v21;
	v30 =	vsub.f32 $0.0e+00, v30  }
0xad: {  	v29 =	vmul.f32 v29, v20;
	v17 =	vmul.f32 $1.442695020e+00, v22;
	v22 =	vsub.f32 $0.0e+00, v35  }
0xae: {  	v21 =	vmul.f32 v31, v33;
	v30 =	vmul.f32 $1.442695020e+00, v30  }
0xaf: {  	(erf) = vpow2.f32 v27  }
0xb0: {  	(erf) = vpow2.f32 v30  }
0xb1: {  	(erf) = vpow2.f32 v28  }
0xb2: {  	v61 =	vpop (erf);
	v15 =	vadd.f32 $1.000000000e+00, v15;
	(erf) = vpow2.f32 v23  }
0xb3: {  	v62 =	vadd.f32 $1.000000000e+00, v61;
	(erf) = vpow2.f32 v25  }
0xb4: {  	v5 =	vmul.f32 $1.442695020e+00, v5;
	(erf) = vrcp.f32 v15  }
0xb5: {  	(erf) = vrcp.f32 v62  }
0xb6: {  	(erf) = vpow2.f32 v5  }
0xb7: {  	v63 =	vpop (erf)  }
0xb8: {  	v36 =	vpop (erf)  }
0xb9: {  	v39 =	vadd.f32 $4.000000060e-01, v29;
	v23 =	vpop (erf)  }
0xba: {  	v38 =	vpop (erf)  }
0xbb: {  	v28 =	vmul.f32 v39, v20;
	v37 =	vadd.f32 $2.000000000e+00, v63;
	v41 =	vpop (erf)  }
0xbc: {  	v26 =	vmul.f32 v26, v19;
	v34 =	vmul.f32 $2.222222240e-01, v16;
	v40 =	vadd.f32 $2.000000000e+00, v36;
	v42 =	vpop (erf)  }
0xbd: {  	v8 =	vadd.f32 $1.000000000e+00, v8;
	v28 =	vadd.f32 $6.666666860e-01, v28;
	(erf) = vrcp.f32 v37;
	v31 =	vpop (erf)  }
0xbe: {  	v48 =	vadd.f32 $2.857142980e-01, v34;
	(erf) = vrcp.f32 v40;
	v43 =	vadd.f32 $2.000000000e+00, v38;
	v44 =	vpop (erf)  }
0xbf: {  	v47 =	vmul.f32 v28, v20;
	(erf) = vrcp.f32 v8;
	v45 =	vadd.f32 $2.000000000e+00, v42;
	v33 =	vpop (erf)  }
0xc0: {  	v28 =	vmul.f32 v48, v16;
	(erf) = vrcp.f32 v43;
	v33 =	vadd.f32 $1.000000000e+00, v33  }
0xc1: {  	v32 =	vmul.f32 $2.222222240e-01, v18;
	(erf) = vrcp.f32 v45  }
0xc2: {  	v20 =	vadd.f32 $2.000000000e+00, v47;
	v52 =	vadd.f32 $4.000000060e-01, v28;
	(erf) = vrcp.f32 v33  }
0xc3: {  	v26 =	vadd.f32 $4.000000060e-01, v26;
	(erf) = vpow2.f32 v17  }
0xc4: {  	v46 =	vadd.f32 $2.857142980e-01, v32;
	v14 =	vmul.f32 v20, v14;
	v55 =	vmul.f32 v52, v16  }
0xc5: {  	v3 =	vmax.f32 v3, $0.0e+00;
	v26 =	vmul.f32 v26, v19  }
0xc6: {  	v50 =	vmul.f32 v46, v18;
	v3 =	vadd.f32 v14, v3;
	v14 =	vadd.f32 $6.666666860e-01, v55;
	v53 =	vpop (erf)  }
0xc7: {  	v13 =	vmul.f32 v24, v13;
	v22 =	vmul.f32 $1.442695020e+00, v22;
	v54 =	vpop (erf)  }
0xc8: {  	v49 =	vadd.f32 $6.666666860e-01, v26;
	v51 =	vadd.f32 $4.000000060e-01, v50;
	v14 =	vmul.f32 v14, v16;
	v56 =	vpop (erf)  }
0xc9: {  	v3 =	vmul.f32 v3, v44;
	v5 =	vmul.f32 v53, v63;
	v33 =	vadd.f32 $1.000000000e+00, v41;
	v58 =	vpop (erf)  }
0xca: {  	v2 =	vmax.f32 v2, $0.0e+00;
	v17 =	vmul.f32 v49, v19;
	v19 =	vmul.f32 v51, v18;
	v60 =	vpop (erf)  }
0xcb: {  	v1 =	vmax.f32 v1, $0.0e+00;
	v61 =	vmul.f32 v5, v5;
	(erf) = vrcp.f32 v33;
	v62 =	vpop (erf)  }
0xcc: {  	v57 =	vadd.f32 $6.666666860e-01, v19;
	v59 =	vmul.f32 v54, v36;
	v19 =	vmul.f32 v58, v38;
	v32 =	vpop (erf)  }
0xcd: {  	v34 =	vmul.f32 $2.222222240e-01, v61;
	v15 =	vmul.f32 v60, v42;
	v26 =	vadd.f32 $1.000000000e+00, v32  }
0xce: {  	v0 =	vmax.f32 v0, $0.0e+00;
	v63 =	vmul.f32 v59, v59;
	v35 =	vmul.f32 v19, v19  }
0xcf: {  	v9 =	vmax.f32 v9, $0.0e+00;
	v37 =	vmul.f32 v15, v15;
	(erf) = vrcp.f32 v26  }
0xd0: {  	v23 =	vadd.f32 $1.000000000e+00, v23;
	v36 =	vmul.f32 $2.222222240e-01, v63;
	(erf) = vpow2.f32 v22  }
0xd1: {  	v17 =	vadd.f32 $2.000000000e+00, v17;
	v38 =	vadd.f32 $2.857142980e-01, v34;
	v40 =	vmul.f32 $2.222222240e-01, v37  }
0xd2: {  	v14 =	vadd.f32 $2.000000000e+00, v14;
	v39 =	vmul.f32 $2.222222240e-01, v35;
	v22 =	vadd.f32 $2.857142980e-01, v36  }
0xd3: {  	v12 =	vmul.f32 v17, v12;
	v41 =	vmul.f32 v38, v61;
	v43 =	vadd.f32 $2.857142980e-01, v40  }
0xd4: {  	v17 =	vmul.f32 v57, v18;
	v42 =	vadd.f32 $2.857142980e-01, v39;
	v22 =	vmul.f32 v22, v63  }
0xd5: {  	v1 =	vadd.f32 v12, v1;
	v12 =	vadd.f32 $4.000000060e-01, v41;
	v46 =	vmul.f32 v43, v37  }
0xd6: {  	v17 =	vadd.f32 $2.000000000e+00, v17;
	v44 =	vmul.f32 v42, v35;
	v45 =	vadd.f32 $4.000000060e-01, v22  }
0xd7: {  	v10 =	vmul.f32 v14, v10;
	v47 =	vpop (erf);
	v12 =	vmul.f32 v12, v61;
	v22 =	vadd.f32 $4.000000060e-01, v46  }
0xd8: {  	v11 =	vmul.f32 v17, v11;
	v17 =	vadd.f32 $4.000000060e-01, v44;
	v14 =	vmul.f32 v45, v63;
	v48 =	vpop (erf)  }
0xd9: {  	v12 =	vadd.f32 $6.666666860e-01, v12;
	(erf) = vrcp.f32 v23;
	v22 =	vmul.f32 v22, v37;
	v49 =	vpop (erf)  }
0xda: {  	v17 =	vmul.f32 v17, v35;
	v14 =	vadd.f32 $6.666666860e-01, v14;
	v28 =	vadd.f32 $1.000000000e+00, v49  }
0xdb: {  	v4 =	vmax.f32 v4, $0.0e+00;
	v12 =	vmul.f32 v12, v61;
	v51 =	vadd.f32 $6.666666860e-01, v22  }
0xdc: {  	v17 =	vadd.f32 $6.666666860e-01, v17;
	v50 =	vmul.f32 v14, v63;
	(erf) = vrcp.f32 v28  }
0xdd: {  	v0 =	vadd.f32 v10, v0;
	v52 =	vadd.f32 $2.000000000e+00, v12;
	v14 =	vmul.f32 v51, v37  }
0xde: {  	v1 =	vmul.f32 v1, v56;
	v53 =	vmul.f32 v17, v35;
	v10 =	vadd.f32 $2.000000000e+00, v50  }
0xdf: {  	[tilespmem:s24+$0xC730] =	vst v21;
	v2 =	vadd.f32 v11, v2;
	v5 =	vmul.f32 v52, v5;
	v55 =	vadd.f32 $2.000000000e+00, v14  }
0xe0: {  	[tilespmem:s24+$0xC720] =	vst v13;
	v0 =	vmul.f32 v0, v62;
	v54 =	vadd.f32 $2.000000000e+00, v53;
	v8 =	vmul.f32 v10, v59  }
0xe1: {  	[tilespmem:s25+$0xC700] =	vst v3;
	v2 =	vmul.f32 v2, v31;
	v56 =	vadd.f32 v5, v9;
	v60 =	vmul.f32 v55, v15  }
0xe2: {  	[tilespmem:s25+$0xC710] =	vst v1;
	v61 =	vmax.f32 v7, $0.0e+00;
	v57 =	vmul.f32 v54, v19;
	v58 =	vadd.f32 v8, v4  }
0xe3: {  	[tilespmem:s25+$0xC730] =	vst v0;
	v3 =	vmul.f32 v56, v48;
	v62 =	vpop (erf);
	v59 =	vmax.f32 v6, $0.0e+00;
	v0 =	vadd.f32 v60, v61  }
0xe4: {  	[tilespmem:s25+$0xC720] =	vst v2;
	v4 =	vadd.f32 v57, v59;
	v1 =	vmul.f32 v58, v62  }
0xe5: {  	[tilespmem:s26+$0xC700] =	vst v3;
	v0 =	vmul.f32 v0, v47;
	v63 =	vpop (erf)  }
0xe6: {  	s22 =	sadd.s32 $0x1, s22;
	[tilespmem:s26+$0xC710] =	vst v1;
	v2 =	vmul.f32 v4, v63  }
0xe7: {  	p0 =	sne.s32 s22, $0x7D;
	[tilespmem:s26+$0xC720] =	vst v0  }
.Ltmp1:
0xe8: {  	s23 =	sadd.s32 s7, s23;
	[tilespmem:s26+$0xC730] =	vst v2;
	(pc) =	sbr.rel @p0 .LBB2_2-.Ltmp1, $4  }
0xe9: {  	[hbm4b:s23+s2] =	stream.linear.scatter [tilespmem:s20], [sflag:$0x4], $0x2800, $0x38;
	[tilespmem:$0xEF00] =	vst v63  }
0xea: {  	_ =	swait.ge [sflag:s11], $0x2800  }
0xeb: {  	[sflag:s11] =	ssyncset.done $0x0  }
0xec: {  	[sflag:s11] =	ssyncadd.s32 $0xFFFFD800  }
0xed: {  	s21 =	sadd.s32 $0x1, s21  }
0xee: {  	p0 =	sne.s32 s21, s10  }
.Ltmp2:
0xef: {  	_ = 	snop;
	(pc) =	sbr.rel @p0 .LBB2_1-.Ltmp2, $1  }
0xf0: {  	_ =	sdelay $0x3  }
0xf1: {  	_ =	sfence.sel $0x180000  }
0xf2: {  	[bflag:$0x0] =	sbarrier.arrive $0xFFFF  }
0xf3: {  	p0 =	sne.s32 s1, $0x0;
	_ =	strace $0x90000059  }
0xf4: {  	s0 =	sadd.s32 @!p0 $0x100000, s0;
	[bflag:$0x2] =	sbarrier.arrive $0xFFFF  }
0xf5: {  	[sflag:s0] =	ssyncadd.tile.s32 @!p0 $0x1;
	_ =	shalt  }
.Lfunc_end2:
_tile_overlayer_lowered:
.L_overlay_start_2:
0xf6: {  	(tag) =	ssettag $0x2  }
0xf7: {  	s0 =	rddreg [dreg:$0x0];
	s2 =	stileid.u32  }
0xf8: {  	s1 =	rddreg [dreg:$0x1];
	p0 =	sne.s32 s2, $0x0  }
0xf9: {  	s3 =	rddreg [dreg:$0x2];
	[bflag:$0x3] =	sbarrier.arrive $0xFFFF;
	s2 =	simm.s32 @!p0 $0x1C04  }
0xfa: {  	[timem:s3], [sflag:s2] =	dma.local @!p0 [hbm:s0], s1  }
0xfb: {  	s0 =	simm.s32 @!p0 $0x4  }
0xfc: {  	_ =	swait.ge @!p0 [sflag:s0], s1  }
0xfd: {  	s1 =	ssub.s32 @!p0 $0x0, s1;
	[sflag:s0] =	ssyncset.done @!p0 $0x0  }
0xfe: {  	[sflag:s0] =	ssyncadd.s32 @!p0 s1  }
0xff: {  	[bflag:$0x3] =	sbarrier.arrive $0xFFFF  }
0x100: {  	_ =	shalt  }

// kernel: scatter_offload_async_start.1
scs
__scs_entry_jumppad:
0x0: {  	(pc) =	sbr.rel $0x88, $3  }
0x1: {  	(tag) =	ssettag $0x0;
	lr =	simm.s32 $0x1  }
0x2: {  	[smem:$0x3F85] =	sst lr;
	_ =	strace $0xD0000000  }
0x3: {  	_ = 	snop  }
0x4: {  	_ = 	snop  }
0x5: {  	_ = 	snop  }
0x6: {  	_ = 	snop  }
0x7: {  	_ = 	snop  }
__scs_overlays_trampoline_lowered:
0x8: {  	[smem:$0x3F94] =	sst s0  }
0x9: {  	[smem:$0x3F95] =	sst s1  }
0xa: {  	[smem:$0x3F96] =	sst s2  }
0xb: {  	[smem:$0x3F97] =	sst s3  }
0xc: {  	[smem:$0x3F98] =	sst s4  }
0xd: {  	[smem:$0x3F99] =	sst s5  }
0xe: {  	[smem:$0x3F9A] =	sst s6  }
0xf: {  	[smem:$0x3F9B] =	sst s7  }
0x10: {  	[smem:$0x3F9C] =	sst s8  }
0x11: {  	[smem:$0x3F9D] =	sst s9;
	s0 =	simm.s32 @!p0 $0x0  }
0x12: {  	s1 =	sld [smem:$0x3F83];
	s0 =	simm.s32 @p0 $0x1  }
0x13: {  	[smem:$0x3F9E] =	sst s0;
	s0 =	simm.s32 @!p1 $0x0  }
0x14: {  	s2 =	sld [smem:$0x3F82];
	s0 =	simm.s32 @p1 $0x1  }
0x15: {  	[smem:$0x3F9F] =	sst s0;
	s0 =	simm.s32 @!p2 $0x0  }
0x16: {  	s3 =	sld [smem:$0x3FDB];
	s0 =	simm.s32 @p2 $0x1  }
0x17: {  	s4 =	simm.s32 $0x1BF5;
	[smem:$0x3FA1] =	sst s0  }
0x18: {  	s0 =	sld [smem:$0x3F84];
	_ =	swait.ge [sflag:s4], $0x0  }
0x19: {  	s7 =	sld [smem:$0x3F85]  }
0x1a: {  	s8 =	sadd.s32 $0xFFFFE003, lr  }
0x1b: {  	s9 =	sadd.s32 $0xFFFFFEF7, lr;
	s5 =	simm.s32 $0xFFFFFFFF;
	p2 =	slt.u32 s8, $0xFFFFF086  }
0x1c: {  	p1 =	slt.u32 s9, $0xF7A;
	s5 =	simm.s32 @!p2 $0x0  }
0x1d: {  	s5 =	simm.s32 @p1 $0x1;
	p0 =	seq.s32 s7, s2  }
0x1e: {  	s7 =	smul.u32 @!p0 $0xF7A, s2;
	p2 =	seq.s32 @!p0 s5, $0x0  }
0x1f: {  	s9 =	smul.u32 $0xF7A, s1;
	s8 =	simm.s32 @!p0 $0x1BF5;
	p2 =	por !p2, p0  }
0x20: {  	[sflag:s8] =	ssyncset.s32 @!p0 $0xFFFFF086;
	s6 =	sadd.s32 @!p0 s3, s7;
	s7 =	simm.s32 @!p0 $0x108  }
0x21: {  	s3 =	sadd.s32 s3, s9;
	s6 =	sadd.s32 @!p0 $0x88, s6;
	s7 =	simm.s32 @p2 $0x1082  }
0x22: {  	[simem:s7], [sflag:s8] =	dma.local @!p0 [hbm:s6], $0xF7A  }
0x23: {  	s9 =	sor.u32 $0xD0000000, s2;
	s6 =	simm.s32 $0x108;
	_ =	swait.ge @!p0 [sflag:s8], $0x0  }
0x24: {  	s3 =	sadd.s32 $0x88, s3;
	s6 =	simm.s32 @!p1 $0x1082;
	[sflag:s4] =	ssyncset.s32 $0xFFFFF086  }
0x25: {  	[simem:s6], [sflag:s4] =	dma.local [hbm:s3], $0xF7A  }
0x26: {  	[smem:$0x3F85] =	sst s1;
	(tag) =	ssettag s2;
	_ =	strace s9  }
0x27: {  	s1 =	sld [smem:$0x3F95]  }
0x28: {  	s2 =	sld [smem:$0x3F96]  }
0x29: {  	s4 =	sld [smem:$0x3F98]  }
0x2a: {  	p0 =	seq.s32 s5, $0x0;
	s5 =	sld [smem:$0x3F99]  }
0x2b: {  	s6 =	sld [smem:$0x3F9A]  }
0x2c: {  	s7 =	sld [smem:$0x3F9B]  }
0x2d: {  	s3 =	simm.s32 $0x108;
	s8 =	sld [smem:$0x3F9C]  }
0x2e: {  	s3 =	simm.s32 @!p0 $0x1082;
	s9 =	sld [smem:$0x3F9D]  }
0x2f: {  	lr =	sadd.s32 s0, s3;
	s0 =	sld [smem:$0x3F94]  }
0x30: {  	s3 =	sld [smem:$0x3F97]  }
0x31: {  	[smem:$0x3FA0] =	sst s10  }
0x32: {  	s10 =	sld [smem:$0x3F9E];
	_ =	sdelay $0x3  }
0x33: {  	p0 =	seq.s32 s10, $0x1;
	s10 =	sld [smem:$0x3FA0];
	_ =	sdelay $0x3  }
0x34: {  	[smem:$0x3FA0] =	sst s10  }
0x35: {  	s10 =	sld [smem:$0x3F9F];
	_ =	sdelay $0x3  }
0x36: {  	p1 =	seq.s32 s10, $0x1;
	s10 =	sld [smem:$0x3FA0];
	_ =	sdelay $0x3  }
0x37: {  	[smem:$0x3FA0] =	sst s10  }
0x38: {  	s10 =	sld [smem:$0x3FA1]  }
0x39: {  	_ = 	snop;
	(pc) =	sbr.ind lr, $3  }
0x3a: {  	_ = 	snop  }
0x3b: {  	_ = 	snop  }
0x3c: {  	p2 =	seq.s32 s10, $0x1;
	s10 =	sld [smem:$0x3FA0]  }
0x3d: {  	_ =	shalt  }
0x3e: {  	_ =	shalt  }
0x3f: {  	_ =	shalt  }
0x40: {  	_ =	shalt  }
0x41: {  	_ =	shalt  }
0x42: {  	_ =	shalt  }
0x43: {  	_ =	shalt  }
0x44: {  	_ =	shalt  }
0x45: {  	_ =	shalt  }
0x46: {  	_ =	shalt  }
0x47: {  	_ =	shalt  }
0x48: {  	_ =	shalt  }
0x49: {  	_ =	shalt  }
0x4a: {  	_ =	shalt  }
0x4b: {  	_ =	shalt  }
0x4c: {  	_ =	shalt  }
0x4d: {  	_ =	shalt  }
0x4e: {  	_ =	shalt  }
0x4f: {  	_ =	shalt  }
0x50: {  	_ =	shalt  }
0x51: {  	_ =	shalt  }
0x52: {  	_ =	shalt  }
0x53: {  	_ =	shalt  }
0x54: {  	_ =	shalt  }
0x55: {  	_ =	shalt  }
0x56: {  	_ =	shalt  }
0x57: {  	_ =	shalt  }
0x58: {  	_ =	shalt  }
0x59: {  	_ =	shalt  }
0x5a: {  	_ =	shalt  }
0x5b: {  	_ =	shalt  }
0x5c: {  	_ =	shalt  }
0x5d: {  	_ =	shalt  }
0x5e: {  	_ =	shalt  }
0x5f: {  	_ =	shalt  }
0x60: {  	_ =	shalt  }
0x61: {  	_ =	shalt  }
0x62: {  	_ =	shalt  }
0x63: {  	_ =	shalt  }
0x64: {  	_ =	shalt  }
0x65: {  	_ =	shalt  }
0x66: {  	_ =	shalt  }
0x67: {  	_ =	shalt  }
0x68: {  	_ =	shalt  }
0x69: {  	_ =	shalt  }
0x6a: {  	_ =	shalt  }
0x6b: {  	_ =	shalt  }
0x6c: {  	_ =	shalt  }
0x6d: {  	_ =	shalt  }
0x6e: {  	_ =	shalt  }
0x6f: {  	_ =	shalt  }
0x70: {  	_ =	shalt  }
0x71: {  	_ =	shalt  }
0x72: {  	_ =	shalt  }
0x73: {  	_ =	shalt  }
0x74: {  	_ =	shalt  }
0x75: {  	_ =	shalt  }
0x76: {  	_ =	shalt  }
0x77: {  	_ =	shalt  }
0x78: {  	_ =	shalt  }
0x79: {  	_ =	shalt  }
0x7a: {  	_ =	shalt  }
0x7b: {  	_ =	shalt  }
0x7c: {  	_ =	shalt  }
0x7d: {  	_ =	shalt  }
0x7e: {  	_ =	shalt  }
0x7f: {  	_ =	shalt  }
0x80: {  	_ =	shalt  }
0x81: {  	_ =	shalt  }
0x82: {  	_ =	shalt  }
0x83: {  	_ =	shalt  }
0x84: {  	_ =	shalt  }
0x85: {  	_ =	shalt  }
0x86: {  	_ =	shalt  }
0x87: {  	_ =	shalt  }
.Lfunc_end0:
.L_simem_size_0:
called_computation.1_lowered:
.L_overlay_start_0:
0x88: {  	s2 =	sld [smem:$0x3FD9]  }
0x89: {  	s3 =	sld [smem:$0x3FFE];
	_ =	sdelay $0x1  }
0x8a: {  	s1 =	srdreg.scid  }
0x8b: {  	s0 =	sand.u32 $0x1, s1  }
0x8c: {  	s15 =	sshll.u32 s0, $0xA;
	s2 =	sadd.s32 s3, s2  }
0x8d: {  	s2 =	sadd.s32 s2, s15  }
0x8e: {  	[smem:$0x3FAC] =	sst s2  }
0x8f: {  	_ = 	snop  }
0x90: {  	(tm) =	ssettm $0x1  }
0x91: {  	s16 =	sld [smem:$0x3FFB];
	_ =	sdelay $0x3  }
0x92: {  	_ =	strace s16  }
0x93: {  	s2 =	sld [smem:$0x3FFC];
	_ =	sdelay $0x3  }
0x94: {  	_ =	strace s2  }
0x95: {  	s2 =	sld [smem:$0x3FFD];
	_ =	sdelay $0x3  }
0x96: {  	_ =	strace s2  }
0x97: {  	_ =	strace $0x8FFFFFFF  }
0x98: {  	s17 =	sld [smem:$0x3FDB];
	_ =	sdelay $0x1  }
0x99: {  	s18 =	simm.s32 $_scs_section_size  }
0x9a: {  	s4 =	simm.s32 $_size__tile_overlayer_lowered;
	s5 =	simm.s32 $_tile_overlayer_lowered  }
0x9b: {  	s6 =	simm.s32 $0x1BFF;
	s19 =	sshll.u32 s5, $0x1;
	s3 =	sadd.s32 s18, s17  }
0x9c: {  	s20 =	simm.s32 $0x0;
	s4 =	sshll.u32 s4, $0x1;
	s5 =	sadd.s32 s19, s3  }
0x9d: {  	[timem:s20], [sflag:s6] =	dma.local [hbm:s5], s4  }
0x9e: {  	_ =	swait.ge [sflag:s6], s4  }
0x9f: {  	s4 =	ssub.s32 $0x0, s4;
	[sflag:s6] =	ssyncset.done $0x0  }
0xa0: {  	[sflag:s6] =	ssyncadd.s32 s4;
	_ =	sdelay $0x1  }
0xa1: {  	s21 =	simm.s32 $0x1B8B  }
0xa2: {  	_ =	swait.ge [sflag:s21], $0x1  }
0xa3: {  	[sflag:s21] =	ssyncset.done $0x0  }
0xa4: {  	s22 =	sld [smem:$0x3FFE];
	[sflag:s21] =	ssyncadd.s32 $0xFFFFFFFF  }
0xa5: {  	s24 =	simm.s32 $0x1B8E;
	s23 =	sld [smem:$0x0]  }
0xa6: {  	s25 =	simm.s32 $execute0_lowered;
	[smem:$0x3FD2] =	sst s24  }
0xa7: {  	s6 =	sshll.u32 s25, $0x1;
	_ =	strace $0x80000052;
	[dreg:$0x1] =	wrdreg $0xFFFFFFFF  }
0xa8: {  	s7 =	simm.s32 $_size_execute0_lowered;
	s6 =	sadd.s32 s3, s6;
	[dreg:$0x0] =	wrdreg $0x0  }
0xa9: {  	s7 =	sshll.u32 s7, $0x1;
	[dreg:$0x2] =	wrdreg s6  }
0xaa: {  	[dreg:$0x3] =	wrdreg s7  }
0xab: {  	[dreg:$0x4] =	wrdreg $0xC0  }
0xac: {  	s26 =	simm.s32 $execute1_lowered;
	_ =	task [dreg:s20], $0x5FFFF  }
0xad: {  	s6 =	sshll.u32 s26, $0x1;
	[dreg:$0x1] =	wrdreg $0xFFFFFFFF  }
0xae: {  	s3 =	sadd.s32 s3, s6;
	[dreg:$0x0] =	wrdreg $0x60  }
0xaf: {  	[dreg:$0x2] =	wrdreg s3  }
0xb0: {  	[dreg:$0x3] =	wrdreg s22  }
0xb1: {  	[dreg:$0x4] =	wrdreg $0x9  }
0xb2: {  	_ =	task.clear_ibuf [dreg:s20], $0x5FFFF;
	_ =	strace $0x90000052  }
0xb3: {  	s28 =	simm.s32 $0x9;
	_ =	strace $0x80000054  }
0xb4: {  	_ =	swait.ge [sflag:s28], $0x1  }
0xb5: {  	[sflag:s28] =	ssyncadd.s32 $0xFFFFFFFF  }
0xb6: {  	_ =	strace $0x90000054  }
0xb7: {  	s3 =	sld [smem:$0x0]  }
0xb8: {  	s6 =	sand.u32 $0xFFFFFFFE, s1  }
0xb9: {  	p0 =	sne.s32 s1, s6  }
0xba: {  	s6 =	sshll.u32 @p0 s6, $0xE  }
0xbb: {  	s6 =	sadd.s32 @p0 $0x11BF3, s6;
	s7 =	sshll.u32 @p0 s3, $0x11  }
0xbc: {  	s6 =	sor.u32 @p0 s7, s6  }
0xbd: {  	[sflag:s6] =	ssyncadd.remote.s32 @p0 $0x1;
	_ =	sdelay $0x1  }
0xbe: {  	s6 =	simm.s32 @p0 $0x1BF3  }
0xbf: {  	_ =	swait.eq @p0 [sflag:s6], $0x1  }
0xc0: {  	[sflag:s6] =	ssyncadd.s32 @p0 $0xFFFFFFFF  }
0xc1: {  	s7 =	sshll.u32 @!p0 s1, $0xE  }
0xc2: {  	s7 =	sor.u32 @!p0 $0x4000, s7;
	s6 =	simm.s32 @!p0 $0x1BF3  }
0xc3: {  	s3 =	sshll.u32 @!p0 s3, $0x11;
	s7 =	sadd.s32 @!p0 $0x11BF3, s7;
	_ =	swait.eq @!p0 [sflag:s6], $0x1  }
0xc4: {  	s3 =	sor.u32 @!p0 s3, s7;
	[sflag:s6] =	ssyncadd.s32 @!p0 $0xFFFFFFFF  }
0xc5: {  	[sflag:s3] =	ssyncadd.remote.s32 @!p0 $0x1  }
0xc6: {  	_ =	strace $0x80000055;
	[dreg:$0x1] =	wrdreg $0xFFFFFFFF  }
0xc7: {  	[dreg:$0x0] =	wrdreg $0x2030  }
0xc8: {  	[dreg:$0x2] =	wrdreg s22  }
0xc9: {  	[dreg:$0x3] =	wrdreg s1  }
0xca: {  	[dreg:$0x4] =	wrdreg s23  }
0xcb: {  	[dreg:$0x5] =	wrdreg $0xA  }
0xcc: {  	_ =	task.clear_ibuf [dreg:s20], $0x6FFFF;
	_ =	strace $0x90000055  }
0xcd: {  	s29 =	simm.s32 $0xA;
	_ =	strace $0x80000057  }
0xce: {  	_ =	swait.ge [sflag:s29], $0x1  }
0xcf: {  	[sflag:s29] =	ssyncadd.s32 $0xFFFFFFFF  }
0xd0: {  	_ =	strace $0x90000057  }
0xd1: {  	_ =	sfence  }
0xd2: {  	s30 =	sld [smem:$0x0];
	_ =	sdelay $0x2  }
0xd3: {  	s31 =	sshll.u32 s1, $0xD;
	s1 =	sshrl.u32 s1, $0x2  }
0xd4: {  	s4 =	sand.u32 $0x4000, s31;
	s1 =	sadd.s32 s1, s30  }
0xd5: {  	s0 =	sor.u32 s4, s0;
	s1 =	sshll.u32 s1, $0x11  }
0xd6: {  	s0 =	sor.u32 s1, s0  }
0xd7: {  	s0 =	sadd.s32 $0x8F2B, s0  }
0xd8: {  	[sflag:s0] =	ssyncadd.remote.s32 $0x1  }
0xd9: {  	_ =	sfence.sel $0xFFFF  }
0xda: {  	[dreg:$0x0] =	wrdreg $0xFFFFFFFF;
	(pc) =	sbr.abs _section_cstart, $3  }
0xdb: {  	[dreg:$0x1] =	wrdreg $0xFFFFFFFF  }
0xdc: {  	_ =	task.clear_ibuf [dreg:s20], $0x2FFFF;
	_ =	strace $0x9FFFFFFF  }
0xdd: {  	(tm) =	ssettm $0x7FFFFFFF  }
tec
execute0_lowered:
.L_overlay_start_1:
0x0: {  	(tag) =	ssettag $0x1  }
0x1: {  	s2 =	rddreg [dreg:$0x0]  }
0x2: {  	s5 =	rddreg [dreg:$0x1]  }
0x3: {  	s0 =	rddreg [dreg:$0x2];
	s3 =	stileid.u32;
	[bflag:$0x3] =	sbarrier.arrive $0xFFFF  }
0x4: {  	s1 =	simm.s32 $_size_execute1_lowered;
	s29 =	srdreg.scid;
	s31 =	simm.s32 $0x2  }
0x5: {  	s13 =	simm.s32 $0x0;
	s8 =	simm.s32 $0x40;
	p0 =	sne.s32 s3, $0x0  }
0x6: {  	s1 =	sshll.u32 s1, $0x1;
	s4 =	simm.s32 @!p0 $0x1C3F;
	s6 =	simm.s32 @!p0 $0x4060  }
0x7: {  	[timem:s6], [sflag:s4] =	dma.local @!p0 [hbm:s2], s1  }
0x8: {  	s9 =	simm.s32 $0x80;
	s11 =	simm.s32 $0x0;
	s2 =	sshll.u32 s29, $0x8  }
.Ltmp0:
0x9: {  	s3 =	sshll.u32 s3, $0x9;
	s30 =	sand.u32 $0x100, s2;
	(pc) =	sbr.rel .LBB2_1-.Ltmp0, $4  }
0xa: {  	s12 =	simm.s32 $0x0;
	_ =	strace $0x80000053;
	s3 =	sor.u32 s3, s30  }
0xb: {  	s4 =	simm.s32 $0x1;
	s2 =	sadd.s32 $0x523A00, s5;
	s7 =	ssub.s32 $0x2700, s3  }
0xc: {  	s5 =	sadd.s32 $0x54AC00, s5;
	[sflag:s4] =	ssyncpa.u1 $0x0;
	s6 =	sshrl.u32 s7, $0xD  }
0xd: {  	[sflag:s31] =	ssyncpa.u1 $0x0;
	s10 =	smov.u32 s3;
	s7 =	sor.u32 $0x2, s6  }
.LBB2_5:
0xe: {  	_ =	sdelay $0x3  }
0xf: {  	[tilespmem:v3+s18+$0x0 ss:$0x1] =	vst.idx.msk $0xffff, v1  }
0x10: {  	[tilespmem:v3+s17+$0x0 ss:$0x1] =	vst.idx.msk $0xffff, v2  }
0x11: {  	[tilespmem:v3+s16+$0x0 ss:$0x1] =	vst.idx.msk $0xffff, v4  }
0x12: {  	[tilespmem:v3+s19+$0x0 ss:$0x1] =	vst.idx.msk $0xffff, v5  }
.LBB2_6:
0x13: {  	s16 =	sand.u32 $0x1FFFFFF, s11  }
0x14: {  	s17 =	smulhi.u32 $0x1A36E2F, s16;
	_ =	sdelay $0x1  }
0x15: {  	s17 =	sshrl.u32 s17, $0x6  }
0x16: {  	s17 =	smul.u32 $0x2710, s17;
	_ =	sdelay $0x1  }
0x17: {  	s16 =	ssub.s32 s16, s17  }
0x18: {  	s16 =	sshll.u32 s16, $0x4  }
0x19: {  	s16 =	sadd.s32 s5, s16  }
0x1a: {  	[hbm4b:s16+s8] =	stream.strided.scatter [tilespmem:s15], [sflag:$0x2], s14, s9, s8, $0x38;
	[tilespmem:$0x10000] =	vst v63  }
.LBB2_7:
0x1b: {  	p1 =	slt.u32 s12, $0x2  }
0x1c: {  	p2 =	sgt.s32 @!p1 s13, $0x2610  }
0x1d: {  	s14 =	smov.u32 s13;
	s15 =	sshra.s32 @!p1 s13, $0x1F;
	p2 =	por !p2, p1  }
0x1e: {  	s13 =	sand.u32 @!p1 s15, s13;
	s14 =	simm.s32 @p2 $0x2610  }
0x1f: {  	s13 =	ssub.s32 @!p1 s14, s13  }
0x20: {  	s13 =	sadd.s32 @!p1 $0xFFFFD9F0, s13  }
0x21: {  	s14 =	sshll.u32 @!p1 s13, $0x8  }
0x22: {  	p2 =	sgt.s32 @!p1 s13, $0xFF;
	s13 =	ssub.s32 @!p1 $0x10000, s14  }
0x23: {  	s15 =	sadd.s32 $0x2000, s10;
	p2 =	por !p2, p1;
	s13 =	sshrl.u32 @!p1 s13, $0x2  }
0x24: {  	s13 =	simm.s32 @!p2 $0x0;
	p2 =	sgt.s32 s15, $0x270F  }
0x25: {  	s15 =	smov.u32 @p2 s3;
	p2 =	sne.s32 s12, s7  }
.Ltmp1:
0x26: {  	_ = 	snop;
	(pc) =	sbr.rel @!p2 .LBB2_8-.Ltmp1, $4  }
0x27: {  	s14 =	simm.s32 @!p1 $0x2  }
0x28: {  	_ =	swait.ge @!p1 [sflag:s14], s13;
	s16 =	ssub.s32 @!p1 $0x0, s13  }
0x29: {  	s13 =	smov.u32 s11;
	s12 =	sadd.s32 $0x1, s12;
	[sflag:s14] =	ssyncset.done @!p1 $0x0  }
0x2a: {  	s11 =	smov.u32 s10;
	s10 =	smov.u32 s15;
	[sflag:s14] =	ssyncadd.s32 @!p1 s16  }
.LBB2_1:
0x2b: {  	p1 =	sgt.u32 s12, s6  }
0x2c: {  	s15 =	smov.u32 s10;
	p2 =	sgt.s32 @!p1 s10, $0x2610  }
0x2d: {  	s14 =	sand.u32 @!p1 $0x1FFFFFF, s10;
	s16 =	sshra.s32 @!p1 s10, $0x1F;
	p2 =	por !p2, p1  }
0x2e: {  	s17 =	smulhi.u32 @!p1 $0x1A36E2F, s14;
	s16 =	sand.u32 @!p1 s16, s10;
	s15 =	simm.s32 @p2 $0x2610  }
0x2f: {  	s15 =	ssub.s32 @!p1 s15, s16  }
0x30: {  	s16 =	sshrl.u32 @!p1 s17, $0x6;
	s15 =	sadd.s32 @!p1 $0xFFFFD9F0, s15  }
0x31: {  	s17 =	sxor.u32 @!p1 $0xFFFFFFFF, s12;
	s16 =	smul.u32 @!p1 $0x2710, s16;
	s18 =	sshll.u32 @!p1 s15, $0x8  }
0x32: {  	s17 =	sshll.u32 @!p1 s17, $0xE;
	p2 =	sgt.s32 @!p1 s15, $0xFF;
	s15 =	ssub.s32 @!p1 $0x10000, s18  }
0x33: {  	s14 =	ssub.s32 @!p1 s14, s16;
	p2 =	por !p2, p1;
	s16 =	sand.u32 @!p1 $0x4000, s17  }
0x34: {  	s17 =	simm.s32 @!p1 $0x40;
	s15 =	sshrl.u32 @!p1 s15, $0x2;
	s14 =	sshll.u32 @!p1 s14, $0x4  }
0x35: {  	s18 =	simm.s32 @!p1 $0x80;
	s15 =	simm.s32 @!p2 $0x0;
	s14 =	sadd.s32 @!p1 s2, s14  }
0x36: {  	[tilespmem:s16], [sflag:$0x1] =	stream.strided.gather @!p1 [hbm4b:s14+s17], s15, s18, s17, $0x38;
	[tilespmem:$0x10000] =	vst v63  }
0x37: {  	p1 =	seq.s32 s12, $0x0  }
0x38: {  	p2 =	sge.u32 @!p1 s12, s7  }
0x39: {  	p1 =	por p1, p2  }
.Ltmp2:
0x3a: {  	_ = 	snop;
	(pc) =	sbr.rel @p1 .LBB2_7-.Ltmp2, $1  }
0x3b: {  	_ =	sdelay $0x3  }
0x3c: {  	p1 =	sgt.s32 s11, $0x2610;
	s14 =	smov.u32 s11;
	s15 =	sshra.s32 s11, $0x1F  }
0x3d: {  	s14 =	simm.s32 @!p1 $0x2610;
	s15 =	sand.u32 s15, s11  }
0x3e: {  	s14 =	ssub.s32 s14, s15  }
0x3f: {  	s14 =	sadd.s32 $0xFFFFD9F0, s14  }
0x40: {  	s31 =	sshll.u32 s14, $0x8  }
0x41: {  	s15 =	ssub.s32 $0x10000, s31  }
0x42: {  	p1 =	sgt.s32 s14, $0xFF;
	s14 =	sshrl.u32 s15, $0x2;
	s15 =	sadd.s32 $0x100, s11  }
0x43: {  	s14 =	simm.s32 @p1 $0x0;
	p1 =	slt.s32 s15, $0x2710  }
0x44: {  	s15 =	simm.s32 @!p1 $0x2710  }
0x45: {  	s20 =	ssub.s32 s15, s11  }
0x46: {  	p1 =	slt.s32 s20, $0x1  }
.Ltmp3:
0x47: {  	_ = 	snop;
	(pc) =	sbr.rel @p1 .LBB2_6-.Ltmp3, $4  }
0x48: {  	_ = 	snop  }
0x49: {  	s16 =	sshll.u32 s12, $0xE;
	_ =	swait.ge [sflag:s4], s14  }
0x4a: {  	s16 =	sand.u32 $0x4000, s16;
	s17 =	ssub.s32 $0x0, s14;
	[sflag:s4] =	ssyncset.done $0x0  }
0x4b: {  	s15 =	sor.u32 $0x8000, s16;
	[sflag:s4] =	ssyncadd.s32 s17  }
0x4c: {  	v0 =	vmov s16;
	_ =	sdelay $0x2  }
0x4d: {  	s31 =	simm.s32 $0x0;
	p1 =	sne.s32 s20, $0x1  }
.Ltmp4:
0x4e: {  	s18 =	sand.u32 $0x3FC0, s31;
	(pc) =	sbr.rel @!p1 .LBB2_5-.Ltmp4, $4  }
0x4f: {  	s17 =	sor.u32 $0x30, s18;
	v1 =	vld.idx.msk [tilespmem:v0+s18+$0x0 ss:$0x1], $0xffff  }
0x50: {  	v3 =	vmov s15;
	s16 =	sor.u32 $0x10, s18;
	v2 =	vld.idx.msk [tilespmem:v0+s17+$0x0 ss:$0x1], $0xffff  }
0x51: {  	s19 =	sor.u32 $0x20, s18;
	v4 =	vld.idx.msk [tilespmem:v0+s16+$0x0 ss:$0x1], $0xffff  }
0x52: {  	s20 =	sadd.s32 $0xFFFFFFFF, s20;
	s21 =	simm.s32 $0x40;
	v5 =	vld.idx.msk [tilespmem:v0+s19+$0x0 ss:$0x1], $0xffff  }
.LBB2_4:
0x53: {  	s22 =	sand.u32 $0x3FC0, s21  }
0x54: {  	p1 =	sne.s32 s20, $0x1;
	s20 =	sadd.s32 $0xFFFFFFFF, s20;
	s23 =	sor.u32 $0x10, s22  }
.Ltmp5:
0x55: {  	s24 =	sor.u32 $0x20, s22;
	s25 =	sor.u32 $0x30, s22;
	[tilespmem:v3+s18+$0x0 ss:$0x1] =	vst.idx.msk $0xffff, v1;
	v1 =	vld.idx.msk [tilespmem:v0+s22+$0x0 ss:$0x1], $0xffff;
	(pc) =	sbr.rel @p1 .LBB2_4-.Ltmp5, $4  }
0x56: {  	s18 =	smov.u32 s22;
	[tilespmem:v3+s17+$0x0 ss:$0x1] =	vst.idx.msk $0xffff, v2;
	v2 =	vld.idx.msk [tilespmem:v0+s25+$0x0 ss:$0x1], $0xffff;
	s17 =	smov.u32 s25  }
0x57: {  	[tilespmem:v3+s16+$0x0 ss:$0x1] =	vst.idx.msk $0xffff, v4;
	v4 =	vld.idx.msk [tilespmem:v0+s23+$0x0 ss:$0x1], $0xffff;
	s16 =	smov.u32 s23  }
0x58: {  	[tilespmem:v3+s19+$0x0 ss:$0x1] =	vst.idx.msk $0xffff, v5;
	v5 =	vld.idx.msk [tilespmem:v0+s24+$0x0 ss:$0x1], $0xffff;
	s19 =	smov.u32 s24  }
0x59: {  	s21 =	sadd.s32 $0x40, s21  }
.Ltmp6:
0x5a: {  	_ = 	snop;
	(pc) =	sbr.rel .LBB2_5-.Ltmp6, $1  }
0x5b: {  	_ =	sdelay $0x3  }
.LBB2_8:
0x5c: {  	_ =	sfence.sel $0x180000  }
0x5d: {  	s2 =	simm.s32 $0x1;
	[bflag:$0x0] =	sbarrier.arrive $0xFFFF  }
0x5e: {  	s31 =	simm.s32 $0x2;
	[sflag:s2] =	ssyncpa.u1 $0x1  }
0x5f: {  	[sflag:s31] =	ssyncpa.u1 $0x1  }
0x60: {  	_ =	strace $0x90000053  }
0x61: {  	s0 =	sadd.s32 @!p0 $0x100000, s0;
	[bflag:$0x2] =	sbarrier.arrive $0xFFFF  }
0x62: {  	[sflag:s0] =	ssyncadd.tile.s32 @!p0 $0x1;
	s0 =	simm.s32 @!p0 $0x3F  }
0x63: {  	_ =	swait.ge @!p0 [sflag:s0], s1  }
0x64: {  	s1 =	ssub.s32 @!p0 $0x0, s1;
	[sflag:s0] =	ssyncset.done @!p0 $0x0  }
0x65: {  	[sflag:s0] =	ssyncadd.s32 @!p0 s1  }
0x66: {  	[bflag:$0x3] =	sbarrier.arrive $0xFFFF  }
0x67: {  	_ =	shalt  }
.Lfunc_end2:
execute1_lowered:
.L_overlay_start_2:
0x68: {  	(tag) =	ssettag $0x2  }
0x69: {  	s2 =	rddreg [dreg:$0x0]  }
0x6a: {  	s4 =	rddreg [dreg:$0x1];
	_ =	strace $0x80000056;
	s0 =	simm.s32 $0x1  }
0x6b: {  	s3 =	simm.s32 $0x88;
	v0 =	vimm.s32 $0x0;
	[sflag:s0] =	ssyncpa.u1 $0x0  }
0x6c: {  	s1 =	sadd.s32 $0x54AC00, s2;
	[tilespmem:s3+$0x30] =	vst v0  }
0x6d: {  	s0 =	sadd.s32 $0xF35E00, s2;
	s6 =	sadd.s32 $0xF49A00, s2;
	[tilespmem:s3+$0x20] =	vst v0  }
0x6e: {  	s2 =	sadd.s32 $0xF3FC00, s2;
	s7 =	sand.u32 $0x1, s4;
	s4 =	simm.s32 $0x40;
	[tilespmem:s3+$0x10] =	vst v0  }
.LBB3_1:
0x6f: {  	s4 =	sadd.s32 $0x40, s4  }
0x70: {  	[tilespmem:s3+$0x0] =	vst v0;
	s3 =	sadd.s32 $0x40, s3;
	p0 =	slt.u32 s4, $0x5040  }
.Ltmp7:
0x71: {  	(pc) =	sbr.rel @p0 .LBB3_1-.Ltmp7, $4  }
0x72: {  	_ = 	snop  }
0x73: {  	[tilespmem:s3+$0x30] =	vst v0  }
0x74: {  	[tilespmem:s3+$0x20] =	vst v0  }
0x75: {  	[tilespmem:s3+$0x10] =	vst v0  }
0x76: {  	s8 =	stileid.u32  }
0x77: {  	s4 =	smul.u32 $0x1F, s8  }
0x78: {  	s5 =	smin.u32 s8, $0x4  }
0x79: {  	s4 =	sadd.s32 s5, s4  }
0x7a: {  	p0 =	slt.u32 s8, $0x4;
	s12 =	smul.u32 $0x140, s4;
	s4 =	simm.s32 $0x2800  }
0x7b: {  	s4 =	simm.s32 @!p0 $0x26C0  }
0x7c: {  	s25 =	simm.s32 $0x2;
	s4 =	sadd.s32 s4, s12  }
0x7d: {  	s28 =	simm.s32 $0x9;
	s9 =	simm.s32 $0xA;
	s14 =	smin.u32 s4, $0x27100  }
0x7e: {  	s30 =	simm.s32 $0xB;
	[dreg:$0x4] =	wrdreg s7;
	s4 =	ssub.s32 s14, s12  }
0x7f: {  	s31 =	smul.u32 $0x4E20, s7;
	s13 =	simm.s32 $0x1;
	p0 =	sgt.s32 s4, $0x0  }
0x80: {  	s19 =	simm.s32 $0x0;
	s20 =	simm.s32 $0xA808;
	s4 =	simm.s32 @!p0 $0x0  }
0x81: {  	s21 =	simm.s32 $0xFFFFFFFF;
	p1 =	por $0x0, $0x0;
	s26 =	smulhi.u32 $0x66666667, s4  }
0x82: {  	[tilespmem:s3+$0x0] =	vst v0;
	s23 =	simm.s32 $0x0;
	[sflag:s25] =	ssyncpa.u1 $0x0;
	s18 =	sshll.u32 s8, $0x7  }
0x83: {  	s0 =	sadd.s32 s31, s0;
	[dreg:$0xa] =	wrdreg s18;
	s3 =	sshrl.u32 s26, $0x7  }
0x84: {  	v0 =	vimm.s32 $0xFFFFFFFF;
	s17 =	sadd.s32 s31, s2;
	[dreg:$0x9] =	wrdreg s0;
	s29 =	smul.u32 $0x140, s3  }
0x85: {  	s25 =	simm.s32 $0x0;
	[tilespmem:$0xA108] =	vst v0;
	[sflag:s28] =	ssyncpa.u1 $0x0;
	[dreg:$0x8] =	wrdreg s17  }
.Ltmp8:
0x86: {  	p0 =	sne.s32 s4, s29;
	s4 =	simm.s32 $0x1;
	(pc) =	sbr.rel .LBB3_3-.Ltmp8, $4  }
0x87: {  	[sflag:s9] =	ssyncpa.u1 $0x0;
	[dreg:$0x5] =	wrdreg s12;
	s4 =	simm.s32 @!p0 $0x0  }
0x88: {  	[sflag:s30] =	ssyncpa.u1 $0x0;
	[dreg:$0x6] =	wrdreg s14;
	s15 =	sadd.s32 s4, s3  }
0x89: {  	s24 =	smov.u32 s12;
	s22 =	sadd.s32 $0x1, s15;
	[dreg:$0x7] =	wrdreg s15  }
0x8a: {  	v0 =	vlaneseq.u32;
	s26 =	simm.s32 $0x0;
	p0 =	por $0x1, $0x1;
	[dreg:$0xb] =	wrdreg s22  }
.LBB3_22:
0x8b: {  	s0 =	sshrl.u32 s3, $0x2  }
.LBB3_24:
0x8c: {  	s3 =	simm.s32 $0xC  }
0x8d: {  	_ =	swait.ge [sflag:s3], s0  }
0x8e: {  	s31 =	ssub.s32 $0x0, s0;
	v1 =	vmov s4;
	vm0 =	veq.s32 v0, $0x0;
	[sflag:s3] =	ssyncset.done $0x0  }
0x8f: {  	vm15 =	veq.s32 v0, $0x2;
	v1 =	vsel vm0, s2, v1;
	[sflag:s3] =	ssyncadd.s32 s31  }
0x90: {  	v1 =	vsel vm15, s26, v1;
	[sflag:s3] =	ssyncpa.u1 $0x1  }
0x91: {  	[tilespmem:$0xA108] =	vst v1  }
.LBB3_25:
0x92: {  	s0 =	sadd.s32 $0x140, s24  }
0x93: {  	s2 =	smov.u32 s12;
	p2 =	slt.s32 s0, s14  }
0x94: {  	s2 =	smov.u32 @p2 s0;
	p2 =	sne.s32 s25, s22  }
.Ltmp9:
0x95: {  	_ = 	snop;
	(pc) =	sbr.rel @!p2 .LBB3_26-.Ltmp9, $4  }
0x96: {  	_ = 	snop  }
0x97: {  	s26 =	smov.u32 s23;
	s31 =	sadd.s32 $0x1, s25;
	p0 =	por !p0, !p0  }
0x98: {  	s23 =	smov.u32 s24;
	s20 =	sadd.s32 $0x140, s20;
	s21 =	sadd.s32 $0x1, s21  }
0x99: {  	p1 =	por !p1, !p1;
	s25 =	smov.u32 s31;
	s24 =	smov.u32 s2  }
.LBB3_3:
0x9a: {  	p2 =	sge.u32 s25, s15  }
0x9b: {  	s0 =	smulhi.u32 @!p2 $0xAAAAAAAB, s25  }
0x9c: {  	s2 =	smov.u32 s24;
	p3 =	sgt.s32 @!p2 s24, $0x26FC0  }
0x9d: {  	s3 =	sshra.s32 @!p2 s24, $0x1F;
	p3 =	por !p3, p2;
	s0 =	sshrl.u32 @!p2 s0, $0x1  }
0x9e: {  	s3 =	sand.u32 @!p2 s3, s24;
	s2 =	simm.s32 @p3 $0x26FC0;
	s0 =	smul.u32 @!p2 $0x3, s0  }
0x9f: {  	s2 =	ssub.s32 @!p2 s2, s3  }
0xa0: {  	s2 =	sadd.s32 @!p2 $0xFFFD9040, s2;
	s0 =	ssub.s32 @!p2 s25, s0  }
0xa1: {  	s3 =	sshll.u32 @!p2 s2, $0x2;
	p3 =	sgt.s32 @!p2 s2, $0x13F;
	s0 =	smul.u32 @!p2 $0x500, s0  }
0xa2: {  	s4 =	sand.u32 @!p2 $0x7, s24;
	s2 =	ssub.s32 @!p2 $0x500, s3;
	p3 =	por !p3, p2  }
0xa3: {  	s3 =	sshrl.u32 @!p2 s24, $0x3;
	s2 =	sshrl.u32 @!p2 s2, $0x2;
	s0 =	sshrl.u32 @!p2 s0, $0x2  }
0xa4: {  	s3 =	sadd.s32 @!p2 s3, s17;
	s2 =	simm.s32 @!p3 $0x0;
	s0 =	sadd.s32 @!p2 $0xA948, s0  }
0xa5: {  	[tilespmem:s0], [sflag:$0xA] =	stream.linear.gather @!p2 [hbm4b:s3+s4], s2, $0x38;
	[tilespmem:$0x1EF88] =	vst v63  }
0xa6: {  	s0 =	sadd.s32 $0xFFFFFFFF, s25  }
0xa7: {  	p2 =	sge.u32 s0, s15  }
.Ltmp10:
0xa8: {  	_ = 	snop;
	(pc) =	sbr.rel @p2 .LBB3_7-.Ltmp10, $1  }
0xa9: {  	_ =	sdelay $0x3  }
0xaa: {  	p2 =	sgt.s32 s23, $0x26FC0;
	s2 =	smov.u32 s23;
	s3 =	sshra.s32 s23, $0x1F  }
0xab: {  	s2 =	simm.s32 @!p2 $0x26FC0;
	s3 =	sand.u32 s3, s23  }
0xac: {  	s17 =	smulhi.u32 $0xAAAAAAAB, s21;
	s2 =	ssub.s32 s2, s3  }
0xad: {  	s0 =	sand.u32 $0x1, s0;
	s2 =	sadd.s32 $0xFFFD9040, s2  }
0xae: {  	s5 =	simm.s32 $0xA;
	s3 =	sshrl.u32 s17, $0x1;
	s4 =	sshll.u32 s2, $0x2  }
0xaf: {  	s7 =	sshrl.u32 s23, $0x3;
	s3 =	smul.u32 $0xFFFFF100, s3;
	s4 =	ssub.s32 $0x500, s4  }
0xb0: {  	s18 =	smul.u32 $0x500, s0;
	p2 =	sgt.s32 s2, $0x13F;
	s2 =	sshrl.u32 s4, $0x2  }
0xb1: {  	s9 =	sand.u32 $0x7, s23;
	s3 =	sshra.s32 s3, $0x2;
	s2 =	simm.s32 @p2 $0x0  }
0xb2: {  	s0 =	sadd.s32 s3, s20;
	s4 =	sshrl.u32 s18, $0x2;
	_ =	swait.ge [sflag:s5], s2  }
0xb3: {  	s22 =	ssub.s32 $0x0, s2;
	[sflag:s5] =	ssyncset.done $0x0;
	s8 =	rddreg [dreg:$0x9]  }
0xb4: {  	s4 =	sadd.s32 $0xAD08, s4;
	[sflag:s5] =	ssyncadd.s32 s22;
	s3 =	sadd.s32 s7, s8  }
0xb5: {  	[tilespmem:s4], [sflag:$0xB] =	stream.linear.gather [hbm4b:s3+s9], s2, $0x38;
	[tilespmem:$0x1EF88] =	vst v63  }
0xb6: {  	v1 =	vld.msk [tilespmem:s0+$0x0], $0xffff;
	_ =	sdelay $0x4  }
0xb7: {  	v1 =	vshll.u32 v1, $0x4  }
0xb8: {  	(v2sf) =	vpush v1, $0x0  }
0xb9: {  	(v2sf) =	vpush v1, $0x1  }
0xba: {  	(v2sf) =	vpush v1, $0x2;
	_ =	sdelay $0x3  }
0xbb: {  	(v2sf) =	vpush v1, $0x3;
	_ =	sdelay $0x1  }
0xbc: {  	(v2sf) =	vpush v1, $0x4  }
0xbd: {  	s2 =	simm.s32 $0x1;
	(v2sf) =	vpush v1, $0x5  }
0xbe: {  	s2 =	simm.s32 @!p0 $0x0  }
0xbf: {  	s2 =	smul.u32 $0x28000, s2;
	(v2sf) =	vpush v1, $0x6;
	_ =	sdelay $0x1  }
0xc0: {  	s2 =	sshrl.u32 s2, $0x2  }
0xc1: {  	s28 =	sadd.s32 $0xB708, s2  }
0xc2: {  	s12 =	sadd.s32 $0xFFFFF880, s28;
	s17 =	sadd.s32 $0xFFFFF900, s28;
	s10 =	spop (v2sf);
	(v2sf) =	vpush v1, $0x7  }
0xc3: {  	s18 =	sadd.s32 $0xFFFFF980, s28;
	s11 =	sand.u32 $0x1FFFFFF0, s10;
	s14 =	spop (v2sf)  }
0xc4: {  	(v2sf) =	vpush v1, $0x8;
	s2 =	sadd.s32 s6, s11;
	s15 =	sand.u32 $0x1FFFFFF0, s14;
	s16 =	spop (v2sf)  }
0xc5: {  	[tilespmem:s12], [sflag:$0x9] =	stream.linear.gather [hbm4b:s2+s19], $0x40, $0x38;
	[tilespmem:$0x1EF88] =	vst v63  }
0xc6: {  	s5 =	sadd.s32 $0xFFFFFA00, s28;
	s2 =	sadd.s32 s6, s15;
	s3 =	sand.u32 $0x1FFFFFF0, s16  }
0xc7: {  	(v2sf) =	vpush v1, $0x9;
	[tilespmem:s17], [sflag:$0x9] =	stream.linear.gather [hbm4b:s2+s19], $0x40, $0x38;
	[tilespmem:$0x1EF88] =	vst v63  }
0xc8: {  	s7 =	sadd.s32 $0xFFFFFA80, s28;
	s22 =	spop (v2sf);
	s3 =	sadd.s32 s6, s3  }
0xc9: {  	(v2sf) =	vpush v1, $0xA;
	[tilespmem:s18], [sflag:$0x9] =	stream.linear.gather [hbm4b:s3+s19], $0x40, $0x38;
	[tilespmem:$0x1EF88] =	vst v63  }
0xca: {  	s11 =	sadd.s32 $0xFFFFFB00, s28;
	s4 =	spop (v2sf);
	(v2sf) =	vpush v1, $0xB;
	s3 =	sand.u32 $0x1FFFFFF0, s22  }
0xcb: {  	s8 =	spop (v2sf);
	s2 =	sadd.s32 s6, s3;
	s3 =	sand.u32 $0x1FFFFFF0, s4  }
0xcc: {  	(v2sf) =	vpush v1, $0xC;
	[tilespmem:s5], [sflag:$0x9] =	stream.linear.gather [hbm4b:s2+s19], $0x40, $0x38;
	[tilespmem:$0x1EF88] =	vst v63  }
0xcd: {  	s9 =	sand.u32 $0x1FFFFFF0, s8;
	s10 =	spop (v2sf);
	s3 =	sadd.s32 s6, s3  }
0xce: {  	(v2sf) =	vpush v1, $0xD;
	[tilespmem:s7], [sflag:$0x9] =	stream.linear.gather [hbm4b:s3+s19], $0x40, $0x38;
	[tilespmem:$0x1EF88] =	vst v63  }
0xcf: {  	s12 =	sadd.s32 $0xFFFFFB80, s28;
	s2 =	sadd.s32 s6, s9;
	s3 =	sand.u32 $0x1FFFFFF0, s10  }
0xd0: {  	[tilespmem:s11], [sflag:$0x9] =	stream.linear.gather [hbm4b:s2+s19], $0x40, $0x38;
	[tilespmem:$0x1EF88] =	vst v63  }
0xd1: {  	s17 =	sadd.s32 $0xFFFFFC00, s28;
	s3 =	sadd.s32 s6, s3;
	s14 =	spop (v2sf)  }
0xd2: {  	[tilespmem:s12], [sflag:$0x9] =	stream.linear.gather [hbm4b:s3+s19], $0x40, $0x38;
	(v2sf) =	vpush v1, $0xE;
	[tilespmem:$0x1EF88] =	vst v63  }
0xd3: {  	s18 =	sadd.s32 $0xFFFFFC80, s28;
	s15 =	sand.u32 $0x1FFFFFF0, s14;
	s16 =	spop (v2sf)  }
0xd4: {  	s5 =	sadd.s32 $0xFFFFFD00, s28;
	(v2sf) =	vpush v1, $0xF;
	s2 =	sadd.s32 s6, s15;
	s3 =	sand.u32 $0x1FFFFFF0, s16  }
0xd5: {  	[tilespmem:s17], [sflag:$0x9] =	stream.linear.gather [hbm4b:s2+s19], $0x40, $0x38;
	[tilespmem:$0x1EF88] =	vst v63  }
0xd6: {  	s7 =	sadd.s32 $0xFFFFFD80, s28;
	s22 =	spop (v2sf);
	s3 =	sadd.s32 s6, s3  }
0xd7: {  	[tilespmem:s18], [sflag:$0x9] =	stream.linear.gather [hbm4b:s3+s19], $0x40, $0x38;
	[tilespmem:$0x1EF88] =	vst v63  }
0xd8: {  	s11 =	sadd.s32 $0xFFFFFE00, s28;
	s4 =	spop (v2sf);
	s3 =	sand.u32 $0x1FFFFFF0, s22  }
0xd9: {  	s8 =	spop (v2sf);
	s2 =	sadd.s32 s6, s3;
	s3 =	sand.u32 $0x1FFFFFF0, s4  }
0xda: {  	[tilespmem:s5], [sflag:$0x9] =	stream.linear.gather [hbm4b:s2+s19], $0x40, $0x38;
	[tilespmem:$0x1EF88] =	vst v63  }
0xdb: {  	s9 =	sand.u32 $0x1FFFFFF0, s8;
	s10 =	spop (v2sf);
	s3 =	sadd.s32 s6, s3  }
0xdc: {  	[tilespmem:s7], [sflag:$0x9] =	stream.linear.gather [hbm4b:s3+s19], $0x40, $0x38;
	[tilespmem:$0x1EF88] =	vst v63  }
0xdd: {  	s14 =	spop (v2sf);
	s2 =	sadd.s32 s6, s9;
	s3 =	sand.u32 $0x1FFFFFF0, s10  }
0xde: {  	[tilespmem:s11], [sflag:$0x9] =	stream.linear.gather [hbm4b:s2+s19], $0x40, $0x38;
	[tilespmem:$0x1EF88] =	vst v63  }
0xdf: {  	s12 =	sadd.s32 $0xFFFFFE80, s28;
	s15 =	sand.u32 $0x1FFFFFF0, s14;
	s3 =	sadd.s32 s6, s3  }
0xe0: {  	[tilespmem:s12], [sflag:$0x9] =	stream.linear.gather [hbm4b:s3+s19], $0x40, $0x38;
	[tilespmem:$0x1EF88] =	vst v63  }
0xe1: {  	s17 =	sadd.s32 $0xFFFFFF00, s28;
	s2 =	sadd.s32 s6, s15;
	s16 =	spop (v2sf)  }
0xe2: {  	[tilespmem:s17], [sflag:$0x9] =	stream.linear.gather [hbm4b:s2+s19], $0x40, $0x38;
	[tilespmem:$0x1EF88] =	vst v63  }
0xe3: {  	s29 =	simm.s32 $0x0;
	s3 =	sand.u32 $0x1FFFFFF0, s16;
	s18 =	spop (v2sf)  }
0xe4: {  	s22 =	sadd.s32 $0xFFFFFF80, s28;
	s3 =	sadd.s32 s6, s3;
	s2 =	sand.u32 $0x1FFFFFF0, s18  }
0xe5: {  	[tilespmem:s22], [sflag:$0x9] =	stream.linear.gather [hbm4b:s3+s19], $0x40, $0x38;
	[tilespmem:$0x1EF88] =	vst v63  }
0xe6: {  	s31 =	sadd.s32 $0x10, s0;
	s30 =	sadd.s32 $0x800, s28;
	s2 =	sadd.s32 s6, s2  }
.LBB3_5:
0xe7: {  	[tilespmem:s28], [sflag:$0x9] =	stream.linear.gather [hbm4b:s2+s19], $0x40, $0x38;
	[tilespmem:$0x1EF88] =	vst v63  }
0xe8: {  	s29 =	sadd.s32 $0x10, s29;
	s28 =	smov.u32 s30  }
0xe9: {  	p2 =	slt.u32 s29, $0x130;
	v1 =	vld.msk [tilespmem:s31+$0x0], $0xffff;
	_ =	sdelay $0x4  }
0xea: {  	v1 =	vshll.u32 v1, $0x4  }
0xeb: {  	(v2sf) =	vpush v1, $0x0  }
0xec: {  	(v2sf) =	vpush v1, $0x1  }
0xed: {  	(v2sf) =	vpush v1, $0x2;
	_ =	sdelay $0x1  }
0xee: {  	(v2sf) =	vpush v1, $0x3;
	_ =	sdelay $0x1  }
0xef: {  	(v2sf) =	vpush v1, $0x4;
	_ =	sdelay $0x1  }
0xf0: {  	(v2sf) =	vpush v1, $0x5;
	_ =	sdelay $0x1  }
0xf1: {  	(v2sf) =	vpush v1, $0x6  }
0xf2: {  	s4 =	sadd.s32 $0xFFFFFE80, s30;
	s0 =	sadd.s32 $0xFFFFFF00, s30  }
0xf3: {  	s3 =	sadd.s32 $0xFFFFFD00, s30;
	s2 =	sadd.s32 $0xFFFFFD80, s30;
	s5 =	sadd.s32 $0xFFFFFE00, s30;
	(v2sf) =	vpush v1, $0x7  }
0xf4: {  	s10 =	sadd.s32 $0xFFFFFB80, s30;
	s9 =	sadd.s32 $0xFFFFFC00, s30;
	s16 =	sadd.s32 $0xFFFFFC80, s30  }
0xf5: {  	s11 =	sadd.s32 $0xFFFFFA00, s30;
	s12 =	sadd.s32 $0xFFFFFA80, s30;
	s15 =	sadd.s32 $0xFFFFFB00, s30;
	(v2sf) =	vpush v1, $0x8  }
0xf6: {  	s18 =	sadd.s32 $0xFFFFF900, s30;
	s7 =	sadd.s32 $0xFFFFF980, s30;
	s22 =	spop (v2sf)  }
0xf7: {  	s8 =	sadd.s32 $0xFFFFF880, s30;
	s22 =	sand.u32 $0x1FFFFFF0, s22;
	s14 =	spop (v2sf);
	(v2sf) =	vpush v1, $0x9  }
0xf8: {  	s22 =	sadd.s32 s6, s22;
	s14 =	sand.u32 $0x1FFFFFF0, s14;
	s17 =	spop (v2sf)  }
0xf9: {  	[tilespmem:s8], [sflag:$0x9] =	stream.linear.gather [hbm4b:s22+s19], $0x40, $0x38;
	(v2sf) =	vpush v1, $0xA;
	[tilespmem:$0x1EF88] =	vst v63  }
0xfa: {  	s8 =	sadd.s32 s6, s14;
	s14 =	sand.u32 $0x1FFFFFF0, s17;
	s17 =	spop (v2sf)  }
0xfb: {  	[tilespmem:s18], [sflag:$0x9] =	stream.linear.gather [hbm4b:s8+s19], $0x40, $0x38;
	(v2sf) =	vpush v1, $0xB;
	[tilespmem:$0x1EF88] =	vst v63  }
0xfc: {  	s8 =	sadd.s32 s6, s14;
	s14 =	sand.u32 $0x1FFFFFF0, s17;
	s17 =	spop (v2sf)  }
0xfd: {  	[tilespmem:s7], [sflag:$0x9] =	stream.linear.gather [hbm4b:s8+s19], $0x40, $0x38;
	(v2sf) =	vpush v1, $0xC;
	[tilespmem:$0x1EF88] =	vst v63  }
0xfe: {  	s7 =	sadd.s32 s6, s14;
	s8 =	sand.u32 $0x1FFFFFF0, s17;
	s14 =	spop (v2sf)  }
0xff: {  	[tilespmem:s11], [sflag:$0x9] =	stream.linear.gather [hbm4b:s7+s19], $0x40, $0x38;
	(v2sf) =	vpush v1, $0xD;
	[tilespmem:$0x1EF88] =	vst v63  }
0x100: {  	s7 =	sadd.s32 s6, s8;
	s8 =	sand.u32 $0x1FFFFFF0, s14;
	s11 =	spop (v2sf)  }
0x101: {  	[tilespmem:s12], [sflag:$0x9] =	stream.linear.gather [hbm4b:s7+s19], $0x40, $0x38;
	(v2sf) =	vpush v1, $0xE;
	[tilespmem:$0x1EF88] =	vst v63  }
0x102: {  	s7 =	sadd.s32 s6, s8;
	s8 =	sand.u32 $0x1FFFFFF0, s11;
	s11 =	spop (v2sf)  }
0x103: {  	[tilespmem:s15], [sflag:$0x9] =	stream.linear.gather [hbm4b:s7+s19], $0x40, $0x38;
	(v2sf) =	vpush v1, $0xF;
	[tilespmem:$0x1EF88] =	vst v63  }
0x104: {  	s7 =	sadd.s32 s6, s8;
	s8 =	sand.u32 $0x1FFFFFF0, s11;
	s11 =	spop (v2sf)  }
0x105: {  	[tilespmem:s10], [sflag:$0x9] =	stream.linear.gather [hbm4b:s7+s19], $0x40, $0x38;
	[tilespmem:$0x1EF88] =	vst v63  }
0x106: {  	s7 =	sadd.s32 s6, s8;
	s8 =	sand.u32 $0x1FFFFFF0, s11;
	s10 =	spop (v2sf)  }
0x107: {  	[tilespmem:s9], [sflag:$0x9] =	stream.linear.gather [hbm4b:s7+s19], $0x40, $0x38;
	[tilespmem:$0x1EF88] =	vst v63  }
0x108: {  	s7 =	sadd.s32 s6, s8;
	s8 =	sand.u32 $0x1FFFFFF0, s10;
	s9 =	spop (v2sf)  }
0x109: {  	[tilespmem:s16], [sflag:$0x9] =	stream.linear.gather [hbm4b:s7+s19], $0x40, $0x38;
	[tilespmem:$0x1EF88] =	vst v63  }
0x10a: {  	s7 =	sadd.s32 s6, s8;
	s8 =	sand.u32 $0x1FFFFFF0, s9;
	s9 =	spop (v2sf)  }
0x10b: {  	[tilespmem:s3], [sflag:$0x9] =	stream.linear.gather [hbm4b:s7+s19], $0x40, $0x38;
	[tilespmem:$0x1EF88] =	vst v63  }
0x10c: {  	s3 =	sadd.s32 s6, s8;
	s7 =	sand.u32 $0x1FFFFFF0, s9;
	s8 =	spop (v2sf)  }
0x10d: {  	[tilespmem:s2], [sflag:$0x9] =	stream.linear.gather [hbm4b:s3+s19], $0x40, $0x38;
	[tilespmem:$0x1EF88] =	vst v63  }
0x10e: {  	s2 =	sadd.s32 s6, s7;
	s3 =	sand.u32 $0x1FFFFFF0, s8;
	s7 =	spop (v2sf)  }
0x10f: {  	[tilespmem:s5], [sflag:$0x9] =	stream.linear.gather [hbm4b:s2+s19], $0x40, $0x38;
	[tilespmem:$0x1EF88] =	vst v63  }
0x110: {  	s2 =	sadd.s32 s6, s3;
	s3 =	sand.u32 $0x1FFFFFF0, s7;
	s5 =	spop (v2sf)  }
0x111: {  	[tilespmem:s4], [sflag:$0x9] =	stream.linear.gather [hbm4b:s2+s19], $0x40, $0x38;
	[tilespmem:$0x1EF88] =	vst v63  }
0x112: {  	s2 =	sadd.s32 s6, s3  }
.Ltmp11:
0x113: {  	s3 =	sand.u32 $0x1FFFFFF0, s5;
	s4 =	spop (v2sf);
	(pc) =	sbr.rel @p2 .LBB3_5-.Ltmp11, $4  }
0x114: {  	[tilespmem:s0], [sflag:$0x9] =	stream.linear.gather [hbm4b:s2+s19], $0x40, $0x38;
	[tilespmem:$0x1EF88] =	vst v63  }
0x115: {  	s0 =	sadd.s32 s6, s3;
	s2 =	sadd.s32 $0xFFFFFF80, s30;
	s3 =	sand.u32 $0x1FFFFFF0, s4  }
0x116: {  	[tilespmem:s2], [sflag:$0x9] =	stream.linear.gather [hbm4b:s0+s19], $0x40, $0x38;
	[tilespmem:$0x1EF88] =	vst v63  }
0x117: {  	s31 =	sadd.s32 $0x10, s31;
	s30 =	sadd.s32 $0x800, s30;
	s2 =	sadd.s32 s6, s3  }
0x118: {  	[tilespmem:s28], [sflag:$0x9] =	stream.linear.gather [hbm4b:s2+s19], $0x40, $0x38;
	[tilespmem:$0x1EF88] =	vst v63  }
0x119: {  	s12 =	rddreg [dreg:$0x5]  }
0x11a: {  	s14 =	rddreg [dreg:$0x6]  }
0x11b: {  	s15 =	rddreg [dreg:$0x7]  }
0x11c: {  	s17 =	rddreg [dreg:$0x8]  }
0x11d: {  	s18 =	rddreg [dreg:$0xa]  }
0x11e: {  	s22 =	rddreg [dreg:$0xb]  }
.LBB3_7:
0x11f: {  	p2 =	slt.u32 s25, $0x2  }
.Ltmp12:
0x120: {  	_ = 	snop;
	(pc) =	sbr.rel @p2 .LBB3_25-.Ltmp12, $1  }
0x121: {  	_ =	sdelay $0x3  }
0x122: {  	p2 =	sgt.s32 s26, $0x26FC0;
	s0 =	smov.u32 s26;
	s2 =	sshra.s32 s26, $0x1F  }
0x123: {  	s0 =	simm.s32 @!p2 $0x26FC0;
	s2 =	sand.u32 s2, s26  }
0x124: {  	s0 =	ssub.s32 s0, s2  }
0x125: {  	s0 =	sadd.s32 $0xFFFD9040, s0  }
0x126: {  	s3 =	simm.s32 $0x9;
	s29 =	sshll.u32 s0, $0x2  }
0x127: {  	_ =	swait.ge [sflag:s3], $0x5000;
	s2 =	ssub.s32 $0x500, s29  }
0x128: {  	[sflag:s3] =	ssyncset.done $0x0;
	p2 =	sgt.s32 s0, $0x13F;
	s0 =	sshrl.u32 s2, $0x2  }
0x129: {  	s30 =	simm.s32 $0xB;
	[sflag:s3] =	ssyncadd.s32 $0xFFFFB000;
	s0 =	simm.s32 @p2 $0x0  }
0x12a: {  	_ =	swait.ge [sflag:s30], s0  }
0x12b: {  	s0 =	ssub.s32 $0x0, s0;
	[sflag:s30] =	ssyncset.done $0x0  }
0x12c: {  	[sflag:s30] =	ssyncadd.s32 s0  }
0x12d: {  	v1 =	vld [tilespmem:$0xA108];
	_ =	sdelay $0x4  }
0x12e: {  	(v2sf) =	vpush v1, $0x0  }
0x12f: {  	(v2sf) =	vpush v1, $0x1  }
0x130: {  	(v2sf) =	vpush v1, $0x2;
	_ =	sdelay $0x3  }
0x131: {  	s0 =	sadd.s32 $0x140, s26  }
0x132: {  	s4 =	ssub.s32 $0x4E200, s26;
	p2 =	slt.s32 s14, s0  }
0x133: {  	s0 =	smov.u32 @p2 s14;
	p2 =	sgt.s32 s4, $0x0  }
0x134: {  	s0 =	ssub.s32 s0, s26;
	s4 =	simm.s32 @!p2 $0x0  }
0x135: {  	p2 =	slt.s32 s4, s0  }
0x136: {  	s0 =	smov.u32 @p2 s4  }
0x137: {  	s2 =	simm.s32 $0x1;
	p2 =	slt.s32 s0, $0x1  }
.Ltmp13:
0x138: {  	s2 =	simm.s32 @!p1 $0x0;
	(pc) =	sbr.rel @p2 .LBB3_12-.Ltmp13, $4  }
0x139: {  	s7 =	smul.u32 $0x500, s2  }
0x13a: {  	s3 =	spop (v2sf)  }
0x13b: {  	s31 =	sshrl.u32 s7, $0x2;
	s5 =	spop (v2sf)  }
0x13c: {  	s28 =	sadd.s32 $0xAD08, s31;
	s26 =	spop (v2sf)  }
0x13d: {  	s4 =	smin.u32 s0, $0x10  }
0x13e: {  	v1 =	vmov s4  }
0x13f: {  	p3 =	sgt.s32 s0, $0x10;
	vm1 =	vgt.u32 v1, v0  }
.Ltmp14:
0x140: {  	_ = 	snop;
	(pc) =	sbr.rel @!p3 .LBB3_11-.Ltmp14, $2  }
0x141: {  	_ =	sdelay $0x2  }
0x142: {  	s9 =	simm.s32 $0x10;
	s10 =	sadd.s32 $0xFFFFFFF0, s0;
	s4 =	smov.u32 s28;
	vm0 =	vmmov vm1  }
.LBB3_10:
0x143: {  	s7 =	smin.u32 s10, $0x10;
	s9 =	sadd.s32 $0x10, s9;
	v1 =	vld.msk [tilespmem:s4+$0x0 ss:$0x1], vm1  }
0x144: {  	v2 =	vmov s7;
	p3 =	slt.s32 s9, s0  }
0x145: {  	vm1 =	vgt.u32 v2, v0  }
.Ltmp15:
0x146: {  	(pc) =	sbr.rel @p3 .LBB3_10-.Ltmp15, $3  }
0x147: {  	_ =	sdelay $0x1  }
0x148: {  	v1 =	vshll.u32 v1, $0x4  }
0x149: {  	s10 =	sadd.s32 $0xFFFFFFF0, s10;
	[tilespmem:s4+$0x0] =	vst.msk vm0, v1;
	s4 =	sadd.s32 $0x10, s4;
	vm0 =	vmmov vm1  }
.LBB3_11:
0x14a: {  	_ =	sdelay $0x4  }
0x14b: {  	v1 =	vld.msk [tilespmem:s4+$0x0 ss:$0x1], vm1;
	_ =	sdelay $0x4  }
0x14c: {  	v1 =	vshll.u32 v1, $0x4  }
0x14d: {  	[tilespmem:s4+$0x0] =	vst.msk vm0, v1  }
.LBB3_12:
0x14e: {  	s4 =	sand.u32 $0x1, s25  }
0x14f: {  	s4 =	smul.u32 $0x140, s4  }
0x150: {  	p3 =	sne.s32 s5, $0xFFFFFFFF  }
0x151: {  	v1 =	vld.msk @!p3 [tilespmem:s4+$0xAD08], $0x1;
	_ =	sdelay $0x4  }
0x152: {  	(v2sf) =	vpush @!p3 v1, $0x0;
	_ =	sdelay $0xc  }
.Ltmp16:
0x153: {  	_ = 	snop;
	(pc) =	sbr.rel @p2 .LBB3_23-.Ltmp16, $4  }
0x154: {  	_ = 	snop  }
0x155: {  	s29 =	spop @!p3 (v2sf)  }
0x156: {  	s31 =	simm.s32 $0xC;
	s26 =	simm.s32 @!p3 $0x0;
	s4 =	smov.u32 s29  }
0x157: {  	[sflag:s31] =	ssyncpa.u1 $0x0;
	s29 =	smov.u32 @p3 s3;
	s4 =	smov.u32 @p3 s5  }
0x158: {  	v1 =	vld.msk [tilespmem:s28+$0x0], $0x1;
	_ =	sdelay $0x4  }
0x159: {  	(v2sf) =	vpush v1, $0x0;
	_ =	sdelay $0xe  }
0x15a: {  	s2 =	smul.u32 $0x28000, s2;
	s5 =	spop (v2sf)  }
0x15b: {  	s31 =	ssub.s32 $0x0, s0;
	p2 =	seq.s32 s29, s5  }
0x15c: {  	s3 =	smov.u32 s29;
	s2 =	sshrl.u32 s2, $0x2;
	p3 =	sgt.s32 @!p2 s29, $0x0  }
0x15d: {  	s30 =	sadd.s32 $0xAFA8, s2;
	s2 =	sadd.s32 $0x1, s31;
	p3 =	por !p3, p2  }
0x15e: {  	s3 =	simm.s32 @p3 $0x0;
	p3 =	seq.s32 s2, $0x0  }
.Ltmp17:
0x15f: {  	_ = 	snop;
	(pc) =	sbr.rel @p3 .LBB3_15-.Ltmp17, $4  }
0x160: {  	_ = 	snop  }
0x161: {  	s0 =	simm.s32 $0x0;
	s9 =	simm.s32 @!p2 $0x1;
	s3 =	smin.u32 @!p2 s3, $0x270F8  }
0x162: {  	s10 =	simm.s32 @!p2 $0x50C8;
	s9 =	smov.u32 @p2 s0;
	s7 =	sand.u32 @!p2 $0x3FFF8, s3  }
0x163: {  	s16 =	sand.u32 @!p2 $0x7, s3;
	s3 =	sadd.s32 $0x1, s28;
	s11 =	sadd.s32 @!p2 s1, s7  }
.LBB3_14:
0x164: {  	s7 =	smov.u32 s9  }
0x165: {  	[tilespmem:s10], [sflag:$0x2] =	stream.linear.gather @!p2 [hbm4b:s11+s16], $0x40, $0x38;
	[tilespmem:$0x1EF88] =	vst v63  }
0x166: {  	s2 =	sadd.s32 $0x1, s2;
	s8 =	smov.u32 s5;
	v1 =	vld.msk [tilespmem:s3+$0x0], $0x1  }
0x167: {  	p3 =	seq.s32 s2, $0x0;
	_ =	sdelay $0x3  }
0x168: {  	(v2sf) =	vpush v1, $0x0;
	_ =	sdelay $0xe  }
0x169: {  	s5 =	spop (v2sf)  }
0x16a: {  	p2 =	seq.s32 s8, s5  }
0x16b: {  	p4 =	sgt.s32 @!p2 s8, $0x0;
	s10 =	sshll.u32 @!p2 s9, $0x8;
	s9 =	sadd.s32 @!p2 $0x1, s9  }
.Ltmp18:
0x16c: {  	p4 =	por !p4, p2;
	s10 =	sshra.s32 @!p2 s10, $0x2;
	(pc) =	sbr.rel @!p3 .LBB3_14-.Ltmp18, $4  }
0x16d: {  	s9 =	smov.u32 @p2 s7;
	s8 =	simm.s32 @p4 $0x0;
	s10 =	sadd.s32 @!p2 $0x50C8, s10  }
0x16e: {  	s7 =	smin.u32 @!p2 s8, $0x270F8  }
0x16f: {  	s8 =	sand.u32 @!p2 $0x3FFF8, s7;
	s16 =	sand.u32 @!p2 $0x7, s7  }
0x170: {  	s3 =	sadd.s32 $0x1, s3;
	s11 =	sadd.s32 @!p2 s1, s8  }
.LBB3_15:
0x171: {  	[tilespmem:s10], [sflag:$0x2] =	stream.linear.gather @!p2 [hbm4b:s11+s16], $0x40, $0x38;
	[tilespmem:$0x1EF88] =	vst v63  }
.Ltmp19:
0x172: {  	s2 =	sshll.u32 s9, $0x6;
	(pc) =	sbr.rel .LBB3_16-.Ltmp19, $4  }
0x173: {  	s3 =	simm.s32 $0x2;
	s2 =	sand.u32 $0x3FFFFFC0, s2  }
0x174: {  	_ =	swait.ge [sflag:s3], s2  }
0x175: {  	s2 =	ssub.s32 $0x0, s2;
	[sflag:s3] =	ssyncset.done $0x0  }
0x176: {  	[sflag:s3] =	ssyncadd.s32 s2;
	s3 =	simm.s32 $0x0  }
.LBB3_17:
0x177: {  	v1 =	vld [tilespmem:s30+$0xFFFFFFE0];
	_ =	sdelay $0x4  }
0x178: {  	[tilespmem:s5+$0x88] =	vst.add.f32.msk $0xffff, v1  }
0x179: {  	v1 =	vld [tilespmem:s30+$0xFFFFFFF0];
	_ =	sdelay $0x4  }
0x17a: {  	[tilespmem:s5+$0x98] =	vst.add.f32.msk $0xffff, v1  }
0x17b: {  	v1 =	vld [tilespmem:s30+$0x0];
	_ =	sdelay $0x4  }
0x17c: {  	[tilespmem:s5+$0xA8] =	vst.add.f32.msk $0xffff, v1  }
0x17d: {  	v1 =	vld [tilespmem:s30+$0x10];
	_ =	sdelay $0x4  }
0x17e: {  	[tilespmem:s5+$0xB8] =	vst.add.f32.msk $0xffff, v1  }
.LBB3_21:
0x17f: {  	s31 =	sadd.s32 $0x1, s31  }
0x180: {  	p2 =	seq.s32 s31, $0x0  }
.Ltmp20:
0x181: {  	_ = 	snop;
	(pc) =	sbr.rel @p2 .LBB3_22-.Ltmp20, $2  }
0x182: {  	_ =	sdelay $0x2  }
0x183: {  	s30 =	sadd.s32 $0x80, s30;
	s28 =	sadd.s32 $0x1, s28;
	s29 =	smov.u32 s2  }
.LBB3_16:
0x184: {  	v1 =	vld.msk [tilespmem:s28+$0x0], $0x1;
	_ =	sdelay $0x4  }
0x185: {  	(v2sf) =	vpush v1, $0x0;
	_ =	sdelay $0xe  }
0x186: {  	s2 =	spop (v2sf)  }
0x187: {  	p2 =	sne.s32 s29, s2  }
.Ltmp21:
0x188: {  	_ = 	snop;
	(pc) =	sbr.rel @!p2 .LBB3_17-.Ltmp21, $3  }
0x189: {  	_ =	sdelay $0x1  }
0x18a: {  	s5 =	sshll.u32 s26, $0x8  }
0x18b: {  	s5 =	sshra.s32 s5, $0x2  }
0x18c: {  	p2 =	seq.s32 s29, s4  }
.Ltmp22:
0x18d: {  	_ = 	snop;
	(pc) =	sbr.rel @!p2 .LBB3_19-.Ltmp22, $1  }
0x18e: {  	_ =	sdelay $0x3  }
.Ltmp23:
0x18f: {  	s5 =	sadd.s32 $0x88, s5;
	(pc) =	sbr.rel .LBB3_20-.Ltmp23, $4  }
0x190: {  	[spmem:s18] =	stream.linear.scatter [tilespmem:s5], [sflag:$0x1], $0x40, $0x38;
	[tilespmem:$0x1EF88] =	vst v63  }
0x191: {  	_ =	swait.ge [sflag:s13], $0x40  }
0x192: {  	[sflag:s13] =	ssyncset.done $0x0  }
0x193: {  	[sflag:s13] =	ssyncadd.s32 $0xFFFFFFC0  }
.LBB3_19:
0x194: {  	s7 =	sshll.u32 s0, $0x8  }
0x195: {  	s7 =	sshra.s32 s7, $0x2  }
0x196: {  	v1 =	vld [tilespmem:s7+$0x50C8];
	_ =	sdelay $0x4  }
0x197: {  	[tilespmem:s5+$0x88] =	vst.add.f32.msk $0xffff, v1  }
0x198: {  	v1 =	vld [tilespmem:s7+$0x50D8];
	_ =	sdelay $0x4  }
0x199: {  	[tilespmem:s5+$0x98] =	vst.add.f32.msk $0xffff, v1  }
0x19a: {  	v1 =	vld [tilespmem:s7+$0x50E8];
	_ =	sdelay $0x4  }
0x19b: {  	[tilespmem:s5+$0xA8] =	vst.add.f32.msk $0xffff, v1  }
0x19c: {  	v1 =	vld [tilespmem:s7+$0x50F8];
	_ =	sdelay $0x2  }
0x19d: {  	p2 =	sgt.u32 s29, $0x270F8  }
0x19e: {  	s7 =	sand.u32 @!p2 $0x3FFF8, s29  }
0x19f: {  	s8 =	sadd.s32 $0x88, s5;
	[tilespmem:s5+$0xB8] =	vst.add.f32.msk $0xffff, v1;
	s5 =	sadd.s32 @!p2 s1, s7;
	s7 =	sand.u32 @!p2 $0x7, s29  }
0x1a0: {  	[hbm4b:s5+s7] =	stream.linear.scatter @!p2 [tilespmem:s8], [sflag:$0xC], $0x40, $0x38;
	[tilespmem:$0x1EF88] =	vst v63  }
0x1a1: {  	s5 =	simm.s32 $0x0  }
0x1a2: {  	s5 =	simm.s32 @!p2 $0x100  }
0x1a3: {  	s3 =	sadd.s32 s5, s3  }
.LBB3_20:
0x1a4: {  	s5 =	sadd.s32 $0x1, s26  }
0x1a5: {  	s7 =	smulhi.u32 $0xCCCCCCCD, s5;
	_ =	sdelay $0x1  }
0x1a6: {  	v1 =	vld [tilespmem:s30+$0xFFFFFFE0];
	s7 =	sshrl.u32 s7, $0x8  }
0x1a7: {  	s7 =	smul.u32 $0x140, s7;
	_ =	sdelay $0x1  }
0x1a8: {  	s26 =	ssub.s32 s5, s7  }
0x1a9: {  	s5 =	sshll.u32 s26, $0x6  }
0x1aa: {  	[tilespmem:s5+$0x88] =	vst v1  }
0x1ab: {  	v1 =	vld [tilespmem:s30+$0xFFFFFFF0];
	_ =	sdelay $0x4  }
0x1ac: {  	[tilespmem:s5+$0x98] =	vst v1  }
0x1ad: {  	v1 =	vld [tilespmem:s30+$0x0];
	_ =	sdelay $0x4  }
0x1ae: {  	[tilespmem:s5+$0xA8] =	vst v1  }
0x1af: {  	v1 =	vld [tilespmem:s30+$0x10]  }
.Ltmp24:
0x1b0: {  	_ = 	snop;
	(pc) =	sbr.rel .LBB3_21-.Ltmp24, $2  }
0x1b1: {  	_ =	sdelay $0x2  }
0x1b2: {  	s0 =	sadd.s32 $0x1, s0;
	[tilespmem:s5+$0xB8] =	vst v1  }
.LBB3_23:
.Ltmp25:
0x1b3: {  	(pc) =	sbr.rel .LBB3_24-.Ltmp25, $4  }
0x1b4: {  	_ = 	snop  }
0x1b5: {  	s0 =	simm.s32 $0x2  }
0x1b6: {  	_ =	swait.ge [sflag:s0], $0x0  }
0x1b7: {  	s2 =	smov.u32 s29;
	[sflag:s0] =	ssyncset.done $0x0;
	s0 =	simm.s32 $0x0  }
.LBB3_26:
0x1b8: {  	_ =	sfence.sel $0x180000  }
0x1b9: {  	s0 =	simm.s32 $0x9;
	[bflag:$0x0] =	sbarrier.arrive $0xFFFF  }
0x1ba: {  	s24 =	simm.s32 $0xA;
	[sflag:s0] =	ssyncpa.u1 $0x1  }
0x1bb: {  	s25 =	simm.s32 $0xB;
	[sflag:s24] =	ssyncpa.u1 $0x1  }
0x1bc: {  	s26 =	simm.s32 $0x2;
	[sflag:s25] =	ssyncpa.u1 $0x1  }
0x1bd: {  	[sflag:s26] =	ssyncpa.u1 $0x1  }
0x1be: {  	v0 =	vld [tilespmem:$0xA108];
	_ =	sdelay $0x4  }
0x1bf: {  	(v2sf) =	vpush v0, $0x0  }
0x1c0: {  	(v2sf) =	vpush v0, $0x1;
	_ =	sdelay $0x1  }
0x1c1: {  	(v2sf) =	vpush v0, $0x2;
	_ =	sdelay $0xb  }
0x1c2: {  	s0 =	spop (v2sf)  }
0x1c3: {  	s2 =	spop (v2sf)  }
0x1c4: {  	s3 =	smov.u32 s0;
	p0 =	sne.s32 s0, s2  }
0x1c5: {  	s4 =	spop (v2sf);
	s3 =	simm.s32 @!p0 $0xFFFFFFFF  }
0x1c6: {  	v2 =	vimm.s32 $0x1;
	v3 =	vlaneseq.u32;
	p0 =	seq.s32 s4, $0xFFFFFFFF;
	v1 =	vmov s3  }
0x1c7: {  	s14 =	stileid.u32;
	v0 =	vperm.xlane v0, v2;
	p1 =	sne.s32 @!p0 s0, s2;
	v1 =	vperm.xlane v1, v3  }
0x1c8: {  	vm0 =	vcmask $0x3F04;
	s6 =	simm.s32 $0xA108;
	s0 =	simm.s32 @!p0 $0x1;
	p1 =	por !p1, p0  }
0x1c9: {  	s3 =	sshll.u32 s14, $0x1;
	s2 =	sshll.u32 @!p0 s4, $0x8;
	s0 =	simm.s32 @p1 $0x0;
	v0 =	vsel vm0, v1, v0  }
0x1ca: {  	s5 =	sor.u32 $0x800, s3;
	s2 =	sshra.s32 @!p0 s2, $0x2;
	s0 =	sor.u32 @!p0 s0, s3;
	[tilespmem:$0xA108] =	vst v0  }
0x1cb: {  	[spmem:s5] =	stream.linear.scatter [tilespmem:s6], [sflag:$0x1], $0x2, $0x38;
	[tilespmem:$0x1EF88] =	vst v63  }
0x1cc: {  	s2 =	sadd.s32 @!p0 $0x88, s2;
	s0 =	sshll.u32 @!p0 s0, $0x6  }
0x1cd: {  	[spmem:s0] =	stream.linear.scatter @!p0 [tilespmem:s2], [sflag:$0x1], $0x40, $0x38;
	[tilespmem:$0x1EF88] =	vst v63  }
0x1ce: {  	s0 =	simm.s32 @!p0 $0x42  }
0x1cf: {  	s28 =	simm.s32 $0x1;
	s0 =	simm.s32 @p0 $0x2  }
0x1d0: {  	_ =	swait.ge [sflag:s28], s0  }
0x1d1: {  	s0 =	ssub.s32 $0x0, s0;
	[sflag:s28] =	ssyncset.done $0x0  }
0x1d2: {  	p0 =	sne.s32 s14, $0x0;
	[sflag:s28] =	ssyncadd.s32 s0  }
.Ltmp26:
0x1d3: {  	_ =	sfence.stream.spmem;
	(pc) =	sbr.rel @p0 .LBB3_43-.Ltmp26, $4  }
0x1d4: {  	s29 =	simm.s32 $0x3;
	[bflag:$0x0] =	sbarrier.arrive $0xFFFF  }
0x1d5: {  	s30 =	simm.s32 $0x4;
	[sflag:s29] =	ssyncpa.u1 $0x1  }
0x1d6: {  	s31 =	simm.s32 $0x3C;
	[sflag:s30] =	ssyncpa.u1 $0x1  }
0x1d7: {  	s13 =	rddreg [dreg:$0x4];
	[sflag:s31] =	ssyncpa.u1 $0x1  }
0x1d8: {  	_ =	sfence.stream.spmem;
	s0 =	simm.s32 $0x5  }
0x1d9: {  	s2 =	simm.s32 $0x800;
	s3 =	simm.s32 $0xA118;
	[sflag:s0] =	ssyncpa.u1 $0x0  }
0x1da: {  	[tilespmem:s3], [sflag:$0x5] =	stream.linear.gather [spmem:s2], $0x20, $0x38;
	[tilespmem:$0x1EF88] =	vst v63  }
0x1db: {  	s26 =	simm.s32 $0x0;
	s28 =	simm.s32 $0xA138  }
0x1dc: {  	[tilespmem:s28], [sflag:$0x5] =	stream.linear.gather [spmem:s26], $0x800, $0x38;
	[tilespmem:$0x1EF88] =	vst v63  }
0x1dd: {  	_ =	swait.ge [sflag:s0], $0x820  }
0x1de: {  	[sflag:s0] =	ssyncset.done $0x0  }
0x1df: {  	s29 =	simm.s32 $0x0;
	[sflag:s0] =	ssyncadd.s32 $0xFFFFF7E0  }
0x1e0: {  	v0 =	vld.msk [tilespmem:s29+$0xA118], $0x1;
	_ =	sdelay $0x1  }
0x1e1: {  	s30 =	simm.s32 $0x1  }
0x1e2: {  	v1 =	vld.msk [tilespmem:s30+$0xA118], $0x1;
	_ =	sdelay $0x1  }
0x1e3: {  	(v2sf) =	vpush v0, $0x0;
	_ =	sdelay $0x2  }
0x1e4: {  	(v2sf) =	vpush v1, $0x0;
	_ =	sdelay $0x2  }
0x1e5: {  	s31 =	simm.s32 $0x2  }
0x1e6: {  	v0 =	vld.msk [tilespmem:s31+$0xA118], $0x1;
	_ =	sdelay $0x2  }
0x1e7: {  	s2 =	simm.s32 $0xFFFFFFFF;
	s3 =	simm.s32 $0xFFFFFFFF;
	s0 =	simm.s32 $0xC  }
.LBB3_28:
0x1e8: {  	s4 =	smov.u32 s3;
	s5 =	smov.u32 s2  }
0x1e9: {  	s2 =	sshra.s32 s0, $0x2;
	p1 =	sne.s32 s0, $0x7C;
	s0 =	sadd.s32 $0x4, s0;
	(v2sf) =	vpush v0, $0x0  }
0x1ea: {  	v0 =	vld.msk [tilespmem:s2+$0xA118], $0x1  }
.Ltmp27:
0x1eb: {  	(pc) =	sbr.rel @p1 .LBB3_28-.Ltmp27, $4  }
0x1ec: {  	s3 =	spop (v2sf)  }
0x1ed: {  	p2 =	sne.s32 s5, $0xFFFFFFFF;
	s2 =	smov.u32 s3  }
0x1ee: {  	p3 =	seq.s32 s3, $0xFFFFFFFF;
	s2 =	smov.u32 @p2 s5  }
0x1ef: {  	s3 =	smov.u32 @p3 s4;
	s2 =	smov.u32 @p3 s5  }
0x1f0: {  	(v2sf) =	vpush v0, $0x0;
	_ =	sdelay $0x8  }
0x1f1: {  	s0 =	spop (v2sf)  }
0x1f2: {  	p1 =	sne.s32 s2, $0xFFFFFFFF;
	s4 =	smov.u32 s0  }
0x1f3: {  	s6 =	simm.s32 $0x0;
	p2 =	seq.s32 s0, $0xFFFFFFFF;
	s4 =	smov.u32 @p1 s2  }
0x1f4: {  	s9 =	simm.s32 $0xA0C8;
	s4 =	smov.u32 @p2 s2;
	s2 =	spop (v2sf)  }
0x1f5: {  	s0 =	smov.u32 @p2 s3;
	p1 =	sne.s32 s4, $0xFFFFFFFF;
	s5 =	smov.u32 s2  }
.Ltmp28:
0x1f6: {  	p2 =	seq.s32 s2, $0xFFFFFFFF;
	s5 =	smov.u32 @p1 s4;
	(pc) =	sbr.rel .LBB3_30-.Ltmp28, $4  }
0x1f7: {  	s10 =	simm.s32 $0x0;
	s5 =	smov.u32 @p2 s4;
	s7 =	spop (v2sf)  }
0x1f8: {  	s2 =	smov.u32 @p2 s0;
	p1 =	sne.s32 s5, $0xFFFFFFFF;
	s8 =	smov.u32 s7  }
0x1f9: {  	s0 =	simm.s32 $0x6;
	p2 =	seq.s32 s7, $0xFFFFFFFF;
	s8 =	smov.u32 @p1 s5  }
0x1fa: {  	[sflag:s0] =	ssyncpa.u1 $0x0;
	s7 =	smov.u32 @p2 s2;
	s8 =	smov.u32 @p2 s5  }
.LBB3_36:
0x1fb: {  	p1 =	sgt.u32 s2, $0x270F8  }
0x1fc: {  	p2 =	seq.s32 @!p1 s2, s8  }
0x1fd: {  	p1 =	por p1, p2  }
0x1fe: {  	p2 =	sne.s32 @!p1 s2, s7  }
0x1ff: {  	p1 =	por p1, !p2  }
0x200: {  	s2 =	sshll.u32 @p1 s10, $0x8  }
0x201: {  	s3 =	sand.u32 @!p1 $0x3FFF8, s2  }
0x202: {  	s2 =	sand.u32 @!p1 $0x7, s2;
	s3 =	sadd.s32 @!p1 s1, s3  }
0x203: {  	[tilespmem:s9], [sflag:$0x6] =	stream.linear.gather @!p1 [hbm4b:s3+s2], $0x40, $0x38;
	[tilespmem:$0x1EF88] =	vst v63  }
0x204: {  	_ =	swait.ge @!p1 [sflag:s0], $0x40  }
0x205: {  	[sflag:s0] =	ssyncset.done @!p1 $0x0  }
0x206: {  	[sflag:s0] =	ssyncadd.s32 @!p1 $0xFFFFFFC0  }
0x207: {  	v1 =	vld @!p1 [tilespmem:$0xA0C8];
	_ =	sdelay $0x2  }
0x208: {  	s2 =	sshll.u32 @!p1 s10, $0x8  }
0x209: {  	s3 =	sshrl.u32 @!p1 s2, $0x2  }
0x20a: {  	[tilespmem:s3+$0xA138] =	vst.add.f32.msk @!p1 $0xffff, v1  }
0x20b: {  	v1 =	vld @!p1 [tilespmem:$0xA0D8];
	_ =	sdelay $0x4  }
0x20c: {  	[tilespmem:s3+$0xA148] =	vst.add.f32.msk @!p1 $0xffff, v1  }
0x20d: {  	v1 =	vld @!p1 [tilespmem:$0xA0E8];
	_ =	sdelay $0x4  }
0x20e: {  	[tilespmem:s3+$0xA158] =	vst.add.f32.msk @!p1 $0xffff, v1  }
0x20f: {  	v1 =	vld @!p1 [tilespmem:$0xA0F8];
	_ =	sdelay $0x4  }
0x210: {  	[tilespmem:s3+$0xA168] =	vst.add.f32.msk @!p1 $0xffff, v1  }
0x211: {  	s2 =	sshrl.u32 s2, $0x2;
	[tilespmem:s6+$0xA118] =	vst.msk $0x1, v0  }
0x212: {  	v0 =	vld [tilespmem:s2+$0xA138];
	_ =	sdelay $0x2  }
0x213: {  	s31 =	sshll.u32 s6, $0x8  }
0x214: {  	s3 =	sshra.s32 s31, $0x2  }
0x215: {  	[tilespmem:s3+$0xA138] =	vst v0  }
0x216: {  	v0 =	vld [tilespmem:s2+$0xA148];
	_ =	sdelay $0x4  }
0x217: {  	[tilespmem:s3+$0xA148] =	vst v0  }
0x218: {  	v0 =	vld [tilespmem:s2+$0xA158];
	_ =	sdelay $0x4  }
0x219: {  	[tilespmem:s3+$0xA158] =	vst v0  }
0x21a: {  	v0 =	vld [tilespmem:s2+$0xA168];
	_ =	sdelay $0x4  }
0x21b: {  	s6 =	sadd.s32 $0x1, s6;
	[tilespmem:s3+$0xA168] =	vst v0  }
.LBB3_37:
0x21c: {  	s10 =	sadd.s32 $0x1, s10  }
0x21d: {  	p1 =	sne.s32 s10, $0x20  }
.Ltmp29:
0x21e: {  	_ = 	snop;
	(pc) =	sbr.rel @!p1 .LBB3_38-.Ltmp29, $1  }
0x21f: {  	_ =	sdelay $0x3  }
.LBB3_30:
0x220: {  	v0 =	vld.msk [tilespmem:s10+$0xA118], $0x1;
	_ =	sdelay $0x4  }
0x221: {  	(v2sf) =	vpush v0, $0x0;
	_ =	sdelay $0xe  }
0x222: {  	s2 =	spop (v2sf)  }
0x223: {  	p1 =	seq.s32 s2, $0xFFFFFFFF  }
.Ltmp30:
0x224: {  	_ = 	snop;
	(pc) =	sbr.rel @p1 .LBB3_37-.Ltmp30, $1  }
0x225: {  	_ =	sdelay $0x3  }
0x226: {  	p1 =	slt.s32 s6, $0x1  }
.Ltmp31:
0x227: {  	_ = 	snop;
	(pc) =	sbr.rel @p1 .LBB3_36-.Ltmp31, $1  }
0x228: {  	_ =	sdelay $0x3  }
0x229: {  	s3 =	simm.s32 $0xA118;
	p1 =	por $0x0, $0x0  }
0x22a: {  	v1 =	vld.msk @!p1 [tilespmem:s3+$0x0], $0x1;
	_ =	sdelay $0x4  }
0x22b: {  	(v2sf) =	vpush @!p1 v1, $0x0;
	_ =	sdelay $0xd  }
0x22c: {  	p3 =	sne.s32 s6, $0x1  }
.Ltmp32:
0x22d: {  	s4 =	spop @!p1 (v2sf);
	(pc) =	sbr.rel @!p3 .LBB3_34-.Ltmp32, $4  }
0x22e: {  	p2 =	seq.s32 @!p1 s2, s4  }
0x22f: {  	s4 =	simm.s32 $0x0;
	p2 =	por !p2, p1  }
0x230: {  	s11 =	simm.s32 $0xFFFFFFFF;
	s4 =	simm.s32 @p2 $0xFFFFFFFF  }
0x231: {  	s5 =	simm.s32 $0x1;
	s4 =	smov.u32 @p1 s11  }
.LBB3_33:
0x232: {  	s11 =	smov.u32 s4;
	p1 =	sne.s32 s4, $0xFFFFFFFF  }
0x233: {  	s3 =	sadd.s32 $0x1, s3;
	s4 =	smov.u32 s5;
	s5 =	sadd.s32 $0x1, s5  }
0x234: {  	p2 =	sne.s32 s6, s5;
	v1 =	vld.msk @!p1 [tilespmem:s3+$0x0], $0x1;
	_ =	sdelay $0x4  }
0x235: {  	(v2sf) =	vpush @!p1 v1, $0x0;
	_ =	sdelay $0xe  }
.Ltmp33:
0x236: {  	s12 =	spop @!p1 (v2sf);
	(pc) =	sbr.rel @p2 .LBB3_33-.Ltmp33, $4  }
0x237: {  	p3 =	seq.s32 @!p1 s2, s12  }
0x238: {  	p3 =	por !p3, p1  }
0x239: {  	s4 =	simm.s32 @p3 $0xFFFFFFFF  }
0x23a: {  	s4 =	smov.u32 @p1 s11  }
.LBB3_34:
0x23b: {  	p1 =	seq.s32 s4, $0xFFFFFFFF  }
.Ltmp34:
0x23c: {  	_ = 	snop;
	(pc) =	sbr.rel @p1 .LBB3_36-.Ltmp34, $1  }
0x23d: {  	_ =	sdelay $0x3  }
0x23e: {  	s2 =	sshll.u32 s10, $0x6  }
0x23f: {  	s2 =	sand.u32 $0x3FFFFFC0, s2  }
0x240: {  	v0 =	vld [tilespmem:s2+$0xA138];
	_ =	sdelay $0x2  }
0x241: {  	s3 =	sshll.u32 s4, $0x8  }
0x242: {  	s3 =	sshra.s32 s3, $0x2  }
0x243: {  	[tilespmem:s3+$0xA138] =	vst.add.f32.msk $0xffff, v0  }
0x244: {  	v0 =	vld [tilespmem:s2+$0xA148];
	_ =	sdelay $0x4  }
0x245: {  	[tilespmem:s3+$0xA148] =	vst.add.f32.msk $0xffff, v0  }
0x246: {  	v0 =	vld [tilespmem:s2+$0xA158];
	_ =	sdelay $0x4  }
0x247: {  	[tilespmem:s3+$0xA158] =	vst.add.f32.msk $0xffff, v0  }
0x248: {  	v0 =	vld [tilespmem:s2+$0xA168]  }
.Ltmp35:
0x249: {  	_ = 	snop;
	(pc) =	sbr.rel .LBB3_37-.Ltmp35, $2  }
0x24a: {  	_ =	sdelay $0x2  }
0x24b: {  	[tilespmem:s3+$0xA168] =	vst.add.f32.msk $0xffff, v0  }
.LBB3_38:
0x24c: {  	s0 =	simm.s32 $0x6;
	p1 =	seq.s32 s6, $0x0  }
0x24d: {  	[sflag:s0] =	ssyncpa.u1 $0x1;
	v0 =	vimm.s32 @p1 $0xFFFFFFFF  }
0x24e: {  	s0 =	sadd.s32 $0xFFFFFFFF, s6;
	[tilespmem:$0xA938] =	vst @p1 v0  }
0x24f: {  	v0 =	vld.msk @!p1 [tilespmem:s0+$0xA118], $0x1;
	_ =	sdelay $0x1  }
0x250: {  	v1 =	vld.msk @!p1 [tilespmem:$0xA118], $0x1;
	_ =	sdelay $0x2  }
0x251: {  	p2 =	seq.s32 @!p1 s0, $0x0;
	v0 =	vbroadcast @!p1 v0, $0x0  }
0x252: {  	vm0 =	vmmov @!p1 $0x1;
	p2 =	por !p2, p1  }
0x253: {  	v1 =	vnsel @!p1 vm0, $0xFFFFFFFF, v1;
	vm0 =	vcmask @!p1 $0x308;
	v0 =	vpsel !p2, $0xFFFFFFFF, v0  }
0x254: {  	p2 =	sne.s32 @!p1 s8, s7;
	v0 =	vsel @!p1 vm0, v1, v0  }
0x255: {  	s2 =	simm.s32 @!p1 $0xA138;
	s3 =	simm.s32 @!p1 $0x0;
	p3 =	por !p2, p1;
	[tilespmem:$0xA938] =	vst @!p1 v0  }
0x256: {  	[spmem:s3] =	stream.linear.scatter @!p1 [tilespmem:s2], [sflag:$0x1], $0x40, $0x38;
	[tilespmem:$0x1EF88] =	vst v63  }
0x257: {  	s2 =	sshll.u32 @!p3 s0, $0x8  }
0x258: {  	s2 =	sshra.s32 @!p3 s2, $0x2  }
0x259: {  	s3 =	simm.s32 @!p3 $0x40;
	s2 =	sadd.s32 @!p3 $0xA138, s2  }
0x25a: {  	[spmem:s3] =	stream.linear.scatter @!p3 [tilespmem:s2], [sflag:$0x1], $0x40, $0x38;
	[tilespmem:$0x1EF88] =	vst v63  }
0x25b: {  	s2 =	simm.s32 @!p3 $0x1  }
0x25c: {  	_ =	swait.ge @!p3 [sflag:s2], $0x80  }
0x25d: {  	p1 =	por p2, p1;
	[sflag:s2] =	ssyncset.done @!p3 $0x0  }
0x25e: {  	[sflag:s2] =	ssyncadd.s32 @!p3 $0xFFFFFF80;
	s2 =	simm.s32 @!p1 $0x1  }
0x25f: {  	_ =	swait.ge @!p1 [sflag:s2], $0x40  }
0x260: {  	s29 =	simm.s32 $0xA938;
	[sflag:s2] =	ssyncset.done @!p1 $0x0  }
0x261: {  	s30 =	simm.s32 $0x800;
	s31 =	simm.s32 $0x1;
	[sflag:s2] =	ssyncadd.s32 @!p1 $0xFFFFFFC0  }
0x262: {  	[spmem:s30] =	stream.linear.scatter [tilespmem:s29], [sflag:$0x1], $0x10, $0x38;
	[tilespmem:$0x1EF88] =	vst v63  }
0x263: {  	_ =	swait.ge [sflag:s31], $0x10  }
0x264: {  	[sflag:s31] =	ssyncset.done $0x0  }
0x265: {  	p1 =	seq.s32 s13, $0x0;
	s9 =	rddreg [dreg:$0x1];
	[sflag:s31] =	ssyncadd.s32 $0xFFFFFFF0  }
0x266: {  	s3 =	sshll.u32 @p1 s9, $0xE;
	s8 =	rddreg [dreg:$0x2]  }
0x267: {  	s2 =	sadd.s32 @p1 $0x15C3C, s3;
	s3 =	sshll.u32 @p1 s8, $0x11  }
0x268: {  	_ =	sfence.stream.spmem;
	s2 =	sor.u32 @p1 s3, s2  }
0x269: {  	[sflag:s2] =	ssyncadd.remote.s32 @p1 $0x1;
	s2 =	simm.s32 @p1 $0x4  }
0x26a: {  	s4 =	simm.s32 @!p1 $0x3C;
	s3 =	sand.u32 $0xFFFFFFFE, s9;
	_ =	swait.ge @p1 [sflag:s2], $0x12  }
0x26b: {  	s5 =	simm.s32 @!p1 $0x0;
	s3 =	sadd.s32 @!p1 $0x4, s3;
	[sflag:s2] =	ssyncset.done @p1 $0x0  }
0x26c: {  	s7 =	simm.s32 @!p1 $0x80;
	[sflag:s2] =	ssyncadd.s32 @p1 $0xFFFFFFEE;
	s2 =	sshll.u32 @!p1 s3, $0x1A  }
0x26d: {  	s3 =	sshll.u32 @!p1 s3, $0xD;
	s2 =	sor.u32 @!p1 s2, s8;
	_ =	swait.eq @!p1 [sflag:s4], $0x1  }
0x26e: {  	s3 =	sor.u32 @!p1 $0x1C04, s3;
	s4 =	simm.s32 @!p1 $0x1C03;
	s2 =	sor.u32 @!p1 $0x80004000, s2  }
0x26f: {  	[spmem:s7], [sflag:s3] =	dma.general @!p1 [spmem:s5], [sflag:s4], length:$0x10, [dreg:$0x0], stride_count:$0x0, ici_dest:s2, dma_misc:DstOpCode:WRITE  }
0x270: {  	p2 =	slt.s32 s0, $0x2;
	s5 =	simm.s32 @!p1 $0x100;
	s7 =	simm.s32 @!p1 $0x102  }
0x271: {  	[spmem:s7], [sflag:s3] =	dma.general @!p1 [spmem:s5], [sflag:s4], length:$0x2, [dreg:$0x0], stride_count:$0x0, ici_dest:s2, dma_misc:DstOpCode:WRITE  }
.Ltmp36:
0x272: {  	s2 =	simm.s32 @!p1 $0x3;
	(pc) =	sbr.rel @p2 .LBB3_42-.Ltmp36, $4  }
0x273: {  	s3 =	sshll.u32 @!p1 s9, $0xE;
	_ =	swait.ge @!p1 [sflag:s2], $0x12  }
0x274: {  	s4 =	sshll.u32 @!p1 s8, $0x11;
	s3 =	sadd.s32 @!p1 $0x11C3C, s3;
	[sflag:s2] =	ssyncset.done @!p1 $0x0  }
0x275: {  	[sflag:s2] =	ssyncadd.s32 @!p1 $0xFFFFFFEE;
	s2 =	sor.u32 @!p1 s4, s3  }
0x276: {  	s0 =	simm.s32 $0x0;
	[sflag:s2] =	ssyncadd.remote.s32 @!p1 $0xFFFFFFFF  }
0x277: {  	s0 =	simm.s32 $0xA119  }
0x278: {  	v0 =	vld.msk [tilespmem:s0+$0x0], $0x1;
	_ =	sdelay $0x4  }
0x279: {  	(v2sf) =	vpush v0, $0x0;
	_ =	sdelay $0xc  }
0x27a: {  	s2 =	sadd.s32 $0xFFFFFFFE, s6  }
0x27b: {  	s2 =	sadd.s32 $0xFFFFFFFF, s2  }
0x27c: {  	p2 =	sne.s32 s2, $0x0;
	s3 =	spop (v2sf)  }
.Ltmp37:
0x27d: {  	p1 =	sgt.u32 s3, $0x270F8;
	(pc) =	sbr.rel @!p2 .LBB3_41-.Ltmp37, $4  }
0x27e: {  	s5 =	simm.s32 $0x0;
	s4 =	sand.u32 @!p1 $0x3FFF8, s3  }
0x27f: {  	s0 =	simm.s32 $0xA178;
	s3 =	sand.u32 @!p1 $0x7, s3;
	s4 =	sadd.s32 @!p1 s1, s4  }
0x280: {  	[hbm4b:s4+s3] =	stream.linear.scatter @!p1 [tilespmem:s0], [sflag:$0x5], $0x40, $0x38;
	[tilespmem:$0x1EF88] =	vst v63  }
0x281: {  	s5 =	simm.s32 @!p1 $0x100;
	s3 =	simm.s32 $0x0;
	s4 =	simm.s32 $0xA11A  }
.LBB3_40:
0x282: {  	v0 =	vld.msk [tilespmem:s4+$0x0], $0x1;
	s2 =	sadd.s32 $0xFFFFFFFF, s2;
	s3 =	sadd.s32 s3, s5  }
0x283: {  	p1 =	sne.s32 s2, $0x0;
	_ =	sdelay $0x3  }
0x284: {  	(v2sf) =	vpush v0, $0x0;
	_ =	sdelay $0xe  }
.Ltmp38:
0x285: {  	s6 =	spop (v2sf);
	(pc) =	sbr.rel @p1 .LBB3_40-.Ltmp38, $4  }
0x286: {  	s5 =	simm.s32 $0x0;
	p2 =	sgt.u32 s6, $0x270F8  }
0x287: {  	s0 =	sadd.s32 $0x40, s0;
	s5 =	simm.s32 @!p2 $0x100;
	s7 =	sand.u32 @!p2 $0x3FFF8, s6  }
0x288: {  	s4 =	sadd.s32 $0x1, s4;
	s6 =	sand.u32 @!p2 $0x7, s6;
	s7 =	sadd.s32 @!p2 s1, s7  }
0x289: {  	[hbm4b:s7+s6] =	stream.linear.scatter @!p2 [tilespmem:s0], [sflag:$0x5], $0x40, $0x38;
	[tilespmem:$0x1EF88] =	vst v63  }
.LBB3_41:
0x28a: {  	s0 =	sadd.s32 s3, s5  }
0x28b: {  	s0 =	sshrl.u32 s0, $0x2  }
.LBB3_42:
0x28c: {  	s2 =	simm.s32 $0x5  }
0x28d: {  	_ =	swait.ge [sflag:s2], s0  }
0x28e: {  	s31 =	ssub.s32 $0x0, s0;
	[sflag:s2] =	ssyncset.done $0x0  }
0x28f: {  	[sflag:s2] =	ssyncadd.s32 s31  }
0x290: {  	[sflag:s2] =	ssyncpa.u1 $0x1  }
.LBB3_43:
0x291: {  	s0 =	sor.u32 s13, s14  }
0x292: {  	p1 =	sne.s32 s0, $0x0  }
.Ltmp39:
0x293: {  	_ = 	snop;
	(pc) =	sbr.rel @p1 .LBB3_58-.Ltmp39, $3  }
0x294: {  	_ =	sdelay $0x1  }
0x295: {  	[bflag:$0x0] =	sbarrier.arrive $0xFFFF  }
0x296: {  	_ =	sfence  }
0x297: {  	s2 =	simm.s32 $0x7  }
0x298: {  	s0 =	simm.s32 $0x800;
	s3 =	simm.s32 $0xA118;
	[sflag:s2] =	ssyncpa.u1 $0x0  }
0x299: {  	[tilespmem:s3], [sflag:$0x7] =	stream.linear.gather [spmem:s0], $0x20, $0x38;
	[tilespmem:$0x1EF88] =	vst v63  }
0x29a: {  	s30 =	simm.s32 $0xA138;
	s0 =	simm.s32 $0x0  }
0x29b: {  	[tilespmem:s30], [sflag:$0x7] =	stream.linear.gather [spmem:s0], $0x800, $0x38;
	[tilespmem:$0x1EF88] =	vst v63  }
.Ltmp40:
0x29c: {  	_ = 	snop;
	(pc) =	sbr.rel .LBB3_45-.Ltmp40, $4  }
0x29d: {  	_ =	swait.ge [sflag:s2], $0x820  }
0x29e: {  	[sflag:s2] =	ssyncset.done $0x0  }
0x29f: {  	s31 =	simm.s32 $0x8;
	[sflag:s2] =	ssyncadd.s32 $0xFFFFF7E0  }
0x2a0: {  	s2 =	simm.s32 $0x0;
	[sflag:s31] =	ssyncpa.u1 $0x0  }
.LBB3_51:
0x2a1: {  	p1 =	slt.u32 s3, $0x270F9  }
0x2a2: {  	s4 =	sand.u32 @p1 $0x3FFF8, s3  }
0x2a3: {  	s3 =	sand.u32 @p1 $0x7, s3;
	s5 =	simm.s32 @p1 $0xA0C8;
	s4 =	sadd.s32 @p1 s1, s4  }
0x2a4: {  	[tilespmem:s5], [sflag:$0x8] =	stream.linear.gather @p1 [hbm4b:s4+s3], $0x40, $0x38;
	[tilespmem:$0x1EF88] =	vst v63  }
0x2a5: {  	s3 =	simm.s32 @p1 $0x8  }
0x2a6: {  	_ =	swait.ge @p1 [sflag:s3], $0x40  }
0x2a7: {  	[sflag:s3] =	ssyncset.done @p1 $0x0  }
0x2a8: {  	[sflag:s3] =	ssyncadd.s32 @p1 $0xFFFFFFC0  }
0x2a9: {  	v1 =	vld @p1 [tilespmem:$0xA0C8];
	_ =	sdelay $0x2  }
0x2aa: {  	s3 =	sshll.u32 @p1 s2, $0x8  }
0x2ab: {  	s4 =	sshrl.u32 @p1 s3, $0x2  }
0x2ac: {  	[tilespmem:s4+$0xA138] =	vst.add.f32.msk @p1 $0xffff, v1  }
0x2ad: {  	v1 =	vld @p1 [tilespmem:$0xA0D8];
	_ =	sdelay $0x4  }
0x2ae: {  	[tilespmem:s4+$0xA148] =	vst.add.f32.msk @p1 $0xffff, v1  }
0x2af: {  	v1 =	vld @p1 [tilespmem:$0xA0E8];
	_ =	sdelay $0x4  }
0x2b0: {  	[tilespmem:s4+$0xA158] =	vst.add.f32.msk @p1 $0xffff, v1  }
0x2b1: {  	v1 =	vld @p1 [tilespmem:$0xA0F8];
	_ =	sdelay $0x3  }
0x2b2: {  	s5 =	sshll.u32 @!p1 s2, $0x8  }
0x2b3: {  	s5 =	smov.u32 @p1 s3;
	[tilespmem:s4+$0xA168] =	vst.add.f32.msk @p1 $0xffff, v1  }
0x2b4: {  	s3 =	sshrl.u32 s5, $0x2;
	[tilespmem:s0+$0xA118] =	vst.msk $0x1, v0  }
0x2b5: {  	v0 =	vld [tilespmem:s3+$0xA138];
	_ =	sdelay $0x2  }
0x2b6: {  	s31 =	sshll.u32 s0, $0x8  }
0x2b7: {  	s4 =	sshra.s32 s31, $0x2  }
0x2b8: {  	[tilespmem:s4+$0xA138] =	vst v0  }
0x2b9: {  	v0 =	vld [tilespmem:s3+$0xA148];
	_ =	sdelay $0x4  }
0x2ba: {  	[tilespmem:s4+$0xA148] =	vst v0  }
0x2bb: {  	v0 =	vld [tilespmem:s3+$0xA158];
	_ =	sdelay $0x4  }
0x2bc: {  	[tilespmem:s4+$0xA158] =	vst v0  }
0x2bd: {  	v0 =	vld [tilespmem:s3+$0xA168];
	_ =	sdelay $0x4  }
0x2be: {  	s0 =	sadd.s32 $0x1, s0;
	[tilespmem:s4+$0xA168] =	vst v0  }
.LBB3_52:
0x2bf: {  	s2 =	sadd.s32 $0x1, s2  }
0x2c0: {  	p1 =	sne.s32 s2, $0x20  }
.Ltmp41:
0x2c1: {  	_ = 	snop;
	(pc) =	sbr.rel @!p1 .LBB3_53-.Ltmp41, $1  }
0x2c2: {  	_ =	sdelay $0x3  }
.LBB3_45:
0x2c3: {  	v0 =	vld.msk [tilespmem:s2+$0xA118], $0x1;
	_ =	sdelay $0x4  }
0x2c4: {  	(v2sf) =	vpush v0, $0x0;
	_ =	sdelay $0xe  }
0x2c5: {  	s3 =	spop (v2sf)  }
0x2c6: {  	p1 =	seq.s32 s3, $0xFFFFFFFF  }
.Ltmp42:
0x2c7: {  	_ = 	snop;
	(pc) =	sbr.rel @p1 .LBB3_52-.Ltmp42, $1  }
0x2c8: {  	_ =	sdelay $0x3  }
0x2c9: {  	p1 =	slt.s32 s0, $0x1  }
.Ltmp43:
0x2ca: {  	_ = 	snop;
	(pc) =	sbr.rel @p1 .LBB3_51-.Ltmp43, $1  }
0x2cb: {  	_ =	sdelay $0x3  }
0x2cc: {  	s4 =	simm.s32 $0xA118;
	p1 =	por $0x0, $0x0  }
0x2cd: {  	v1 =	vld.msk @!p1 [tilespmem:s4+$0x0], $0x1;
	_ =	sdelay $0x4  }
0x2ce: {  	(v2sf) =	vpush @!p1 v1, $0x0;
	_ =	sdelay $0xd  }
0x2cf: {  	p3 =	sne.s32 s0, $0x1  }
.Ltmp44:
0x2d0: {  	s5 =	spop @!p1 (v2sf);
	(pc) =	sbr.rel @!p3 .LBB3_49-.Ltmp44, $4  }
0x2d1: {  	p2 =	seq.s32 @!p1 s3, s5  }
0x2d2: {  	s5 =	simm.s32 $0x0;
	p2 =	por !p2, p1  }
0x2d3: {  	s7 =	simm.s32 $0xFFFFFFFF;
	s5 =	simm.s32 @p2 $0xFFFFFFFF  }
0x2d4: {  	s6 =	simm.s32 $0x1;
	s5 =	smov.u32 @p1 s7  }
.LBB3_48:
0x2d5: {  	s7 =	smov.u32 s5;
	p1 =	sne.s32 s5, $0xFFFFFFFF  }
0x2d6: {  	s4 =	sadd.s32 $0x1, s4;
	s5 =	smov.u32 s6;
	s6 =	sadd.s32 $0x1, s6  }
0x2d7: {  	p2 =	sne.s32 s0, s6;
	v1 =	vld.msk @!p1 [tilespmem:s4+$0x0], $0x1;
	_ =	sdelay $0x4  }
0x2d8: {  	(v2sf) =	vpush @!p1 v1, $0x0;
	_ =	sdelay $0xe  }
.Ltmp45:
0x2d9: {  	s8 =	spop @!p1 (v2sf);
	(pc) =	sbr.rel @p2 .LBB3_48-.Ltmp45, $4  }
0x2da: {  	p3 =	seq.s32 @!p1 s3, s8  }
0x2db: {  	p3 =	por !p3, p1  }
0x2dc: {  	s5 =	simm.s32 @p3 $0xFFFFFFFF  }
0x2dd: {  	s5 =	smov.u32 @p1 s7  }
.LBB3_49:
0x2de: {  	p1 =	seq.s32 s5, $0xFFFFFFFF  }
.Ltmp46:
0x2df: {  	_ = 	snop;
	(pc) =	sbr.rel @p1 .LBB3_51-.Ltmp46, $1  }
0x2e0: {  	_ =	sdelay $0x3  }
0x2e1: {  	s3 =	sshll.u32 s2, $0x6  }
0x2e2: {  	s3 =	sand.u32 $0x3FFFFFC0, s3  }
0x2e3: {  	v0 =	vld [tilespmem:s3+$0xA138];
	_ =	sdelay $0x2  }
0x2e4: {  	s4 =	sshll.u32 s5, $0x8  }
0x2e5: {  	s4 =	sshra.s32 s4, $0x2  }
0x2e6: {  	[tilespmem:s4+$0xA138] =	vst.add.f32.msk $0xffff, v0  }
0x2e7: {  	v0 =	vld [tilespmem:s3+$0xA148];
	_ =	sdelay $0x4  }
0x2e8: {  	[tilespmem:s4+$0xA148] =	vst.add.f32.msk $0xffff, v0  }
0x2e9: {  	v0 =	vld [tilespmem:s3+$0xA158];
	_ =	sdelay $0x4  }
0x2ea: {  	[tilespmem:s4+$0xA158] =	vst.add.f32.msk $0xffff, v0  }
0x2eb: {  	v0 =	vld [tilespmem:s3+$0xA168]  }
.Ltmp47:
0x2ec: {  	_ = 	snop;
	(pc) =	sbr.rel .LBB3_52-.Ltmp47, $2  }
0x2ed: {  	_ =	sdelay $0x2  }
0x2ee: {  	[tilespmem:s4+$0xA168] =	vst.add.f32.msk $0xffff, v0  }
.LBB3_53:
0x2ef: {  	p1 =	slt.s32 s0, $0x1  }
.Ltmp48:
0x2f0: {  	_ = 	snop;
	(pc) =	sbr.rel @p1 .LBB3_57-.Ltmp48, $3  }
0x2f1: {  	_ =	sdelay $0x1  }
0x2f2: {  	s2 =	simm.s32 $0x8  }
0x2f3: {  	[sflag:s2] =	ssyncpa.u1 $0x1;
	s2 =	simm.s32 $0x0  }
0x2f4: {  	s3 =	simm.s32 $0xA118  }
0x2f5: {  	v0 =	vld.msk [tilespmem:s3+$0x0], $0x1;
	_ =	sdelay $0x4  }
0x2f6: {  	(v2sf) =	vpush v0, $0x0;
	_ =	sdelay $0xe  }
0x2f7: {  	s0 =	sadd.s32 $0xFFFFFFFF, s0;
	s4 =	spop (v2sf)  }
0x2f8: {  	p2 =	sne.s32 s0, $0x0;
	p1 =	sgt.u32 s4, $0x270F8  }
.Ltmp49:
0x2f9: {  	s5 =	sand.u32 @!p1 $0x3FFF8, s4;
	(pc) =	sbr.rel @!p2 .LBB3_56-.Ltmp49, $4  }
0x2fa: {  	s3 =	simm.s32 $0xA138;
	s4 =	sand.u32 @!p1 $0x7, s4;
	s5 =	sadd.s32 @!p1 s1, s5  }
0x2fb: {  	[hbm4b:s5+s4] =	stream.linear.scatter @!p1 [tilespmem:s3], [sflag:$0x7], $0x40, $0x38;
	[tilespmem:$0x1EF88] =	vst v63  }
0x2fc: {  	s5 =	simm.s32 $0x0  }
0x2fd: {  	s4 =	simm.s32 $0xA119;
	s5 =	simm.s32 @!p1 $0x100  }
.LBB3_55:
0x2fe: {  	v0 =	vld.msk [tilespmem:s4+$0x0], $0x1;
	s0 =	sadd.s32 $0xFFFFFFFF, s0;
	s2 =	sadd.s32 s2, s5  }
0x2ff: {  	p1 =	sne.s32 s0, $0x0;
	_ =	sdelay $0x3  }
0x300: {  	(v2sf) =	vpush v0, $0x0;
	_ =	sdelay $0xe  }
.Ltmp50:
0x301: {  	s6 =	spop (v2sf);
	(pc) =	sbr.rel @p1 .LBB3_55-.Ltmp50, $4  }
0x302: {  	s5 =	simm.s32 $0x0;
	p2 =	sgt.u32 s6, $0x270F8  }
0x303: {  	s3 =	sadd.s32 $0x40, s3;
	s5 =	simm.s32 @!p2 $0x100;
	s7 =	sand.u32 @!p2 $0x3FFF8, s6  }
0x304: {  	s4 =	sadd.s32 $0x1, s4;
	s6 =	sand.u32 @!p2 $0x7, s6;
	s7 =	sadd.s32 @!p2 s1, s7  }
0x305: {  	[hbm4b:s7+s6] =	stream.linear.scatter @!p2 [tilespmem:s3], [sflag:$0x7], $0x40, $0x38;
	[tilespmem:$0x1EF88] =	vst v63  }
.LBB3_56:
0x306: {  	s0 =	sadd.s32 s2, s5  }
0x307: {  	s2 =	sshrl.u32 s0, $0x2  }
.LBB3_57:
0x308: {  	s0 =	simm.s32 $0x7  }
0x309: {  	_ =	swait.ge [sflag:s0], s2  }
0x30a: {  	s1 =	ssub.s32 $0x0, s2;
	[sflag:s0] =	ssyncset.done $0x0  }
0x30b: {  	[sflag:s0] =	ssyncadd.s32 s1  }
0x30c: {  	[sflag:s0] =	ssyncpa.u1 $0x1  }
.LBB3_58:
0x30d: {  	_ =	sfence;
	s0 =	simm.s32 $0x1  }
0x30e: {  	[sflag:s0] =	ssyncpa.u1 $0x1  }
0x30f: {  	_ =	strace $0x90000056  }
0x310: {  	[bflag:$0x2] =	sbarrier.arrive $0xFFFF  }
0x311: {  	s0 =	rddreg [dreg:$0x3]  }
0x312: {  	s0 =	sadd.s32 @!p0 $0x100000, s0  }
0x313: {  	[sflag:s0] =	ssyncadd.tile.s32 @!p0 $0x1;
	_ =	shalt  }
.Lfunc_end3:
_tile_overlayer_lowered:
.L_overlay_start_3:
0x314: {  	(tag) =	ssettag $0x3  }
0x315: {  	s0 =	rddreg [dreg:$0x0];
	s2 =	stileid.u32  }
0x316: {  	s1 =	rddreg [dreg:$0x1];
	p0 =	sne.s32 s2, $0x0  }
0x317: {  	s3 =	rddreg [dreg:$0x2];
	[bflag:$0x3] =	sbarrier.arrive $0xFFFF;
	s2 =	simm.s32 @!p0 $0x1C01  }
0x318: {  	[timem:s3], [sflag:s2] =	dma.local @!p0 [hbm:s0], s1  }
0x319: {  	s0 =	simm.s32 @!p0 $0x1  }
0x31a: {  	_ =	swait.ge @!p0 [sflag:s0], s1  }
0x31b: {  	s1 =	ssub.s32 @!p0 $0x0, s1;
	[sflag:s0] =	ssyncset.done @!p0 $0x0  }
0x31c: {  	[sflag:s0] =	ssyncadd.s32 @!p0 s1  }
0x31d: {  	[bflag:$0x3] =	sbarrier.arrive $0xFFFF  }
0x31e: {  	_ =	shalt  }

// kernel: scatter_offload_async_start.2
scs
__scs_entry_jumppad:
0x0: {  	(pc) =	sbr.rel $0x88, $3  }
0x1: {  	(tag) =	ssettag $0x0;
	lr =	simm.s32 $0x1  }
0x2: {  	[smem:$0x3F85] =	sst lr;
	_ =	strace $0xD0000000  }
0x3: {  	_ = 	snop  }
0x4: {  	_ = 	snop  }
0x5: {  	_ = 	snop  }
0x6: {  	_ = 	snop  }
0x7: {  	_ = 	snop  }
__scs_overlays_trampoline_lowered:
0x8: {  	[smem:$0x3F94] =	sst s0  }
0x9: {  	[smem:$0x3F95] =	sst s1  }
0xa: {  	[smem:$0x3F96] =	sst s2  }
0xb: {  	[smem:$0x3F97] =	sst s3  }
0xc: {  	[smem:$0x3F98] =	sst s4  }
0xd: {  	[smem:$0x3F99] =	sst s5  }
0xe: {  	[smem:$0x3F9A] =	sst s6  }
0xf: {  	[smem:$0x3F9B] =	sst s7  }
0x10: {  	[smem:$0x3F9C] =	sst s8  }
0x11: {  	[smem:$0x3F9D] =	sst s9;
	s0 =	simm.s32 @!p0 $0x0  }
0x12: {  	s1 =	sld [smem:$0x3F83];
	s0 =	simm.s32 @p0 $0x1  }
0x13: {  	[smem:$0x3F9E] =	sst s0;
	s0 =	simm.s32 @!p1 $0x0  }
0x14: {  	s2 =	sld [smem:$0x3F82];
	s0 =	simm.s32 @p1 $0x1  }
0x15: {  	[smem:$0x3F9F] =	sst s0;
	s0 =	simm.s32 @!p2 $0x0  }
0x16: {  	s3 =	sld [smem:$0x3FDB];
	s0 =	simm.s32 @p2 $0x1  }
0x17: {  	s4 =	simm.s32 $0x1BF5;
	[smem:$0x3FA1] =	sst s0  }
0x18: {  	s0 =	sld [smem:$0x3F84];
	_ =	swait.ge [sflag:s4], $0x0  }
0x19: {  	s7 =	sld [smem:$0x3F85]  }
0x1a: {  	s8 =	sadd.s32 $0xFFFFE003, lr  }
0x1b: {  	s9 =	sadd.s32 $0xFFFFFEF7, lr;
	s5 =	simm.s32 $0xFFFFFFFF;
	p2 =	slt.u32 s8, $0xFFFFF086  }
0x1c: {  	p1 =	slt.u32 s9, $0xF7A;
	s5 =	simm.s32 @!p2 $0x0  }
0x1d: {  	s5 =	simm.s32 @p1 $0x1;
	p0 =	seq.s32 s7, s2  }
0x1e: {  	s7 =	smul.u32 @!p0 $0xF7A, s2;
	p2 =	seq.s32 @!p0 s5, $0x0  }
0x1f: {  	s9 =	smul.u32 $0xF7A, s1;
	s8 =	simm.s32 @!p0 $0x1BF5;
	p2 =	por !p2, p0  }
0x20: {  	[sflag:s8] =	ssyncset.s32 @!p0 $0xFFFFF086;
	s6 =	sadd.s32 @!p0 s3, s7;
	s7 =	simm.s32 @!p0 $0x108  }
0x21: {  	s3 =	sadd.s32 s3, s9;
	s6 =	sadd.s32 @!p0 $0x88, s6;
	s7 =	simm.s32 @p2 $0x1082  }
0x22: {  	[simem:s7], [sflag:s8] =	dma.local @!p0 [hbm:s6], $0xF7A  }
0x23: {  	s9 =	sor.u32 $0xD0000000, s2;
	s6 =	simm.s32 $0x108;
	_ =	swait.ge @!p0 [sflag:s8], $0x0  }
0x24: {  	s3 =	sadd.s32 $0x88, s3;
	s6 =	simm.s32 @!p1 $0x1082;
	[sflag:s4] =	ssyncset.s32 $0xFFFFF086  }
0x25: {  	[simem:s6], [sflag:s4] =	dma.local [hbm:s3], $0xF7A  }
0x26: {  	[smem:$0x3F85] =	sst s1;
	(tag) =	ssettag s2;
	_ =	strace s9  }
0x27: {  	s1 =	sld [smem:$0x3F95]  }
0x28: {  	s2 =	sld [smem:$0x3F96]  }
0x29: {  	s4 =	sld [smem:$0x3F98]  }
0x2a: {  	p0 =	seq.s32 s5, $0x0;
	s5 =	sld [smem:$0x3F99]  }
0x2b: {  	s6 =	sld [smem:$0x3F9A]  }
0x2c: {  	s7 =	sld [smem:$0x3F9B]  }
0x2d: {  	s3 =	simm.s32 $0x108;
	s8 =	sld [smem:$0x3F9C]  }
0x2e: {  	s3 =	simm.s32 @!p0 $0x1082;
	s9 =	sld [smem:$0x3F9D]  }
0x2f: {  	lr =	sadd.s32 s0, s3;
	s0 =	sld [smem:$0x3F94]  }
0x30: {  	s3 =	sld [smem:$0x3F97]  }
0x31: {  	[smem:$0x3FA0] =	sst s10  }
0x32: {  	s10 =	sld [smem:$0x3F9E];
	_ =	sdelay $0x3  }
0x33: {  	p0 =	seq.s32 s10, $0x1;
	s10 =	sld [smem:$0x3FA0];
	_ =	sdelay $0x3  }
0x34: {  	[smem:$0x3FA0] =	sst s10  }
0x35: {  	s10 =	sld [smem:$0x3F9F];
	_ =	sdelay $0x3  }
0x36: {  	p1 =	seq.s32 s10, $0x1;
	s10 =	sld [smem:$0x3FA0];
	_ =	sdelay $0x3  }
0x37: {  	[smem:$0x3FA0] =	sst s10  }
0x38: {  	s10 =	sld [smem:$0x3FA1]  }
0x39: {  	_ = 	snop;
	(pc) =	sbr.ind lr, $3  }
0x3a: {  	_ = 	snop  }
0x3b: {  	_ = 	snop  }
0x3c: {  	p2 =	seq.s32 s10, $0x1;
	s10 =	sld [smem:$0x3FA0]  }
0x3d: {  	_ =	shalt  }
0x3e: {  	_ =	shalt  }
0x3f: {  	_ =	shalt  }
0x40: {  	_ =	shalt  }
0x41: {  	_ =	shalt  }
0x42: {  	_ =	shalt  }
0x43: {  	_ =	shalt  }
0x44: {  	_ =	shalt  }
0x45: {  	_ =	shalt  }
0x46: {  	_ =	shalt  }
0x47: {  	_ =	shalt  }
0x48: {  	_ =	shalt  }
0x49: {  	_ =	shalt  }
0x4a: {  	_ =	shalt  }
0x4b: {  	_ =	shalt  }
0x4c: {  	_ =	shalt  }
0x4d: {  	_ =	shalt  }
0x4e: {  	_ =	shalt  }
0x4f: {  	_ =	shalt  }
0x50: {  	_ =	shalt  }
0x51: {  	_ =	shalt  }
0x52: {  	_ =	shalt  }
0x53: {  	_ =	shalt  }
0x54: {  	_ =	shalt  }
0x55: {  	_ =	shalt  }
0x56: {  	_ =	shalt  }
0x57: {  	_ =	shalt  }
0x58: {  	_ =	shalt  }
0x59: {  	_ =	shalt  }
0x5a: {  	_ =	shalt  }
0x5b: {  	_ =	shalt  }
0x5c: {  	_ =	shalt  }
0x5d: {  	_ =	shalt  }
0x5e: {  	_ =	shalt  }
0x5f: {  	_ =	shalt  }
0x60: {  	_ =	shalt  }
0x61: {  	_ =	shalt  }
0x62: {  	_ =	shalt  }
0x63: {  	_ =	shalt  }
0x64: {  	_ =	shalt  }
0x65: {  	_ =	shalt  }
0x66: {  	_ =	shalt  }
0x67: {  	_ =	shalt  }
0x68: {  	_ =	shalt  }
0x69: {  	_ =	shalt  }
0x6a: {  	_ =	shalt  }
0x6b: {  	_ =	shalt  }
0x6c: {  	_ =	shalt  }
0x6d: {  	_ =	shalt  }
0x6e: {  	_ =	shalt  }
0x6f: {  	_ =	shalt  }
0x70: {  	_ =	shalt  }
0x71: {  	_ =	shalt  }
0x72: {  	_ =	shalt  }
0x73: {  	_ =	shalt  }
0x74: {  	_ =	shalt  }
0x75: {  	_ =	shalt  }
0x76: {  	_ =	shalt  }
0x77: {  	_ =	shalt  }
0x78: {  	_ =	shalt  }
0x79: {  	_ =	shalt  }
0x7a: {  	_ =	shalt  }
0x7b: {  	_ =	shalt  }
0x7c: {  	_ =	shalt  }
0x7d: {  	_ =	shalt  }
0x7e: {  	_ =	shalt  }
0x7f: {  	_ =	shalt  }
0x80: {  	_ =	shalt  }
0x81: {  	_ =	shalt  }
0x82: {  	_ =	shalt  }
0x83: {  	_ =	shalt  }
0x84: {  	_ =	shalt  }
0x85: {  	_ =	shalt  }
0x86: {  	_ =	shalt  }
0x87: {  	_ =	shalt  }
.Lfunc_end0:
.L_simem_size_0:
called_computation.2_lowered:
.L_overlay_start_0:
0x88: {  	s2 =	sld [smem:$0x3FD9]  }
0x89: {  	s3 =	sld [smem:$0x3FFE];
	_ =	sdelay $0x1  }
0x8a: {  	s1 =	srdreg.scid  }
0x8b: {  	s0 =	sand.u32 $0x1, s1  }
0x8c: {  	s15 =	sshll.u32 s0, $0xA;
	s2 =	sadd.s32 s3, s2  }
0x8d: {  	s2 =	sadd.s32 s2, s15  }
0x8e: {  	[smem:$0x3FAC] =	sst s2  }
0x8f: {  	_ = 	snop  }
0x90: {  	(tm) =	ssettm $0x1  }
0x91: {  	s16 =	sld [smem:$0x3FFB];
	_ =	sdelay $0x3  }
0x92: {  	_ =	strace s16  }
0x93: {  	s2 =	sld [smem:$0x3FFC];
	_ =	sdelay $0x3  }
0x94: {  	_ =	strace s2  }
0x95: {  	s2 =	sld [smem:$0x3FFD];
	_ =	sdelay $0x3  }
0x96: {  	_ =	strace s2  }
0x97: {  	_ =	strace $0x8FFFFFFF  }
0x98: {  	s17 =	sld [smem:$0x3FDB];
	_ =	sdelay $0x1  }
0x99: {  	s18 =	simm.s32 $_scs_section_size  }
0x9a: {  	s4 =	simm.s32 $_size__tile_overlayer_lowered;
	s5 =	simm.s32 $_tile_overlayer_lowered  }
0x9b: {  	s21 =	simm.s32 $0x1BFF;
	s20 =	sshll.u32 s5, $0x1;
	s2 =	sadd.s32 s18, s17  }
0x9c: {  	s6 =	simm.s32 $0x0;
	s19 =	sshll.u32 s4, $0x1;
	s4 =	sadd.s32 s20, s2  }
0x9d: {  	[timem:s6], [sflag:s21] =	dma.local [hbm:s4], s19  }
0x9e: {  	_ =	swait.ge [sflag:s21], s19  }
0x9f: {  	s3 =	ssub.s32 $0x0, s19;
	[sflag:s21] =	ssyncset.done $0x0  }
0xa0: {  	[sflag:s21] =	ssyncadd.s32 s3;
	_ =	sdelay $0x1  }
0xa1: {  	s22 =	simm.s32 $0x1B8B  }
0xa2: {  	_ =	swait.ge [sflag:s22], $0x1  }
0xa3: {  	[sflag:s22] =	ssyncset.done $0x0  }
0xa4: {  	s23 =	sld [smem:$0x3FFE];
	[sflag:s22] =	ssyncadd.s32 $0xFFFFFFFF  }
0xa5: {  	s25 =	simm.s32 $0x1B8E;
	s24 =	sld [smem:$0x0]  }
0xa6: {  	s26 =	simm.s32 $execute0_lowered;
	[smem:$0x3FD2] =	sst s25  }
0xa7: {  	s5 =	sshll.u32 s26, $0x1;
	_ =	strace $0x8000005B;
	[dreg:$0x1] =	wrdreg $0xFFFFFFFF  }
0xa8: {  	s28 =	simm.s32 $_size_execute0_lowered;
	s2 =	sadd.s32 s2, s5;
	[dreg:$0x0] =	wrdreg $0x0  }
0xa9: {  	s5 =	sshll.u32 s28, $0x1;
	[dreg:$0x2] =	wrdreg s2  }
0xaa: {  	[dreg:$0x3] =	wrdreg s5  }
0xab: {  	[dreg:$0x4] =	wrdreg $0xC0  }
0xac: {  	_ =	task [dreg:s6], $0x5FFFF  }
0xad: {  	[dreg:$0x1] =	wrdreg $0xFFFFFFFF  }
0xae: {  	[dreg:$0x0] =	wrdreg $0x60  }
0xaf: {  	[dreg:$0x2] =	wrdreg s23  }
0xb0: {  	[dreg:$0x3] =	wrdreg s1  }
0xb1: {  	[dreg:$0x4] =	wrdreg s24  }
0xb2: {  	[dreg:$0x5] =	wrdreg $0x9  }
0xb3: {  	_ =	task.clear_ibuf [dreg:s6], $0x6FFFF;
	_ =	strace $0x9000005B  }
0xb4: {  	s29 =	simm.s32 $0x9;
	_ =	strace $0x8000005D  }
0xb5: {  	_ =	swait.ge [sflag:s29], $0x1  }
0xb6: {  	[sflag:s29] =	ssyncadd.s32 $0xFFFFFFFF  }
0xb7: {  	_ =	strace $0x9000005D  }
0xb8: {  	_ =	sfence  }
0xb9: {  	s30 =	sld [smem:$0x0];
	_ =	sdelay $0x2  }
0xba: {  	s31 =	sshll.u32 s1, $0xD;
	s1 =	sshrl.u32 s1, $0x2  }
0xbb: {  	s3 =	sand.u32 $0x4000, s31;
	s1 =	sadd.s32 s1, s30  }
0xbc: {  	s0 =	sor.u32 s3, s0;
	s1 =	sshll.u32 s1, $0x11  }
0xbd: {  	s0 =	sor.u32 s1, s0  }
0xbe: {  	s0 =	sadd.s32 $0x8F2B, s0  }
0xbf: {  	[sflag:s0] =	ssyncadd.remote.s32 $0x1  }
0xc0: {  	_ =	sfence.sel $0xFFFF  }
0xc1: {  	[dreg:$0x0] =	wrdreg $0xFFFFFFFF;
	(pc) =	sbr.abs _section_cstart, $3  }
0xc2: {  	[dreg:$0x1] =	wrdreg $0xFFFFFFFF  }
0xc3: {  	_ =	task.clear_ibuf [dreg:s6], $0x2FFFF;
	_ =	strace $0x9FFFFFFF  }
0xc4: {  	(tm) =	ssettm $0x7FFFFFFF  }
0xc5: {  	_ =	shalt  }
tec
execute0_lowered:
.L_overlay_start_1:
0x0: {  	(tag) =	ssettag $0x1  }
0x1: {  	s2 =	rddreg [dreg:$0x0]  }
0x2: {  	s4 =	rddreg [dreg:$0x1];
	_ =	strace $0x8000005C;
	s0 =	simm.s32 $0x1  }
0x3: {  	s3 =	simm.s32 $0x88;
	v0 =	vimm.s32 $0x0;
	[sflag:s0] =	ssyncpa.u1 $0x0  }
0x4: {  	s1 =	sadd.s32 $0x523A00, s2;
	[tilespmem:s3+$0x30] =	vst v0  }
0x5: {  	s0 =	sadd.s32 $0xF35E00, s2;
	s6 =	sadd.s32 $0x1A800, s2;
	[tilespmem:s3+$0x20] =	vst v0  }
0x6: {  	s2 =	sadd.s32 $0xF3FC00, s2;
	s7 =	sand.u32 $0x1, s4;
	s4 =	simm.s32 $0x40;
	[tilespmem:s3+$0x10] =	vst v0  }
.LBB2_1:
0x7: {  	s4 =	sadd.s32 $0x40, s4  }
0x8: {  	[tilespmem:s3+$0x0] =	vst v0;
	s3 =	sadd.s32 $0x40, s3;
	p0 =	slt.u32 s4, $0x5040  }
.Ltmp0:
0x9: {  	(pc) =	sbr.rel @p0 .LBB2_1-.Ltmp0, $4  }
0xa: {  	_ = 	snop  }
0xb: {  	[tilespmem:s3+$0x30] =	vst v0  }
0xc: {  	[tilespmem:s3+$0x20] =	vst v0  }
0xd: {  	[tilespmem:s3+$0x10] =	vst v0  }
0xe: {  	s8 =	stileid.u32  }
0xf: {  	s4 =	smul.u32 $0x1F, s8  }
0x10: {  	s5 =	smin.u32 s8, $0x4  }
0x11: {  	s4 =	sadd.s32 s5, s4  }
0x12: {  	p0 =	slt.u32 s8, $0x4;
	s12 =	smul.u32 $0x140, s4;
	s4 =	simm.s32 $0x2800  }
0x13: {  	s4 =	simm.s32 @!p0 $0x26C0  }
0x14: {  	s25 =	simm.s32 $0x2;
	s4 =	sadd.s32 s4, s12  }
0x15: {  	s28 =	simm.s32 $0x9;
	s9 =	simm.s32 $0xA;
	s14 =	smin.u32 s4, $0x27100  }
0x16: {  	s30 =	simm.s32 $0xB;
	[dreg:$0x4] =	wrdreg s7;
	s4 =	ssub.s32 s14, s12  }
0x17: {  	s31 =	smul.u32 $0x4E20, s7;
	s13 =	simm.s32 $0x1;
	p0 =	sgt.s32 s4, $0x0  }
0x18: {  	s19 =	simm.s32 $0x0;
	s20 =	simm.s32 $0xA808;
	s4 =	simm.s32 @!p0 $0x0  }
0x19: {  	s21 =	simm.s32 $0xFFFFFFFF;
	p1 =	por $0x0, $0x0;
	s26 =	smulhi.u32 $0x66666667, s4  }
0x1a: {  	[tilespmem:s3+$0x0] =	vst v0;
	s23 =	simm.s32 $0x0;
	[sflag:s25] =	ssyncpa.u1 $0x0;
	s18 =	sshll.u32 s8, $0x7  }
0x1b: {  	s0 =	sadd.s32 s31, s0;
	[dreg:$0xa] =	wrdreg s18;
	s3 =	sshrl.u32 s26, $0x7  }
0x1c: {  	v0 =	vimm.s32 $0xFFFFFFFF;
	s17 =	sadd.s32 s31, s2;
	[dreg:$0x9] =	wrdreg s0;
	s29 =	smul.u32 $0x140, s3  }
0x1d: {  	s25 =	simm.s32 $0x0;
	[tilespmem:$0xA108] =	vst v0;
	[sflag:s28] =	ssyncpa.u1 $0x0;
	[dreg:$0x8] =	wrdreg s17  }
.Ltmp1:
0x1e: {  	p0 =	sne.s32 s4, s29;
	s4 =	simm.s32 $0x1;
	(pc) =	sbr.rel .LBB2_3-.Ltmp1, $4  }
0x1f: {  	[sflag:s9] =	ssyncpa.u1 $0x0;
	[dreg:$0x5] =	wrdreg s12;
	s4 =	simm.s32 @!p0 $0x0  }
0x20: {  	[sflag:s30] =	ssyncpa.u1 $0x0;
	[dreg:$0x6] =	wrdreg s14;
	s15 =	sadd.s32 s4, s3  }
0x21: {  	s24 =	smov.u32 s12;
	s22 =	sadd.s32 $0x1, s15;
	[dreg:$0x7] =	wrdreg s15  }
0x22: {  	v0 =	vlaneseq.u32;
	s26 =	simm.s32 $0x0;
	p0 =	por $0x1, $0x1;
	[dreg:$0xb] =	wrdreg s22  }
.LBB2_22:
0x23: {  	s0 =	sshrl.u32 s3, $0x2  }
.LBB2_24:
0x24: {  	s3 =	simm.s32 $0xC  }
0x25: {  	_ =	swait.ge [sflag:s3], s0  }
0x26: {  	s31 =	ssub.s32 $0x0, s0;
	v1 =	vmov s4;
	vm0 =	veq.s32 v0, $0x0;
	[sflag:s3] =	ssyncset.done $0x0  }
0x27: {  	vm15 =	veq.s32 v0, $0x2;
	v1 =	vsel vm0, s2, v1;
	[sflag:s3] =	ssyncadd.s32 s31  }
0x28: {  	v1 =	vsel vm15, s26, v1;
	[sflag:s3] =	ssyncpa.u1 $0x1  }
0x29: {  	[tilespmem:$0xA108] =	vst v1  }
.LBB2_25:
0x2a: {  	s0 =	sadd.s32 $0x140, s24  }
0x2b: {  	s2 =	smov.u32 s12;
	p2 =	slt.s32 s0, s14  }
0x2c: {  	s2 =	smov.u32 @p2 s0;
	p2 =	sne.s32 s25, s22  }
.Ltmp2:
0x2d: {  	_ = 	snop;
	(pc) =	sbr.rel @!p2 .LBB2_26-.Ltmp2, $4  }
0x2e: {  	_ = 	snop  }
0x2f: {  	s26 =	smov.u32 s23;
	s31 =	sadd.s32 $0x1, s25;
	p0 =	por !p0, !p0  }
0x30: {  	s23 =	smov.u32 s24;
	s20 =	sadd.s32 $0x140, s20;
	s21 =	sadd.s32 $0x1, s21  }
0x31: {  	p1 =	por !p1, !p1;
	s25 =	smov.u32 s31;
	s24 =	smov.u32 s2  }
.LBB2_3:
0x32: {  	p2 =	sge.u32 s25, s15  }
0x33: {  	s0 =	smulhi.u32 @!p2 $0xAAAAAAAB, s25  }
0x34: {  	s2 =	smov.u32 s24;
	p3 =	sgt.s32 @!p2 s24, $0x26FC0  }
0x35: {  	s3 =	sshra.s32 @!p2 s24, $0x1F;
	p3 =	por !p3, p2;
	s0 =	sshrl.u32 @!p2 s0, $0x1  }
0x36: {  	s3 =	sand.u32 @!p2 s3, s24;
	s2 =	simm.s32 @p3 $0x26FC0;
	s0 =	smul.u32 @!p2 $0x3, s0  }
0x37: {  	s2 =	ssub.s32 @!p2 s2, s3  }
0x38: {  	s2 =	sadd.s32 @!p2 $0xFFFD9040, s2;
	s0 =	ssub.s32 @!p2 s25, s0  }
0x39: {  	s3 =	sshll.u32 @!p2 s2, $0x2;
	p3 =	sgt.s32 @!p2 s2, $0x13F;
	s0 =	smul.u32 @!p2 $0x500, s0  }
0x3a: {  	s4 =	sand.u32 @!p2 $0x7, s24;
	s2 =	ssub.s32 @!p2 $0x500, s3;
	p3 =	por !p3, p2  }
0x3b: {  	s3 =	sshrl.u32 @!p2 s24, $0x3;
	s2 =	sshrl.u32 @!p2 s2, $0x2;
	s0 =	sshrl.u32 @!p2 s0, $0x2  }
0x3c: {  	s3 =	sadd.s32 @!p2 s3, s17;
	s2 =	simm.s32 @!p3 $0x0;
	s0 =	sadd.s32 @!p2 $0xA948, s0  }
0x3d: {  	[tilespmem:s0], [sflag:$0xA] =	stream.linear.gather @!p2 [hbm4b:s3+s4], s2, $0x38;
	[tilespmem:$0x1EF88] =	vst v63  }
0x3e: {  	s0 =	sadd.s32 $0xFFFFFFFF, s25  }
0x3f: {  	p2 =	sge.u32 s0, s15  }
.Ltmp3:
0x40: {  	_ = 	snop;
	(pc) =	sbr.rel @p2 .LBB2_7-.Ltmp3, $1  }
0x41: {  	_ =	sdelay $0x3  }
0x42: {  	p2 =	sgt.s32 s23, $0x26FC0;
	s2 =	smov.u32 s23;
	s3 =	sshra.s32 s23, $0x1F  }
0x43: {  	s2 =	simm.s32 @!p2 $0x26FC0;
	s3 =	sand.u32 s3, s23  }
0x44: {  	s17 =	smulhi.u32 $0xAAAAAAAB, s21;
	s2 =	ssub.s32 s2, s3  }
0x45: {  	s0 =	sand.u32 $0x1, s0;
	s2 =	sadd.s32 $0xFFFD9040, s2  }
0x46: {  	s5 =	simm.s32 $0xA;
	s3 =	sshrl.u32 s17, $0x1;
	s4 =	sshll.u32 s2, $0x2  }
0x47: {  	s7 =	sshrl.u32 s23, $0x3;
	s3 =	smul.u32 $0xFFFFF100, s3;
	s4 =	ssub.s32 $0x500, s4  }
0x48: {  	s18 =	smul.u32 $0x500, s0;
	p2 =	sgt.s32 s2, $0x13F;
	s2 =	sshrl.u32 s4, $0x2  }
0x49: {  	s9 =	sand.u32 $0x7, s23;
	s3 =	sshra.s32 s3, $0x2;
	s2 =	simm.s32 @p2 $0x0  }
0x4a: {  	s0 =	sadd.s32 s3, s20;
	s4 =	sshrl.u32 s18, $0x2;
	_ =	swait.ge [sflag:s5], s2  }
0x4b: {  	s22 =	ssub.s32 $0x0, s2;
	[sflag:s5] =	ssyncset.done $0x0;
	s8 =	rddreg [dreg:$0x9]  }
0x4c: {  	s4 =	sadd.s32 $0xAD08, s4;
	[sflag:s5] =	ssyncadd.s32 s22;
	s3 =	sadd.s32 s7, s8  }
0x4d: {  	[tilespmem:s4], [sflag:$0xB] =	stream.linear.gather [hbm4b:s3+s9], s2, $0x38;
	[tilespmem:$0x1EF88] =	vst v63  }
0x4e: {  	v1 =	vld.msk [tilespmem:s0+$0x0], $0xffff;
	_ =	sdelay $0x4  }
0x4f: {  	v1 =	vshll.u32 v1, $0x4  }
0x50: {  	(v2sf) =	vpush v1, $0x0  }
0x51: {  	(v2sf) =	vpush v1, $0x1  }
0x52: {  	(v2sf) =	vpush v1, $0x2;
	_ =	sdelay $0x3  }
0x53: {  	(v2sf) =	vpush v1, $0x3;
	_ =	sdelay $0x1  }
0x54: {  	(v2sf) =	vpush v1, $0x4  }
0x55: {  	s2 =	simm.s32 $0x1;
	(v2sf) =	vpush v1, $0x5  }
0x56: {  	s2 =	simm.s32 @!p0 $0x0  }
0x57: {  	s2 =	smul.u32 $0x28000, s2;
	(v2sf) =	vpush v1, $0x6;
	_ =	sdelay $0x1  }
0x58: {  	s2 =	sshrl.u32 s2, $0x2  }
0x59: {  	s28 =	sadd.s32 $0xB708, s2  }
0x5a: {  	s12 =	sadd.s32 $0xFFFFF880, s28;
	s17 =	sadd.s32 $0xFFFFF900, s28;
	s10 =	spop (v2sf);
	(v2sf) =	vpush v1, $0x7  }
0x5b: {  	s18 =	sadd.s32 $0xFFFFF980, s28;
	s11 =	sand.u32 $0x1FFFFFF0, s10;
	s14 =	spop (v2sf)  }
0x5c: {  	(v2sf) =	vpush v1, $0x8;
	s2 =	sadd.s32 s6, s11;
	s15 =	sand.u32 $0x1FFFFFF0, s14;
	s16 =	spop (v2sf)  }
0x5d: {  	[tilespmem:s12], [sflag:$0x9] =	stream.linear.gather [hbm4b:s2+s19], $0x40, $0x38;
	[tilespmem:$0x1EF88] =	vst v63  }
0x5e: {  	s5 =	sadd.s32 $0xFFFFFA00, s28;
	s2 =	sadd.s32 s6, s15;
	s3 =	sand.u32 $0x1FFFFFF0, s16  }
0x5f: {  	(v2sf) =	vpush v1, $0x9;
	[tilespmem:s17], [sflag:$0x9] =	stream.linear.gather [hbm4b:s2+s19], $0x40, $0x38;
	[tilespmem:$0x1EF88] =	vst v63  }
0x60: {  	s7 =	sadd.s32 $0xFFFFFA80, s28;
	s22 =	spop (v2sf);
	s3 =	sadd.s32 s6, s3  }
0x61: {  	(v2sf) =	vpush v1, $0xA;
	[tilespmem:s18], [sflag:$0x9] =	stream.linear.gather [hbm4b:s3+s19], $0x40, $0x38;
	[tilespmem:$0x1EF88] =	vst v63  }
0x62: {  	s11 =	sadd.s32 $0xFFFFFB00, s28;
	s4 =	spop (v2sf);
	(v2sf) =	vpush v1, $0xB;
	s3 =	sand.u32 $0x1FFFFFF0, s22  }
0x63: {  	s8 =	spop (v2sf);
	s2 =	sadd.s32 s6, s3;
	s3 =	sand.u32 $0x1FFFFFF0, s4  }
0x64: {  	(v2sf) =	vpush v1, $0xC;
	[tilespmem:s5], [sflag:$0x9] =	stream.linear.gather [hbm4b:s2+s19], $0x40, $0x38;
	[tilespmem:$0x1EF88] =	vst v63  }
0x65: {  	s9 =	sand.u32 $0x1FFFFFF0, s8;
	s10 =	spop (v2sf);
	s3 =	sadd.s32 s6, s3  }
0x66: {  	(v2sf) =	vpush v1, $0xD;
	[tilespmem:s7], [sflag:$0x9] =	stream.linear.gather [hbm4b:s3+s19], $0x40, $0x38;
	[tilespmem:$0x1EF88] =	vst v63  }
0x67: {  	s12 =	sadd.s32 $0xFFFFFB80, s28;
	s2 =	sadd.s32 s6, s9;
	s3 =	sand.u32 $0x1FFFFFF0, s10  }
0x68: {  	[tilespmem:s11], [sflag:$0x9] =	stream.linear.gather [hbm4b:s2+s19], $0x40, $0x38;
	[tilespmem:$0x1EF88] =	vst v63  }
0x69: {  	s17 =	sadd.s32 $0xFFFFFC00, s28;
	s3 =	sadd.s32 s6, s3;
	s14 =	spop (v2sf)  }
0x6a: {  	[tilespmem:s12], [sflag:$0x9] =	stream.linear.gather [hbm4b:s3+s19], $0x40, $0x38;
	(v2sf) =	vpush v1, $0xE;
	[tilespmem:$0x1EF88] =	vst v63  }
0x6b: {  	s18 =	sadd.s32 $0xFFFFFC80, s28;
	s15 =	sand.u32 $0x1FFFFFF0, s14;
	s16 =	spop (v2sf)  }
0x6c: {  	s5 =	sadd.s32 $0xFFFFFD00, s28;
	(v2sf) =	vpush v1, $0xF;
	s2 =	sadd.s32 s6, s15;
	s3 =	sand.u32 $0x1FFFFFF0, s16  }
0x6d: {  	[tilespmem:s17], [sflag:$0x9] =	stream.linear.gather [hbm4b:s2+s19], $0x40, $0x38;
	[tilespmem:$0x1EF88] =	vst v63  }
0x6e: {  	s7 =	sadd.s32 $0xFFFFFD80, s28;
	s22 =	spop (v2sf);
	s3 =	sadd.s32 s6, s3  }
0x6f: {  	[tilespmem:s18], [sflag:$0x9] =	stream.linear.gather [hbm4b:s3+s19], $0x40, $0x38;
	[tilespmem:$0x1EF88] =	vst v63  }
0x70: {  	s11 =	sadd.s32 $0xFFFFFE00, s28;
	s4 =	spop (v2sf);
	s3 =	sand.u32 $0x1FFFFFF0, s22  }
0x71: {  	s8 =	spop (v2sf);
	s2 =	sadd.s32 s6, s3;
	s3 =	sand.u32 $0x1FFFFFF0, s4  }
0x72: {  	[tilespmem:s5], [sflag:$0x9] =	stream.linear.gather [hbm4b:s2+s19], $0x40, $0x38;
	[tilespmem:$0x1EF88] =	vst v63  }
0x73: {  	s9 =	sand.u32 $0x1FFFFFF0, s8;
	s10 =	spop (v2sf);
	s3 =	sadd.s32 s6, s3  }
0x74: {  	[tilespmem:s7], [sflag:$0x9] =	stream.linear.gather [hbm4b:s3+s19], $0x40, $0x38;
	[tilespmem:$0x1EF88] =	vst v63  }
0x75: {  	s14 =	spop (v2sf);
	s2 =	sadd.s32 s6, s9;
	s3 =	sand.u32 $0x1FFFFFF0, s10  }
0x76: {  	[tilespmem:s11], [sflag:$0x9] =	stream.linear.gather [hbm4b:s2+s19], $0x40, $0x38;
	[tilespmem:$0x1EF88] =	vst v63  }
0x77: {  	s12 =	sadd.s32 $0xFFFFFE80, s28;
	s15 =	sand.u32 $0x1FFFFFF0, s14;
	s3 =	sadd.s32 s6, s3  }
0x78: {  	[tilespmem:s12], [sflag:$0x9] =	stream.linear.gather [hbm4b:s3+s19], $0x40, $0x38;
	[tilespmem:$0x1EF88] =	vst v63  }
0x79: {  	s17 =	sadd.s32 $0xFFFFFF00, s28;
	s2 =	sadd.s32 s6, s15;
	s16 =	spop (v2sf)  }
0x7a: {  	[tilespmem:s17], [sflag:$0x9] =	stream.linear.gather [hbm4b:s2+s19], $0x40, $0x38;
	[tilespmem:$0x1EF88] =	vst v63  }
0x7b: {  	s29 =	simm.s32 $0x0;
	s3 =	sand.u32 $0x1FFFFFF0, s16;
	s18 =	spop (v2sf)  }
0x7c: {  	s22 =	sadd.s32 $0xFFFFFF80, s28;
	s3 =	sadd.s32 s6, s3;
	s2 =	sand.u32 $0x1FFFFFF0, s18  }
0x7d: {  	[tilespmem:s22], [sflag:$0x9] =	stream.linear.gather [hbm4b:s3+s19], $0x40, $0x38;
	[tilespmem:$0x1EF88] =	vst v63  }
0x7e: {  	s31 =	sadd.s32 $0x10, s0;
	s30 =	sadd.s32 $0x800, s28;
	s2 =	sadd.s32 s6, s2  }
.LBB2_5:
0x7f: {  	[tilespmem:s28], [sflag:$0x9] =	stream.linear.gather [hbm4b:s2+s19], $0x40, $0x38;
	[tilespmem:$0x1EF88] =	vst v63  }
0x80: {  	s29 =	sadd.s32 $0x10, s29;
	s28 =	smov.u32 s30  }
0x81: {  	p2 =	slt.u32 s29, $0x130;
	v1 =	vld.msk [tilespmem:s31+$0x0], $0xffff;
	_ =	sdelay $0x4  }
0x82: {  	v1 =	vshll.u32 v1, $0x4  }
0x83: {  	(v2sf) =	vpush v1, $0x0  }
0x84: {  	(v2sf) =	vpush v1, $0x1  }
0x85: {  	(v2sf) =	vpush v1, $0x2;
	_ =	sdelay $0x1  }
0x86: {  	(v2sf) =	vpush v1, $0x3;
	_ =	sdelay $0x1  }
0x87: {  	(v2sf) =	vpush v1, $0x4;
	_ =	sdelay $0x1  }
0x88: {  	(v2sf) =	vpush v1, $0x5;
	_ =	sdelay $0x1  }
0x89: {  	(v2sf) =	vpush v1, $0x6  }
0x8a: {  	s4 =	sadd.s32 $0xFFFFFE80, s30;
	s0 =	sadd.s32 $0xFFFFFF00, s30  }
0x8b: {  	s3 =	sadd.s32 $0xFFFFFD00, s30;
	s2 =	sadd.s32 $0xFFFFFD80, s30;
	s5 =	sadd.s32 $0xFFFFFE00, s30;
	(v2sf) =	vpush v1, $0x7  }
0x8c: {  	s10 =	sadd.s32 $0xFFFFFB80, s30;
	s9 =	sadd.s32 $0xFFFFFC00, s30;
	s16 =	sadd.s32 $0xFFFFFC80, s30  }
0x8d: {  	s11 =	sadd.s32 $0xFFFFFA00, s30;
	s12 =	sadd.s32 $0xFFFFFA80, s30;
	s15 =	sadd.s32 $0xFFFFFB00, s30;
	(v2sf) =	vpush v1, $0x8  }
0x8e: {  	s18 =	sadd.s32 $0xFFFFF900, s30;
	s7 =	sadd.s32 $0xFFFFF980, s30;
	s22 =	spop (v2sf)  }
0x8f: {  	s8 =	sadd.s32 $0xFFFFF880, s30;
	s22 =	sand.u32 $0x1FFFFFF0, s22;
	s14 =	spop (v2sf);
	(v2sf) =	vpush v1, $0x9  }
0x90: {  	s22 =	sadd.s32 s6, s22;
	s14 =	sand.u32 $0x1FFFFFF0, s14;
	s17 =	spop (v2sf)  }
0x91: {  	[tilespmem:s8], [sflag:$0x9] =	stream.linear.gather [hbm4b:s22+s19], $0x40, $0x38;
	(v2sf) =	vpush v1, $0xA;
	[tilespmem:$0x1EF88] =	vst v63  }
0x92: {  	s8 =	sadd.s32 s6, s14;
	s14 =	sand.u32 $0x1FFFFFF0, s17;
	s17 =	spop (v2sf)  }
0x93: {  	[tilespmem:s18], [sflag:$0x9] =	stream.linear.gather [hbm4b:s8+s19], $0x40, $0x38;
	(v2sf) =	vpush v1, $0xB;
	[tilespmem:$0x1EF88] =	vst v63  }
0x94: {  	s8 =	sadd.s32 s6, s14;
	s14 =	sand.u32 $0x1FFFFFF0, s17;
	s17 =	spop (v2sf)  }
0x95: {  	[tilespmem:s7], [sflag:$0x9] =	stream.linear.gather [hbm4b:s8+s19], $0x40, $0x38;
	(v2sf) =	vpush v1, $0xC;
	[tilespmem:$0x1EF88] =	vst v63  }
0x96: {  	s7 =	sadd.s32 s6, s14;
	s8 =	sand.u32 $0x1FFFFFF0, s17;
	s14 =	spop (v2sf)  }
0x97: {  	[tilespmem:s11], [sflag:$0x9] =	stream.linear.gather [hbm4b:s7+s19], $0x40, $0x38;
	(v2sf) =	vpush v1, $0xD;
	[tilespmem:$0x1EF88] =	vst v63  }
0x98: {  	s7 =	sadd.s32 s6, s8;
	s8 =	sand.u32 $0x1FFFFFF0, s14;
	s11 =	spop (v2sf)  }
0x99: {  	[tilespmem:s12], [sflag:$0x9] =	stream.linear.gather [hbm4b:s7+s19], $0x40, $0x38;
	(v2sf) =	vpush v1, $0xE;
	[tilespmem:$0x1EF88] =	vst v63  }
0x9a: {  	s7 =	sadd.s32 s6, s8;
	s8 =	sand.u32 $0x1FFFFFF0, s11;
	s11 =	spop (v2sf)  }
0x9b: {  	[tilespmem:s15], [sflag:$0x9] =	stream.linear.gather [hbm4b:s7+s19], $0x40, $0x38;
	(v2sf) =	vpush v1, $0xF;
	[tilespmem:$0x1EF88] =	vst v63  }
0x9c: {  	s7 =	sadd.s32 s6, s8;
	s8 =	sand.u32 $0x1FFFFFF0, s11;
	s11 =	spop (v2sf)  }
0x9d: {  	[tilespmem:s10], [sflag:$0x9] =	stream.linear.gather [hbm4b:s7+s19], $0x40, $0x38;
	[tilespmem:$0x1EF88] =	vst v63  }
0x9e: {  	s7 =	sadd.s32 s6, s8;
	s8 =	sand.u32 $0x1FFFFFF0, s11;
	s10 =	spop (v2sf)  }
0x9f: {  	[tilespmem:s9], [sflag:$0x9] =	stream.linear.gather [hbm4b:s7+s19], $0x40, $0x38;
	[tilespmem:$0x1EF88] =	vst v63  }
0xa0: {  	s7 =	sadd.s32 s6, s8;
	s8 =	sand.u32 $0x1FFFFFF0, s10;
	s9 =	spop (v2sf)  }
0xa1: {  	[tilespmem:s16], [sflag:$0x9] =	stream.linear.gather [hbm4b:s7+s19], $0x40, $0x38;
	[tilespmem:$0x1EF88] =	vst v63  }
0xa2: {  	s7 =	sadd.s32 s6, s8;
	s8 =	sand.u32 $0x1FFFFFF0, s9;
	s9 =	spop (v2sf)  }
0xa3: {  	[tilespmem:s3], [sflag:$0x9] =	stream.linear.gather [hbm4b:s7+s19], $0x40, $0x38;
	[tilespmem:$0x1EF88] =	vst v63  }
0xa4: {  	s3 =	sadd.s32 s6, s8;
	s7 =	sand.u32 $0x1FFFFFF0, s9;
	s8 =	spop (v2sf)  }
0xa5: {  	[tilespmem:s2], [sflag:$0x9] =	stream.linear.gather [hbm4b:s3+s19], $0x40, $0x38;
	[tilespmem:$0x1EF88] =	vst v63  }
0xa6: {  	s2 =	sadd.s32 s6, s7;
	s3 =	sand.u32 $0x1FFFFFF0, s8;
	s7 =	spop (v2sf)  }
0xa7: {  	[tilespmem:s5], [sflag:$0x9] =	stream.linear.gather [hbm4b:s2+s19], $0x40, $0x38;
	[tilespmem:$0x1EF88] =	vst v63  }
0xa8: {  	s2 =	sadd.s32 s6, s3;
	s3 =	sand.u32 $0x1FFFFFF0, s7;
	s5 =	spop (v2sf)  }
0xa9: {  	[tilespmem:s4], [sflag:$0x9] =	stream.linear.gather [hbm4b:s2+s19], $0x40, $0x38;
	[tilespmem:$0x1EF88] =	vst v63  }
0xaa: {  	s2 =	sadd.s32 s6, s3  }
.Ltmp4:
0xab: {  	s3 =	sand.u32 $0x1FFFFFF0, s5;
	s4 =	spop (v2sf);
	(pc) =	sbr.rel @p2 .LBB2_5-.Ltmp4, $4  }
0xac: {  	[tilespmem:s0], [sflag:$0x9] =	stream.linear.gather [hbm4b:s2+s19], $0x40, $0x38;
	[tilespmem:$0x1EF88] =	vst v63  }
0xad: {  	s0 =	sadd.s32 s6, s3;
	s2 =	sadd.s32 $0xFFFFFF80, s30;
	s3 =	sand.u32 $0x1FFFFFF0, s4  }
0xae: {  	[tilespmem:s2], [sflag:$0x9] =	stream.linear.gather [hbm4b:s0+s19], $0x40, $0x38;
	[tilespmem:$0x1EF88] =	vst v63  }
0xaf: {  	s31 =	sadd.s32 $0x10, s31;
	s30 =	sadd.s32 $0x800, s30;
	s2 =	sadd.s32 s6, s3  }
0xb0: {  	[tilespmem:s28], [sflag:$0x9] =	stream.linear.gather [hbm4b:s2+s19], $0x40, $0x38;
	[tilespmem:$0x1EF88] =	vst v63  }
0xb1: {  	s12 =	rddreg [dreg:$0x5]  }
0xb2: {  	s14 =	rddreg [dreg:$0x6]  }
0xb3: {  	s15 =	rddreg [dreg:$0x7]  }
0xb4: {  	s17 =	rddreg [dreg:$0x8]  }
0xb5: {  	s18 =	rddreg [dreg:$0xa]  }
0xb6: {  	s22 =	rddreg [dreg:$0xb]  }
.LBB2_7:
0xb7: {  	p2 =	slt.u32 s25, $0x2  }
.Ltmp5:
0xb8: {  	_ = 	snop;
	(pc) =	sbr.rel @p2 .LBB2_25-.Ltmp5, $1  }
0xb9: {  	_ =	sdelay $0x3  }
0xba: {  	p2 =	sgt.s32 s26, $0x26FC0;
	s0 =	smov.u32 s26;
	s2 =	sshra.s32 s26, $0x1F  }
0xbb: {  	s0 =	simm.s32 @!p2 $0x26FC0;
	s2 =	sand.u32 s2, s26  }
0xbc: {  	s0 =	ssub.s32 s0, s2  }
0xbd: {  	s0 =	sadd.s32 $0xFFFD9040, s0  }
0xbe: {  	s3 =	simm.s32 $0x9;
	s29 =	sshll.u32 s0, $0x2  }
0xbf: {  	_ =	swait.ge [sflag:s3], $0x5000;
	s2 =	ssub.s32 $0x500, s29  }
0xc0: {  	[sflag:s3] =	ssyncset.done $0x0;
	p2 =	sgt.s32 s0, $0x13F;
	s0 =	sshrl.u32 s2, $0x2  }
0xc1: {  	s30 =	simm.s32 $0xB;
	[sflag:s3] =	ssyncadd.s32 $0xFFFFB000;
	s0 =	simm.s32 @p2 $0x0  }
0xc2: {  	_ =	swait.ge [sflag:s30], s0  }
0xc3: {  	s0 =	ssub.s32 $0x0, s0;
	[sflag:s30] =	ssyncset.done $0x0  }
0xc4: {  	[sflag:s30] =	ssyncadd.s32 s0  }
0xc5: {  	v1 =	vld [tilespmem:$0xA108];
	_ =	sdelay $0x4  }
0xc6: {  	(v2sf) =	vpush v1, $0x0  }
0xc7: {  	(v2sf) =	vpush v1, $0x1  }
0xc8: {  	(v2sf) =	vpush v1, $0x2;
	_ =	sdelay $0x3  }
0xc9: {  	s0 =	sadd.s32 $0x140, s26  }
0xca: {  	s4 =	ssub.s32 $0x4E200, s26;
	p2 =	slt.s32 s14, s0  }
0xcb: {  	s0 =	smov.u32 @p2 s14;
	p2 =	sgt.s32 s4, $0x0  }
0xcc: {  	s0 =	ssub.s32 s0, s26;
	s4 =	simm.s32 @!p2 $0x0  }
0xcd: {  	p2 =	slt.s32 s4, s0  }
0xce: {  	s0 =	smov.u32 @p2 s4  }
0xcf: {  	s2 =	simm.s32 $0x1;
	p2 =	slt.s32 s0, $0x1  }
.Ltmp6:
0xd0: {  	s2 =	simm.s32 @!p1 $0x0;
	(pc) =	sbr.rel @p2 .LBB2_12-.Ltmp6, $4  }
0xd1: {  	s7 =	smul.u32 $0x500, s2  }
0xd2: {  	s3 =	spop (v2sf)  }
0xd3: {  	s31 =	sshrl.u32 s7, $0x2;
	s5 =	spop (v2sf)  }
0xd4: {  	s28 =	sadd.s32 $0xAD08, s31;
	s26 =	spop (v2sf)  }
0xd5: {  	s4 =	smin.u32 s0, $0x10  }
0xd6: {  	v1 =	vmov s4  }
0xd7: {  	p3 =	sgt.s32 s0, $0x10;
	vm1 =	vgt.u32 v1, v0  }
.Ltmp7:
0xd8: {  	_ = 	snop;
	(pc) =	sbr.rel @!p3 .LBB2_11-.Ltmp7, $2  }
0xd9: {  	_ =	sdelay $0x2  }
0xda: {  	s9 =	simm.s32 $0x10;
	s10 =	sadd.s32 $0xFFFFFFF0, s0;
	s4 =	smov.u32 s28;
	vm0 =	vmmov vm1  }
.LBB2_10:
0xdb: {  	s7 =	smin.u32 s10, $0x10;
	s9 =	sadd.s32 $0x10, s9;
	v1 =	vld.msk [tilespmem:s4+$0x0 ss:$0x1], vm1  }
0xdc: {  	v2 =	vmov s7;
	p3 =	slt.s32 s9, s0  }
0xdd: {  	vm1 =	vgt.u32 v2, v0  }
.Ltmp8:
0xde: {  	(pc) =	sbr.rel @p3 .LBB2_10-.Ltmp8, $3  }
0xdf: {  	_ =	sdelay $0x1  }
0xe0: {  	v1 =	vshll.u32 v1, $0x4  }
0xe1: {  	s10 =	sadd.s32 $0xFFFFFFF0, s10;
	[tilespmem:s4+$0x0] =	vst.msk vm0, v1;
	s4 =	sadd.s32 $0x10, s4;
	vm0 =	vmmov vm1  }
.LBB2_11:
0xe2: {  	_ =	sdelay $0x4  }
0xe3: {  	v1 =	vld.msk [tilespmem:s4+$0x0 ss:$0x1], vm1;
	_ =	sdelay $0x4  }
0xe4: {  	v1 =	vshll.u32 v1, $0x4  }
0xe5: {  	[tilespmem:s4+$0x0] =	vst.msk vm0, v1  }
.LBB2_12:
0xe6: {  	s4 =	sand.u32 $0x1, s25  }
0xe7: {  	s4 =	smul.u32 $0x140, s4  }
0xe8: {  	p3 =	sne.s32 s5, $0xFFFFFFFF  }
0xe9: {  	v1 =	vld.msk @!p3 [tilespmem:s4+$0xAD08], $0x1;
	_ =	sdelay $0x4  }
0xea: {  	(v2sf) =	vpush @!p3 v1, $0x0;
	_ =	sdelay $0xc  }
.Ltmp9:
0xeb: {  	_ = 	snop;
	(pc) =	sbr.rel @p2 .LBB2_23-.Ltmp9, $4  }
0xec: {  	_ = 	snop  }
0xed: {  	s29 =	spop @!p3 (v2sf)  }
0xee: {  	s31 =	simm.s32 $0xC;
	s26 =	simm.s32 @!p3 $0x0;
	s4 =	smov.u32 s29  }
0xef: {  	[sflag:s31] =	ssyncpa.u1 $0x0;
	s29 =	smov.u32 @p3 s3;
	s4 =	smov.u32 @p3 s5  }
0xf0: {  	v1 =	vld.msk [tilespmem:s28+$0x0], $0x1;
	_ =	sdelay $0x4  }
0xf1: {  	(v2sf) =	vpush v1, $0x0;
	_ =	sdelay $0xe  }
0xf2: {  	s2 =	smul.u32 $0x28000, s2;
	s5 =	spop (v2sf)  }
0xf3: {  	s31 =	ssub.s32 $0x0, s0;
	p2 =	seq.s32 s29, s5  }
0xf4: {  	s3 =	smov.u32 s29;
	s2 =	sshrl.u32 s2, $0x2;
	p3 =	sgt.s32 @!p2 s29, $0x0  }
0xf5: {  	s30 =	sadd.s32 $0xAFA8, s2;
	s2 =	sadd.s32 $0x1, s31;
	p3 =	por !p3, p2  }
0xf6: {  	s3 =	simm.s32 @p3 $0x0;
	p3 =	seq.s32 s2, $0x0  }
.Ltmp10:
0xf7: {  	_ = 	snop;
	(pc) =	sbr.rel @p3 .LBB2_15-.Ltmp10, $4  }
0xf8: {  	_ = 	snop  }
0xf9: {  	s0 =	simm.s32 $0x0;
	s9 =	simm.s32 @!p2 $0x1;
	s3 =	smin.u32 @!p2 s3, $0x270F8  }
0xfa: {  	s10 =	simm.s32 @!p2 $0x50C8;
	s9 =	smov.u32 @p2 s0;
	s7 =	sand.u32 @!p2 $0x3FFF8, s3  }
0xfb: {  	s16 =	sand.u32 @!p2 $0x7, s3;
	s3 =	sadd.s32 $0x1, s28;
	s11 =	sadd.s32 @!p2 s1, s7  }
.LBB2_14:
0xfc: {  	s7 =	smov.u32 s9  }
0xfd: {  	[tilespmem:s10], [sflag:$0x2] =	stream.linear.gather @!p2 [hbm4b:s11+s16], $0x40, $0x38;
	[tilespmem:$0x1EF88] =	vst v63  }
0xfe: {  	s2 =	sadd.s32 $0x1, s2;
	s8 =	smov.u32 s5;
	v1 =	vld.msk [tilespmem:s3+$0x0], $0x1  }
0xff: {  	p3 =	seq.s32 s2, $0x0;
	_ =	sdelay $0x3  }
0x100: {  	(v2sf) =	vpush v1, $0x0;
	_ =	sdelay $0xe  }
0x101: {  	s5 =	spop (v2sf)  }
0x102: {  	p2 =	seq.s32 s8, s5  }
0x103: {  	p4 =	sgt.s32 @!p2 s8, $0x0;
	s10 =	sshll.u32 @!p2 s9, $0x8;
	s9 =	sadd.s32 @!p2 $0x1, s9  }
.Ltmp11:
0x104: {  	p4 =	por !p4, p2;
	s10 =	sshra.s32 @!p2 s10, $0x2;
	(pc) =	sbr.rel @!p3 .LBB2_14-.Ltmp11, $4  }
0x105: {  	s9 =	smov.u32 @p2 s7;
	s8 =	simm.s32 @p4 $0x0;
	s10 =	sadd.s32 @!p2 $0x50C8, s10  }
0x106: {  	s7 =	smin.u32 @!p2 s8, $0x270F8  }
0x107: {  	s8 =	sand.u32 @!p2 $0x3FFF8, s7;
	s16 =	sand.u32 @!p2 $0x7, s7  }
0x108: {  	s3 =	sadd.s32 $0x1, s3;
	s11 =	sadd.s32 @!p2 s1, s8  }
.LBB2_15:
0x109: {  	[tilespmem:s10], [sflag:$0x2] =	stream.linear.gather @!p2 [hbm4b:s11+s16], $0x40, $0x38;
	[tilespmem:$0x1EF88] =	vst v63  }
.Ltmp12:
0x10a: {  	s2 =	sshll.u32 s9, $0x6;
	(pc) =	sbr.rel .LBB2_16-.Ltmp12, $4  }
0x10b: {  	s3 =	simm.s32 $0x2;
	s2 =	sand.u32 $0x3FFFFFC0, s2  }
0x10c: {  	_ =	swait.ge [sflag:s3], s2  }
0x10d: {  	s2 =	ssub.s32 $0x0, s2;
	[sflag:s3] =	ssyncset.done $0x0  }
0x10e: {  	[sflag:s3] =	ssyncadd.s32 s2;
	s3 =	simm.s32 $0x0  }
.LBB2_17:
0x10f: {  	v1 =	vld [tilespmem:s30+$0xFFFFFFE0];
	_ =	sdelay $0x4  }
0x110: {  	[tilespmem:s5+$0x88] =	vst.add.f32.msk $0xffff, v1  }
0x111: {  	v1 =	vld [tilespmem:s30+$0xFFFFFFF0];
	_ =	sdelay $0x4  }
0x112: {  	[tilespmem:s5+$0x98] =	vst.add.f32.msk $0xffff, v1  }
0x113: {  	v1 =	vld [tilespmem:s30+$0x0];
	_ =	sdelay $0x4  }
0x114: {  	[tilespmem:s5+$0xA8] =	vst.add.f32.msk $0xffff, v1  }
0x115: {  	v1 =	vld [tilespmem:s30+$0x10];
	_ =	sdelay $0x4  }
0x116: {  	[tilespmem:s5+$0xB8] =	vst.add.f32.msk $0xffff, v1  }
.LBB2_21:
0x117: {  	s31 =	sadd.s32 $0x1, s31  }
0x118: {  	p2 =	seq.s32 s31, $0x0  }
.Ltmp13:
0x119: {  	_ = 	snop;
	(pc) =	sbr.rel @p2 .LBB2_22-.Ltmp13, $2  }
0x11a: {  	_ =	sdelay $0x2  }
0x11b: {  	s30 =	sadd.s32 $0x80, s30;
	s28 =	sadd.s32 $0x1, s28;
	s29 =	smov.u32 s2  }
.LBB2_16:
0x11c: {  	v1 =	vld.msk [tilespmem:s28+$0x0], $0x1;
	_ =	sdelay $0x4  }
0x11d: {  	(v2sf) =	vpush v1, $0x0;
	_ =	sdelay $0xe  }
0x11e: {  	s2 =	spop (v2sf)  }
0x11f: {  	p2 =	sne.s32 s29, s2  }
.Ltmp14:
0x120: {  	_ = 	snop;
	(pc) =	sbr.rel @!p2 .LBB2_17-.Ltmp14, $3  }
0x121: {  	_ =	sdelay $0x1  }
0x122: {  	s5 =	sshll.u32 s26, $0x8  }
0x123: {  	s5 =	sshra.s32 s5, $0x2  }
0x124: {  	p2 =	seq.s32 s29, s4  }
.Ltmp15:
0x125: {  	_ = 	snop;
	(pc) =	sbr.rel @!p2 .LBB2_19-.Ltmp15, $1  }
0x126: {  	_ =	sdelay $0x3  }
.Ltmp16:
0x127: {  	s5 =	sadd.s32 $0x88, s5;
	(pc) =	sbr.rel .LBB2_20-.Ltmp16, $4  }
0x128: {  	[spmem:s18] =	stream.linear.scatter [tilespmem:s5], [sflag:$0x1], $0x40, $0x38;
	[tilespmem:$0x1EF88] =	vst v63  }
0x129: {  	_ =	swait.ge [sflag:s13], $0x40  }
0x12a: {  	[sflag:s13] =	ssyncset.done $0x0  }
0x12b: {  	[sflag:s13] =	ssyncadd.s32 $0xFFFFFFC0  }
.LBB2_19:
0x12c: {  	s7 =	sshll.u32 s0, $0x8  }
0x12d: {  	s7 =	sshra.s32 s7, $0x2  }
0x12e: {  	v1 =	vld [tilespmem:s7+$0x50C8];
	_ =	sdelay $0x4  }
0x12f: {  	[tilespmem:s5+$0x88] =	vst.add.f32.msk $0xffff, v1  }
0x130: {  	v1 =	vld [tilespmem:s7+$0x50D8];
	_ =	sdelay $0x4  }
0x131: {  	[tilespmem:s5+$0x98] =	vst.add.f32.msk $0xffff, v1  }
0x132: {  	v1 =	vld [tilespmem:s7+$0x50E8];
	_ =	sdelay $0x4  }
0x133: {  	[tilespmem:s5+$0xA8] =	vst.add.f32.msk $0xffff, v1  }
0x134: {  	v1 =	vld [tilespmem:s7+$0x50F8];
	_ =	sdelay $0x2  }
0x135: {  	p2 =	sgt.u32 s29, $0x270F8  }
0x136: {  	s7 =	sand.u32 @!p2 $0x3FFF8, s29  }
0x137: {  	s8 =	sadd.s32 $0x88, s5;
	[tilespmem:s5+$0xB8] =	vst.add.f32.msk $0xffff, v1;
	s5 =	sadd.s32 @!p2 s1, s7;
	s7 =	sand.u32 @!p2 $0x7, s29  }
0x138: {  	[hbm4b:s5+s7] =	stream.linear.scatter @!p2 [tilespmem:s8], [sflag:$0xC], $0x40, $0x38;
	[tilespmem:$0x1EF88] =	vst v63  }
0x139: {  	s5 =	simm.s32 $0x0  }
0x13a: {  	s5 =	simm.s32 @!p2 $0x100  }
0x13b: {  	s3 =	sadd.s32 s5, s3  }
.LBB2_20:
0x13c: {  	s5 =	sadd.s32 $0x1, s26  }
0x13d: {  	s7 =	smulhi.u32 $0xCCCCCCCD, s5;
	_ =	sdelay $0x1  }
0x13e: {  	v1 =	vld [tilespmem:s30+$0xFFFFFFE0];
	s7 =	sshrl.u32 s7, $0x8  }
0x13f: {  	s7 =	smul.u32 $0x140, s7;
	_ =	sdelay $0x1  }
0x140: {  	s26 =	ssub.s32 s5, s7  }
0x141: {  	s5 =	sshll.u32 s26, $0x6  }
0x142: {  	[tilespmem:s5+$0x88] =	vst v1  }
0x143: {  	v1 =	vld [tilespmem:s30+$0xFFFFFFF0];
	_ =	sdelay $0x4  }
0x144: {  	[tilespmem:s5+$0x98] =	vst v1  }
0x145: {  	v1 =	vld [tilespmem:s30+$0x0];
	_ =	sdelay $0x4  }
0x146: {  	[tilespmem:s5+$0xA8] =	vst v1  }
0x147: {  	v1 =	vld [tilespmem:s30+$0x10]  }
.Ltmp17:
0x148: {  	_ = 	snop;
	(pc) =	sbr.rel .LBB2_21-.Ltmp17, $2  }
0x149: {  	_ =	sdelay $0x2  }
0x14a: {  	s0 =	sadd.s32 $0x1, s0;
	[tilespmem:s5+$0xB8] =	vst v1  }
.LBB2_23:
.Ltmp18:
0x14b: {  	(pc) =	sbr.rel .LBB2_24-.Ltmp18, $4  }
0x14c: {  	_ = 	snop  }
0x14d: {  	s0 =	simm.s32 $0x2  }
0x14e: {  	_ =	swait.ge [sflag:s0], $0x0  }
0x14f: {  	s2 =	smov.u32 s29;
	[sflag:s0] =	ssyncset.done $0x0;
	s0 =	simm.s32 $0x0  }
.LBB2_26:
0x150: {  	_ =	sfence.sel $0x180000  }
0x151: {  	s0 =	simm.s32 $0x9;
	[bflag:$0x0] =	sbarrier.arrive $0xFFFF  }
0x152: {  	s24 =	simm.s32 $0xA;
	[sflag:s0] =	ssyncpa.u1 $0x1  }
0x153: {  	s25 =	simm.s32 $0xB;
	[sflag:s24] =	ssyncpa.u1 $0x1  }
0x154: {  	s26 =	simm.s32 $0x2;
	[sflag:s25] =	ssyncpa.u1 $0x1  }
0x155: {  	[sflag:s26] =	ssyncpa.u1 $0x1  }
0x156: {  	v0 =	vld [tilespmem:$0xA108];
	_ =	sdelay $0x4  }
0x157: {  	(v2sf) =	vpush v0, $0x0  }
0x158: {  	(v2sf) =	vpush v0, $0x1;
	_ =	sdelay $0x1  }
0x159: {  	(v2sf) =	vpush v0, $0x2;
	_ =	sdelay $0xb  }
0x15a: {  	s0 =	spop (v2sf)  }
0x15b: {  	s2 =	spop (v2sf)  }
0x15c: {  	s3 =	smov.u32 s0;
	p0 =	sne.s32 s0, s2  }
0x15d: {  	s4 =	spop (v2sf);
	s3 =	simm.s32 @!p0 $0xFFFFFFFF  }
0x15e: {  	v2 =	vimm.s32 $0x1;
	v3 =	vlaneseq.u32;
	p0 =	seq.s32 s4, $0xFFFFFFFF;
	v1 =	vmov s3  }
0x15f: {  	s14 =	stileid.u32;
	v0 =	vperm.xlane v0, v2;
	p1 =	sne.s32 @!p0 s0, s2;
	v1 =	vperm.xlane v1, v3  }
0x160: {  	vm0 =	vcmask $0x3F04;
	s6 =	simm.s32 $0xA108;
	s0 =	simm.s32 @!p0 $0x1;
	p1 =	por !p1, p0  }
0x161: {  	s3 =	sshll.u32 s14, $0x1;
	s2 =	sshll.u32 @!p0 s4, $0x8;
	s0 =	simm.s32 @p1 $0x0;
	v0 =	vsel vm0, v1, v0  }
0x162: {  	s5 =	sor.u32 $0x800, s3;
	s2 =	sshra.s32 @!p0 s2, $0x2;
	s0 =	sor.u32 @!p0 s0, s3;
	[tilespmem:$0xA108] =	vst v0  }
0x163: {  	[spmem:s5] =	stream.linear.scatter [tilespmem:s6], [sflag:$0x1], $0x2, $0x38;
	[tilespmem:$0x1EF88] =	vst v63  }
0x164: {  	s2 =	sadd.s32 @!p0 $0x88, s2;
	s0 =	sshll.u32 @!p0 s0, $0x6  }
0x165: {  	[spmem:s0] =	stream.linear.scatter @!p0 [tilespmem:s2], [sflag:$0x1], $0x40, $0x38;
	[tilespmem:$0x1EF88] =	vst v63  }
0x166: {  	s0 =	simm.s32 @!p0 $0x42  }
0x167: {  	s28 =	simm.s32 $0x1;
	s0 =	simm.s32 @p0 $0x2  }
0x168: {  	_ =	swait.ge [sflag:s28], s0  }
0x169: {  	s0 =	ssub.s32 $0x0, s0;
	[sflag:s28] =	ssyncset.done $0x0  }
0x16a: {  	p0 =	sne.s32 s14, $0x0;
	[sflag:s28] =	ssyncadd.s32 s0  }
.Ltmp19:
0x16b: {  	_ =	sfence.stream.spmem;
	(pc) =	sbr.rel @p0 .LBB2_43-.Ltmp19, $4  }
0x16c: {  	s29 =	simm.s32 $0x3;
	[bflag:$0x0] =	sbarrier.arrive $0xFFFF  }
0x16d: {  	s30 =	simm.s32 $0x4;
	[sflag:s29] =	ssyncpa.u1 $0x1  }
0x16e: {  	s31 =	simm.s32 $0x3C;
	[sflag:s30] =	ssyncpa.u1 $0x1  }
0x16f: {  	s13 =	rddreg [dreg:$0x4];
	[sflag:s31] =	ssyncpa.u1 $0x1  }
0x170: {  	_ =	sfence.stream.spmem;
	s0 =	simm.s32 $0x5  }
0x171: {  	s2 =	simm.s32 $0x800;
	s3 =	simm.s32 $0xA118;
	[sflag:s0] =	ssyncpa.u1 $0x0  }
0x172: {  	[tilespmem:s3], [sflag:$0x5] =	stream.linear.gather [spmem:s2], $0x20, $0x38;
	[tilespmem:$0x1EF88] =	vst v63  }
0x173: {  	s26 =	simm.s32 $0x0;
	s28 =	simm.s32 $0xA138  }
0x174: {  	[tilespmem:s28], [sflag:$0x5] =	stream.linear.gather [spmem:s26], $0x800, $0x38;
	[tilespmem:$0x1EF88] =	vst v63  }
0x175: {  	_ =	swait.ge [sflag:s0], $0x820  }
0x176: {  	[sflag:s0] =	ssyncset.done $0x0  }
0x177: {  	s29 =	simm.s32 $0x0;
	[sflag:s0] =	ssyncadd.s32 $0xFFFFF7E0  }
0x178: {  	v0 =	vld.msk [tilespmem:s29+$0xA118], $0x1;
	_ =	sdelay $0x1  }
0x179: {  	s30 =	simm.s32 $0x1  }
0x17a: {  	v1 =	vld.msk [tilespmem:s30+$0xA118], $0x1;
	_ =	sdelay $0x1  }
0x17b: {  	(v2sf) =	vpush v0, $0x0;
	_ =	sdelay $0x2  }
0x17c: {  	(v2sf) =	vpush v1, $0x0;
	_ =	sdelay $0x2  }
0x17d: {  	s31 =	simm.s32 $0x2  }
0x17e: {  	v0 =	vld.msk [tilespmem:s31+$0xA118], $0x1;
	_ =	sdelay $0x2  }
0x17f: {  	s2 =	simm.s32 $0xFFFFFFFF;
	s3 =	simm.s32 $0xFFFFFFFF;
	s0 =	simm.s32 $0xC  }
.LBB2_28:
0x180: {  	s4 =	smov.u32 s3;
	s5 =	smov.u32 s2  }
0x181: {  	s2 =	sshra.s32 s0, $0x2;
	p1 =	sne.s32 s0, $0x7C;
	s0 =	sadd.s32 $0x4, s0;
	(v2sf) =	vpush v0, $0x0  }
0x182: {  	v0 =	vld.msk [tilespmem:s2+$0xA118], $0x1  }
.Ltmp20:
0x183: {  	(pc) =	sbr.rel @p1 .LBB2_28-.Ltmp20, $4  }
0x184: {  	s3 =	spop (v2sf)  }
0x185: {  	p2 =	sne.s32 s5, $0xFFFFFFFF;
	s2 =	smov.u32 s3  }
0x186: {  	p3 =	seq.s32 s3, $0xFFFFFFFF;
	s2 =	smov.u32 @p2 s5  }
0x187: {  	s3 =	smov.u32 @p3 s4;
	s2 =	smov.u32 @p3 s5  }
0x188: {  	(v2sf) =	vpush v0, $0x0;
	_ =	sdelay $0x8  }
0x189: {  	s0 =	spop (v2sf)  }
0x18a: {  	p1 =	sne.s32 s2, $0xFFFFFFFF;
	s4 =	smov.u32 s0  }
0x18b: {  	s6 =	simm.s32 $0x0;
	p2 =	seq.s32 s0, $0xFFFFFFFF;
	s4 =	smov.u32 @p1 s2  }
0x18c: {  	s9 =	simm.s32 $0xA0C8;
	s4 =	smov.u32 @p2 s2;
	s2 =	spop (v2sf)  }
0x18d: {  	s0 =	smov.u32 @p2 s3;
	p1 =	sne.s32 s4, $0xFFFFFFFF;
	s5 =	smov.u32 s2  }
.Ltmp21:
0x18e: {  	p2 =	seq.s32 s2, $0xFFFFFFFF;
	s5 =	smov.u32 @p1 s4;
	(pc) =	sbr.rel .LBB2_30-.Ltmp21, $4  }
0x18f: {  	s10 =	simm.s32 $0x0;
	s5 =	smov.u32 @p2 s4;
	s7 =	spop (v2sf)  }
0x190: {  	s2 =	smov.u32 @p2 s0;
	p1 =	sne.s32 s5, $0xFFFFFFFF;
	s8 =	smov.u32 s7  }
0x191: {  	s0 =	simm.s32 $0x6;
	p2 =	seq.s32 s7, $0xFFFFFFFF;
	s8 =	smov.u32 @p1 s5  }
0x192: {  	[sflag:s0] =	ssyncpa.u1 $0x0;
	s7 =	smov.u32 @p2 s2;
	s8 =	smov.u32 @p2 s5  }
.LBB2_36:
0x193: {  	p1 =	sgt.u32 s2, $0x270F8  }
0x194: {  	p2 =	seq.s32 @!p1 s2, s8  }
0x195: {  	p1 =	por p1, p2  }
0x196: {  	p2 =	sne.s32 @!p1 s2, s7  }
0x197: {  	p1 =	por p1, !p2  }
0x198: {  	s2 =	sshll.u32 @p1 s10, $0x8  }
0x199: {  	s3 =	sand.u32 @!p1 $0x3FFF8, s2  }
0x19a: {  	s2 =	sand.u32 @!p1 $0x7, s2;
	s3 =	sadd.s32 @!p1 s1, s3  }
0x19b: {  	[tilespmem:s9], [sflag:$0x6] =	stream.linear.gather @!p1 [hbm4b:s3+s2], $0x40, $0x38;
	[tilespmem:$0x1EF88] =	vst v63  }
0x19c: {  	_ =	swait.ge @!p1 [sflag:s0], $0x40  }
0x19d: {  	[sflag:s0] =	ssyncset.done @!p1 $0x0  }
0x19e: {  	[sflag:s0] =	ssyncadd.s32 @!p1 $0xFFFFFFC0  }
0x19f: {  	v1 =	vld @!p1 [tilespmem:$0xA0C8];
	_ =	sdelay $0x2  }
0x1a0: {  	s2 =	sshll.u32 @!p1 s10, $0x8  }
0x1a1: {  	s3 =	sshrl.u32 @!p1 s2, $0x2  }
0x1a2: {  	[tilespmem:s3+$0xA138] =	vst.add.f32.msk @!p1 $0xffff, v1  }
0x1a3: {  	v1 =	vld @!p1 [tilespmem:$0xA0D8];
	_ =	sdelay $0x4  }
0x1a4: {  	[tilespmem:s3+$0xA148] =	vst.add.f32.msk @!p1 $0xffff, v1  }
0x1a5: {  	v1 =	vld @!p1 [tilespmem:$0xA0E8];
	_ =	sdelay $0x4  }
0x1a6: {  	[tilespmem:s3+$0xA158] =	vst.add.f32.msk @!p1 $0xffff, v1  }
0x1a7: {  	v1 =	vld @!p1 [tilespmem:$0xA0F8];
	_ =	sdelay $0x4  }
0x1a8: {  	[tilespmem:s3+$0xA168] =	vst.add.f32.msk @!p1 $0xffff, v1  }
0x1a9: {  	s2 =	sshrl.u32 s2, $0x2;
	[tilespmem:s6+$0xA118] =	vst.msk $0x1, v0  }
0x1aa: {  	v0 =	vld [tilespmem:s2+$0xA138];
	_ =	sdelay $0x2  }
0x1ab: {  	s31 =	sshll.u32 s6, $0x8  }
0x1ac: {  	s3 =	sshra.s32 s31, $0x2  }
0x1ad: {  	[tilespmem:s3+$0xA138] =	vst v0  }
0x1ae: {  	v0 =	vld [tilespmem:s2+$0xA148];
	_ =	sdelay $0x4  }
0x1af: {  	[tilespmem:s3+$0xA148] =	vst v0  }
0x1b0: {  	v0 =	vld [tilespmem:s2+$0xA158];
	_ =	sdelay $0x4  }
0x1b1: {  	[tilespmem:s3+$0xA158] =	vst v0  }
0x1b2: {  	v0 =	vld [tilespmem:s2+$0xA168];
	_ =	sdelay $0x4  }
0x1b3: {  	s6 =	sadd.s32 $0x1, s6;
	[tilespmem:s3+$0xA168] =	vst v0  }
.LBB2_37:
0x1b4: {  	s10 =	sadd.s32 $0x1, s10  }
0x1b5: {  	p1 =	sne.s32 s10, $0x20  }
.Ltmp22:
0x1b6: {  	_ = 	snop;
	(pc) =	sbr.rel @!p1 .LBB2_38-.Ltmp22, $1  }
0x1b7: {  	_ =	sdelay $0x3  }
.LBB2_30:
0x1b8: {  	v0 =	vld.msk [tilespmem:s10+$0xA118], $0x1;
	_ =	sdelay $0x4  }
0x1b9: {  	(v2sf) =	vpush v0, $0x0;
	_ =	sdelay $0xe  }
0x1ba: {  	s2 =	spop (v2sf)  }
0x1bb: {  	p1 =	seq.s32 s2, $0xFFFFFFFF  }
.Ltmp23:
0x1bc: {  	_ = 	snop;
	(pc) =	sbr.rel @p1 .LBB2_37-.Ltmp23, $1  }
0x1bd: {  	_ =	sdelay $0x3  }
0x1be: {  	p1 =	slt.s32 s6, $0x1  }
.Ltmp24:
0x1bf: {  	_ = 	snop;
	(pc) =	sbr.rel @p1 .LBB2_36-.Ltmp24, $1  }
0x1c0: {  	_ =	sdelay $0x3  }
0x1c1: {  	s3 =	simm.s32 $0xA118;
	p1 =	por $0x0, $0x0  }
0x1c2: {  	v1 =	vld.msk @!p1 [tilespmem:s3+$0x0], $0x1;
	_ =	sdelay $0x4  }
0x1c3: {  	(v2sf) =	vpush @!p1 v1, $0x0;
	_ =	sdelay $0xd  }
0x1c4: {  	p3 =	sne.s32 s6, $0x1  }
.Ltmp25:
0x1c5: {  	s4 =	spop @!p1 (v2sf);
	(pc) =	sbr.rel @!p3 .LBB2_34-.Ltmp25, $4  }
0x1c6: {  	p2 =	seq.s32 @!p1 s2, s4  }
0x1c7: {  	s4 =	simm.s32 $0x0;
	p2 =	por !p2, p1  }
0x1c8: {  	s11 =	simm.s32 $0xFFFFFFFF;
	s4 =	simm.s32 @p2 $0xFFFFFFFF  }
0x1c9: {  	s5 =	simm.s32 $0x1;
	s4 =	smov.u32 @p1 s11  }
.LBB2_33:
0x1ca: {  	s11 =	smov.u32 s4;
	p1 =	sne.s32 s4, $0xFFFFFFFF  }
0x1cb: {  	s3 =	sadd.s32 $0x1, s3;
	s4 =	smov.u32 s5;
	s5 =	sadd.s32 $0x1, s5  }
0x1cc: {  	p2 =	sne.s32 s6, s5;
	v1 =	vld.msk @!p1 [tilespmem:s3+$0x0], $0x1;
	_ =	sdelay $0x4  }
0x1cd: {  	(v2sf) =	vpush @!p1 v1, $0x0;
	_ =	sdelay $0xe  }
.Ltmp26:
0x1ce: {  	s12 =	spop @!p1 (v2sf);
	(pc) =	sbr.rel @p2 .LBB2_33-.Ltmp26, $4  }
0x1cf: {  	p3 =	seq.s32 @!p1 s2, s12  }
0x1d0: {  	p3 =	por !p3, p1  }
0x1d1: {  	s4 =	simm.s32 @p3 $0xFFFFFFFF  }
0x1d2: {  	s4 =	smov.u32 @p1 s11  }
.LBB2_34:
0x1d3: {  	p1 =	seq.s32 s4, $0xFFFFFFFF  }
.Ltmp27:
0x1d4: {  	_ = 	snop;
	(pc) =	sbr.rel @p1 .LBB2_36-.Ltmp27, $1  }
0x1d5: {  	_ =	sdelay $0x3  }
0x1d6: {  	s2 =	sshll.u32 s10, $0x6  }
0x1d7: {  	s2 =	sand.u32 $0x3FFFFFC0, s2  }
0x1d8: {  	v0 =	vld [tilespmem:s2+$0xA138];
	_ =	sdelay $0x2  }
0x1d9: {  	s3 =	sshll.u32 s4, $0x8  }
0x1da: {  	s3 =	sshra.s32 s3, $0x2  }
0x1db: {  	[tilespmem:s3+$0xA138] =	vst.add.f32.msk $0xffff, v0  }
0x1dc: {  	v0 =	vld [tilespmem:s2+$0xA148];
	_ =	sdelay $0x4  }
0x1dd: {  	[tilespmem:s3+$0xA148] =	vst.add.f32.msk $0xffff, v0  }
0x1de: {  	v0 =	vld [tilespmem:s2+$0xA158];
	_ =	sdelay $0x4  }
0x1df: {  	[tilespmem:s3+$0xA158] =	vst.add.f32.msk $0xffff, v0  }
0x1e0: {  	v0 =	vld [tilespmem:s2+$0xA168]  }
.Ltmp28:
0x1e1: {  	_ = 	snop;
	(pc) =	sbr.rel .LBB2_37-.Ltmp28, $2  }
0x1e2: {  	_ =	sdelay $0x2  }
0x1e3: {  	[tilespmem:s3+$0xA168] =	vst.add.f32.msk $0xffff, v0  }
.LBB2_38:
0x1e4: {  	s0 =	simm.s32 $0x6;
	p1 =	seq.s32 s6, $0x0  }
0x1e5: {  	[sflag:s0] =	ssyncpa.u1 $0x1;
	v0 =	vimm.s32 @p1 $0xFFFFFFFF  }
0x1e6: {  	s0 =	sadd.s32 $0xFFFFFFFF, s6;
	[tilespmem:$0xA938] =	vst @p1 v0  }
0x1e7: {  	v0 =	vld.msk @!p1 [tilespmem:s0+$0xA118], $0x1;
	_ =	sdelay $0x1  }
0x1e8: {  	v1 =	vld.msk @!p1 [tilespmem:$0xA118], $0x1;
	_ =	sdelay $0x2  }
0x1e9: {  	p2 =	seq.s32 @!p1 s0, $0x0;
	v0 =	vbroadcast @!p1 v0, $0x0  }
0x1ea: {  	vm0 =	vmmov @!p1 $0x1;
	p2 =	por !p2, p1  }
0x1eb: {  	v1 =	vnsel @!p1 vm0, $0xFFFFFFFF, v1;
	vm0 =	vcmask @!p1 $0x308;
	v0 =	vpsel !p2, $0xFFFFFFFF, v0  }
0x1ec: {  	p2 =	sne.s32 @!p1 s8, s7;
	v0 =	vsel @!p1 vm0, v1, v0  }
0x1ed: {  	s2 =	simm.s32 @!p1 $0xA138;
	s3 =	simm.s32 @!p1 $0x0;
	p3 =	por !p2, p1;
	[tilespmem:$0xA938] =	vst @!p1 v0  }
0x1ee: {  	[spmem:s3] =	stream.linear.scatter @!p1 [tilespmem:s2], [sflag:$0x1], $0x40, $0x38;
	[tilespmem:$0x1EF88] =	vst v63  }
0x1ef: {  	s2 =	sshll.u32 @!p3 s0, $0x8  }
0x1f0: {  	s2 =	sshra.s32 @!p3 s2, $0x2  }
0x1f1: {  	s3 =	simm.s32 @!p3 $0x40;
	s2 =	sadd.s32 @!p3 $0xA138, s2  }
0x1f2: {  	[spmem:s3] =	stream.linear.scatter @!p3 [tilespmem:s2], [sflag:$0x1], $0x40, $0x38;
	[tilespmem:$0x1EF88] =	vst v63  }
0x1f3: {  	s2 =	simm.s32 @!p3 $0x1  }
0x1f4: {  	_ =	swait.ge @!p3 [sflag:s2], $0x80  }
0x1f5: {  	p1 =	por p2, p1;
	[sflag:s2] =	ssyncset.done @!p3 $0x0  }
0x1f6: {  	[sflag:s2] =	ssyncadd.s32 @!p3 $0xFFFFFF80;
	s2 =	simm.s32 @!p1 $0x1  }
0x1f7: {  	_ =	swait.ge @!p1 [sflag:s2], $0x40  }
0x1f8: {  	s29 =	simm.s32 $0xA938;
	[sflag:s2] =	ssyncset.done @!p1 $0x0  }
0x1f9: {  	s30 =	simm.s32 $0x800;
	s31 =	simm.s32 $0x1;
	[sflag:s2] =	ssyncadd.s32 @!p1 $0xFFFFFFC0  }
0x1fa: {  	[spmem:s30] =	stream.linear.scatter [tilespmem:s29], [sflag:$0x1], $0x10, $0x38;
	[tilespmem:$0x1EF88] =	vst v63  }
0x1fb: {  	_ =	swait.ge [sflag:s31], $0x10  }
0x1fc: {  	[sflag:s31] =	ssyncset.done $0x0  }
0x1fd: {  	p1 =	seq.s32 s13, $0x0;
	s9 =	rddreg [dreg:$0x1];
	[sflag:s31] =	ssyncadd.s32 $0xFFFFFFF0  }
0x1fe: {  	s3 =	sshll.u32 @p1 s9, $0xE;
	s8 =	rddreg [dreg:$0x2]  }
0x1ff: {  	s2 =	sadd.s32 @p1 $0x15C3C, s3;
	s3 =	sshll.u32 @p1 s8, $0x11  }
0x200: {  	_ =	sfence.stream.spmem;
	s2 =	sor.u32 @p1 s3, s2  }
0x201: {  	[sflag:s2] =	ssyncadd.remote.s32 @p1 $0x1;
	s2 =	simm.s32 @p1 $0x4  }
0x202: {  	s4 =	simm.s32 @!p1 $0x3C;
	s3 =	sand.u32 $0xFFFFFFFE, s9;
	_ =	swait.ge @p1 [sflag:s2], $0x12  }
0x203: {  	s5 =	simm.s32 @!p1 $0x0;
	s3 =	sadd.s32 @!p1 $0x4, s3;
	[sflag:s2] =	ssyncset.done @p1 $0x0  }
0x204: {  	s7 =	simm.s32 @!p1 $0x80;
	[sflag:s2] =	ssyncadd.s32 @p1 $0xFFFFFFEE;
	s2 =	sshll.u32 @!p1 s3, $0x1A  }
0x205: {  	s3 =	sshll.u32 @!p1 s3, $0xD;
	s2 =	sor.u32 @!p1 s2, s8;
	_ =	swait.eq @!p1 [sflag:s4], $0x1  }
0x206: {  	s3 =	sor.u32 @!p1 $0x1C04, s3;
	s4 =	simm.s32 @!p1 $0x1C03;
	s2 =	sor.u32 @!p1 $0x80004000, s2  }
0x207: {  	[spmem:s7], [sflag:s3] =	dma.general @!p1 [spmem:s5], [sflag:s4], length:$0x10, [dreg:$0x0], stride_count:$0x0, ici_dest:s2, dma_misc:DstOpCode:WRITE  }
0x208: {  	p2 =	slt.s32 s0, $0x2;
	s5 =	simm.s32 @!p1 $0x100;
	s7 =	simm.s32 @!p1 $0x102  }
0x209: {  	[spmem:s7], [sflag:s3] =	dma.general @!p1 [spmem:s5], [sflag:s4], length:$0x2, [dreg:$0x0], stride_count:$0x0, ici_dest:s2, dma_misc:DstOpCode:WRITE  }
.Ltmp29:
0x20a: {  	s2 =	simm.s32 @!p1 $0x3;
	(pc) =	sbr.rel @p2 .LBB2_42-.Ltmp29, $4  }
0x20b: {  	s3 =	sshll.u32 @!p1 s9, $0xE;
	_ =	swait.ge @!p1 [sflag:s2], $0x12  }
0x20c: {  	s4 =	sshll.u32 @!p1 s8, $0x11;
	s3 =	sadd.s32 @!p1 $0x11C3C, s3;
	[sflag:s2] =	ssyncset.done @!p1 $0x0  }
0x20d: {  	[sflag:s2] =	ssyncadd.s32 @!p1 $0xFFFFFFEE;
	s2 =	sor.u32 @!p1 s4, s3  }
0x20e: {  	s0 =	simm.s32 $0x0;
	[sflag:s2] =	ssyncadd.remote.s32 @!p1 $0xFFFFFFFF  }
0x20f: {  	s0 =	simm.s32 $0xA119  }
0x210: {  	v0 =	vld.msk [tilespmem:s0+$0x0], $0x1;
	_ =	sdelay $0x4  }
0x211: {  	(v2sf) =	vpush v0, $0x0;
	_ =	sdelay $0xc  }
0x212: {  	s2 =	sadd.s32 $0xFFFFFFFE, s6  }
0x213: {  	s2 =	sadd.s32 $0xFFFFFFFF, s2  }
0x214: {  	p2 =	sne.s32 s2, $0x0;
	s3 =	spop (v2sf)  }
.Ltmp30:
0x215: {  	p1 =	sgt.u32 s3, $0x270F8;
	(pc) =	sbr.rel @!p2 .LBB2_41-.Ltmp30, $4  }
0x216: {  	s5 =	simm.s32 $0x0;
	s4 =	sand.u32 @!p1 $0x3FFF8, s3  }
0x217: {  	s0 =	simm.s32 $0xA178;
	s3 =	sand.u32 @!p1 $0x7, s3;
	s4 =	sadd.s32 @!p1 s1, s4  }
0x218: {  	[hbm4b:s4+s3] =	stream.linear.scatter @!p1 [tilespmem:s0], [sflag:$0x5], $0x40, $0x38;
	[tilespmem:$0x1EF88] =	vst v63  }
0x219: {  	s5 =	simm.s32 @!p1 $0x100;
	s3 =	simm.s32 $0x0;
	s4 =	simm.s32 $0xA11A  }
.LBB2_40:
0x21a: {  	v0 =	vld.msk [tilespmem:s4+$0x0], $0x1;
	s2 =	sadd.s32 $0xFFFFFFFF, s2;
	s3 =	sadd.s32 s3, s5  }
0x21b: {  	p1 =	sne.s32 s2, $0x0;
	_ =	sdelay $0x3  }
0x21c: {  	(v2sf) =	vpush v0, $0x0;
	_ =	sdelay $0xe  }
.Ltmp31:
0x21d: {  	s6 =	spop (v2sf);
	(pc) =	sbr.rel @p1 .LBB2_40-.Ltmp31, $4  }
0x21e: {  	s5 =	simm.s32 $0x0;
	p2 =	sgt.u32 s6, $0x270F8  }
0x21f: {  	s0 =	sadd.s32 $0x40, s0;
	s5 =	simm.s32 @!p2 $0x100;
	s7 =	sand.u32 @!p2 $0x3FFF8, s6  }
0x220: {  	s4 =	sadd.s32 $0x1, s4;
	s6 =	sand.u32 @!p2 $0x7, s6;
	s7 =	sadd.s32 @!p2 s1, s7  }
0x221: {  	[hbm4b:s7+s6] =	stream.linear.scatter @!p2 [tilespmem:s0], [sflag:$0x5], $0x40, $0x38;
	[tilespmem:$0x1EF88] =	vst v63  }
.LBB2_41:
0x222: {  	s0 =	sadd.s32 s3, s5  }
0x223: {  	s0 =	sshrl.u32 s0, $0x2  }
.LBB2_42:
0x224: {  	s2 =	simm.s32 $0x5  }
0x225: {  	_ =	swait.ge [sflag:s2], s0  }
0x226: {  	s31 =	ssub.s32 $0x0, s0;
	[sflag:s2] =	ssyncset.done $0x0  }
0x227: {  	[sflag:s2] =	ssyncadd.s32 s31  }
0x228: {  	[sflag:s2] =	ssyncpa.u1 $0x1  }
.LBB2_43:
0x229: {  	s0 =	sor.u32 s13, s14  }
0x22a: {  	p1 =	sne.s32 s0, $0x0  }
.Ltmp32:
0x22b: {  	_ = 	snop;
	(pc) =	sbr.rel @p1 .LBB2_58-.Ltmp32, $3  }
0x22c: {  	_ =	sdelay $0x1  }
0x22d: {  	[bflag:$0x0] =	sbarrier.arrive $0xFFFF  }
0x22e: {  	_ =	sfence  }
0x22f: {  	s2 =	simm.s32 $0x7  }
0x230: {  	s0 =	simm.s32 $0x800;
	s3 =	simm.s32 $0xA118;
	[sflag:s2] =	ssyncpa.u1 $0x0  }
0x231: {  	[tilespmem:s3], [sflag:$0x7] =	stream.linear.gather [spmem:s0], $0x20, $0x38;
	[tilespmem:$0x1EF88] =	vst v63  }
0x232: {  	s30 =	simm.s32 $0xA138;
	s0 =	simm.s32 $0x0  }
0x233: {  	[tilespmem:s30], [sflag:$0x7] =	stream.linear.gather [spmem:s0], $0x800, $0x38;
	[tilespmem:$0x1EF88] =	vst v63  }
.Ltmp33:
0x234: {  	_ = 	snop;
	(pc) =	sbr.rel .LBB2_45-.Ltmp33, $4  }
0x235: {  	_ =	swait.ge [sflag:s2], $0x820  }
0x236: {  	[sflag:s2] =	ssyncset.done $0x0  }
0x237: {  	s31 =	simm.s32 $0x8;
	[sflag:s2] =	ssyncadd.s32 $0xFFFFF7E0  }
0x238: {  	s2 =	simm.s32 $0x0;
	[sflag:s31] =	ssyncpa.u1 $0x0  }
.LBB2_51:
0x239: {  	p1 =	slt.u32 s3, $0x270F9  }
0x23a: {  	s4 =	sand.u32 @p1 $0x3FFF8, s3  }
0x23b: {  	s3 =	sand.u32 @p1 $0x7, s3;
	s5 =	simm.s32 @p1 $0xA0C8;
	s4 =	sadd.s32 @p1 s1, s4  }
0x23c: {  	[tilespmem:s5], [sflag:$0x8] =	stream.linear.gather @p1 [hbm4b:s4+s3], $0x40, $0x38;
	[tilespmem:$0x1EF88] =	vst v63  }
0x23d: {  	s3 =	simm.s32 @p1 $0x8  }
0x23e: {  	_ =	swait.ge @p1 [sflag:s3], $0x40  }
0x23f: {  	[sflag:s3] =	ssyncset.done @p1 $0x0  }
0x240: {  	[sflag:s3] =	ssyncadd.s32 @p1 $0xFFFFFFC0  }
0x241: {  	v1 =	vld @p1 [tilespmem:$0xA0C8];
	_ =	sdelay $0x2  }
0x242: {  	s3 =	sshll.u32 @p1 s2, $0x8  }
0x243: {  	s4 =	sshrl.u32 @p1 s3, $0x2  }
0x244: {  	[tilespmem:s4+$0xA138] =	vst.add.f32.msk @p1 $0xffff, v1  }
0x245: {  	v1 =	vld @p1 [tilespmem:$0xA0D8];
	_ =	sdelay $0x4  }
0x246: {  	[tilespmem:s4+$0xA148] =	vst.add.f32.msk @p1 $0xffff, v1  }
0x247: {  	v1 =	vld @p1 [tilespmem:$0xA0E8];
	_ =	sdelay $0x4  }
0x248: {  	[tilespmem:s4+$0xA158] =	vst.add.f32.msk @p1 $0xffff, v1  }
0x249: {  	v1 =	vld @p1 [tilespmem:$0xA0F8];
	_ =	sdelay $0x3  }
0x24a: {  	s5 =	sshll.u32 @!p1 s2, $0x8  }
0x24b: {  	s5 =	smov.u32 @p1 s3;
	[tilespmem:s4+$0xA168] =	vst.add.f32.msk @p1 $0xffff, v1  }
0x24c: {  	s3 =	sshrl.u32 s5, $0x2;
	[tilespmem:s0+$0xA118] =	vst.msk $0x1, v0  }
0x24d: {  	v0 =	vld [tilespmem:s3+$0xA138];
	_ =	sdelay $0x2  }
0x24e: {  	s31 =	sshll.u32 s0, $0x8  }
0x24f: {  	s4 =	sshra.s32 s31, $0x2  }
0x250: {  	[tilespmem:s4+$0xA138] =	vst v0  }
0x251: {  	v0 =	vld [tilespmem:s3+$0xA148];
	_ =	sdelay $0x4  }
0x252: {  	[tilespmem:s4+$0xA148] =	vst v0  }
0x253: {  	v0 =	vld [tilespmem:s3+$0xA158];
	_ =	sdelay $0x4  }
0x254: {  	[tilespmem:s4+$0xA158] =	vst v0  }
0x255: {  	v0 =	vld [tilespmem:s3+$0xA168];
	_ =	sdelay $0x4  }
0x256: {  	s0 =	sadd.s32 $0x1, s0;
	[tilespmem:s4+$0xA168] =	vst v0  }
.LBB2_52:
0x257: {  	s2 =	sadd.s32 $0x1, s2  }
0x258: {  	p1 =	sne.s32 s2, $0x20  }
.Ltmp34:
0x259: {  	_ = 	snop;
	(pc) =	sbr.rel @!p1 .LBB2_53-.Ltmp34, $1  }
0x25a: {  	_ =	sdelay $0x3  }
.LBB2_45:
0x25b: {  	v0 =	vld.msk [tilespmem:s2+$0xA118], $0x1;
	_ =	sdelay $0x4  }
0x25c: {  	(v2sf) =	vpush v0, $0x0;
	_ =	sdelay $0xe  }
0x25d: {  	s3 =	spop (v2sf)  }
0x25e: {  	p1 =	seq.s32 s3, $0xFFFFFFFF  }
.Ltmp35:
0x25f: {  	_ = 	snop;
	(pc) =	sbr.rel @p1 .LBB2_52-.Ltmp35, $1  }
0x260: {  	_ =	sdelay $0x3  }
0x261: {  	p1 =	slt.s32 s0, $0x1  }
.Ltmp36:
0x262: {  	_ = 	snop;
	(pc) =	sbr.rel @p1 .LBB2_51-.Ltmp36, $1  }
0x263: {  	_ =	sdelay $0x3  }
0x264: {  	s4 =	simm.s32 $0xA118;
	p1 =	por $0x0, $0x0  }
0x265: {  	v1 =	vld.msk @!p1 [tilespmem:s4+$0x0], $0x1;
	_ =	sdelay $0x4  }
0x266: {  	(v2sf) =	vpush @!p1 v1, $0x0;
	_ =	sdelay $0xd  }
0x267: {  	p3 =	sne.s32 s0, $0x1  }
.Ltmp37:
0x268: {  	s5 =	spop @!p1 (v2sf);
	(pc) =	sbr.rel @!p3 .LBB2_49-.Ltmp37, $4  }
0x269: {  	p2 =	seq.s32 @!p1 s3, s5  }
0x26a: {  	s5 =	simm.s32 $0x0;
	p2 =	por !p2, p1  }
0x26b: {  	s7 =	simm.s32 $0xFFFFFFFF;
	s5 =	simm.s32 @p2 $0xFFFFFFFF  }
0x26c: {  	s6 =	simm.s32 $0x1;
	s5 =	smov.u32 @p1 s7  }
.LBB2_48:
0x26d: {  	s7 =	smov.u32 s5;
	p1 =	sne.s32 s5, $0xFFFFFFFF  }
0x26e: {  	s4 =	sadd.s32 $0x1, s4;
	s5 =	smov.u32 s6;
	s6 =	sadd.s32 $0x1, s6  }
0x26f: {  	p2 =	sne.s32 s0, s6;
	v1 =	vld.msk @!p1 [tilespmem:s4+$0x0], $0x1;
	_ =	sdelay $0x4  }
0x270: {  	(v2sf) =	vpush @!p1 v1, $0x0;
	_ =	sdelay $0xe  }
.Ltmp38:
0x271: {  	s8 =	spop @!p1 (v2sf);
	(pc) =	sbr.rel @p2 .LBB2_48-.Ltmp38, $4  }
0x272: {  	p3 =	seq.s32 @!p1 s3, s8  }
0x273: {  	p3 =	por !p3, p1  }
0x274: {  	s5 =	simm.s32 @p3 $0xFFFFFFFF  }
0x275: {  	s5 =	smov.u32 @p1 s7  }
.LBB2_49:
0x276: {  	p1 =	seq.s32 s5, $0xFFFFFFFF  }
.Ltmp39:
0x277: {  	_ = 	snop;
	(pc) =	sbr.rel @p1 .LBB2_51-.Ltmp39, $1  }
0x278: {  	_ =	sdelay $0x3  }
0x279: {  	s3 =	sshll.u32 s2, $0x6  }
0x27a: {  	s3 =	sand.u32 $0x3FFFFFC0, s3  }
0x27b: {  	v0 =	vld [tilespmem:s3+$0xA138];
	_ =	sdelay $0x2  }
0x27c: {  	s4 =	sshll.u32 s5, $0x8  }
0x27d: {  	s4 =	sshra.s32 s4, $0x2  }
0x27e: {  	[tilespmem:s4+$0xA138] =	vst.add.f32.msk $0xffff, v0  }
0x27f: {  	v0 =	vld [tilespmem:s3+$0xA148];
	_ =	sdelay $0x4  }
0x280: {  	[tilespmem:s4+$0xA148] =	vst.add.f32.msk $0xffff, v0  }
0x281: {  	v0 =	vld [tilespmem:s3+$0xA158];
	_ =	sdelay $0x4  }
0x282: {  	[tilespmem:s4+$0xA158] =	vst.add.f32.msk $0xffff, v0  }
0x283: {  	v0 =	vld [tilespmem:s3+$0xA168]  }
.Ltmp40:
0x284: {  	_ = 	snop;
	(pc) =	sbr.rel .LBB2_52-.Ltmp40, $2  }
0x285: {  	_ =	sdelay $0x2  }
0x286: {  	[tilespmem:s4+$0xA168] =	vst.add.f32.msk $0xffff, v0  }
.LBB2_53:
0x287: {  	p1 =	slt.s32 s0, $0x1  }
.Ltmp41:
0x288: {  	_ = 	snop;
	(pc) =	sbr.rel @p1 .LBB2_57-.Ltmp41, $3  }
0x289: {  	_ =	sdelay $0x1  }
0x28a: {  	s2 =	simm.s32 $0x8  }
0x28b: {  	[sflag:s2] =	ssyncpa.u1 $0x1;
	s2 =	simm.s32 $0x0  }
0x28c: {  	s3 =	simm.s32 $0xA118  }
0x28d: {  	v0 =	vld.msk [tilespmem:s3+$0x0], $0x1;
	_ =	sdelay $0x4  }
0x28e: {  	(v2sf) =	vpush v0, $0x0;
	_ =	sdelay $0xe  }
0x28f: {  	s0 =	sadd.s32 $0xFFFFFFFF, s0;
	s4 =	spop (v2sf)  }
0x290: {  	p2 =	sne.s32 s0, $0x0;
	p1 =	sgt.u32 s4, $0x270F8  }
.Ltmp42:
0x291: {  	s5 =	sand.u32 @!p1 $0x3FFF8, s4;
	(pc) =	sbr.rel @!p2 .LBB2_56-.Ltmp42, $4  }
0x292: {  	s3 =	simm.s32 $0xA138;
	s4 =	sand.u32 @!p1 $0x7, s4;
	s5 =	sadd.s32 @!p1 s1, s5  }
0x293: {  	[hbm4b:s5+s4] =	stream.linear.scatter @!p1 [tilespmem:s3], [sflag:$0x7], $0x40, $0x38;
	[tilespmem:$0x1EF88] =	vst v63  }
0x294: {  	s5 =	simm.s32 $0x0  }
0x295: {  	s4 =	simm.s32 $0xA119;
	s5 =	simm.s32 @!p1 $0x100  }
.LBB2_55:
0x296: {  	v0 =	vld.msk [tilespmem:s4+$0x0], $0x1;
	s0 =	sadd.s32 $0xFFFFFFFF, s0;
	s2 =	sadd.s32 s2, s5  }
0x297: {  	p1 =	sne.s32 s0, $0x0;
	_ =	sdelay $0x3  }
0x298: {  	(v2sf) =	vpush v0, $0x0;
	_ =	sdelay $0xe  }
.Ltmp43:
0x299: {  	s6 =	spop (v2sf);
	(pc) =	sbr.rel @p1 .LBB2_55-.Ltmp43, $4  }
0x29a: {  	s5 =	simm.s32 $0x0;
	p2 =	sgt.u32 s6, $0x270F8  }
0x29b: {  	s3 =	sadd.s32 $0x40, s3;
	s5 =	simm.s32 @!p2 $0x100;
	s7 =	sand.u32 @!p2 $0x3FFF8, s6  }
0x29c: {  	s4 =	sadd.s32 $0x1, s4;
	s6 =	sand.u32 @!p2 $0x7, s6;
	s7 =	sadd.s32 @!p2 s1, s7  }
0x29d: {  	[hbm4b:s7+s6] =	stream.linear.scatter @!p2 [tilespmem:s3], [sflag:$0x7], $0x40, $0x38;
	[tilespmem:$0x1EF88] =	vst v63  }
.LBB2_56:
0x29e: {  	s0 =	sadd.s32 s2, s5  }
0x29f: {  	s2 =	sshrl.u32 s0, $0x2  }
.LBB2_57:
0x2a0: {  	s0 =	simm.s32 $0x7  }
0x2a1: {  	_ =	swait.ge [sflag:s0], s2  }
0x2a2: {  	s1 =	ssub.s32 $0x0, s2;
	[sflag:s0] =	ssyncset.done $0x0  }
0x2a3: {  	[sflag:s0] =	ssyncadd.s32 s1  }
0x2a4: {  	[sflag:s0] =	ssyncpa.u1 $0x1  }
.LBB2_58:
0x2a5: {  	_ =	sfence;
	s0 =	simm.s32 $0x1  }
0x2a6: {  	[sflag:s0] =	ssyncpa.u1 $0x1  }
0x2a7: {  	_ =	strace $0x9000005C  }
0x2a8: {  	[bflag:$0x2] =	sbarrier.arrive $0xFFFF  }
0x2a9: {  	s0 =	rddreg [dreg:$0x3]  }
0x2aa: {  	s0 =	sadd.s32 @!p0 $0x100000, s0  }
0x2ab: {  	[sflag:s0] =	ssyncadd.tile.s32 @!p0 $0x1;
	_ =	shalt  }
.Lfunc_end2:
_tile_overlayer_lowered:
.L_overlay_start_2:
0x2ac: {  	(tag) =	ssettag $0x2  }
0x2ad: {  	s0 =	rddreg [dreg:$0x0];
	s2 =	stileid.u32  }
0x2ae: {  	s1 =	rddreg [dreg:$0x1];
	p0 =	sne.s32 s2, $0x0  }
0x2af: {  	s3 =	rddreg [dreg:$0x2];
	[bflag:$0x3] =	sbarrier.arrive $0xFFFF;
	s2 =	simm.s32 @!p0 $0x1C01  }
0x2b0: {  	[timem:s3], [sflag:s2] =	dma.local @!p0 [hbm:s0], s1  }
0x2b1: {  	s0 =	simm.s32 @!p0 $0x1  }
0x2b2: {  	_ =	swait.ge @!p0 [sflag:s0], s1  }
0x2b3: {  	s1 =	ssub.s32 @!p0 $0x0, s1;
	[sflag:s0] =	ssyncset.done @!p0 $0x0  }
0x2b4: {  	[sflag:s0] =	ssyncadd.s32 @!p0 s1  }
0x2b5: {  	[bflag:$0x3] =	sbarrier.arrive $0xFFFF  }
0x2b6: {  	_ =	shalt  }

// kernel: scatter_offload_async_start
scs
__scs_entry_jumppad:
0x0: {  	(pc) =	sbr.rel $0x88, $3  }
0x1: {  	(tag) =	ssettag $0x0;
	lr =	simm.s32 $0x1  }
0x2: {  	[smem:$0x3F85] =	sst lr;
	_ =	strace $0xD0000000  }
0x3: {  	_ = 	snop  }
0x4: {  	_ = 	snop  }
0x5: {  	_ = 	snop  }
0x6: {  	_ = 	snop  }
0x7: {  	_ = 	snop  }
__scs_overlays_trampoline_lowered:
0x8: {  	[smem:$0x3F94] =	sst s0  }
0x9: {  	[smem:$0x3F95] =	sst s1  }
0xa: {  	[smem:$0x3F96] =	sst s2  }
0xb: {  	[smem:$0x3F97] =	sst s3  }
0xc: {  	[smem:$0x3F98] =	sst s4  }
0xd: {  	[smem:$0x3F99] =	sst s5  }
0xe: {  	[smem:$0x3F9A] =	sst s6  }
0xf: {  	[smem:$0x3F9B] =	sst s7  }
0x10: {  	[smem:$0x3F9C] =	sst s8  }
0x11: {  	[smem:$0x3F9D] =	sst s9;
	s0 =	simm.s32 @!p0 $0x0  }
0x12: {  	s1 =	sld [smem:$0x3F83];
	s0 =	simm.s32 @p0 $0x1  }
0x13: {  	[smem:$0x3F9E] =	sst s0;
	s0 =	simm.s32 @!p1 $0x0  }
0x14: {  	s2 =	sld [smem:$0x3F82];
	s0 =	simm.s32 @p1 $0x1  }
0x15: {  	[smem:$0x3F9F] =	sst s0;
	s0 =	simm.s32 @!p2 $0x0  }
0x16: {  	s3 =	sld [smem:$0x3FDB];
	s0 =	simm.s32 @p2 $0x1  }
0x17: {  	s4 =	simm.s32 $0x1BF5;
	[smem:$0x3FA1] =	sst s0  }
0x18: {  	s0 =	sld [smem:$0x3F84];
	_ =	swait.ge [sflag:s4], $0x0  }
0x19: {  	s7 =	sld [smem:$0x3F85]  }
0x1a: {  	s8 =	sadd.s32 $0xFFFFE003, lr  }
0x1b: {  	s9 =	sadd.s32 $0xFFFFFEF7, lr;
	s5 =	simm.s32 $0xFFFFFFFF;
	p2 =	slt.u32 s8, $0xFFFFF086  }
0x1c: {  	p1 =	slt.u32 s9, $0xF7A;
	s5 =	simm.s32 @!p2 $0x0  }
0x1d: {  	s5 =	simm.s32 @p1 $0x1;
	p0 =	seq.s32 s7, s2  }
0x1e: {  	s7 =	smul.u32 @!p0 $0xF7A, s2;
	p2 =	seq.s32 @!p0 s5, $0x0  }
0x1f: {  	s9 =	smul.u32 $0xF7A, s1;
	s8 =	simm.s32 @!p0 $0x1BF5;
	p2 =	por !p2, p0  }
0x20: {  	[sflag:s8] =	ssyncset.s32 @!p0 $0xFFFFF086;
	s6 =	sadd.s32 @!p0 s3, s7;
	s7 =	simm.s32 @!p0 $0x108  }
0x21: {  	s3 =	sadd.s32 s3, s9;
	s6 =	sadd.s32 @!p0 $0x88, s6;
	s7 =	simm.s32 @p2 $0x1082  }
0x22: {  	[simem:s7], [sflag:s8] =	dma.local @!p0 [hbm:s6], $0xF7A  }
0x23: {  	s9 =	sor.u32 $0xD0000000, s2;
	s6 =	simm.s32 $0x108;
	_ =	swait.ge @!p0 [sflag:s8], $0x0  }
0x24: {  	s3 =	sadd.s32 $0x88, s3;
	s6 =	simm.s32 @!p1 $0x1082;
	[sflag:s4] =	ssyncset.s32 $0xFFFFF086  }
0x25: {  	[simem:s6], [sflag:s4] =	dma.local [hbm:s3], $0xF7A  }
0x26: {  	[smem:$0x3F85] =	sst s1;
	(tag) =	ssettag s2;
	_ =	strace s9  }
0x27: {  	s1 =	sld [smem:$0x3F95]  }
0x28: {  	s2 =	sld [smem:$0x3F96]  }
0x29: {  	s4 =	sld [smem:$0x3F98]  }
0x2a: {  	p0 =	seq.s32 s5, $0x0;
	s5 =	sld [smem:$0x3F99]  }
0x2b: {  	s6 =	sld [smem:$0x3F9A]  }
0x2c: {  	s7 =	sld [smem:$0x3F9B]  }
0x2d: {  	s3 =	simm.s32 $0x108;
	s8 =	sld [smem:$0x3F9C]  }
0x2e: {  	s3 =	simm.s32 @!p0 $0x1082;
	s9 =	sld [smem:$0x3F9D]  }
0x2f: {  	lr =	sadd.s32 s0, s3;
	s0 =	sld [smem:$0x3F94]  }
0x30: {  	s3 =	sld [smem:$0x3F97]  }
0x31: {  	[smem:$0x3FA0] =	sst s10  }
0x32: {  	s10 =	sld [smem:$0x3F9E];
	_ =	sdelay $0x3  }
0x33: {  	p0 =	seq.s32 s10, $0x1;
	s10 =	sld [smem:$0x3FA0];
	_ =	sdelay $0x3  }
0x34: {  	[smem:$0x3FA0] =	sst s10  }
0x35: {  	s10 =	sld [smem:$0x3F9F];
	_ =	sdelay $0x3  }
0x36: {  	p1 =	seq.s32 s10, $0x1;
	s10 =	sld [smem:$0x3FA0];
	_ =	sdelay $0x3  }
0x37: {  	[smem:$0x3FA0] =	sst s10  }
0x38: {  	s10 =	sld [smem:$0x3FA1]  }
0x39: {  	_ = 	snop;
	(pc) =	sbr.ind lr, $3  }
0x3a: {  	_ = 	snop  }
0x3b: {  	_ = 	snop  }
0x3c: {  	p2 =	seq.s32 s10, $0x1;
	s10 =	sld [smem:$0x3FA0]  }
0x3d: {  	_ =	shalt  }
0x3e: {  	_ =	shalt  }
0x3f: {  	_ =	shalt  }
0x40: {  	_ =	shalt  }
0x41: {  	_ =	shalt  }
0x42: {  	_ =	shalt  }
0x43: {  	_ =	shalt  }
0x44: {  	_ =	shalt  }
0x45: {  	_ =	shalt  }
0x46: {  	_ =	shalt  }
0x47: {  	_ =	shalt  }
0x48: {  	_ =	shalt  }
0x49: {  	_ =	shalt  }
0x4a: {  	_ =	shalt  }
0x4b: {  	_ =	shalt  }
0x4c: {  	_ =	shalt  }
0x4d: {  	_ =	shalt  }
0x4e: {  	_ =	shalt  }
0x4f: {  	_ =	shalt  }
0x50: {  	_ =	shalt  }
0x51: {  	_ =	shalt  }
0x52: {  	_ =	shalt  }
0x53: {  	_ =	shalt  }
0x54: {  	_ =	shalt  }
0x55: {  	_ =	shalt  }
0x56: {  	_ =	shalt  }
0x57: {  	_ =	shalt  }
0x58: {  	_ =	shalt  }
0x59: {  	_ =	shalt  }
0x5a: {  	_ =	shalt  }
0x5b: {  	_ =	shalt  }
0x5c: {  	_ =	shalt  }
0x5d: {  	_ =	shalt  }
0x5e: {  	_ =	shalt  }
0x5f: {  	_ =	shalt  }
0x60: {  	_ =	shalt  }
0x61: {  	_ =	shalt  }
0x62: {  	_ =	shalt  }
0x63: {  	_ =	shalt  }
0x64: {  	_ =	shalt  }
0x65: {  	_ =	shalt  }
0x66: {  	_ =	shalt  }
0x67: {  	_ =	shalt  }
0x68: {  	_ =	shalt  }
0x69: {  	_ =	shalt  }
0x6a: {  	_ =	shalt  }
0x6b: {  	_ =	shalt  }
0x6c: {  	_ =	shalt  }
0x6d: {  	_ =	shalt  }
0x6e: {  	_ =	shalt  }
0x6f: {  	_ =	shalt  }
0x70: {  	_ =	shalt  }
0x71: {  	_ =	shalt  }
0x72: {  	_ =	shalt  }
0x73: {  	_ =	shalt  }
0x74: {  	_ =	shalt  }
0x75: {  	_ =	shalt  }
0x76: {  	_ =	shalt  }
0x77: {  	_ =	shalt  }
0x78: {  	_ =	shalt  }
0x79: {  	_ =	shalt  }
0x7a: {  	_ =	shalt  }
0x7b: {  	_ =	shalt  }
0x7c: {  	_ =	shalt  }
0x7d: {  	_ =	shalt  }
0x7e: {  	_ =	shalt  }
0x7f: {  	_ =	shalt  }
0x80: {  	_ =	shalt  }
0x81: {  	_ =	shalt  }
0x82: {  	_ =	shalt  }
0x83: {  	_ =	shalt  }
0x84: {  	_ =	shalt  }
0x85: {  	_ =	shalt  }
0x86: {  	_ =	shalt  }
0x87: {  	_ =	shalt  }
.Lfunc_end0:
.L_simem_size_0:
called_computation_lowered:
.L_overlay_start_0:
0x88: {  	s2 =	sld [smem:$0x3FD9]  }
0x89: {  	s3 =	sld [smem:$0x3FFE];
	_ =	sdelay $0x1  }
0x8a: {  	s1 =	srdreg.scid  }
0x8b: {  	s0 =	sand.u32 $0x1, s1  }
0x8c: {  	s15 =	sshll.u32 s0, $0xA;
	s2 =	sadd.s32 s3, s2  }
0x8d: {  	s2 =	sadd.s32 s2, s15  }
0x8e: {  	[smem:$0x3FAC] =	sst s2  }
0x8f: {  	_ = 	snop  }
0x90: {  	(tm) =	ssettm $0x1  }
0x91: {  	s16 =	sld [smem:$0x3FFB];
	_ =	sdelay $0x3  }
0x92: {  	_ =	strace s16  }
0x93: {  	s2 =	sld [smem:$0x3FFC];
	_ =	sdelay $0x3  }
0x94: {  	_ =	strace s2  }
0x95: {  	s2 =	sld [smem:$0x3FFD];
	_ =	sdelay $0x3  }
0x96: {  	_ =	strace s2  }
0x97: {  	_ =	strace $0x8FFFFFFF  }
0x98: {  	s17 =	sld [smem:$0x3FDB];
	_ =	sdelay $0x1  }
0x99: {  	s18 =	simm.s32 $_scs_section_size  }
0x9a: {  	s4 =	simm.s32 $_size__tile_overlayer_lowered;
	s5 =	simm.s32 $_tile_overlayer_lowered  }
0x9b: {  	s6 =	simm.s32 $0x1BFF;
	s19 =	sshll.u32 s5, $0x1;
	s3 =	sadd.s32 s18, s17  }
0x9c: {  	s20 =	simm.s32 $0x0;
	s4 =	sshll.u32 s4, $0x1;
	s5 =	sadd.s32 s19, s3  }
0x9d: {  	[timem:s20], [sflag:s6] =	dma.local [hbm:s5], s4  }
0x9e: {  	_ =	swait.ge [sflag:s6], s4  }
0x9f: {  	s4 =	ssub.s32 $0x0, s4;
	[sflag:s6] =	ssyncset.done $0x0  }
0xa0: {  	[sflag:s6] =	ssyncadd.s32 s4;
	_ =	sdelay $0x1  }
0xa1: {  	s21 =	simm.s32 $0x1B8B  }
0xa2: {  	_ =	swait.ge [sflag:s21], $0x1  }
0xa3: {  	[sflag:s21] =	ssyncset.done $0x0  }
0xa4: {  	s22 =	sld [smem:$0x3FFE];
	[sflag:s21] =	ssyncadd.s32 $0xFFFFFFFF  }
0xa5: {  	s24 =	simm.s32 $0x1B8E;
	s23 =	sld [smem:$0x0]  }
0xa6: {  	s25 =	simm.s32 $execute0_lowered;
	[smem:$0x3FD2] =	sst s24  }
0xa7: {  	s6 =	sshll.u32 s25, $0x1;
	_ =	strace $0x80000049;
	[dreg:$0x1] =	wrdreg $0xFFFFFFFF  }
0xa8: {  	s7 =	simm.s32 $_size_execute0_lowered;
	s6 =	sadd.s32 s3, s6;
	[dreg:$0x0] =	wrdreg $0x0  }
0xa9: {  	s7 =	sshll.u32 s7, $0x1;
	[dreg:$0x2] =	wrdreg s6  }
0xaa: {  	[dreg:$0x3] =	wrdreg s7  }
0xab: {  	[dreg:$0x4] =	wrdreg $0xC0  }
0xac: {  	s26 =	simm.s32 $execute1_lowered;
	_ =	task [dreg:s20], $0x5FFFF  }
0xad: {  	s6 =	sshll.u32 s26, $0x1;
	[dreg:$0x1] =	wrdreg $0xFFFFFFFF  }
0xae: {  	s3 =	sadd.s32 s3, s6;
	[dreg:$0x0] =	wrdreg $0x60  }
0xaf: {  	[dreg:$0x2] =	wrdreg s3  }
0xb0: {  	[dreg:$0x3] =	wrdreg s22  }
0xb1: {  	[dreg:$0x4] =	wrdreg $0x9  }
0xb2: {  	_ =	task.clear_ibuf [dreg:s20], $0x5FFFF;
	_ =	strace $0x90000049  }
0xb3: {  	s28 =	simm.s32 $0x9;
	_ =	strace $0x8000004B  }
0xb4: {  	_ =	swait.ge [sflag:s28], $0x1  }
0xb5: {  	[sflag:s28] =	ssyncadd.s32 $0xFFFFFFFF  }
0xb6: {  	_ =	strace $0x9000004B  }
0xb7: {  	s3 =	sld [smem:$0x0]  }
0xb8: {  	s6 =	sand.u32 $0xFFFFFFFE, s1  }
0xb9: {  	p0 =	sne.s32 s1, s6  }
0xba: {  	s6 =	sshll.u32 @p0 s6, $0xE  }
0xbb: {  	s6 =	sadd.s32 @p0 $0x11BF3, s6;
	s7 =	sshll.u32 @p0 s3, $0x11  }
0xbc: {  	s6 =	sor.u32 @p0 s7, s6  }
0xbd: {  	[sflag:s6] =	ssyncadd.remote.s32 @p0 $0x1;
	_ =	sdelay $0x1  }
0xbe: {  	s6 =	simm.s32 @p0 $0x1BF3  }
0xbf: {  	_ =	swait.eq @p0 [sflag:s6], $0x1  }
0xc0: {  	[sflag:s6] =	ssyncadd.s32 @p0 $0xFFFFFFFF  }
0xc1: {  	s7 =	sshll.u32 @!p0 s1, $0xE  }
0xc2: {  	s7 =	sor.u32 @!p0 $0x4000, s7;
	s6 =	simm.s32 @!p0 $0x1BF3  }
0xc3: {  	s3 =	sshll.u32 @!p0 s3, $0x11;
	s7 =	sadd.s32 @!p0 $0x11BF3, s7;
	_ =	swait.eq @!p0 [sflag:s6], $0x1  }
0xc4: {  	s3 =	sor.u32 @!p0 s3, s7;
	[sflag:s6] =	ssyncadd.s32 @!p0 $0xFFFFFFFF  }
0xc5: {  	[sflag:s3] =	ssyncadd.remote.s32 @!p0 $0x1  }
0xc6: {  	_ =	strace $0x8000004C;
	[dreg:$0x1] =	wrdreg $0xFFFFFFFF  }
0xc7: {  	[dreg:$0x0] =	wrdreg $0x2030  }
0xc8: {  	[dreg:$0x2] =	wrdreg s22  }
0xc9: {  	[dreg:$0x3] =	wrdreg s1  }
0xca: {  	[dreg:$0x4] =	wrdreg s23  }
0xcb: {  	[dreg:$0x5] =	wrdreg $0xA  }
0xcc: {  	_ =	task.clear_ibuf [dreg:s20], $0x6FFFF;
	_ =	strace $0x9000004C  }
0xcd: {  	s29 =	simm.s32 $0xA;
	_ =	strace $0x8000004E  }
0xce: {  	_ =	swait.ge [sflag:s29], $0x1  }
0xcf: {  	[sflag:s29] =	ssyncadd.s32 $0xFFFFFFFF  }
0xd0: {  	_ =	strace $0x9000004E  }
0xd1: {  	_ =	sfence  }
0xd2: {  	s30 =	sld [smem:$0x0];
	_ =	sdelay $0x2  }
0xd3: {  	s31 =	sshll.u32 s1, $0xD;
	s1 =	sshrl.u32 s1, $0x2  }
0xd4: {  	s4 =	sand.u32 $0x4000, s31;
	s1 =	sadd.s32 s1, s30  }
0xd5: {  	s0 =	sor.u32 s4, s0;
	s1 =	sshll.u32 s1, $0x11  }
0xd6: {  	s0 =	sor.u32 s1, s0  }
0xd7: {  	s0 =	sadd.s32 $0x8F2B, s0  }
0xd8: {  	[sflag:s0] =	ssyncadd.remote.s32 $0x1  }
0xd9: {  	_ =	sfence.sel $0xFFFF  }
0xda: {  	[dreg:$0x0] =	wrdreg $0xFFFFFFFF;
	(pc) =	sbr.abs _section_cstart, $3  }
0xdb: {  	[dreg:$0x1] =	wrdreg $0xFFFFFFFF  }
0xdc: {  	_ =	task.clear_ibuf [dreg:s20], $0x2FFFF;
	_ =	strace $0x9FFFFFFF  }
0xdd: {  	(tm) =	ssettm $0x7FFFFFFF  }
tec
execute0_lowered:
.L_overlay_start_1:
0x0: {  	(tag) =	ssettag $0x1  }
0x1: {  	s2 =	rddreg [dreg:$0x0]  }
0x2: {  	s5 =	rddreg [dreg:$0x1]  }
0x3: {  	s0 =	rddreg [dreg:$0x2];
	s3 =	stileid.u32;
	[bflag:$0x3] =	sbarrier.arrive $0xFFFF  }
0x4: {  	s1 =	simm.s32 $_size_execute1_lowered;
	s29 =	srdreg.scid;
	s31 =	simm.s32 $0x2  }
0x5: {  	s13 =	simm.s32 $0x0;
	s8 =	simm.s32 $0x40;
	p0 =	sne.s32 s3, $0x0  }
0x6: {  	s1 =	sshll.u32 s1, $0x1;
	s4 =	simm.s32 @!p0 $0x1C3F;
	s6 =	simm.s32 @!p0 $0x4060  }
0x7: {  	[timem:s6], [sflag:s4] =	dma.local @!p0 [hbm:s2], s1  }
0x8: {  	s9 =	simm.s32 $0x80;
	s11 =	simm.s32 $0x0;
	s2 =	sshll.u32 s29, $0x8  }
.Ltmp0:
0x9: {  	s3 =	sshll.u32 s3, $0x9;
	s30 =	sand.u32 $0x100, s2;
	(pc) =	sbr.rel .LBB2_1-.Ltmp0, $4  }
0xa: {  	s12 =	simm.s32 $0x0;
	_ =	strace $0x8000004A;
	s3 =	sor.u32 s3, s30  }
0xb: {  	s4 =	simm.s32 $0x1;
	s2 =	sadd.s32 $0x523A00, s5;
	s7 =	ssub.s32 $0x2700, s3  }
0xc: {  	s5 =	sadd.s32 $0x54AC00, s5;
	[sflag:s4] =	ssyncpa.u1 $0x0;
	s6 =	sshrl.u32 s7, $0xD  }
0xd: {  	[sflag:s31] =	ssyncpa.u1 $0x0;
	s10 =	smov.u32 s3;
	s7 =	sor.u32 $0x2, s6  }
.LBB2_5:
0xe: {  	_ =	sdelay $0x3  }
0xf: {  	[tilespmem:v3+s18+$0x0 ss:$0x1] =	vst.idx.msk $0xffff, v1  }
0x10: {  	[tilespmem:v3+s17+$0x0 ss:$0x1] =	vst.idx.msk $0xffff, v2  }
0x11: {  	[tilespmem:v3+s16+$0x0 ss:$0x1] =	vst.idx.msk $0xffff, v4  }
0x12: {  	[tilespmem:v3+s19+$0x0 ss:$0x1] =	vst.idx.msk $0xffff, v5  }
.LBB2_6:
0x13: {  	s16 =	sand.u32 $0x1FFFFFF, s11  }
0x14: {  	s17 =	smulhi.u32 $0x1A36E2F, s16;
	_ =	sdelay $0x1  }
0x15: {  	s17 =	sshrl.u32 s17, $0x6  }
0x16: {  	s17 =	smul.u32 $0x2710, s17;
	_ =	sdelay $0x1  }
0x17: {  	s16 =	ssub.s32 s16, s17  }
0x18: {  	s16 =	sshll.u32 s16, $0x4  }
0x19: {  	s16 =	sadd.s32 s5, s16  }
0x1a: {  	[hbm4b:s16+s8] =	stream.strided.scatter [tilespmem:s15], [sflag:$0x2], s14, s9, s8, $0x38;
	[tilespmem:$0x10000] =	vst v63  }
.LBB2_7:
0x1b: {  	p1 =	slt.u32 s12, $0x2  }
0x1c: {  	p2 =	sgt.s32 @!p1 s13, $0x2610  }
0x1d: {  	s14 =	smov.u32 s13;
	s15 =	sshra.s32 @!p1 s13, $0x1F;
	p2 =	por !p2, p1  }
0x1e: {  	s13 =	sand.u32 @!p1 s15, s13;
	s14 =	simm.s32 @p2 $0x2610  }
0x1f: {  	s13 =	ssub.s32 @!p1 s14, s13  }
0x20: {  	s13 =	sadd.s32 @!p1 $0xFFFFD9F0, s13  }
0x21: {  	s14 =	sshll.u32 @!p1 s13, $0x8  }
0x22: {  	p2 =	sgt.s32 @!p1 s13, $0xFF;
	s13 =	ssub.s32 @!p1 $0x10000, s14  }
0x23: {  	s15 =	sadd.s32 $0x2000, s10;
	p2 =	por !p2, p1;
	s13 =	sshrl.u32 @!p1 s13, $0x2  }
0x24: {  	s13 =	simm.s32 @!p2 $0x0;
	p2 =	sgt.s32 s15, $0x270F  }
0x25: {  	s15 =	smov.u32 @p2 s3;
	p2 =	sne.s32 s12, s7  }
.Ltmp1:
0x26: {  	_ = 	snop;
	(pc) =	sbr.rel @!p2 .LBB2_8-.Ltmp1, $4  }
0x27: {  	s14 =	simm.s32 @!p1 $0x2  }
0x28: {  	_ =	swait.ge @!p1 [sflag:s14], s13;
	s16 =	ssub.s32 @!p1 $0x0, s13  }
0x29: {  	s13 =	smov.u32 s11;
	s12 =	sadd.s32 $0x1, s12;
	[sflag:s14] =	ssyncset.done @!p1 $0x0  }
0x2a: {  	s11 =	smov.u32 s10;
	s10 =	smov.u32 s15;
	[sflag:s14] =	ssyncadd.s32 @!p1 s16  }
.LBB2_1:
0x2b: {  	p1 =	sgt.u32 s12, s6  }
0x2c: {  	s15 =	smov.u32 s10;
	p2 =	sgt.s32 @!p1 s10, $0x2610  }
0x2d: {  	s14 =	sand.u32 @!p1 $0x1FFFFFF, s10;
	s16 =	sshra.s32 @!p1 s10, $0x1F;
	p2 =	por !p2, p1  }
0x2e: {  	s17 =	smulhi.u32 @!p1 $0x1A36E2F, s14;
	s16 =	sand.u32 @!p1 s16, s10;
	s15 =	simm.s32 @p2 $0x2610  }
0x2f: {  	s15 =	ssub.s32 @!p1 s15, s16  }
0x30: {  	s16 =	sshrl.u32 @!p1 s17, $0x6;
	s15 =	sadd.s32 @!p1 $0xFFFFD9F0, s15  }
0x31: {  	s17 =	sxor.u32 @!p1 $0xFFFFFFFF, s12;
	s16 =	smul.u32 @!p1 $0x2710, s16;
	s18 =	sshll.u32 @!p1 s15, $0x8  }
0x32: {  	s17 =	sshll.u32 @!p1 s17, $0xE;
	p2 =	sgt.s32 @!p1 s15, $0xFF;
	s15 =	ssub.s32 @!p1 $0x10000, s18  }
0x33: {  	s14 =	ssub.s32 @!p1 s14, s16;
	p2 =	por !p2, p1;
	s16 =	sand.u32 @!p1 $0x4000, s17  }
0x34: {  	s17 =	simm.s32 @!p1 $0x40;
	s15 =	sshrl.u32 @!p1 s15, $0x2;
	s14 =	sshll.u32 @!p1 s14, $0x4  }
0x35: {  	s18 =	simm.s32 @!p1 $0x80;
	s15 =	simm.s32 @!p2 $0x0;
	s14 =	sadd.s32 @!p1 s2, s14  }
0x36: {  	[tilespmem:s16], [sflag:$0x1] =	stream.strided.gather @!p1 [hbm4b:s14+s17], s15, s18, s17, $0x38;
	[tilespmem:$0x10000] =	vst v63  }
0x37: {  	p1 =	seq.s32 s12, $0x0  }
0x38: {  	p2 =	sge.u32 @!p1 s12, s7  }
0x39: {  	p1 =	por p1, p2  }
.Ltmp2:
0x3a: {  	_ = 	snop;
	(pc) =	sbr.rel @p1 .LBB2_7-.Ltmp2, $1  }
0x3b: {  	_ =	sdelay $0x3  }
0x3c: {  	p1 =	sgt.s32 s11, $0x2610;
	s14 =	smov.u32 s11;
	s15 =	sshra.s32 s11, $0x1F  }
0x3d: {  	s14 =	simm.s32 @!p1 $0x2610;
	s15 =	sand.u32 s15, s11  }
0x3e: {  	s14 =	ssub.s32 s14, s15  }
0x3f: {  	s14 =	sadd.s32 $0xFFFFD9F0, s14  }
0x40: {  	s31 =	sshll.u32 s14, $0x8  }
0x41: {  	s15 =	ssub.s32 $0x10000, s31  }
0x42: {  	p1 =	sgt.s32 s14, $0xFF;
	s14 =	sshrl.u32 s15, $0x2;
	s15 =	sadd.s32 $0x100, s11  }
0x43: {  	s14 =	simm.s32 @p1 $0x0;
	p1 =	slt.s32 s15, $0x2710  }
0x44: {  	s15 =	simm.s32 @!p1 $0x2710  }
0x45: {  	s20 =	ssub.s32 s15, s11  }
0x46: {  	p1 =	slt.s32 s20, $0x1  }
.Ltmp3:
0x47: {  	_ = 	snop;
	(pc) =	sbr.rel @p1 .LBB2_6-.Ltmp3, $4  }
0x48: {  	_ = 	snop  }
0x49: {  	s16 =	sshll.u32 s12, $0xE;
	_ =	swait.ge [sflag:s4], s14  }
0x4a: {  	s16 =	sand.u32 $0x4000, s16;
	s17 =	ssub.s32 $0x0, s14;
	[sflag:s4] =	ssyncset.done $0x0  }
0x4b: {  	s15 =	sor.u32 $0x8000, s16;
	[sflag:s4] =	ssyncadd.s32 s17  }
0x4c: {  	v0 =	vmov s16;
	_ =	sdelay $0x2  }
0x4d: {  	s31 =	simm.s32 $0x0;
	p1 =	sne.s32 s20, $0x1  }
.Ltmp4:
0x4e: {  	s18 =	sand.u32 $0x3FC0, s31;
	(pc) =	sbr.rel @!p1 .LBB2_5-.Ltmp4, $4  }
0x4f: {  	s17 =	sor.u32 $0x30, s18;
	v1 =	vld.idx.msk [tilespmem:v0+s18+$0x0 ss:$0x1], $0xffff  }
0x50: {  	v3 =	vmov s15;
	s16 =	sor.u32 $0x10, s18;
	v2 =	vld.idx.msk [tilespmem:v0+s17+$0x0 ss:$0x1], $0xffff  }
0x51: {  	s19 =	sor.u32 $0x20, s18;
	v4 =	vld.idx.msk [tilespmem:v0+s16+$0x0 ss:$0x1], $0xffff  }
0x52: {  	s20 =	sadd.s32 $0xFFFFFFFF, s20;
	s21 =	simm.s32 $0x40;
	v5 =	vld.idx.msk [tilespmem:v0+s19+$0x0 ss:$0x1], $0xffff  }
.LBB2_4:
0x53: {  	s22 =	sand.u32 $0x3FC0, s21  }
0x54: {  	p1 =	sne.s32 s20, $0x1;
	s20 =	sadd.s32 $0xFFFFFFFF, s20;
	s23 =	sor.u32 $0x10, s22  }
.Ltmp5:
0x55: {  	s24 =	sor.u32 $0x20, s22;
	s25 =	sor.u32 $0x30, s22;
	[tilespmem:v3+s18+$0x0 ss:$0x1] =	vst.idx.msk $0xffff, v1;
	v1 =	vld.idx.msk [tilespmem:v0+s22+$0x0 ss:$0x1], $0xffff;
	(pc) =	sbr.rel @p1 .LBB2_4-.Ltmp5, $4  }
0x56: {  	s18 =	smov.u32 s22;
	[tilespmem:v3+s17+$0x0 ss:$0x1] =	vst.idx.msk $0xffff, v2;
	v2 =	vld.idx.msk [tilespmem:v0+s25+$0x0 ss:$0x1], $0xffff;
	s17 =	smov.u32 s25  }
0x57: {  	[tilespmem:v3+s16+$0x0 ss:$0x1] =	vst.idx.msk $0xffff, v4;
	v4 =	vld.idx.msk [tilespmem:v0+s23+$0x0 ss:$0x1], $0xffff;
	s16 =	smov.u32 s23  }
0x58: {  	[tilespmem:v3+s19+$0x0 ss:$0x1] =	vst.idx.msk $0xffff, v5;
	v5 =	vld.idx.msk [tilespmem:v0+s24+$0x0 ss:$0x1], $0xffff;
	s19 =	smov.u32 s24  }
0x59: {  	s21 =	sadd.s32 $0x40, s21  }
.Ltmp6:
0x5a: {  	_ = 	snop;
	(pc) =	sbr.rel .LBB2_5-.Ltmp6, $1  }
0x5b: {  	_ =	sdelay $0x3  }
.LBB2_8:
0x5c: {  	_ =	sfence.sel $0x180000  }
0x5d: {  	s2 =	simm.s32 $0x1;
	[bflag:$0x0] =	sbarrier.arrive $0xFFFF  }
0x5e: {  	s31 =	simm.s32 $0x2;
	[sflag:s2] =	ssyncpa.u1 $0x1  }
0x5f: {  	[sflag:s31] =	ssyncpa.u1 $0x1  }
0x60: {  	_ =	strace $0x9000004A  }
0x61: {  	s0 =	sadd.s32 @!p0 $0x100000, s0;
	[bflag:$0x2] =	sbarrier.arrive $0xFFFF  }
0x62: {  	[sflag:s0] =	ssyncadd.tile.s32 @!p0 $0x1;
	s0 =	simm.s32 @!p0 $0x3F  }
0x63: {  	_ =	swait.ge @!p0 [sflag:s0], s1  }
0x64: {  	s1 =	ssub.s32 @!p0 $0x0, s1;
	[sflag:s0] =	ssyncset.done @!p0 $0x0  }
0x65: {  	[sflag:s0] =	ssyncadd.s32 @!p0 s1  }
0x66: {  	[bflag:$0x3] =	sbarrier.arrive $0xFFFF  }
0x67: {  	_ =	shalt  }
.Lfunc_end2:
execute1_lowered:
.L_overlay_start_2:
0x68: {  	(tag) =	ssettag $0x2  }
0x69: {  	s2 =	rddreg [dreg:$0x0]  }
0x6a: {  	s4 =	rddreg [dreg:$0x1];
	_ =	strace $0x8000004D;
	s0 =	simm.s32 $0x1  }
0x6b: {  	s3 =	simm.s32 $0x88;
	v0 =	vimm.s32 $0x0;
	[sflag:s0] =	ssyncpa.u1 $0x0  }
0x6c: {  	s1 =	sadd.s32 $0x54AC00, s2;
	[tilespmem:s3+$0x30] =	vst v0  }
0x6d: {  	s0 =	sadd.s32 $0xF35E00, s2;
	s6 =	sadd.s32 $0xA53E00, s2;
	[tilespmem:s3+$0x20] =	vst v0  }
0x6e: {  	s2 =	sadd.s32 $0xF3FC00, s2;
	s7 =	sand.u32 $0x1, s4;
	s4 =	simm.s32 $0x40;
	[tilespmem:s3+$0x10] =	vst v0  }
.LBB3_1:
0x6f: {  	s4 =	sadd.s32 $0x40, s4  }
0x70: {  	[tilespmem:s3+$0x0] =	vst v0;
	s3 =	sadd.s32 $0x40, s3;
	p0 =	slt.u32 s4, $0x5040  }
.Ltmp7:
0x71: {  	(pc) =	sbr.rel @p0 .LBB3_1-.Ltmp7, $4  }
0x72: {  	_ = 	snop  }
0x73: {  	[tilespmem:s3+$0x30] =	vst v0  }
0x74: {  	[tilespmem:s3+$0x20] =	vst v0  }
0x75: {  	[tilespmem:s3+$0x10] =	vst v0  }
0x76: {  	s8 =	stileid.u32  }
0x77: {  	s4 =	smul.u32 $0x1F, s8  }
0x78: {  	s5 =	smin.u32 s8, $0x4  }
0x79: {  	s4 =	sadd.s32 s5, s4  }
0x7a: {  	p0 =	slt.u32 s8, $0x4;
	s12 =	smul.u32 $0x140, s4;
	s4 =	simm.s32 $0x2800  }
0x7b: {  	s4 =	simm.s32 @!p0 $0x26C0  }
0x7c: {  	s25 =	simm.s32 $0x2;
	s4 =	sadd.s32 s4, s12  }
0x7d: {  	s28 =	simm.s32 $0x9;
	s9 =	simm.s32 $0xA;
	s14 =	smin.u32 s4, $0x27100  }
0x7e: {  	s30 =	simm.s32 $0xB;
	[dreg:$0x4] =	wrdreg s7;
	s4 =	ssub.s32 s14, s12  }
0x7f: {  	s31 =	smul.u32 $0x4E20, s7;
	s13 =	simm.s32 $0x1;
	p0 =	sgt.s32 s4, $0x0  }
0x80: {  	s19 =	simm.s32 $0x0;
	s20 =	simm.s32 $0xA808;
	s4 =	simm.s32 @!p0 $0x0  }
0x81: {  	s21 =	simm.s32 $0xFFFFFFFF;
	p1 =	por $0x0, $0x0;
	s26 =	smulhi.u32 $0x66666667, s4  }
0x82: {  	[tilespmem:s3+$0x0] =	vst v0;
	s23 =	simm.s32 $0x0;
	[sflag:s25] =	ssyncpa.u1 $0x0;
	s18 =	sshll.u32 s8, $0x7  }
0x83: {  	s0 =	sadd.s32 s31, s0;
	[dreg:$0xa] =	wrdreg s18;
	s3 =	sshrl.u32 s26, $0x7  }
0x84: {  	v0 =	vimm.s32 $0xFFFFFFFF;
	s17 =	sadd.s32 s31, s2;
	[dreg:$0x9] =	wrdreg s0;
	s29 =	smul.u32 $0x140, s3  }
0x85: {  	s25 =	simm.s32 $0x0;
	[tilespmem:$0xA108] =	vst v0;
	[sflag:s28] =	ssyncpa.u1 $0x0;
	[dreg:$0x8] =	wrdreg s17  }
.Ltmp8:
0x86: {  	p0 =	sne.s32 s4, s29;
	s4 =	simm.s32 $0x1;
	(pc) =	sbr.rel .LBB3_3-.Ltmp8, $4  }
0x87: {  	[sflag:s9] =	ssyncpa.u1 $0x0;
	[dreg:$0x5] =	wrdreg s12;
	s4 =	simm.s32 @!p0 $0x0  }
0x88: {  	[sflag:s30] =	ssyncpa.u1 $0x0;
	[dreg:$0x6] =	wrdreg s14;
	s15 =	sadd.s32 s4, s3  }
0x89: {  	s24 =	smov.u32 s12;
	s22 =	sadd.s32 $0x1, s15;
	[dreg:$0x7] =	wrdreg s15  }
0x8a: {  	v0 =	vlaneseq.u32;
	s26 =	simm.s32 $0x0;
	p0 =	por $0x1, $0x1;
	[dreg:$0xb] =	wrdreg s22  }
.LBB3_22:
0x8b: {  	s0 =	sshrl.u32 s3, $0x2  }
.LBB3_24:
0x8c: {  	s3 =	simm.s32 $0xC  }
0x8d: {  	_ =	swait.ge [sflag:s3], s0  }
0x8e: {  	s31 =	ssub.s32 $0x0, s0;
	v1 =	vmov s4;
	vm0 =	veq.s32 v0, $0x0;
	[sflag:s3] =	ssyncset.done $0x0  }
0x8f: {  	vm15 =	veq.s32 v0, $0x2;
	v1 =	vsel vm0, s2, v1;
	[sflag:s3] =	ssyncadd.s32 s31  }
0x90: {  	v1 =	vsel vm15, s26, v1;
	[sflag:s3] =	ssyncpa.u1 $0x1  }
0x91: {  	[tilespmem:$0xA108] =	vst v1  }
.LBB3_25:
0x92: {  	s0 =	sadd.s32 $0x140, s24  }
0x93: {  	s2 =	smov.u32 s12;
	p2 =	slt.s32 s0, s14  }
0x94: {  	s2 =	smov.u32 @p2 s0;
	p2 =	sne.s32 s25, s22  }
.Ltmp9:
0x95: {  	_ = 	snop;
	(pc) =	sbr.rel @!p2 .LBB3_26-.Ltmp9, $4  }
0x96: {  	_ = 	snop  }
0x97: {  	s26 =	smov.u32 s23;
	s31 =	sadd.s32 $0x1, s25;
	p0 =	por !p0, !p0  }
0x98: {  	s23 =	smov.u32 s24;
	s20 =	sadd.s32 $0x140, s20;
	s21 =	sadd.s32 $0x1, s21  }
0x99: {  	p1 =	por !p1, !p1;
	s25 =	smov.u32 s31;
	s24 =	smov.u32 s2  }
.LBB3_3:
0x9a: {  	p2 =	sge.u32 s25, s15  }
0x9b: {  	s0 =	smulhi.u32 @!p2 $0xAAAAAAAB, s25  }
0x9c: {  	s2 =	smov.u32 s24;
	p3 =	sgt.s32 @!p2 s24, $0x26FC0  }
0x9d: {  	s3 =	sshra.s32 @!p2 s24, $0x1F;
	p3 =	por !p3, p2;
	s0 =	sshrl.u32 @!p2 s0, $0x1  }
0x9e: {  	s3 =	sand.u32 @!p2 s3, s24;
	s2 =	simm.s32 @p3 $0x26FC0;
	s0 =	smul.u32 @!p2 $0x3, s0  }
0x9f: {  	s2 =	ssub.s32 @!p2 s2, s3  }
0xa0: {  	s2 =	sadd.s32 @!p2 $0xFFFD9040, s2;
	s0 =	ssub.s32 @!p2 s25, s0  }
0xa1: {  	s3 =	sshll.u32 @!p2 s2, $0x2;
	p3 =	sgt.s32 @!p2 s2, $0x13F;
	s0 =	smul.u32 @!p2 $0x500, s0  }
0xa2: {  	s4 =	sand.u32 @!p2 $0x7, s24;
	s2 =	ssub.s32 @!p2 $0x500, s3;
	p3 =	por !p3, p2  }
0xa3: {  	s3 =	sshrl.u32 @!p2 s24, $0x3;
	s2 =	sshrl.u32 @!p2 s2, $0x2;
	s0 =	sshrl.u32 @!p2 s0, $0x2  }
0xa4: {  	s3 =	sadd.s32 @!p2 s3, s17;
	s2 =	simm.s32 @!p3 $0x0;
	s0 =	sadd.s32 @!p2 $0xA948, s0  }
0xa5: {  	[tilespmem:s0], [sflag:$0xA] =	stream.linear.gather @!p2 [hbm4b:s3+s4], s2, $0x38;
	[tilespmem:$0x1EF88] =	vst v63  }
0xa6: {  	s0 =	sadd.s32 $0xFFFFFFFF, s25  }
0xa7: {  	p2 =	sge.u32 s0, s15  }
.Ltmp10:
0xa8: {  	_ = 	snop;
	(pc) =	sbr.rel @p2 .LBB3_7-.Ltmp10, $1  }
0xa9: {  	_ =	sdelay $0x3  }
0xaa: {  	p2 =	sgt.s32 s23, $0x26FC0;
	s2 =	smov.u32 s23;
	s3 =	sshra.s32 s23, $0x1F  }
0xab: {  	s2 =	simm.s32 @!p2 $0x26FC0;
	s3 =	sand.u32 s3, s23  }
0xac: {  	s17 =	smulhi.u32 $0xAAAAAAAB, s21;
	s2 =	ssub.s32 s2, s3  }
0xad: {  	s0 =	sand.u32 $0x1, s0;
	s2 =	sadd.s32 $0xFFFD9040, s2  }
0xae: {  	s5 =	simm.s32 $0xA;
	s3 =	sshrl.u32 s17, $0x1;
	s4 =	sshll.u32 s2, $0x2  }
0xaf: {  	s7 =	sshrl.u32 s23, $0x3;
	s3 =	smul.u32 $0xFFFFF100, s3;
	s4 =	ssub.s32 $0x500, s4  }
0xb0: {  	s18 =	smul.u32 $0x500, s0;
	p2 =	sgt.s32 s2, $0x13F;
	s2 =	sshrl.u32 s4, $0x2  }
0xb1: {  	s9 =	sand.u32 $0x7, s23;
	s3 =	sshra.s32 s3, $0x2;
	s2 =	simm.s32 @p2 $0x0  }
0xb2: {  	s0 =	sadd.s32 s3, s20;
	s4 =	sshrl.u32 s18, $0x2;
	_ =	swait.ge [sflag:s5], s2  }
0xb3: {  	s22 =	ssub.s32 $0x0, s2;
	[sflag:s5] =	ssyncset.done $0x0;
	s8 =	rddreg [dreg:$0x9]  }
0xb4: {  	s4 =	sadd.s32 $0xAD08, s4;
	[sflag:s5] =	ssyncadd.s32 s22;
	s3 =	sadd.s32 s7, s8  }
0xb5: {  	[tilespmem:s4], [sflag:$0xB] =	stream.linear.gather [hbm4b:s3+s9], s2, $0x38;
	[tilespmem:$0x1EF88] =	vst v63  }
0xb6: {  	v1 =	vld.msk [tilespmem:s0+$0x0], $0xffff;
	_ =	sdelay $0x4  }
0xb7: {  	v1 =	vshll.u32 v1, $0x4  }
0xb8: {  	(v2sf) =	vpush v1, $0x0  }
0xb9: {  	(v2sf) =	vpush v1, $0x1  }
0xba: {  	(v2sf) =	vpush v1, $0x2;
	_ =	sdelay $0x3  }
0xbb: {  	(v2sf) =	vpush v1, $0x3;
	_ =	sdelay $0x1  }
0xbc: {  	(v2sf) =	vpush v1, $0x4  }
0xbd: {  	s2 =	simm.s32 $0x1;
	(v2sf) =	vpush v1, $0x5  }
0xbe: {  	s2 =	simm.s32 @!p0 $0x0  }
0xbf: {  	s2 =	smul.u32 $0x28000, s2;
	(v2sf) =	vpush v1, $0x6;
	_ =	sdelay $0x1  }
0xc0: {  	s2 =	sshrl.u32 s2, $0x2  }
0xc1: {  	s28 =	sadd.s32 $0xB708, s2  }
0xc2: {  	s12 =	sadd.s32 $0xFFFFF880, s28;
	s17 =	sadd.s32 $0xFFFFF900, s28;
	s10 =	spop (v2sf);
	(v2sf) =	vpush v1, $0x7  }
0xc3: {  	s18 =	sadd.s32 $0xFFFFF980, s28;
	s11 =	sand.u32 $0x1FFFFFF0, s10;
	s14 =	spop (v2sf)  }
0xc4: {  	(v2sf) =	vpush v1, $0x8;
	s2 =	sadd.s32 s6, s11;
	s15 =	sand.u32 $0x1FFFFFF0, s14;
	s16 =	spop (v2sf)  }
0xc5: {  	[tilespmem:s12], [sflag:$0x9] =	stream.linear.gather [hbm4b:s2+s19], $0x40, $0x38;
	[tilespmem:$0x1EF88] =	vst v63  }
0xc6: {  	s5 =	sadd.s32 $0xFFFFFA00, s28;
	s2 =	sadd.s32 s6, s15;
	s3 =	sand.u32 $0x1FFFFFF0, s16  }
0xc7: {  	(v2sf) =	vpush v1, $0x9;
	[tilespmem:s17], [sflag:$0x9] =	stream.linear.gather [hbm4b:s2+s19], $0x40, $0x38;
	[tilespmem:$0x1EF88] =	vst v63  }
0xc8: {  	s7 =	sadd.s32 $0xFFFFFA80, s28;
	s22 =	spop (v2sf);
	s3 =	sadd.s32 s6, s3  }
0xc9: {  	(v2sf) =	vpush v1, $0xA;
	[tilespmem:s18], [sflag:$0x9] =	stream.linear.gather [hbm4b:s3+s19], $0x40, $0x38;
	[tilespmem:$0x1EF88] =	vst v63  }
0xca: {  	s11 =	sadd.s32 $0xFFFFFB00, s28;
	s4 =	spop (v2sf);
	(v2sf) =	vpush v1, $0xB;
	s3 =	sand.u32 $0x1FFFFFF0, s22  }
0xcb: {  	s8 =	spop (v2sf);
	s2 =	sadd.s32 s6, s3;
	s3 =	sand.u32 $0x1FFFFFF0, s4  }
0xcc: {  	(v2sf) =	vpush v1, $0xC;
	[tilespmem:s5], [sflag:$0x9] =	stream.linear.gather [hbm4b:s2+s19], $0x40, $0x38;
	[tilespmem:$0x1EF88] =	vst v63  }
0xcd: {  	s9 =	sand.u32 $0x1FFFFFF0, s8;
	s10 =	spop (v2sf);
	s3 =	sadd.s32 s6, s3  }
0xce: {  	(v2sf) =	vpush v1, $0xD;
	[tilespmem:s7], [sflag:$0x9] =	stream.linear.gather [hbm4b:s3+s19], $0x40, $0x38;
	[tilespmem:$0x1EF88] =	vst v63  }
0xcf: {  	s12 =	sadd.s32 $0xFFFFFB80, s28;
	s2 =	sadd.s32 s6, s9;
	s3 =	sand.u32 $0x1FFFFFF0, s10  }
0xd0: {  	[tilespmem:s11], [sflag:$0x9] =	stream.linear.gather [hbm4b:s2+s19], $0x40, $0x38;
	[tilespmem:$0x1EF88] =	vst v63  }
0xd1: {  	s17 =	sadd.s32 $0xFFFFFC00, s28;
	s3 =	sadd.s32 s6, s3;
	s14 =	spop (v2sf)  }
0xd2: {  	[tilespmem:s12], [sflag:$0x9] =	stream.linear.gather [hbm4b:s3+s19], $0x40, $0x38;
	(v2sf) =	vpush v1, $0xE;
	[tilespmem:$0x1EF88] =	vst v63  }
0xd3: {  	s18 =	sadd.s32 $0xFFFFFC80, s28;
	s15 =	sand.u32 $0x1FFFFFF0, s14;
	s16 =	spop (v2sf)  }
0xd4: {  	s5 =	sadd.s32 $0xFFFFFD00, s28;
	(v2sf) =	vpush v1, $0xF;
	s2 =	sadd.s32 s6, s15;
	s3 =	sand.u32 $0x1FFFFFF0, s16  }
0xd5: {  	[tilespmem:s17], [sflag:$0x9] =	stream.linear.gather [hbm4b:s2+s19], $0x40, $0x38;
	[tilespmem:$0x1EF88] =	vst v63  }
0xd6: {  	s7 =	sadd.s32 $0xFFFFFD80, s28;
	s22 =	spop (v2sf);
	s3 =	sadd.s32 s6, s3  }
0xd7: {  	[tilespmem:s18], [sflag:$0x9] =	stream.linear.gather [hbm4b:s3+s19], $0x40, $0x38;
	[tilespmem:$0x1EF88] =	vst v63  }
0xd8: {  	s11 =	sadd.s32 $0xFFFFFE00, s28;
	s4 =	spop (v2sf);
	s3 =	sand.u32 $0x1FFFFFF0, s22  }
0xd9: {  	s8 =	spop (v2sf);
	s2 =	sadd.s32 s6, s3;
	s3 =	sand.u32 $0x1FFFFFF0, s4  }
0xda: {  	[tilespmem:s5], [sflag:$0x9] =	stream.linear.gather [hbm4b:s2+s19], $0x40, $0x38;
	[tilespmem:$0x1EF88] =	vst v63  }
0xdb: {  	s9 =	sand.u32 $0x1FFFFFF0, s8;
	s10 =	spop (v2sf);
	s3 =	sadd.s32 s6, s3  }
0xdc: {  	[tilespmem:s7], [sflag:$0x9] =	stream.linear.gather [hbm4b:s3+s19], $0x40, $0x38;
	[tilespmem:$0x1EF88] =	vst v63  }
0xdd: {  	s14 =	spop (v2sf);
	s2 =	sadd.s32 s6, s9;
	s3 =	sand.u32 $0x1FFFFFF0, s10  }
0xde: {  	[tilespmem:s11], [sflag:$0x9] =	stream.linear.gather [hbm4b:s2+s19], $0x40, $0x38;
	[tilespmem:$0x1EF88] =	vst v63  }
0xdf: {  	s12 =	sadd.s32 $0xFFFFFE80, s28;
	s15 =	sand.u32 $0x1FFFFFF0, s14;
	s3 =	sadd.s32 s6, s3  }
0xe0: {  	[tilespmem:s12], [sflag:$0x9] =	stream.linear.gather [hbm4b:s3+s19], $0x40, $0x38;
	[tilespmem:$0x1EF88] =	vst v63  }
0xe1: {  	s17 =	sadd.s32 $0xFFFFFF00, s28;
	s2 =	sadd.s32 s6, s15;
	s16 =	spop (v2sf)  }
0xe2: {  	[tilespmem:s17], [sflag:$0x9] =	stream.linear.gather [hbm4b:s2+s19], $0x40, $0x38;
	[tilespmem:$0x1EF88] =	vst v63  }
0xe3: {  	s29 =	simm.s32 $0x0;
	s3 =	sand.u32 $0x1FFFFFF0, s16;
	s18 =	spop (v2sf)  }
0xe4: {  	s22 =	sadd.s32 $0xFFFFFF80, s28;
	s3 =	sadd.s32 s6, s3;
	s2 =	sand.u32 $0x1FFFFFF0, s18  }
0xe5: {  	[tilespmem:s22], [sflag:$0x9] =	stream.linear.gather [hbm4b:s3+s19], $0x40, $0x38;
	[tilespmem:$0x1EF88] =	vst v63  }
0xe6: {  	s31 =	sadd.s32 $0x10, s0;
	s30 =	sadd.s32 $0x800, s28;
	s2 =	sadd.s32 s6, s2  }
.LBB3_5:
0xe7: {  	[tilespmem:s28], [sflag:$0x9] =	stream.linear.gather [hbm4b:s2+s19], $0x40, $0x38;
	[tilespmem:$0x1EF88] =	vst v63  }
0xe8: {  	s29 =	sadd.s32 $0x10, s29;
	s28 =	smov.u32 s30  }
0xe9: {  	p2 =	slt.u32 s29, $0x130;
	v1 =	vld.msk [tilespmem:s31+$0x0], $0xffff;
	_ =	sdelay $0x4  }
0xea: {  	v1 =	vshll.u32 v1, $0x4  }
0xeb: {  	(v2sf) =	vpush v1, $0x0  }
0xec: {  	(v2sf) =	vpush v1, $0x1  }
0xed: {  	(v2sf) =	vpush v1, $0x2;
	_ =	sdelay $0x1  }
0xee: {  	(v2sf) =	vpush v1, $0x3;
	_ =	sdelay $0x1  }
0xef: {  	(v2sf) =	vpush v1, $0x4;
	_ =	sdelay $0x1  }
0xf0: {  	(v2sf) =	vpush v1, $0x5;
	_ =	sdelay $0x1  }
0xf1: {  	(v2sf) =	vpush v1, $0x6  }
0xf2: {  	s4 =	sadd.s32 $0xFFFFFE80, s30;
	s0 =	sadd.s32 $0xFFFFFF00, s30  }
0xf3: {  	s3 =	sadd.s32 $0xFFFFFD00, s30;
	s2 =	sadd.s32 $0xFFFFFD80, s30;
	s5 =	sadd.s32 $0xFFFFFE00, s30;
	(v2sf) =	vpush v1, $0x7  }
0xf4: {  	s10 =	sadd.s32 $0xFFFFFB80, s30;
	s9 =	sadd.s32 $0xFFFFFC00, s30;
	s16 =	sadd.s32 $0xFFFFFC80, s30  }
0xf5: {  	s11 =	sadd.s32 $0xFFFFFA00, s30;
	s12 =	sadd.s32 $0xFFFFFA80, s30;
	s15 =	sadd.s32 $0xFFFFFB00, s30;
	(v2sf) =	vpush v1, $0x8  }
0xf6: {  	s18 =	sadd.s32 $0xFFFFF900, s30;
	s7 =	sadd.s32 $0xFFFFF980, s30;
	s22 =	spop (v2sf)  }
0xf7: {  	s8 =	sadd.s32 $0xFFFFF880, s30;
	s22 =	sand.u32 $0x1FFFFFF0, s22;
	s14 =	spop (v2sf);
	(v2sf) =	vpush v1, $0x9  }
0xf8: {  	s22 =	sadd.s32 s6, s22;
	s14 =	sand.u32 $0x1FFFFFF0, s14;
	s17 =	spop (v2sf)  }
0xf9: {  	[tilespmem:s8], [sflag:$0x9] =	stream.linear.gather [hbm4b:s22+s19], $0x40, $0x38;
	(v2sf) =	vpush v1, $0xA;
	[tilespmem:$0x1EF88] =	vst v63  }
0xfa: {  	s8 =	sadd.s32 s6, s14;
	s14 =	sand.u32 $0x1FFFFFF0, s17;
	s17 =	spop (v2sf)  }
0xfb: {  	[tilespmem:s18], [sflag:$0x9] =	stream.linear.gather [hbm4b:s8+s19], $0x40, $0x38;
	(v2sf) =	vpush v1, $0xB;
	[tilespmem:$0x1EF88] =	vst v63  }
0xfc: {  	s8 =	sadd.s32 s6, s14;
	s14 =	sand.u32 $0x1FFFFFF0, s17;
	s17 =	spop (v2sf)  }
0xfd: {  	[tilespmem:s7], [sflag:$0x9] =	stream.linear.gather [hbm4b:s8+s19], $0x40, $0x38;
	(v2sf) =	vpush v1, $0xC;
	[tilespmem:$0x1EF88] =	vst v63  }
0xfe: {  	s7 =	sadd.s32 s6, s14;
	s8 =	sand.u32 $0x1FFFFFF0, s17;
	s14 =	spop (v2sf)  }
0xff: {  	[tilespmem:s11], [sflag:$0x9] =	stream.linear.gather [hbm4b:s7+s19], $0x40, $0x38;
	(v2sf) =	vpush v1, $0xD;
	[tilespmem:$0x1EF88] =	vst v63  }
0x100: {  	s7 =	sadd.s32 s6, s8;
	s8 =	sand.u32 $0x1FFFFFF0, s14;
	s11 =	spop (v2sf)  }
0x101: {  	[tilespmem:s12], [sflag:$0x9] =	stream.linear.gather [hbm4b:s7+s19], $0x40, $0x38;
	(v2sf) =	vpush v1, $0xE;
	[tilespmem:$0x1EF88] =	vst v63  }
0x102: {  	s7 =	sadd.s32 s6, s8;
	s8 =	sand.u32 $0x1FFFFFF0, s11;
	s11 =	spop (v2sf)  }
0x103: {  	[tilespmem:s15], [sflag:$0x9] =	stream.linear.gather [hbm4b:s7+s19], $0x40, $0x38;
	(v2sf) =	vpush v1, $0xF;
	[tilespmem:$0x1EF88] =	vst v63  }
0x104: {  	s7 =	sadd.s32 s6, s8;
	s8 =	sand.u32 $0x1FFFFFF0, s11;
	s11 =	spop (v2sf)  }
0x105: {  	[tilespmem:s10], [sflag:$0x9] =	stream.linear.gather [hbm4b:s7+s19], $0x40, $0x38;
	[tilespmem:$0x1EF88] =	vst v63  }
0x106: {  	s7 =	sadd.s32 s6, s8;
	s8 =	sand.u32 $0x1FFFFFF0, s11;
	s10 =	spop (v2sf)  }
0x107: {  	[tilespmem:s9], [sflag:$0x9] =	stream.linear.gather [hbm4b:s7+s19], $0x40, $0x38;
	[tilespmem:$0x1EF88] =	vst v63  }
0x108: {  	s7 =	sadd.s32 s6, s8;
	s8 =	sand.u32 $0x1FFFFFF0, s10;
	s9 =	spop (v2sf)  }
0x109: {  	[tilespmem:s16], [sflag:$0x9] =	stream.linear.gather [hbm4b:s7+s19], $0x40, $0x38;
	[tilespmem:$0x1EF88] =	vst v63  }
0x10a: {  	s7 =	sadd.s32 s6, s8;
	s8 =	sand.u32 $0x1FFFFFF0, s9;
	s9 =	spop (v2sf)  }
0x10b: {  	[tilespmem:s3], [sflag:$0x9] =	stream.linear.gather [hbm4b:s7+s19], $0x40, $0x38;
	[tilespmem:$0x1EF88] =	vst v63  }
0x10c: {  	s3 =	sadd.s32 s6, s8;
	s7 =	sand.u32 $0x1FFFFFF0, s9;
	s8 =	spop (v2sf)  }
0x10d: {  	[tilespmem:s2], [sflag:$0x9] =	stream.linear.gather [hbm4b:s3+s19], $0x40, $0x38;
	[tilespmem:$0x1EF88] =	vst v63  }
0x10e: {  	s2 =	sadd.s32 s6, s7;
	s3 =	sand.u32 $0x1FFFFFF0, s8;
	s7 =	spop (v2sf)  }
0x10f: {  	[tilespmem:s5], [sflag:$0x9] =	stream.linear.gather [hbm4b:s2+s19], $0x40, $0x38;
	[tilespmem:$0x1EF88] =	vst v63  }
0x110: {  	s2 =	sadd.s32 s6, s3;
	s3 =	sand.u32 $0x1FFFFFF0, s7;
	s5 =	spop (v2sf)  }
0x111: {  	[tilespmem:s4], [sflag:$0x9] =	stream.linear.gather [hbm4b:s2+s19], $0x40, $0x38;
	[tilespmem:$0x1EF88] =	vst v63  }
0x112: {  	s2 =	sadd.s32 s6, s3  }
.Ltmp11:
0x113: {  	s3 =	sand.u32 $0x1FFFFFF0, s5;
	s4 =	spop (v2sf);
	(pc) =	sbr.rel @p2 .LBB3_5-.Ltmp11, $4  }
0x114: {  	[tilespmem:s0], [sflag:$0x9] =	stream.linear.gather [hbm4b:s2+s19], $0x40, $0x38;
	[tilespmem:$0x1EF88] =	vst v63  }
0x115: {  	s0 =	sadd.s32 s6, s3;
	s2 =	sadd.s32 $0xFFFFFF80, s30;
	s3 =	sand.u32 $0x1FFFFFF0, s4  }
0x116: {  	[tilespmem:s2], [sflag:$0x9] =	stream.linear.gather [hbm4b:s0+s19], $0x40, $0x38;
	[tilespmem:$0x1EF88] =	vst v63  }
0x117: {  	s31 =	sadd.s32 $0x10, s31;
	s30 =	sadd.s32 $0x800, s30;
	s2 =	sadd.s32 s6, s3  }
0x118: {  	[tilespmem:s28], [sflag:$0x9] =	stream.linear.gather [hbm4b:s2+s19], $0x40, $0x38;
	[tilespmem:$0x1EF88] =	vst v63  }
0x119: {  	s12 =	rddreg [dreg:$0x5]  }
0x11a: {  	s14 =	rddreg [dreg:$0x6]  }
0x11b: {  	s15 =	rddreg [dreg:$0x7]  }
0x11c: {  	s17 =	rddreg [dreg:$0x8]  }
0x11d: {  	s18 =	rddreg [dreg:$0xa]  }
0x11e: {  	s22 =	rddreg [dreg:$0xb]  }
.LBB3_7:
0x11f: {  	p2 =	slt.u32 s25, $0x2  }
.Ltmp12:
0x120: {  	_ = 	snop;
	(pc) =	sbr.rel @p2 .LBB3_25-.Ltmp12, $1  }
0x121: {  	_ =	sdelay $0x3  }
0x122: {  	p2 =	sgt.s32 s26, $0x26FC0;
	s0 =	smov.u32 s26;
	s2 =	sshra.s32 s26, $0x1F  }
0x123: {  	s0 =	simm.s32 @!p2 $0x26FC0;
	s2 =	sand.u32 s2, s26  }
0x124: {  	s0 =	ssub.s32 s0, s2  }
0x125: {  	s0 =	sadd.s32 $0xFFFD9040, s0  }
0x126: {  	s3 =	simm.s32 $0x9;
	s29 =	sshll.u32 s0, $0x2  }
0x127: {  	_ =	swait.ge [sflag:s3], $0x5000;
	s2 =	ssub.s32 $0x500, s29  }
0x128: {  	[sflag:s3] =	ssyncset.done $0x0;
	p2 =	sgt.s32 s0, $0x13F;
	s0 =	sshrl.u32 s2, $0x2  }
0x129: {  	s30 =	simm.s32 $0xB;
	[sflag:s3] =	ssyncadd.s32 $0xFFFFB000;
	s0 =	simm.s32 @p2 $0x0  }
0x12a: {  	_ =	swait.ge [sflag:s30], s0  }
0x12b: {  	s0 =	ssub.s32 $0x0, s0;
	[sflag:s30] =	ssyncset.done $0x0  }
0x12c: {  	[sflag:s30] =	ssyncadd.s32 s0  }
0x12d: {  	v1 =	vld [tilespmem:$0xA108];
	_ =	sdelay $0x4  }
0x12e: {  	(v2sf) =	vpush v1, $0x0  }
0x12f: {  	(v2sf) =	vpush v1, $0x1  }
0x130: {  	(v2sf) =	vpush v1, $0x2;
	_ =	sdelay $0x3  }
0x131: {  	s0 =	sadd.s32 $0x140, s26  }
0x132: {  	s4 =	ssub.s32 $0x4E200, s26;
	p2 =	slt.s32 s14, s0  }
0x133: {  	s0 =	smov.u32 @p2 s14;
	p2 =	sgt.s32 s4, $0x0  }
0x134: {  	s0 =	ssub.s32 s0, s26;
	s4 =	simm.s32 @!p2 $0x0  }
0x135: {  	p2 =	slt.s32 s4, s0  }
0x136: {  	s0 =	smov.u32 @p2 s4  }
0x137: {  	s2 =	simm.s32 $0x1;
	p2 =	slt.s32 s0, $0x1  }
.Ltmp13:
0x138: {  	s2 =	simm.s32 @!p1 $0x0;
	(pc) =	sbr.rel @p2 .LBB3_12-.Ltmp13, $4  }
0x139: {  	s7 =	smul.u32 $0x500, s2  }
0x13a: {  	s3 =	spop (v2sf)  }
0x13b: {  	s31 =	sshrl.u32 s7, $0x2;
	s5 =	spop (v2sf)  }
0x13c: {  	s28 =	sadd.s32 $0xAD08, s31;
	s26 =	spop (v2sf)  }
0x13d: {  	s4 =	smin.u32 s0, $0x10  }
0x13e: {  	v1 =	vmov s4  }
0x13f: {  	p3 =	sgt.s32 s0, $0x10;
	vm1 =	vgt.u32 v1, v0  }
.Ltmp14:
0x140: {  	_ = 	snop;
	(pc) =	sbr.rel @!p3 .LBB3_11-.Ltmp14, $2  }
0x141: {  	_ =	sdelay $0x2  }
0x142: {  	s9 =	simm.s32 $0x10;
	s10 =	sadd.s32 $0xFFFFFFF0, s0;
	s4 =	smov.u32 s28;
	vm0 =	vmmov vm1  }
.LBB3_10:
0x143: {  	s7 =	smin.u32 s10, $0x10;
	s9 =	sadd.s32 $0x10, s9;
	v1 =	vld.msk [tilespmem:s4+$0x0 ss:$0x1], vm1  }
0x144: {  	v2 =	vmov s7;
	p3 =	slt.s32 s9, s0  }
0x145: {  	vm1 =	vgt.u32 v2, v0  }
.Ltmp15:
0x146: {  	(pc) =	sbr.rel @p3 .LBB3_10-.Ltmp15, $3  }
0x147: {  	_ =	sdelay $0x1  }
0x148: {  	v1 =	vshll.u32 v1, $0x4  }
0x149: {  	s10 =	sadd.s32 $0xFFFFFFF0, s10;
	[tilespmem:s4+$0x0] =	vst.msk vm0, v1;
	s4 =	sadd.s32 $0x10, s4;
	vm0 =	vmmov vm1  }
.LBB3_11:
0x14a: {  	_ =	sdelay $0x4  }
0x14b: {  	v1 =	vld.msk [tilespmem:s4+$0x0 ss:$0x1], vm1;
	_ =	sdelay $0x4  }
0x14c: {  	v1 =	vshll.u32 v1, $0x4  }
0x14d: {  	[tilespmem:s4+$0x0] =	vst.msk vm0, v1  }
.LBB3_12:
0x14e: {  	s4 =	sand.u32 $0x1, s25  }
0x14f: {  	s4 =	smul.u32 $0x140, s4  }
0x150: {  	p3 =	sne.s32 s5, $0xFFFFFFFF  }
0x151: {  	v1 =	vld.msk @!p3 [tilespmem:s4+$0xAD08], $0x1;
	_ =	sdelay $0x4  }
0x152: {  	(v2sf) =	vpush @!p3 v1, $0x0;
	_ =	sdelay $0xc  }
.Ltmp16:
0x153: {  	_ = 	snop;
	(pc) =	sbr.rel @p2 .LBB3_23-.Ltmp16, $4  }
0x154: {  	_ = 	snop  }
0x155: {  	s29 =	spop @!p3 (v2sf)  }
0x156: {  	s31 =	simm.s32 $0xC;
	s26 =	simm.s32 @!p3 $0x0;
	s4 =	smov.u32 s29  }
0x157: {  	[sflag:s31] =	ssyncpa.u1 $0x0;
	s29 =	smov.u32 @p3 s3;
	s4 =	smov.u32 @p3 s5  }
0x158: {  	v1 =	vld.msk [tilespmem:s28+$0x0], $0x1;
	_ =	sdelay $0x4  }
0x159: {  	(v2sf) =	vpush v1, $0x0;
	_ =	sdelay $0xe  }
0x15a: {  	s2 =	smul.u32 $0x28000, s2;
	s5 =	spop (v2sf)  }
0x15b: {  	s31 =	ssub.s32 $0x0, s0;
	p2 =	seq.s32 s29, s5  }
0x15c: {  	s3 =	smov.u32 s29;
	s2 =	sshrl.u32 s2, $0x2;
	p3 =	sgt.s32 @!p2 s29, $0x0  }
0x15d: {  	s30 =	sadd.s32 $0xAFA8, s2;
	s2 =	sadd.s32 $0x1, s31;
	p3 =	por !p3, p2  }
0x15e: {  	s3 =	simm.s32 @p3 $0x0;
	p3 =	seq.s32 s2, $0x0  }
.Ltmp17:
0x15f: {  	_ = 	snop;
	(pc) =	sbr.rel @p3 .LBB3_15-.Ltmp17, $4  }
0x160: {  	_ = 	snop  }
0x161: {  	s0 =	simm.s32 $0x0;
	s9 =	simm.s32 @!p2 $0x1;
	s3 =	smin.u32 @!p2 s3, $0x270F8  }
0x162: {  	s10 =	simm.s32 @!p2 $0x50C8;
	s9 =	smov.u32 @p2 s0;
	s7 =	sand.u32 @!p2 $0x3FFF8, s3  }
0x163: {  	s16 =	sand.u32 @!p2 $0x7, s3;
	s3 =	sadd.s32 $0x1, s28;
	s11 =	sadd.s32 @!p2 s1, s7  }
.LBB3_14:
0x164: {  	s7 =	smov.u32 s9  }
0x165: {  	[tilespmem:s10], [sflag:$0x2] =	stream.linear.gather @!p2 [hbm4b:s11+s16], $0x40, $0x38;
	[tilespmem:$0x1EF88] =	vst v63  }
0x166: {  	s2 =	sadd.s32 $0x1, s2;
	s8 =	smov.u32 s5;
	v1 =	vld.msk [tilespmem:s3+$0x0], $0x1  }
0x167: {  	p3 =	seq.s32 s2, $0x0;
	_ =	sdelay $0x3  }
0x168: {  	(v2sf) =	vpush v1, $0x0;
	_ =	sdelay $0xe  }
0x169: {  	s5 =	spop (v2sf)  }
0x16a: {  	p2 =	seq.s32 s8, s5  }
0x16b: {  	p4 =	sgt.s32 @!p2 s8, $0x0;
	s10 =	sshll.u32 @!p2 s9, $0x8;
	s9 =	sadd.s32 @!p2 $0x1, s9  }
.Ltmp18:
0x16c: {  	p4 =	por !p4, p2;
	s10 =	sshra.s32 @!p2 s10, $0x2;
	(pc) =	sbr.rel @!p3 .LBB3_14-.Ltmp18, $4  }
0x16d: {  	s9 =	smov.u32 @p2 s7;
	s8 =	simm.s32 @p4 $0x0;
	s10 =	sadd.s32 @!p2 $0x50C8, s10  }
0x16e: {  	s7 =	smin.u32 @!p2 s8, $0x270F8  }
0x16f: {  	s8 =	sand.u32 @!p2 $0x3FFF8, s7;
	s16 =	sand.u32 @!p2 $0x7, s7  }
0x170: {  	s3 =	sadd.s32 $0x1, s3;
	s11 =	sadd.s32 @!p2 s1, s8  }
.LBB3_15:
0x171: {  	[tilespmem:s10], [sflag:$0x2] =	stream.linear.gather @!p2 [hbm4b:s11+s16], $0x40, $0x38;
	[tilespmem:$0x1EF88] =	vst v63  }
.Ltmp19:
0x172: {  	s2 =	sshll.u32 s9, $0x6;
	(pc) =	sbr.rel .LBB3_16-.Ltmp19, $4  }
0x173: {  	s3 =	simm.s32 $0x2;
	s2 =	sand.u32 $0x3FFFFFC0, s2  }
0x174: {  	_ =	swait.ge [sflag:s3], s2  }
0x175: {  	s2 =	ssub.s32 $0x0, s2;
	[sflag:s3] =	ssyncset.done $0x0  }
0x176: {  	[sflag:s3] =	ssyncadd.s32 s2;
	s3 =	simm.s32 $0x0  }
.LBB3_17:
0x177: {  	v1 =	vld [tilespmem:s30+$0xFFFFFFE0];
	_ =	sdelay $0x4  }
0x178: {  	[tilespmem:s5+$0x88] =	vst.add.f32.msk $0xffff, v1  }
0x179: {  	v1 =	vld [tilespmem:s30+$0xFFFFFFF0];
	_ =	sdelay $0x4  }
0x17a: {  	[tilespmem:s5+$0x98] =	vst.add.f32.msk $0xffff, v1  }
0x17b: {  	v1 =	vld [tilespmem:s30+$0x0];
	_ =	sdelay $0x4  }
0x17c: {  	[tilespmem:s5+$0xA8] =	vst.add.f32.msk $0xffff, v1  }
0x17d: {  	v1 =	vld [tilespmem:s30+$0x10];
	_ =	sdelay $0x4  }
0x17e: {  	[tilespmem:s5+$0xB8] =	vst.add.f32.msk $0xffff, v1  }
.LBB3_21:
0x17f: {  	s31 =	sadd.s32 $0x1, s31  }
0x180: {  	p2 =	seq.s32 s31, $0x0  }
.Ltmp20:
0x181: {  	_ = 	snop;
	(pc) =	sbr.rel @p2 .LBB3_22-.Ltmp20, $2  }
0x182: {  	_ =	sdelay $0x2  }
0x183: {  	s30 =	sadd.s32 $0x80, s30;
	s28 =	sadd.s32 $0x1, s28;
	s29 =	smov.u32 s2  }
.LBB3_16:
0x184: {  	v1 =	vld.msk [tilespmem:s28+$0x0], $0x1;
	_ =	sdelay $0x4  }
0x185: {  	(v2sf) =	vpush v1, $0x0;
	_ =	sdelay $0xe  }
0x186: {  	s2 =	spop (v2sf)  }
0x187: {  	p2 =	sne.s32 s29, s2  }
.Ltmp21:
0x188: {  	_ = 	snop;
	(pc) =	sbr.rel @!p2 .LBB3_17-.Ltmp21, $3  }
0x189: {  	_ =	sdelay $0x1  }
0x18a: {  	s5 =	sshll.u32 s26, $0x8  }
0x18b: {  	s5 =	sshra.s32 s5, $0x2  }
0x18c: {  	p2 =	seq.s32 s29, s4  }
.Ltmp22:
0x18d: {  	_ = 	snop;
	(pc) =	sbr.rel @!p2 .LBB3_19-.Ltmp22, $1  }
0x18e: {  	_ =	sdelay $0x3  }
.Ltmp23:
0x18f: {  	s5 =	sadd.s32 $0x88, s5;
	(pc) =	sbr.rel .LBB3_20-.Ltmp23, $4  }
0x190: {  	[spmem:s18] =	stream.linear.scatter [tilespmem:s5], [sflag:$0x1], $0x40, $0x38;
	[tilespmem:$0x1EF88] =	vst v63  }
0x191: {  	_ =	swait.ge [sflag:s13], $0x40  }
0x192: {  	[sflag:s13] =	ssyncset.done $0x0  }
0x193: {  	[sflag:s13] =	ssyncadd.s32 $0xFFFFFFC0  }
.LBB3_19:
0x194: {  	s7 =	sshll.u32 s0, $0x8  }
0x195: {  	s7 =	sshra.s32 s7, $0x2  }
0x196: {  	v1 =	vld [tilespmem:s7+$0x50C8];
	_ =	sdelay $0x4  }
0x197: {  	[tilespmem:s5+$0x88] =	vst.add.f32.msk $0xffff, v1  }
0x198: {  	v1 =	vld [tilespmem:s7+$0x50D8];
	_ =	sdelay $0x4  }
0x199: {  	[tilespmem:s5+$0x98] =	vst.add.f32.msk $0xffff, v1  }
0x19a: {  	v1 =	vld [tilespmem:s7+$0x50E8];
	_ =	sdelay $0x4  }
0x19b: {  	[tilespmem:s5+$0xA8] =	vst.add.f32.msk $0xffff, v1  }
0x19c: {  	v1 =	vld [tilespmem:s7+$0x50F8];
	_ =	sdelay $0x2  }
0x19d: {  	p2 =	sgt.u32 s29, $0x270F8  }
0x19e: {  	s7 =	sand.u32 @!p2 $0x3FFF8, s29  }
0x19f: {  	s8 =	sadd.s32 $0x88, s5;
	[tilespmem:s5+$0xB8] =	vst.add.f32.msk $0xffff, v1;
	s5 =	sadd.s32 @!p2 s1, s7;
	s7 =	sand.u32 @!p2 $0x7, s29  }
0x1a0: {  	[hbm4b:s5+s7] =	stream.linear.scatter @!p2 [tilespmem:s8], [sflag:$0xC], $0x40, $0x38;
	[tilespmem:$0x1EF88] =	vst v63  }
0x1a1: {  	s5 =	simm.s32 $0x0  }
0x1a2: {  	s5 =	simm.s32 @!p2 $0x100  }
0x1a3: {  	s3 =	sadd.s32 s5, s3  }
.LBB3_20:
0x1a4: {  	s5 =	sadd.s32 $0x1, s26  }
0x1a5: {  	s7 =	smulhi.u32 $0xCCCCCCCD, s5;
	_ =	sdelay $0x1  }
0x1a6: {  	v1 =	vld [tilespmem:s30+$0xFFFFFFE0];
	s7 =	sshrl.u32 s7, $0x8  }
0x1a7: {  	s7 =	smul.u32 $0x140, s7;
	_ =	sdelay $0x1  }
0x1a8: {  	s26 =	ssub.s32 s5, s7  }
0x1a9: {  	s5 =	sshll.u32 s26, $0x6  }
0x1aa: {  	[tilespmem:s5+$0x88] =	vst v1  }
0x1ab: {  	v1 =	vld [tilespmem:s30+$0xFFFFFFF0];
	_ =	sdelay $0x4  }
0x1ac: {  	[tilespmem:s5+$0x98] =	vst v1  }
0x1ad: {  	v1 =	vld [tilespmem:s30+$0x0];
	_ =	sdelay $0x4  }
0x1ae: {  	[tilespmem:s5+$0xA8] =	vst v1  }
0x1af: {  	v1 =	vld [tilespmem:s30+$0x10]  }
.Ltmp24:
0x1b0: {  	_ = 	snop;
	(pc) =	sbr.rel .LBB3_21-.Ltmp24, $2  }
0x1b1: {  	_ =	sdelay $0x2  }
0x1b2: {  	s0 =	sadd.s32 $0x1, s0;
	[tilespmem:s5+$0xB8] =	vst v1  }
.LBB3_23:
.Ltmp25:
0x1b3: {  	(pc) =	sbr.rel .LBB3_24-.Ltmp25, $4  }
0x1b4: {  	_ = 	snop  }
0x1b5: {  	s0 =	simm.s32 $0x2  }
0x1b6: {  	_ =	swait.ge [sflag:s0], $0x0  }
0x1b7: {  	s2 =	smov.u32 s29;
	[sflag:s0] =	ssyncset.done $0x0;
	s0 =	simm.s32 $0x0  }
.LBB3_26:
0x1b8: {  	_ =	sfence.sel $0x180000  }
0x1b9: {  	s0 =	simm.s32 $0x9;
	[bflag:$0x0] =	sbarrier.arrive $0xFFFF  }
0x1ba: {  	s24 =	simm.s32 $0xA;
	[sflag:s0] =	ssyncpa.u1 $0x1  }
0x1bb: {  	s25 =	simm.s32 $0xB;
	[sflag:s24] =	ssyncpa.u1 $0x1  }
0x1bc: {  	s26 =	simm.s32 $0x2;
	[sflag:s25] =	ssyncpa.u1 $0x1  }
0x1bd: {  	[sflag:s26] =	ssyncpa.u1 $0x1  }
0x1be: {  	v0 =	vld [tilespmem:$0xA108];
	_ =	sdelay $0x4  }
0x1bf: {  	(v2sf) =	vpush v0, $0x0  }
0x1c0: {  	(v2sf) =	vpush v0, $0x1;
	_ =	sdelay $0x1  }
0x1c1: {  	(v2sf) =	vpush v0, $0x2;
	_ =	sdelay $0xb  }
0x1c2: {  	s0 =	spop (v2sf)  }
0x1c3: {  	s2 =	spop (v2sf)  }
0x1c4: {  	s3 =	smov.u32 s0;
	p0 =	sne.s32 s0, s2  }
0x1c5: {  	s4 =	spop (v2sf);
	s3 =	simm.s32 @!p0 $0xFFFFFFFF  }
0x1c6: {  	v2 =	vimm.s32 $0x1;
	v3 =	vlaneseq.u32;
	p0 =	seq.s32 s4, $0xFFFFFFFF;
	v1 =	vmov s3  }
0x1c7: {  	s14 =	stileid.u32;
	v0 =	vperm.xlane v0, v2;
	p1 =	sne.s32 @!p0 s0, s2;
	v1 =	vperm.xlane v1, v3  }
0x1c8: {  	vm0 =	vcmask $0x3F04;
	s6 =	simm.s32 $0xA108;
	s0 =	simm.s32 @!p0 $0x1;
	p1 =	por !p1, p0  }
0x1c9: {  	s3 =	sshll.u32 s14, $0x1;
	s2 =	sshll.u32 @!p0 s4, $0x8;
	s0 =	simm.s32 @p1 $0x0;
	v0 =	vsel vm0, v1, v0  }
0x1ca: {  	s5 =	sor.u32 $0x800, s3;
	s2 =	sshra.s32 @!p0 s2, $0x2;
	s0 =	sor.u32 @!p0 s0, s3;
	[tilespmem:$0xA108] =	vst v0  }
0x1cb: {  	[spmem:s5] =	stream.linear.scatter [tilespmem:s6], [sflag:$0x1], $0x2, $0x38;
	[tilespmem:$0x1EF88] =	vst v63  }
0x1cc: {  	s2 =	sadd.s32 @!p0 $0x88, s2;
	s0 =	sshll.u32 @!p0 s0, $0x6  }
0x1cd: {  	[spmem:s0] =	stream.linear.scatter @!p0 [tilespmem:s2], [sflag:$0x1], $0x40, $0x38;
	[tilespmem:$0x1EF88] =	vst v63  }
0x1ce: {  	s0 =	simm.s32 @!p0 $0x42  }
0x1cf: {  	s28 =	simm.s32 $0x1;
	s0 =	simm.s32 @p0 $0x2  }
0x1d0: {  	_ =	swait.ge [sflag:s28], s0  }
0x1d1: {  	s0 =	ssub.s32 $0x0, s0;
	[sflag:s28] =	ssyncset.done $0x0  }
0x1d2: {  	p0 =	sne.s32 s14, $0x0;
	[sflag:s28] =	ssyncadd.s32 s0  }
.Ltmp26:
0x1d3: {  	_ =	sfence.stream.spmem;
	(pc) =	sbr.rel @p0 .LBB3_43-.Ltmp26, $4  }
0x1d4: {  	s29 =	simm.s32 $0x3;
	[bflag:$0x0] =	sbarrier.arrive $0xFFFF  }
0x1d5: {  	s30 =	simm.s32 $0x4;
	[sflag:s29] =	ssyncpa.u1 $0x1  }
0x1d6: {  	s31 =	simm.s32 $0x3C;
	[sflag:s30] =	ssyncpa.u1 $0x1  }
0x1d7: {  	s13 =	rddreg [dreg:$0x4];
	[sflag:s31] =	ssyncpa.u1 $0x1  }
0x1d8: {  	_ =	sfence.stream.spmem;
	s0 =	simm.s32 $0x5  }
0x1d9: {  	s2 =	simm.s32 $0x800;
	s3 =	simm.s32 $0xA118;
	[sflag:s0] =	ssyncpa.u1 $0x0  }
0x1da: {  	[tilespmem:s3], [sflag:$0x5] =	stream.linear.gather [spmem:s2], $0x20, $0x38;
	[tilespmem:$0x1EF88] =	vst v63  }
0x1db: {  	s26 =	simm.s32 $0x0;
	s28 =	simm.s32 $0xA138  }
0x1dc: {  	[tilespmem:s28], [sflag:$0x5] =	stream.linear.gather [spmem:s26], $0x800, $0x38;
	[tilespmem:$0x1EF88] =	vst v63  }
0x1dd: {  	_ =	swait.ge [sflag:s0], $0x820  }
0x1de: {  	[sflag:s0] =	ssyncset.done $0x0  }
0x1df: {  	s29 =	simm.s32 $0x0;
	[sflag:s0] =	ssyncadd.s32 $0xFFFFF7E0  }
0x1e0: {  	v0 =	vld.msk [tilespmem:s29+$0xA118], $0x1;
	_ =	sdelay $0x1  }
0x1e1: {  	s30 =	simm.s32 $0x1  }
0x1e2: {  	v1 =	vld.msk [tilespmem:s30+$0xA118], $0x1;
	_ =	sdelay $0x1  }
0x1e3: {  	(v2sf) =	vpush v0, $0x0;
	_ =	sdelay $0x2  }
0x1e4: {  	(v2sf) =	vpush v1, $0x0;
	_ =	sdelay $0x2  }
0x1e5: {  	s31 =	simm.s32 $0x2  }
0x1e6: {  	v0 =	vld.msk [tilespmem:s31+$0xA118], $0x1;
	_ =	sdelay $0x2  }
0x1e7: {  	s2 =	simm.s32 $0xFFFFFFFF;
	s3 =	simm.s32 $0xFFFFFFFF;
	s0 =	simm.s32 $0xC  }
.LBB3_28:
0x1e8: {  	s4 =	smov.u32 s3;
	s5 =	smov.u32 s2  }
0x1e9: {  	s2 =	sshra.s32 s0, $0x2;
	p1 =	sne.s32 s0, $0x7C;
	s0 =	sadd.s32 $0x4, s0;
	(v2sf) =	vpush v0, $0x0  }
0x1ea: {  	v0 =	vld.msk [tilespmem:s2+$0xA118], $0x1  }
.Ltmp27:
0x1eb: {  	(pc) =	sbr.rel @p1 .LBB3_28-.Ltmp27, $4  }
0x1ec: {  	s3 =	spop (v2sf)  }
0x1ed: {  	p2 =	sne.s32 s5, $0xFFFFFFFF;
	s2 =	smov.u32 s3  }
0x1ee: {  	p3 =	seq.s32 s3, $0xFFFFFFFF;
	s2 =	smov.u32 @p2 s5  }
0x1ef: {  	s3 =	smov.u32 @p3 s4;
	s2 =	smov.u32 @p3 s5  }
0x1f0: {  	(v2sf) =	vpush v0, $0x0;
	_ =	sdelay $0x8  }
0x1f1: {  	s0 =	spop (v2sf)  }
0x1f2: {  	p1 =	sne.s32 s2, $0xFFFFFFFF;
	s4 =	smov.u32 s0  }
0x1f3: {  	s6 =	simm.s32 $0x0;
	p2 =	seq.s32 s0, $0xFFFFFFFF;
	s4 =	smov.u32 @p1 s2  }
0x1f4: {  	s9 =	simm.s32 $0xA0C8;
	s4 =	smov.u32 @p2 s2;
	s2 =	spop (v2sf)  }
0x1f5: {  	s0 =	smov.u32 @p2 s3;
	p1 =	sne.s32 s4, $0xFFFFFFFF;
	s5 =	smov.u32 s2  }
.Ltmp28:
0x1f6: {  	p2 =	seq.s32 s2, $0xFFFFFFFF;
	s5 =	smov.u32 @p1 s4;
	(pc) =	sbr.rel .LBB3_30-.Ltmp28, $4  }
0x1f7: {  	s10 =	simm.s32 $0x0;
	s5 =	smov.u32 @p2 s4;
	s7 =	spop (v2sf)  }
0x1f8: {  	s2 =	smov.u32 @p2 s0;
	p1 =	sne.s32 s5, $0xFFFFFFFF;
	s8 =	smov.u32 s7  }
0x1f9: {  	s0 =	simm.s32 $0x6;
	p2 =	seq.s32 s7, $0xFFFFFFFF;
	s8 =	smov.u32 @p1 s5  }
0x1fa: {  	[sflag:s0] =	ssyncpa.u1 $0x0;
	s7 =	smov.u32 @p2 s2;
	s8 =	smov.u32 @p2 s5  }
.LBB3_36:
0x1fb: {  	p1 =	sgt.u32 s2, $0x270F8  }
0x1fc: {  	p2 =	seq.s32 @!p1 s2, s8  }
0x1fd: {  	p1 =	por p1, p2  }
0x1fe: {  	p2 =	sne.s32 @!p1 s2, s7  }
0x1ff: {  	p1 =	por p1, !p2  }
0x200: {  	s2 =	sshll.u32 @p1 s10, $0x8  }
0x201: {  	s3 =	sand.u32 @!p1 $0x3FFF8, s2  }
0x202: {  	s2 =	sand.u32 @!p1 $0x7, s2;
	s3 =	sadd.s32 @!p1 s1, s3  }
0x203: {  	[tilespmem:s9], [sflag:$0x6] =	stream.linear.gather @!p1 [hbm4b:s3+s2], $0x40, $0x38;
	[tilespmem:$0x1EF88] =	vst v63  }
0x204: {  	_ =	swait.ge @!p1 [sflag:s0], $0x40  }
0x205: {  	[sflag:s0] =	ssyncset.done @!p1 $0x0  }
0x206: {  	[sflag:s0] =	ssyncadd.s32 @!p1 $0xFFFFFFC0  }
0x207: {  	v1 =	vld @!p1 [tilespmem:$0xA0C8];
	_ =	sdelay $0x2  }
0x208: {  	s2 =	sshll.u32 @!p1 s10, $0x8  }
0x209: {  	s3 =	sshrl.u32 @!p1 s2, $0x2  }
0x20a: {  	[tilespmem:s3+$0xA138] =	vst.add.f32.msk @!p1 $0xffff, v1  }
0x20b: {  	v1 =	vld @!p1 [tilespmem:$0xA0D8];
	_ =	sdelay $0x4  }
0x20c: {  	[tilespmem:s3+$0xA148] =	vst.add.f32.msk @!p1 $0xffff, v1  }
0x20d: {  	v1 =	vld @!p1 [tilespmem:$0xA0E8];
	_ =	sdelay $0x4  }
0x20e: {  	[tilespmem:s3+$0xA158] =	vst.add.f32.msk @!p1 $0xffff, v1  }
0x20f: {  	v1 =	vld @!p1 [tilespmem:$0xA0F8];
	_ =	sdelay $0x4  }
0x210: {  	[tilespmem:s3+$0xA168] =	vst.add.f32.msk @!p1 $0xffff, v1  }
0x211: {  	s2 =	sshrl.u32 s2, $0x2;
	[tilespmem:s6+$0xA118] =	vst.msk $0x1, v0  }
0x212: {  	v0 =	vld [tilespmem:s2+$0xA138];
	_ =	sdelay $0x2  }
0x213: {  	s31 =	sshll.u32 s6, $0x8  }
0x214: {  	s3 =	sshra.s32 s31, $0x2  }
0x215: {  	[tilespmem:s3+$0xA138] =	vst v0  }
0x216: {  	v0 =	vld [tilespmem:s2+$0xA148];
	_ =	sdelay $0x4  }
0x217: {  	[tilespmem:s3+$0xA148] =	vst v0  }
0x218: {  	v0 =	vld [tilespmem:s2+$0xA158];
	_ =	sdelay $0x4  }
0x219: {  	[tilespmem:s3+$0xA158] =	vst v0  }
0x21a: {  	v0 =	vld [tilespmem:s2+$0xA168];
	_ =	sdelay $0x4  }
0x21b: {  	s6 =	sadd.s32 $0x1, s6;
	[tilespmem:s3+$0xA168] =	vst v0  }
.LBB3_37:
0x21c: {  	s10 =	sadd.s32 $0x1, s10  }
0x21d: {  	p1 =	sne.s32 s10, $0x20  }
.Ltmp29:
0x21e: {  	_ = 	snop;
	(pc) =	sbr.rel @!p1 .LBB3_38-.Ltmp29, $1  }
0x21f: {  	_ =	sdelay $0x3  }
.LBB3_30:
0x220: {  	v0 =	vld.msk [tilespmem:s10+$0xA118], $0x1;
	_ =	sdelay $0x4  }
0x221: {  	(v2sf) =	vpush v0, $0x0;
	_ =	sdelay $0xe  }
0x222: {  	s2 =	spop (v2sf)  }
0x223: {  	p1 =	seq.s32 s2, $0xFFFFFFFF  }
.Ltmp30:
0x224: {  	_ = 	snop;
	(pc) =	sbr.rel @p1 .LBB3_37-.Ltmp30, $1  }
0x225: {  	_ =	sdelay $0x3  }
0x226: {  	p1 =	slt.s32 s6, $0x1  }
.Ltmp31:
0x227: {  	_ = 	snop;
	(pc) =	sbr.rel @p1 .LBB3_36-.Ltmp31, $1  }
0x228: {  	_ =	sdelay $0x3  }
0x229: {  	s3 =	simm.s32 $0xA118;
	p1 =	por $0x0, $0x0  }
0x22a: {  	v1 =	vld.msk @!p1 [tilespmem:s3+$0x0], $0x1;
	_ =	sdelay $0x4  }
0x22b: {  	(v2sf) =	vpush @!p1 v1, $0x0;
	_ =	sdelay $0xd  }
0x22c: {  	p3 =	sne.s32 s6, $0x1  }
.Ltmp32:
0x22d: {  	s4 =	spop @!p1 (v2sf);
	(pc) =	sbr.rel @!p3 .LBB3_34-.Ltmp32, $4  }
0x22e: {  	p2 =	seq.s32 @!p1 s2, s4  }
0x22f: {  	s4 =	simm.s32 $0x0;
	p2 =	por !p2, p1  }
0x230: {  	s11 =	simm.s32 $0xFFFFFFFF;
	s4 =	simm.s32 @p2 $0xFFFFFFFF  }
0x231: {  	s5 =	simm.s32 $0x1;
	s4 =	smov.u32 @p1 s11  }
.LBB3_33:
0x232: {  	s11 =	smov.u32 s4;
	p1 =	sne.s32 s4, $0xFFFFFFFF  }
0x233: {  	s3 =	sadd.s32 $0x1, s3;
	s4 =	smov.u32 s5;
	s5 =	sadd.s32 $0x1, s5  }
0x234: {  	p2 =	sne.s32 s6, s5;
	v1 =	vld.msk @!p1 [tilespmem:s3+$0x0], $0x1;
	_ =	sdelay $0x4  }
0x235: {  	(v2sf) =	vpush @!p1 v1, $0x0;
	_ =	sdelay $0xe  }
.Ltmp33:
0x236: {  	s12 =	spop @!p1 (v2sf);
	(pc) =	sbr.rel @p2 .LBB3_33-.Ltmp33, $4  }
0x237: {  	p3 =	seq.s32 @!p1 s2, s12  }
0x238: {  	p3 =	por !p3, p1  }
0x239: {  	s4 =	simm.s32 @p3 $0xFFFFFFFF  }
0x23a: {  	s4 =	smov.u32 @p1 s11  }
.LBB3_34:
0x23b: {  	p1 =	seq.s32 s4, $0xFFFFFFFF  }
.Ltmp34:
0x23c: {  	_ = 	snop;
	(pc) =	sbr.rel @p1 .LBB3_36-.Ltmp34, $1  }
0x23d: {  	_ =	sdelay $0x3  }
0x23e: {  	s2 =	sshll.u32 s10, $0x6  }
0x23f: {  	s2 =	sand.u32 $0x3FFFFFC0, s2  }
0x240: {  	v0 =	vld [tilespmem:s2+$0xA138];
	_ =	sdelay $0x2  }
0x241: {  	s3 =	sshll.u32 s4, $0x8  }
0x242: {  	s3 =	sshra.s32 s3, $0x2  }
0x243: {  	[tilespmem:s3+$0xA138] =	vst.add.f32.msk $0xffff, v0  }
0x244: {  	v0 =	vld [tilespmem:s2+$0xA148];
	_ =	sdelay $0x4  }
0x245: {  	[tilespmem:s3+$0xA148] =	vst.add.f32.msk $0xffff, v0  }
0x246: {  	v0 =	vld [tilespmem:s2+$0xA158];
	_ =	sdelay $0x4  }
0x247: {  	[tilespmem:s3+$0xA158] =	vst.add.f32.msk $0xffff, v0  }
0x248: {  	v0 =	vld [tilespmem:s2+$0xA168]  }
.Ltmp35:
0x249: {  	_ = 	snop;
	(pc) =	sbr.rel .LBB3_37-.Ltmp35, $2  }
0x24a: {  	_ =	sdelay $0x2  }
0x24b: {  	[tilespmem:s3+$0xA168] =	vst.add.f32.msk $0xffff, v0  }
.LBB3_38:
0x24c: {  	s0 =	simm.s32 $0x6;
	p1 =	seq.s32 s6, $0x0  }
0x24d: {  	[sflag:s0] =	ssyncpa.u1 $0x1;
	v0 =	vimm.s32 @p1 $0xFFFFFFFF  }
0x24e: {  	s0 =	sadd.s32 $0xFFFFFFFF, s6;
	[tilespmem:$0xA938] =	vst @p1 v0  }
0x24f: {  	v0 =	vld.msk @!p1 [tilespmem:s0+$0xA118], $0x1;
	_ =	sdelay $0x1  }
0x250: {  	v1 =	vld.msk @!p1 [tilespmem:$0xA118], $0x1;
	_ =	sdelay $0x2  }
0x251: {  	p2 =	seq.s32 @!p1 s0, $0x0;
	v0 =	vbroadcast @!p1 v0, $0x0  }
0x252: {  	vm0 =	vmmov @!p1 $0x1;
	p2 =	por !p2, p1  }
0x253: {  	v1 =	vnsel @!p1 vm0, $0xFFFFFFFF, v1;
	vm0 =	vcmask @!p1 $0x308;
	v0 =	vpsel !p2, $0xFFFFFFFF, v0  }
0x254: {  	p2 =	sne.s32 @!p1 s8, s7;
	v0 =	vsel @!p1 vm0, v1, v0  }
0x255: {  	s2 =	simm.s32 @!p1 $0xA138;
	s3 =	simm.s32 @!p1 $0x0;
	p3 =	por !p2, p1;
	[tilespmem:$0xA938] =	vst @!p1 v0  }
0x256: {  	[spmem:s3] =	stream.linear.scatter @!p1 [tilespmem:s2], [sflag:$0x1], $0x40, $0x38;
	[tilespmem:$0x1EF88] =	vst v63  }
0x257: {  	s2 =	sshll.u32 @!p3 s0, $0x8  }
0x258: {  	s2 =	sshra.s32 @!p3 s2, $0x2  }
0x259: {  	s3 =	simm.s32 @!p3 $0x40;
	s2 =	sadd.s32 @!p3 $0xA138, s2  }
0x25a: {  	[spmem:s3] =	stream.linear.scatter @!p3 [tilespmem:s2], [sflag:$0x1], $0x40, $0x38;
	[tilespmem:$0x1EF88] =	vst v63  }
0x25b: {  	s2 =	simm.s32 @!p3 $0x1  }
0x25c: {  	_ =	swait.ge @!p3 [sflag:s2], $0x80  }
0x25d: {  	p1 =	por p2, p1;
	[sflag:s2] =	ssyncset.done @!p3 $0x0  }
0x25e: {  	[sflag:s2] =	ssyncadd.s32 @!p3 $0xFFFFFF80;
	s2 =	simm.s32 @!p1 $0x1  }
0x25f: {  	_ =	swait.ge @!p1 [sflag:s2], $0x40  }
0x260: {  	s29 =	simm.s32 $0xA938;
	[sflag:s2] =	ssyncset.done @!p1 $0x0  }
0x261: {  	s30 =	simm.s32 $0x800;
	s31 =	simm.s32 $0x1;
	[sflag:s2] =	ssyncadd.s32 @!p1 $0xFFFFFFC0  }
0x262: {  	[spmem:s30] =	stream.linear.scatter [tilespmem:s29], [sflag:$0x1], $0x10, $0x38;
	[tilespmem:$0x1EF88] =	vst v63  }
0x263: {  	_ =	swait.ge [sflag:s31], $0x10  }
0x264: {  	[sflag:s31] =	ssyncset.done $0x0  }
0x265: {  	p1 =	seq.s32 s13, $0x0;
	s9 =	rddreg [dreg:$0x1];
	[sflag:s31] =	ssyncadd.s32 $0xFFFFFFF0  }
0x266: {  	s3 =	sshll.u32 @p1 s9, $0xE;
	s8 =	rddreg [dreg:$0x2]  }
0x267: {  	s2 =	sadd.s32 @p1 $0x15C3C, s3;
	s3 =	sshll.u32 @p1 s8, $0x11  }
0x268: {  	_ =	sfence.stream.spmem;
	s2 =	sor.u32 @p1 s3, s2  }
0x269: {  	[sflag:s2] =	ssyncadd.remote.s32 @p1 $0x1;
	s2 =	simm.s32 @p1 $0x4  }
0x26a: {  	s4 =	simm.s32 @!p1 $0x3C;
	s3 =	sand.u32 $0xFFFFFFFE, s9;
	_ =	swait.ge @p1 [sflag:s2], $0x12  }
0x26b: {  	s5 =	simm.s32 @!p1 $0x0;
	s3 =	sadd.s32 @!p1 $0x4, s3;
	[sflag:s2] =	ssyncset.done @p1 $0x0  }
0x26c: {  	s7 =	simm.s32 @!p1 $0x80;
	[sflag:s2] =	ssyncadd.s32 @p1 $0xFFFFFFEE;
	s2 =	sshll.u32 @!p1 s3, $0x1A  }
0x26d: {  	s3 =	sshll.u32 @!p1 s3, $0xD;
	s2 =	sor.u32 @!p1 s2, s8;
	_ =	swait.eq @!p1 [sflag:s4], $0x1  }
0x26e: {  	s3 =	sor.u32 @!p1 $0x1C04, s3;
	s4 =	simm.s32 @!p1 $0x1C03;
	s2 =	sor.u32 @!p1 $0x80004000, s2  }
0x26f: {  	[spmem:s7], [sflag:s3] =	dma.general @!p1 [spmem:s5], [sflag:s4], length:$0x10, [dreg:$0x0], stride_count:$0x0, ici_dest:s2, dma_misc:DstOpCode:WRITE  }
0x270: {  	p2 =	slt.s32 s0, $0x2;
	s5 =	simm.s32 @!p1 $0x100;
	s7 =	simm.s32 @!p1 $0x102  }
0x271: {  	[spmem:s7], [sflag:s3] =	dma.general @!p1 [spmem:s5], [sflag:s4], length:$0x2, [dreg:$0x0], stride_count:$0x0, ici_dest:s2, dma_misc:DstOpCode:WRITE  }
.Ltmp36:
0x272: {  	s2 =	simm.s32 @!p1 $0x3;
	(pc) =	sbr.rel @p2 .LBB3_42-.Ltmp36, $4  }
0x273: {  	s3 =	sshll.u32 @!p1 s9, $0xE;
	_ =	swait.ge @!p1 [sflag:s2], $0x12  }
0x274: {  	s4 =	sshll.u32 @!p1 s8, $0x11;
	s3 =	sadd.s32 @!p1 $0x11C3C, s3;
	[sflag:s2] =	ssyncset.done @!p1 $0x0  }
0x275: {  	[sflag:s2] =	ssyncadd.s32 @!p1 $0xFFFFFFEE;
	s2 =	sor.u32 @!p1 s4, s3  }
0x276: {  	s0 =	simm.s32 $0x0;
	[sflag:s2] =	ssyncadd.remote.s32 @!p1 $0xFFFFFFFF  }
0x277: {  	s0 =	simm.s32 $0xA119  }
0x278: {  	v0 =	vld.msk [tilespmem:s0+$0x0], $0x1;
	_ =	sdelay $0x4  }
0x279: {  	(v2sf) =	vpush v0, $0x0;
	_ =	sdelay $0xc  }
0x27a: {  	s2 =	sadd.s32 $0xFFFFFFFE, s6  }
0x27b: {  	s2 =	sadd.s32 $0xFFFFFFFF, s2  }
0x27c: {  	p2 =	sne.s32 s2, $0x0;
	s3 =	spop (v2sf)  }
.Ltmp37:
0x27d: {  	p1 =	sgt.u32 s3, $0x270F8;
	(pc) =	sbr.rel @!p2 .LBB3_41-.Ltmp37, $4  }
0x27e: {  	s5 =	simm.s32 $0x0;
	s4 =	sand.u32 @!p1 $0x3FFF8, s3  }
0x27f: {  	s0 =	simm.s32 $0xA178;
	s3 =	sand.u32 @!p1 $0x7, s3;
	s4 =	sadd.s32 @!p1 s1, s4  }
0x280: {  	[hbm4b:s4+s3] =	stream.linear.scatter @!p1 [tilespmem:s0], [sflag:$0x5], $0x40, $0x38;
	[tilespmem:$0x1EF88] =	vst v63  }
0x281: {  	s5 =	simm.s32 @!p1 $0x100;
	s3 =	simm.s32 $0x0;
	s4 =	simm.s32 $0xA11A  }
.LBB3_40:
0x282: {  	v0 =	vld.msk [tilespmem:s4+$0x0], $0x1;
	s2 =	sadd.s32 $0xFFFFFFFF, s2;
	s3 =	sadd.s32 s3, s5  }
0x283: {  	p1 =	sne.s32 s2, $0x0;
	_ =	sdelay $0x3  }
0x284: {  	(v2sf) =	vpush v0, $0x0;
	_ =	sdelay $0xe  }
.Ltmp38:
0x285: {  	s6 =	spop (v2sf);
	(pc) =	sbr.rel @p1 .LBB3_40-.Ltmp38, $4  }
0x286: {  	s5 =	simm.s32 $0x0;
	p2 =	sgt.u32 s6, $0x270F8  }
0x287: {  	s0 =	sadd.s32 $0x40, s0;
	s5 =	simm.s32 @!p2 $0x100;
	s7 =	sand.u32 @!p2 $0x3FFF8, s6  }
0x288: {  	s4 =	sadd.s32 $0x1, s4;
	s6 =	sand.u32 @!p2 $0x7, s6;
	s7 =	sadd.s32 @!p2 s1, s7  }
0x289: {  	[hbm4b:s7+s6] =	stream.linear.scatter @!p2 [tilespmem:s0], [sflag:$0x5], $0x40, $0x38;
	[tilespmem:$0x1EF88] =	vst v63  }
.LBB3_41:
0x28a: {  	s0 =	sadd.s32 s3, s5  }
0x28b: {  	s0 =	sshrl.u32 s0, $0x2  }
.LBB3_42:
0x28c: {  	s2 =	simm.s32 $0x5  }
0x28d: {  	_ =	swait.ge [sflag:s2], s0  }
0x28e: {  	s31 =	ssub.s32 $0x0, s0;
	[sflag:s2] =	ssyncset.done $0x0  }
0x28f: {  	[sflag:s2] =	ssyncadd.s32 s31  }
0x290: {  	[sflag:s2] =	ssyncpa.u1 $0x1  }
.LBB3_43:
0x291: {  	s0 =	sor.u32 s13, s14  }
0x292: {  	p1 =	sne.s32 s0, $0x0  }
.Ltmp39:
0x293: {  	_ = 	snop;
	(pc) =	sbr.rel @p1 .LBB3_58-.Ltmp39, $3  }
0x294: {  	_ =	sdelay $0x1  }
0x295: {  	[bflag:$0x0] =	sbarrier.arrive $0xFFFF  }
0x296: {  	_ =	sfence  }
0x297: {  	s2 =	simm.s32 $0x7  }
0x298: {  	s0 =	simm.s32 $0x800;
	s3 =	simm.s32 $0xA118;
	[sflag:s2] =	ssyncpa.u1 $0x0  }
0x299: {  	[tilespmem:s3], [sflag:$0x7] =	stream.linear.gather [spmem:s0], $0x20, $0x38;
	[tilespmem:$0x1EF88] =	vst v63  }
0x29a: {  	s30 =	simm.s32 $0xA138;
	s0 =	simm.s32 $0x0  }
0x29b: {  	[tilespmem:s30], [sflag:$0x7] =	stream.linear.gather [spmem:s0], $0x800, $0x38;
	[tilespmem:$0x1EF88] =	vst v63  }
.Ltmp40:
0x29c: {  	_ = 	snop;
	(pc) =	sbr.rel .LBB3_45-.Ltmp40, $4  }
0x29d: {  	_ =	swait.ge [sflag:s2], $0x820  }
0x29e: {  	[sflag:s2] =	ssyncset.done $0x0  }
0x29f: {  	s31 =	simm.s32 $0x8;
	[sflag:s2] =	ssyncadd.s32 $0xFFFFF7E0  }
0x2a0: {  	s2 =	simm.s32 $0x0;
	[sflag:s31] =	ssyncpa.u1 $0x0  }
.LBB3_51:
0x2a1: {  	p1 =	slt.u32 s3, $0x270F9  }
0x2a2: {  	s4 =	sand.u32 @p1 $0x3FFF8, s3  }
0x2a3: {  	s3 =	sand.u32 @p1 $0x7, s3;
	s5 =	simm.s32 @p1 $0xA0C8;
	s4 =	sadd.s32 @p1 s1, s4  }
0x2a4: {  	[tilespmem:s5], [sflag:$0x8] =	stream.linear.gather @p1 [hbm4b:s4+s3], $0x40, $0x38;
	[tilespmem:$0x1EF88] =	vst v63  }
0x2a5: {  	s3 =	simm.s32 @p1 $0x8  }
0x2a6: {  	_ =	swait.ge @p1 [sflag:s3], $0x40  }
0x2a7: {  	[sflag:s3] =	ssyncset.done @p1 $0x0  }
0x2a8: {  	[sflag:s3] =	ssyncadd.s32 @p1 $0xFFFFFFC0  }
0x2a9: {  	v1 =	vld @p1 [tilespmem:$0xA0C8];
	_ =	sdelay $0x2  }
0x2aa: {  	s3 =	sshll.u32 @p1 s2, $0x8  }
0x2ab: {  	s4 =	sshrl.u32 @p1 s3, $0x2  }
0x2ac: {  	[tilespmem:s4+$0xA138] =	vst.add.f32.msk @p1 $0xffff, v1  }
0x2ad: {  	v1 =	vld @p1 [tilespmem:$0xA0D8];
	_ =	sdelay $0x4  }
0x2ae: {  	[tilespmem:s4+$0xA148] =	vst.add.f32.msk @p1 $0xffff, v1  }
0x2af: {  	v1 =	vld @p1 [tilespmem:$0xA0E8];
	_ =	sdelay $0x4  }
0x2b0: {  	[tilespmem:s4+$0xA158] =	vst.add.f32.msk @p1 $0xffff, v1  }
0x2b1: {  	v1 =	vld @p1 [tilespmem:$0xA0F8];
	_ =	sdelay $0x3  }
0x2b2: {  	s5 =	sshll.u32 @!p1 s2, $0x8  }
0x2b3: {  	s5 =	smov.u32 @p1 s3;
	[tilespmem:s4+$0xA168] =	vst.add.f32.msk @p1 $0xffff, v1  }
0x2b4: {  	s3 =	sshrl.u32 s5, $0x2;
	[tilespmem:s0+$0xA118] =	vst.msk $0x1, v0  }
0x2b5: {  	v0 =	vld [tilespmem:s3+$0xA138];
	_ =	sdelay $0x2  }
0x2b6: {  	s31 =	sshll.u32 s0, $0x8  }
0x2b7: {  	s4 =	sshra.s32 s31, $0x2  }
0x2b8: {  	[tilespmem:s4+$0xA138] =	vst v0  }
0x2b9: {  	v0 =	vld [tilespmem:s3+$0xA148];
	_ =	sdelay $0x4  }
0x2ba: {  	[tilespmem:s4+$0xA148] =	vst v0  }
0x2bb: {  	v0 =	vld [tilespmem:s3+$0xA158];
	_ =	sdelay $0x4  }
0x2bc: {  	[tilespmem:s4+$0xA158] =	vst v0  }
0x2bd: {  	v0 =	vld [tilespmem:s3+$0xA168];
	_ =	sdelay $0x4  }
0x2be: {  	s0 =	sadd.s32 $0x1, s0;
	[tilespmem:s4+$0xA168] =	vst v0  }
.LBB3_52:
0x2bf: {  	s2 =	sadd.s32 $0x1, s2  }
0x2c0: {  	p1 =	sne.s32 s2, $0x20  }
.Ltmp41:
0x2c1: {  	_ = 	snop;
	(pc) =	sbr.rel @!p1 .LBB3_53-.Ltmp41, $1  }
0x2c2: {  	_ =	sdelay $0x3  }
.LBB3_45:
0x2c3: {  	v0 =	vld.msk [tilespmem:s2+$0xA118], $0x1;
	_ =	sdelay $0x4  }
0x2c4: {  	(v2sf) =	vpush v0, $0x0;
	_ =	sdelay $0xe  }
0x2c5: {  	s3 =	spop (v2sf)  }
0x2c6: {  	p1 =	seq.s32 s3, $0xFFFFFFFF  }
.Ltmp42:
0x2c7: {  	_ = 	snop;
	(pc) =	sbr.rel @p1 .LBB3_52-.Ltmp42, $1  }
0x2c8: {  	_ =	sdelay $0x3  }
0x2c9: {  	p1 =	slt.s32 s0, $0x1  }
.Ltmp43:
0x2ca: {  	_ = 	snop;
	(pc) =	sbr.rel @p1 .LBB3_51-.Ltmp43, $1  }
0x2cb: {  	_ =	sdelay $0x3  }
0x2cc: {  	s4 =	simm.s32 $0xA118;
	p1 =	por $0x0, $0x0  }
0x2cd: {  	v1 =	vld.msk @!p1 [tilespmem:s4+$0x0], $0x1;
	_ =	sdelay $0x4  }
0x2ce: {  	(v2sf) =	vpush @!p1 v1, $0x0;
	_ =	sdelay $0xd  }
0x2cf: {  	p3 =	sne.s32 s0, $0x1  }
.Ltmp44:
0x2d0: {  	s5 =	spop @!p1 (v2sf);
	(pc) =	sbr.rel @!p3 .LBB3_49-.Ltmp44, $4  }
0x2d1: {  	p2 =	seq.s32 @!p1 s3, s5  }
0x2d2: {  	s5 =	simm.s32 $0x0;
	p2 =	por !p2, p1  }
0x2d3: {  	s7 =	simm.s32 $0xFFFFFFFF;
	s5 =	simm.s32 @p2 $0xFFFFFFFF  }
0x2d4: {  	s6 =	simm.s32 $0x1;
	s5 =	smov.u32 @p1 s7  }
.LBB3_48:
0x2d5: {  	s7 =	smov.u32 s5;
	p1 =	sne.s32 s5, $0xFFFFFFFF  }
0x2d6: {  	s4 =	sadd.s32 $0x1, s4;
	s5 =	smov.u32 s6;
	s6 =	sadd.s32 $0x1, s6  }
0x2d7: {  	p2 =	sne.s32 s0, s6;
	v1 =	vld.msk @!p1 [tilespmem:s4+$0x0], $0x1;
	_ =	sdelay $0x4  }
0x2d8: {  	(v2sf) =	vpush @!p1 v1, $0x0;
	_ =	sdelay $0xe  }
.Ltmp45:
0x2d9: {  	s8 =	spop @!p1 (v2sf);
	(pc) =	sbr.rel @p2 .LBB3_48-.Ltmp45, $4  }
0x2da: {  	p3 =	seq.s32 @!p1 s3, s8  }
0x2db: {  	p3 =	por !p3, p1  }
0x2dc: {  	s5 =	simm.s32 @p3 $0xFFFFFFFF  }
0x2dd: {  	s5 =	smov.u32 @p1 s7  }
.LBB3_49:
0x2de: {  	p1 =	seq.s32 s5, $0xFFFFFFFF  }
.Ltmp46:
0x2df: {  	_ = 	snop;
	(pc) =	sbr.rel @p1 .LBB3_51-.Ltmp46, $1  }
0x2e0: {  	_ =	sdelay $0x3  }
0x2e1: {  	s3 =	sshll.u32 s2, $0x6  }
0x2e2: {  	s3 =	sand.u32 $0x3FFFFFC0, s3  }
0x2e3: {  	v0 =	vld [tilespmem:s3+$0xA138];
	_ =	sdelay $0x2  }
0x2e4: {  	s4 =	sshll.u32 s5, $0x8  }
0x2e5: {  	s4 =	sshra.s32 s4, $0x2  }
0x2e6: {  	[tilespmem:s4+$0xA138] =	vst.add.f32.msk $0xffff, v0  }
0x2e7: {  	v0 =	vld [tilespmem:s3+$0xA148];
	_ =	sdelay $0x4  }
0x2e8: {  	[tilespmem:s4+$0xA148] =	vst.add.f32.msk $0xffff, v0  }
0x2e9: {  	v0 =	vld [tilespmem:s3+$0xA158];
	_ =	sdelay $0x4  }
0x2ea: {  	[tilespmem:s4+$0xA158] =	vst.add.f32.msk $0xffff, v0  }
0x2eb: {  	v0 =	vld [tilespmem:s3+$0xA168]  }
.Ltmp47:
0x2ec: {  	_ = 	snop;
	(pc) =	sbr.rel .LBB3_52-.Ltmp47, $2  }
0x2ed: {  	_ =	sdelay $0x2  }
0x2ee: {  	[tilespmem:s4+$0xA168] =	vst.add.f32.msk $0xffff, v0  }
.LBB3_53:
0x2ef: {  	p1 =	slt.s32 s0, $0x1  }
.Ltmp48:
0x2f0: {  	_ = 	snop;
	(pc) =	sbr.rel @p1 .LBB3_57-.Ltmp48, $3  }
0x2f1: {  	_ =	sdelay $0x1  }
0x2f2: {  	s2 =	simm.s32 $0x8  }
0x2f3: {  	[sflag:s2] =	ssyncpa.u1 $0x1;
	s2 =	simm.s32 $0x0  }
0x2f4: {  	s3 =	simm.s32 $0xA118  }
0x2f5: {  	v0 =	vld.msk [tilespmem:s3+$0x0], $0x1;
	_ =	sdelay $0x4  }
0x2f6: {  	(v2sf) =	vpush v0, $0x0;
	_ =	sdelay $0xe  }
0x2f7: {  	s0 =	sadd.s32 $0xFFFFFFFF, s0;
	s4 =	spop (v2sf)  }
0x2f8: {  	p2 =	sne.s32 s0, $0x0;
	p1 =	sgt.u32 s4, $0x270F8  }
.Ltmp49:
0x2f9: {  	s5 =	sand.u32 @!p1 $0x3FFF8, s4;
	(pc) =	sbr.rel @!p2 .LBB3_56-.Ltmp49, $4  }
0x2fa: {  	s3 =	simm.s32 $0xA138;
	s4 =	sand.u32 @!p1 $0x7, s4;
	s5 =	sadd.s32 @!p1 s1, s5  }
0x2fb: {  	[hbm4b:s5+s4] =	stream.linear.scatter @!p1 [tilespmem:s3], [sflag:$0x7], $0x40, $0x38;
	[tilespmem:$0x1EF88] =	vst v63  }
0x2fc: {  	s5 =	simm.s32 $0x0  }
0x2fd: {  	s4 =	simm.s32 $0xA119;
	s5 =	simm.s32 @!p1 $0x100  }
.LBB3_55:
0x2fe: {  	v0 =	vld.msk [tilespmem:s4+$0x0], $0x1;
	s0 =	sadd.s32 $0xFFFFFFFF, s0;
	s2 =	sadd.s32 s2, s5  }
0x2ff: {  	p1 =	sne.s32 s0, $0x0;
	_ =	sdelay $0x3  }
0x300: {  	(v2sf) =	vpush v0, $0x0;
	_ =	sdelay $0xe  }
.Ltmp50:
0x301: {  	s6 =	spop (v2sf);
	(pc) =	sbr.rel @p1 .LBB3_55-.Ltmp50, $4  }
0x302: {  	s5 =	simm.s32 $0x0;
	p2 =	sgt.u32 s6, $0x270F8  }
0x303: {  	s3 =	sadd.s32 $0x40, s3;
	s5 =	simm.s32 @!p2 $0x100;
	s7 =	sand.u32 @!p2 $0x3FFF8, s6  }
0x304: {  	s4 =	sadd.s32 $0x1, s4;
	s6 =	sand.u32 @!p2 $0x7, s6;
	s7 =	sadd.s32 @!p2 s1, s7  }
0x305: {  	[hbm4b:s7+s6] =	stream.linear.scatter @!p2 [tilespmem:s3], [sflag:$0x7], $0x40, $0x38;
	[tilespmem:$0x1EF88] =	vst v63  }
.LBB3_56:
0x306: {  	s0 =	sadd.s32 s2, s5  }
0x307: {  	s2 =	sshrl.u32 s0, $0x2  }
.LBB3_57:
0x308: {  	s0 =	simm.s32 $0x7  }
0x309: {  	_ =	swait.ge [sflag:s0], s2  }
0x30a: {  	s1 =	ssub.s32 $0x0, s2;
	[sflag:s0] =	ssyncset.done $0x0  }
0x30b: {  	[sflag:s0] =	ssyncadd.s32 s1  }
0x30c: {  	[sflag:s0] =	ssyncpa.u1 $0x1  }
.LBB3_58:
0x30d: {  	_ =	sfence;
	s0 =	simm.s32 $0x1  }
0x30e: {  	[sflag:s0] =	ssyncpa.u1 $0x1  }
0x30f: {  	_ =	strace $0x9000004D  }
0x310: {  	[bflag:$0x2] =	sbarrier.arrive $0xFFFF  }
0x311: {  	s0 =	rddreg [dreg:$0x3]  }
0x312: {  	s0 =	sadd.s32 @!p0 $0x100000, s0  }
0x313: {  	[sflag:s0] =	ssyncadd.tile.s32 @!p0 $0x1;
	_ =	shalt  }
.Lfunc_end3:
_tile_overlayer_lowered:
.L_overlay_start_3:
0x314: {  	(tag) =	ssettag $0x3  }
0x315: {  	s0 =	rddreg [dreg:$0x0];
	s2 =	stileid.u32  }
0x316: {  	s1 =	rddreg [dreg:$0x1];
	p0 =	sne.s32 s2, $0x0  }
0x317: {  	s3 =	rddreg [dreg:$0x2];
	[bflag:$0x3] =	sbarrier.arrive $0xFFFF;
	s2 =	simm.s32 @!p0 $0x1C01  }
0x318: {  	[timem:s3], [sflag:s2] =	dma.local @!p0 [hbm:s0], s1  }
0x319: {  	s0 =	simm.s32 @!p0 $0x1  }
0x31a: {  	_ =	swait.ge @!p0 [sflag:s0], s1  }
0x31b: {  	s1 =	ssub.s32 @!p0 $0x0, s1;
	[sflag:s0] =	ssyncset.done @!p0 $0x0  }
0x31c: {  	[sflag:s0] =	ssyncadd.s32 @!p0 s1  }
0x31d: {  	[bflag:$0x3] =	sbarrier.arrive $0xFFFF  }
0x31e: {  	_ =	shalt  }

</sc_bundles>
